<compile_context>
chip_gen: v7x
topology: tpu7x:2x2x1
jax: 0.10.2.dev20260603
libtpu: 0.0.44.dev20260713+nightly
codegen_flags: <defaults>
</compile_context>

<pallas_src>
import functools
import jax
import jax.numpy as jnp
from jax import lax
from jax.experimental import pallas as pl
from jax.experimental.pallas import tpu as pltpu
from jax.experimental.pallas import tpu_sc as plsc

D = 64
SCALE = 8.0
NC = 2
NS = 16
NW = NC * NS
LANES = 16
C = 128
NB = 4
FB = D // 8


def _make_kernel(L: int, NBB: int):
  per_w = L
  assert NBB == NW and per_w % NB == 0

  mesh = plsc.VectorSubcoreMesh(core_axis_name="c", subcore_axis_name="s")

  @functools.partial(
      pl.kernel,
      mesh=mesh,
      compiler_params=pltpu.CompilerParams(
          use_tc_tiling_on_sc=False, needs_layout_passes=False),
      out_type=jax.ShapeDtypeStruct((L, FB, NBB, 8, C), jnp.float32),
      scratch_types=[
          pltpu.VMEM((per_w, C), jnp.int32),
          pltpu.VMEM((NB, C, D), jnp.float32),
          pltpu.VMEM((NB, D, C + 1), jnp.float32),
          [pltpu.SemaphoreType.DMA] * NB,
          [pltpu.SemaphoreType.DMA] * NB,
      ],
  )
  def body(x_hbm, table_hbm, out_hbm, idx_v, gbuf, tbuf, gsems, ssems):
    wid = lax.axis_index("s") * NC + lax.axis_index("c")
    pltpu.sync_copy(x_hbm.at[:, pl.ds(wid * C, C)], idx_v)

    def start_gather(g, b):
      pltpu.async_copy(table_hbm.at[idx_v.at[g]], gbuf.at[b], gsems[b])

    def wait_gather(b):
      pltpu.make_async_copy(table_hbm.at[idx_v.at[0]], gbuf.at[b],
                            gsems[b]).wait()

    def start_store(g, b):
      for fb in range(FB):
        pltpu.async_copy(tbuf.at[b, pl.ds(fb * 8, 8), pl.ds(0, C)],
                         out_hbm.at[g, fb, wid], ssems[b])

    def wait_store(b):
      for fb in range(FB):
        pltpu.make_async_copy(tbuf.at[b, pl.ds(fb * 8, 8), pl.ds(0, C)],
                              out_hbm.at[0, 0, 0], ssems[b]).wait()

    for b in range(NB):
      start_gather(b, b)

    fvecs = [lax.iota(jnp.int32, LANES) + (k * LANES) for k in range(D // LANES)]

    def unit(g, b):
      wait_gather(b)

      @pl.when(g >= NB)
      def _():
        wait_store(b)

      @plsc.parallel_loop(0, C, unroll=4)
      def _(i):
        col = jnp.full((LANES,), i, jnp.int32)
        for k in range(D // LANES):
          v = gbuf[b, i, pl.ds(k * LANES, LANES)]
          plsc.store_scatter(tbuf.at[b], [fvecs[k], col], v * SCALE)

      start_store(g, b)

      @pl.when(g + NB < per_w)
      def _():
        start_gather(g + NB, b)

    def outer(t, carry):
      for b in range(NB):
        unit(t + b, b)
      return carry

    lax.fori_loop(0, per_w // NB, lambda t, c: outer(t * NB, c), 0)

    for b in range(NB):
      wait_store(b)

  return body


def kernel(x, table):
  B, L = x.shape
  n = B * L
  nbb = B // C
  xu = x.astype(jnp.int32).T
  out5 = _make_kernel(L, nbb)(xu, table)
  return out5.transpose(2, 4, 0, 1, 3).reshape(B, L, D)

# --- scband reference (transcript-rebuilt; emitter-appended) ---
"""Pipeline reference for scband-input-embedding-6030134084282 (READ-ONLY COPY).

The authoritative reference and input builder live on the scoring server;
editing this copy changes nothing except your own understanding.
"""

import jax, jax.numpy as jnp
import numpy as np
import math

D_MODEL = 64
VOCAB = 1000000
B = 4096
L = 200

def setup_inputs(seed: int = 0) -> dict:
    key = jax.random.key(seed)
    k1, k2 = jax.random.split(key)
    x = jax.random.randint(k1, (B, L), 0, VOCAB, dtype=jnp.int64 if jax.config.jax_enable_x64 else jnp.int32)
    table = jax.random.normal(k2, (VOCAB, D_MODEL), dtype=jnp.float32) * 0.02
    return {"x": x, "table": table}

def reference(x, table):
    # nn.Embedding lookup followed by scaling by sqrt(d_model)
    emb = jnp.take(table, x, axis=0)
    return emb * math.sqrt(D_MODEL)

if __name__ == "__main__":
    import jax
    _d = setup_inputs()
    print(jax.jit(kernel)(*tuple(_d.values())))

</pallas_src>

<mosaic_0001>
#map = affine_map<(d0, d1) -> (0, 0)>
#map1 = affine_map<(d0, d1) -> (0, 0, 0, 0, 0)>
module attributes {stable_mosaic.version = 14 : i64} {
  func.func @body(%arg0: i32, %arg1: i32, %arg2: memref<200x4096xi32, #tpu.memory_space<hbm>>, %arg3: memref<1000000x64xf32, #tpu.memory_space<hbm>>, %arg4: memref<200x8x32x8x128xf32, #tpu.memory_space<hbm>>, %arg5: memref<200x128xi32, #tpu.memory_space<vmem>>, %arg6: memref<4x128x64xf32, #tpu.memory_space<vmem>>, %arg7: memref<4x64x129xf32, #tpu.memory_space<vmem>>, %arg8: memref<!tpu.dma_semaphore, #tpu.memory_space<semaphore_mem>>, %arg9: memref<!tpu.dma_semaphore, #tpu.memory_space<semaphore_mem>>, %arg10: memref<!tpu.dma_semaphore, #tpu.memory_space<semaphore_mem>>, %arg11: memref<!tpu.dma_semaphore, #tpu.memory_space<semaphore_mem>>, %arg12: memref<!tpu.dma_semaphore, #tpu.memory_space<semaphore_mem>>, %arg13: memref<!tpu.dma_semaphore, #tpu.memory_space<semaphore_mem>>, %arg14: memref<!tpu.dma_semaphore, #tpu.memory_space<semaphore_mem>>, %arg15: memref<!tpu.dma_semaphore, #tpu.memory_space<semaphore_mem>>) attributes {dimension_semantics = [#tpu.dimension_semantics<core_parallel>, #tpu.dimension_semantics<subcore_parallel>], iteration_bounds = array<i64: 2, 16>, scalar_prefetch = 0 : i64, scratch_operands = 11 : i64, tpu.core_type = #tpu.core_type<sc_vector_subcore>, window_params = [{transform_indices = #map}, {transform_indices = #map}, {transform_indices = #map1}]} {
    %mul3A = arith.constant 2 : i32
    %mul3A_0 = arith.muli %arg1, %mul3A : i32
    %add3A = arith.addi %mul3A_0, %arg0 : i32
    %mul3A_1 = arith.constant 128 : i32
    %mul3A_2 = arith.muli %add3A, %mul3A_1 : i32
    "tpu.region"() ({
      %run_scoped3A = tpu.sem_alloc : memref<!tpu.dma_semaphore, #tpu.memory_space<semaphore_mem>>
      %dma_start3A_709 = arith.constant 0 : i32
      %dma_start3A_710 = tpu.memref_slice %arg2[%dma_start3A_709, %mul3A_2] : memref<200x4096xi32, #tpu.memory_space<hbm>> -> memref<200x128xi32, #tpu.memory_space<hbm>>
      %dma_start3A_711 = arith.constant 0 : i32
      %dma_start3A_712 = tpu.memref_slice %arg2[%dma_start3A_711, %mul3A_2] : memref<200x4096xi32, #tpu.memory_space<hbm>> -> memref<200x128xi32, #tpu.memory_space<hbm>>
      tpu.enqueue_dma source(%dma_start3A_712 : memref<200x128xi32, #tpu.memory_space<hbm>>) target(%arg5 : memref<200x128xi32, #tpu.memory_space<vmem>>) target_semaphore(%run_scoped3A : memref<!tpu.dma_semaphore, #tpu.memory_space<semaphore_mem>>)
      %dma_wait3A_713 = arith.constant 0 : i32
      %dma_wait3A_714 = tpu.memref_slice %arg2[%dma_wait3A_713, %mul3A_2] : memref<200x4096xi32, #tpu.memory_space<hbm>> -> memref<200x128xi32, #tpu.memory_space<hbm>>
      %dma_wait3A_715 = arith.constant 0 : i32
      %dma_wait3A_716 = tpu.memref_slice %arg2[%dma_wait3A_715, %mul3A_2] : memref<200x4096xi32, #tpu.memory_space<hbm>> -> memref<200x128xi32, #tpu.memory_space<hbm>>
      tpu.wait_dma2 semaphore(%run_scoped3A : memref<!tpu.dma_semaphore, #tpu.memory_space<semaphore_mem>>) src(%dma_wait3A_716 : memref<200x128xi32, #tpu.memory_space<hbm>>) dst(%arg5 : memref<200x128xi32, #tpu.memory_space<vmem>>)
      tpu.yield
    }) : () -> ()
    %dma_start3A = arith.constant 0 : i32
    %dma_start3A_3 = arith.constant 0 : i32
    %dma_start3A_4 = arith.constant 0 : i32
    %dma_start3A_5 = arith.constant 0 : i32
    %dma_start3A_6 = tpu.memref_slice %arg6[%dma_start3A_3, %dma_start3A_4, %dma_start3A_5] : memref<4x128x64xf32, #tpu.memory_space<vmem>> -> memref<1x128x64xf32, #tpu.memory_space<vmem>>
    %dma_start3A_7 = tpu.memref_squeeze %dma_start3A_6 : memref<1x128x64xf32, #tpu.memory_space<vmem>> -> memref<128x64xf32, #tpu.memory_space<vmem>>
    %dma_start3A_8 = arith.constant 0 : i32
    %dma_start3A_9 = tpu.memref_slice %arg5[%dma_start3A, %dma_start3A_8] : memref<200x128xi32, #tpu.memory_space<vmem>> -> memref<1x128xi32, #tpu.memory_space<vmem>>
    %dma_start3A_10 = tpu.memref_squeeze %dma_start3A_9 : memref<1x128xi32, #tpu.memory_space<vmem>> -> memref<128xi32, #tpu.memory_space<vmem>>
    %dma_start3A_11 = arith.constant 0 : i32
    %dma_start3A_12 = arith.constant 0 : i32
    %dma_start3A_13 = tpu.memref_slice %arg3[%dma_start3A_11, %dma_start3A_12] : memref<1000000x64xf32, #tpu.memory_space<hbm>> -> memref<1000000x64xf32, #tpu.memory_space<hbm>>
    tpu.enqueue_indirect_dma source(%dma_start3A_13 : memref<1000000x64xf32, #tpu.memory_space<hbm>>) target(%dma_start3A_7 : memref<128x64xf32, #tpu.memory_space<vmem>>) offsets(%dma_start3A_10 : memref<128xi32, #tpu.memory_space<vmem>>) semaphore(%arg8 : memref<!tpu.dma_semaphore, #tpu.memory_space<semaphore_mem>>)
    %dma_start3A_14 = arith.constant 1 : i32
    %dma_start3A_15 = arith.constant 1 : i32
    %dma_start3A_16 = arith.constant 0 : i32
    %dma_start3A_17 = arith.constant 0 : i32
    %dma_start3A_18 = tpu.memref_slice %arg6[%dma_start3A_15, %dma_start3A_16, %dma_start3A_17] : memref<4x128x64xf32, #tpu.memory_space<vmem>> -> memref<1x128x64xf32, #tpu.memory_space<vmem>>
    %dma_start3A_19 = tpu.memref_squeeze %dma_start3A_18 : memref<1x128x64xf32, #tpu.memory_space<vmem>> -> memref<128x64xf32, #tpu.memory_space<vmem>>
    %dma_start3A_20 = arith.constant 0 : i32
    %dma_start3A_21 = tpu.memref_slice %arg5[%dma_start3A_14, %dma_start3A_20] : memref<200x128xi32, #tpu.memory_space<vmem>> -> memref<1x128xi32, #tpu.memory_space<vmem>>
    %dma_start3A_22 = tpu.memref_squeeze %dma_start3A_21 : memref<1x128xi32, #tpu.memory_space<vmem>> -> memref<128xi32, #tpu.memory_space<vmem>>
    %dma_start3A_23 = arith.constant 0 : i32
    %dma_start3A_24 = arith.constant 0 : i32
    %dma_start3A_25 = tpu.memref_slice %arg3[%dma_start3A_23, %dma_start3A_24] : memref<1000000x64xf32, #tpu.memory_space<hbm>> -> memref<1000000x64xf32, #tpu.memory_space<hbm>>
    tpu.enqueue_indirect_dma source(%dma_start3A_25 : memref<1000000x64xf32, #tpu.memory_space<hbm>>) target(%dma_start3A_19 : memref<128x64xf32, #tpu.memory_space<vmem>>) offsets(%dma_start3A_22 : memref<128xi32, #tpu.memory_space<vmem>>) semaphore(%arg9 : memref<!tpu.dma_semaphore, #tpu.memory_space<semaphore_mem>>)
    %dma_start3A_26 = arith.constant 2 : i32
    %dma_start3A_27 = arith.constant 2 : i32
    %dma_start3A_28 = arith.constant 0 : i32
    %dma_start3A_29 = arith.constant 0 : i32
    %dma_start3A_30 = tpu.memref_slice %arg6[%dma_start3A_27, %dma_start3A_28, %dma_start3A_29] : memref<4x128x64xf32, #tpu.memory_space<vmem>> -> memref<1x128x64xf32, #tpu.memory_space<vmem>>
    %dma_start3A_31 = tpu.memref_squeeze %dma_start3A_30 : memref<1x128x64xf32, #tpu.memory_space<vmem>> -> memref<128x64xf32, #tpu.memory_space<vmem>>
    %dma_start3A_32 = arith.constant 0 : i32
    %dma_start3A_33 = tpu.memref_slice %arg5[%dma_start3A_26, %dma_start3A_32] : memref<200x128xi32, #tpu.memory_space<vmem>> -> memref<1x128xi32, #tpu.memory_space<vmem>>
    %dma_start3A_34 = tpu.memref_squeeze %dma_start3A_33 : memref<1x128xi32, #tpu.memory_space<vmem>> -> memref<128xi32, #tpu.memory_space<vmem>>
    %dma_start3A_35 = arith.constant 0 : i32
    %dma_start3A_36 = arith.constant 0 : i32
    %dma_start3A_37 = tpu.memref_slice %arg3[%dma_start3A_35, %dma_start3A_36] : memref<1000000x64xf32, #tpu.memory_space<hbm>> -> memref<1000000x64xf32, #tpu.memory_space<hbm>>
    tpu.enqueue_indirect_dma source(%dma_start3A_37 : memref<1000000x64xf32, #tpu.memory_space<hbm>>) target(%dma_start3A_31 : memref<128x64xf32, #tpu.memory_space<vmem>>) offsets(%dma_start3A_34 : memref<128xi32, #tpu.memory_space<vmem>>) semaphore(%arg10 : memref<!tpu.dma_semaphore, #tpu.memory_space<semaphore_mem>>)
    %dma_start3A_38 = arith.constant 3 : i32
    %dma_start3A_39 = arith.constant 3 : i32
    %dma_start3A_40 = arith.constant 0 : i32
    %dma_start3A_41 = arith.constant 0 : i32
    %dma_start3A_42 = tpu.memref_slice %arg6[%dma_start3A_39, %dma_start3A_40, %dma_start3A_41] : memref<4x128x64xf32, #tpu.memory_space<vmem>> -> memref<1x128x64xf32, #tpu.memory_space<vmem>>
    %dma_start3A_43 = tpu.memref_squeeze %dma_start3A_42 : memref<1x128x64xf32, #tpu.memory_space<vmem>> -> memref<128x64xf32, #tpu.memory_space<vmem>>
    %dma_start3A_44 = arith.constant 0 : i32
    %dma_start3A_45 = tpu.memref_slice %arg5[%dma_start3A_38, %dma_start3A_44] : memref<200x128xi32, #tpu.memory_space<vmem>> -> memref<1x128xi32, #tpu.memory_space<vmem>>
    %dma_start3A_46 = tpu.memref_squeeze %dma_start3A_45 : memref<1x128xi32, #tpu.memory_space<vmem>> -> memref<128xi32, #tpu.memory_space<vmem>>
    %dma_start3A_47 = arith.constant 0 : i32
    %dma_start3A_48 = arith.constant 0 : i32
    %dma_start3A_49 = tpu.memref_slice %arg3[%dma_start3A_47, %dma_start3A_48] : memref<1000000x64xf32, #tpu.memory_space<hbm>> -> memref<1000000x64xf32, #tpu.memory_space<hbm>>
    tpu.enqueue_indirect_dma source(%dma_start3A_49 : memref<1000000x64xf32, #tpu.memory_space<hbm>>) target(%dma_start3A_43 : memref<128x64xf32, #tpu.memory_space<vmem>>) offsets(%dma_start3A_46 : memref<128xi32, #tpu.memory_space<vmem>>) semaphore(%arg11 : memref<!tpu.dma_semaphore, #tpu.memory_space<semaphore_mem>>)
    %iota3A = tpu.iota {dimensions = array<i32: 0>} : vector<16xi32>
    %add3A_50 = arith.constant 0 : i32
    %add3A_51 = vector.broadcast %add3A_50 : i32 to vector<16xi32>
    %add3A_52 = arith.addi %iota3A, %add3A_51 : vector<16xi32>
    %iota3A_53 = tpu.iota {dimensions = array<i32: 0>} : vector<16xi32>
    %add3A_54 = arith.constant 16 : i32
    %add3A_55 = vector.broadcast %add3A_54 : i32 to vector<16xi32>
    %add3A_56 = arith.addi %iota3A_53, %add3A_55 : vector<16xi32>
    %iota3A_57 = tpu.iota {dimensions = array<i32: 0>} : vector<16xi32>
    %add3A_58 = arith.constant 32 : i32
    %add3A_59 = vector.broadcast %add3A_58 : i32 to vector<16xi32>
    %add3A_60 = arith.addi %iota3A_57, %add3A_59 : vector<16xi32>
    %iota3A_61 = tpu.iota {dimensions = array<i32: 0>} : vector<16xi32>
    %add3A_62 = arith.constant 48 : i32
    %add3A_63 = vector.broadcast %add3A_62 : i32 to vector<16xi32>
    %add3A_64 = arith.addi %iota3A_61, %add3A_63 : vector<16xi32>
    %scan3A = arith.constant 0 : i32
    %scan3A_65 = arith.constant 0 : i32
    %scan3A_66 = arith.constant 50 : i32
    %scan3A_67 = arith.addi %scan3A_65, %scan3A_66 : i32
    %scan3A_68 = arith.constant 1 : i32
    scf.for %scan3A_709 = %scan3A_65 to %scan3A_67 step %scan3A_68  : i32 {
      %mul3A_710 = arith.constant 4 : i32
      %mul3A_711 = arith.muli %scan3A_709, %mul3A_710 : i32
      %add3A_712 = arith.constant 0 : i32
      %add3A_713 = arith.addi %mul3A_711, %add3A_712 : i32
      %dma_wait3A_714 = arith.constant 0 : i32
      %dma_wait3A_715 = arith.constant 0 : i32
      %dma_wait3A_716 = arith.constant 0 : i32
      %dma_wait3A_717 = arith.constant 0 : i32
      %dma_wait3A_718 = tpu.memref_slice %arg6[%dma_wait3A_715, %dma_wait3A_716, %dma_wait3A_717] : memref<4x128x64xf32, #tpu.memory_space<vmem>> -> memref<1x128x64xf32, #tpu.memory_space<vmem>>
      %dma_wait3A_719 = tpu.memref_squeeze %dma_wait3A_718 : memref<1x128x64xf32, #tpu.memory_space<vmem>> -> memref<128x64xf32, #tpu.memory_space<vmem>>
      %dma_wait3A_720 = arith.constant 0 : i32
      %dma_wait3A_721 = tpu.memref_slice %arg5[%dma_wait3A_714, %dma_wait3A_720] : memref<200x128xi32, #tpu.memory_space<vmem>> -> memref<1x128xi32, #tpu.memory_space<vmem>>
      %dma_wait3A_722 = tpu.memref_squeeze %dma_wait3A_721 : memref<1x128xi32, #tpu.memory_space<vmem>> -> memref<128xi32, #tpu.memory_space<vmem>>
      %dma_wait3A_723 = arith.constant 0 : i32
      %dma_wait3A_724 = arith.constant 0 : i32
      %dma_wait3A_725 = tpu.memref_slice %arg3[%dma_wait3A_723, %dma_wait3A_724] : memref<1000000x64xf32, #tpu.memory_space<hbm>> -> memref<1000000x64xf32, #tpu.memory_space<hbm>>
      tpu.wait_indirect_dma semaphore(%arg8 : memref<!tpu.dma_semaphore, #tpu.memory_space<semaphore_mem>>) src(%dma_wait3A_725 : memref<1000000x64xf32, #tpu.memory_space<hbm>>) dst(%dma_wait3A_719 : memref<128x64xf32, #tpu.memory_space<vmem>>)
      %ge3A = arith.constant 4 : i32
      %ge3A_726 = arith.cmpi sge, %add3A_713, %ge3A : i32
      %convert_element_type3A = arith.extui %ge3A_726 : i1 to i32
      %cond3A = arith.constant 0 : i32
      %cond3A_727 = arith.cmpi ne, %convert_element_type3A, %cond3A : i32
      scf.if %cond3A_727 {
        %dma_wait3A_1399 = arith.constant 0 : i32
        %dma_wait3A_1400 = arith.constant 0 : i32
        %dma_wait3A_1401 = arith.constant 0 : i32
        %dma_wait3A_1402 = arith.constant 0 : i32
        %dma_wait3A_1403 = arith.constant 0 : i32
        %dma_wait3A_1404 = arith.constant 0 : i32
        %dma_wait3A_1405 = tpu.memref_slice %arg7[%dma_wait3A_1399, %dma_wait3A_1403, %dma_wait3A_1404] : memref<4x64x129xf32, #tpu.memory_space<vmem>> -> memref<1x8x128xf32, #tpu.memory_space<vmem>>
        %dma_wait3A_1406 = tpu.memref_squeeze %dma_wait3A_1405 : memref<1x8x128xf32, #tpu.memory_space<vmem>> -> memref<8x128xf32, #tpu.memory_space<vmem>>
        %dma_wait3A_1407 = arith.constant 0 : i32
        %dma_wait3A_1408 = arith.constant 0 : i32
        %dma_wait3A_1409 = tpu.memref_slice %arg4[%dma_wait3A_1400, %dma_wait3A_1401, %dma_wait3A_1402, %dma_wait3A_1407, %dma_wait3A_1408] : memref<200x8x32x8x128xf32, #tpu.memory_space<hbm>> -> memref<1x1x1x8x128xf32, #tpu.memory_space<hbm>>
        %dma_wait3A_1410 = tpu.memref_squeeze %dma_wait3A_1409 : memref<1x1x1x8x128xf32, #tpu.memory_space<hbm>> -> memref<8x128xf32, #tpu.memory_space<hbm>>
        %dma_wait3A_1411 = arith.constant 0 : i32
        %dma_wait3A_1412 = arith.constant 0 : i32
        %dma_wait3A_1413 = tpu.memref_slice %arg4[%dma_wait3A_1400, %dma_wait3A_1401, %dma_wait3A_1402, %dma_wait3A_1411, %dma_wait3A_1412] : memref<200x8x32x8x128xf32, #tpu.memory_space<hbm>> -> memref<1x1x1x8x128xf32, #tpu.memory_space<hbm>>
        %dma_wait3A_1414 = tpu.memref_squeeze %dma_wait3A_1413 : memref<1x1x1x8x128xf32, #tpu.memory_space<hbm>> -> memref<8x128xf32, #tpu.memory_space<hbm>>
        %dma_wait3A_1415 = arith.constant 0 : i32
        %dma_wait3A_1416 = arith.constant 0 : i32
        %dma_wait3A_1417 = tpu.memref_slice %arg7[%dma_wait3A_1399, %dma_wait3A_1415, %dma_wait3A_1416] : memref<4x64x129xf32, #tpu.memory_space<vmem>> -> memref<1x8x128xf32, #tpu.memory_space<vmem>>
        %dma_wait3A_1418 = tpu.memref_squeeze %dma_wait3A_1417 : memref<1x8x128xf32, #tpu.memory_space<vmem>> -> memref<8x128xf32, #tpu.memory_space<vmem>>
        tpu.wait_dma2 semaphore(%arg12 : memref<!tpu.dma_semaphore, #tpu.memory_space<semaphore_mem>>) src(%dma_wait3A_1418 : memref<8x128xf32, #tpu.memory_space<vmem>>) dst(%dma_wait3A_1414 : memref<8x128xf32, #tpu.memory_space<hbm>>)
        %dma_wait3A_1419 = arith.constant 0 : i32
        %dma_wait3A_1420 = arith.constant 0 : i32
        %dma_wait3A_1421 = arith.constant 0 : i32
        %dma_wait3A_1422 = arith.constant 0 : i32
        %dma_wait3A_1423 = arith.constant 8 : i32
        %dma_wait3A_1424 = arith.constant 0 : i32
        %dma_wait3A_1425 = tpu.memref_slice %arg7[%dma_wait3A_1419, %dma_wait3A_1423, %dma_wait3A_1424] : memref<4x64x129xf32, #tpu.memory_space<vmem>> -> memref<1x8x128xf32, #tpu.memory_space<vmem>>
        %dma_wait3A_1426 = tpu.memref_squeeze %dma_wait3A_1425 : memref<1x8x128xf32, #tpu.memory_space<vmem>> -> memref<8x128xf32, #tpu.memory_space<vmem>>
        %dma_wait3A_1427 = arith.constant 0 : i32
        %dma_wait3A_1428 = arith.constant 0 : i32
        %dma_wait3A_1429 = tpu.memref_slice %arg4[%dma_wait3A_1420, %dma_wait3A_1421, %dma_wait3A_1422, %dma_wait3A_1427, %dma_wait3A_1428] : memref<200x8x32x8x128xf32, #tpu.memory_space<hbm>> -> memref<1x1x1x8x128xf32, #tpu.memory_space<hbm>>
        %dma_wait3A_1430 = tpu.memref_squeeze %dma_wait3A_1429 : memref<1x1x1x8x128xf32, #tpu.memory_space<hbm>> -> memref<8x128xf32, #tpu.memory_space<hbm>>
        %dma_wait3A_1431 = arith.constant 0 : i32
        %dma_wait3A_1432 = arith.constant 0 : i32
        %dma_wait3A_1433 = tpu.memref_slice %arg4[%dma_wait3A_1420, %dma_wait3A_1421, %dma_wait3A_1422, %dma_wait3A_1431, %dma_wait3A_1432] : memref<200x8x32x8x128xf32, #tpu.memory_space<hbm>> -> memref<1x1x1x8x128xf32, #tpu.memory_space<hbm>>
        %dma_wait3A_1434 = tpu.memref_squeeze %dma_wait3A_1433 : memref<1x1x1x8x128xf32, #tpu.memory_space<hbm>> -> memref<8x128xf32, #tpu.memory_space<hbm>>
        %dma_wait3A_1435 = arith.constant 8 : i32
        %dma_wait3A_1436 = arith.constant 0 : i32
        %dma_wait3A_1437 = tpu.memref_slice %arg7[%dma_wait3A_1419, %dma_wait3A_1435, %dma_wait3A_1436] : memref<4x64x129xf32, #tpu.memory_space<vmem>> -> memref<1x8x128xf32, #tpu.memory_space<vmem>>
        %dma_wait3A_1438 = tpu.memref_squeeze %dma_wait3A_1437 : memref<1x8x128xf32, #tpu.memory_space<vmem>> -> memref<8x128xf32, #tpu.memory_space<vmem>>
        tpu.wait_dma2 semaphore(%arg12 : memref<!tpu.dma_semaphore, #tpu.memory_space<semaphore_mem>>) src(%dma_wait3A_1438 : memref<8x128xf32, #tpu.memory_space<vmem>>) dst(%dma_wait3A_1434 : memref<8x128xf32, #tpu.memory_space<hbm>>)
        %dma_wait3A_1439 = arith.constant 0 : i32
        %dma_wait3A_1440 = arith.constant 0 : i32
        %dma_wait3A_1441 = arith.constant 0 : i32
        %dma_wait3A_1442 = arith.constant 0 : i32
        %dma_wait3A_1443 = arith.constant 16 : i32
        %dma_wait3A_1444 = arith.constant 0 : i32
        %dma_wait3A_1445 = tpu.memref_slice %arg7[%dma_wait3A_1439, %dma_wait3A_1443, %dma_wait3A_1444] : memref<4x64x129xf32, #tpu.memory_space<vmem>> -> memref<1x8x128xf32, #tpu.memory_space<vmem>>
        %dma_wait3A_1446 = tpu.memref_squeeze %dma_wait3A_1445 : memref<1x8x128xf32, #tpu.memory_space<vmem>> -> memref<8x128xf32, #tpu.memory_space<vmem>>
        %dma_wait3A_1447 = arith.constant 0 : i32
        %dma_wait3A_1448 = arith.constant 0 : i32
        %dma_wait3A_1449 = tpu.memref_slice %arg4[%dma_wait3A_1440, %dma_wait3A_1441, %dma_wait3A_1442, %dma_wait3A_1447, %dma_wait3A_1448] : memref<200x8x32x8x128xf32, #tpu.memory_space<hbm>> -> memref<1x1x1x8x128xf32, #tpu.memory_space<hbm>>
        %dma_wait3A_1450 = tpu.memref_squeeze %dma_wait3A_1449 : memref<1x1x1x8x128xf32, #tpu.memory_space<hbm>> -> memref<8x128xf32, #tpu.memory_space<hbm>>
        %dma_wait3A_1451 = arith.constant 0 : i32
        %dma_wait3A_1452 = arith.constant 0 : i32
        %dma_wait3A_1453 = tpu.memref_slice %arg4[%dma_wait3A_1440, %dma_wait3A_1441, %dma_wait3A_1442, %dma_wait3A_1451, %dma_wait3A_1452] : memref<200x8x32x8x128xf32, #tpu.memory_space<hbm>> -> memref<1x1x1x8x128xf32, #tpu.memory_space<hbm>>
        %dma_wait3A_1454 = tpu.memref_squeeze %dma_wait3A_1453 : memref<1x1x1x8x128xf32, #tpu.memory_space<hbm>> -> memref<8x128xf32, #tpu.memory_space<hbm>>
        %dma_wait3A_1455 = arith.constant 16 : i32
        %dma_wait3A_1456 = arith.constant 0 : i32
        %dma_wait3A_1457 = tpu.memref_slice %arg7[%dma_wait3A_1439, %dma_wait3A_1455, %dma_wait3A_1456] : memref<4x64x129xf32, #tpu.memory_space<vmem>> -> memref<1x8x128xf32, #tpu.memory_space<vmem>>
        %dma_wait3A_1458 = tpu.memref_squeeze %dma_wait3A_1457 : memref<1x8x128xf32, #tpu.memory_space<vmem>> -> memref<8x128xf32, #tpu.memory_space<vmem>>
        tpu.wait_dma2 semaphore(%arg12 : memref<!tpu.dma_semaphore, #tpu.memory_space<semaphore_mem>>) src(%dma_wait3A_1458 : memref<8x128xf32, #tpu.memory_space<vmem>>) dst(%dma_wait3A_1454 : memref<8x128xf32, #tpu.memory_space<hbm>>)
        %dma_wait3A_1459 = arith.constant 0 : i32
        %dma_wait3A_1460 = arith.constant 0 : i32
        %dma_wait3A_1461 = arith.constant 0 : i32
        %dma_wait3A_1462 = arith.constant 0 : i32
        %dma_wait3A_1463 = arith.constant 24 : i32
        %dma_wait3A_1464 = arith.constant 0 : i32
        %dma_wait3A_1465 = tpu.memref_slice %arg7[%dma_wait3A_1459, %dma_wait3A_1463, %dma_wait3A_1464] : memref<4x64x129xf32, #tpu.memory_space<vmem>> -> memref<1x8x128xf32, #tpu.memory_space<vmem>>
        %dma_wait3A_1466 = tpu.memref_squeeze %dma_wait3A_1465 : memref<1x8x128xf32, #tpu.memory_space<vmem>> -> memref<8x128xf32, #tpu.memory_space<vmem>>
        %dma_wait3A_1467 = arith.constant 0 : i32
        %dma_wait3A_1468 = arith.constant 0 : i32
        %dma_wait3A_1469 = tpu.memref_slice %arg4[%dma_wait3A_1460, %dma_wait3A_1461, %dma_wait3A_1462, %dma_wait3A_1467, %dma_wait3A_1468] : memref<200x8x32x8x128xf32, #tpu.memory_space<hbm>> -> memref<1x1x1x8x128xf32, #tpu.memory_space<hbm>>
        %dma_wait3A_1470 = tpu.memref_squeeze %dma_wait3A_1469 : memref<1x1x1x8x128xf32, #tpu.memory_space<hbm>> -> memref<8x128xf32, #tpu.memory_space<hbm>>
        %dma_wait3A_1471 = arith.constant 0 : i32
        %dma_wait3A_1472 = arith.constant 0 : i32
        %dma_wait3A_1473 = tpu.memref_slice %arg4[%dma_wait3A_1460, %dma_wait3A_1461, %dma_wait3A_1462, %dma_wait3A_1471, %dma_wait3A_1472] : memref<200x8x32x8x128xf32, #tpu.memory_space<hbm>> -> memref<1x1x1x8x128xf32, #tpu.memory_space<hbm>>
        %dma_wait3A_1474 = tpu.memref_squeeze %dma_wait3A_1473 : memref<1x1x1x8x128xf32, #tpu.memory_space<hbm>> -> memref<8x128xf32, #tpu.memory_space<hbm>>
        %dma_wait3A_1475 = arith.constant 24 : i32
        %dma_wait3A_1476 = arith.constant 0 : i32
        %dma_wait3A_1477 = tpu.memref_slice %arg7[%dma_wait3A_1459, %dma_wait3A_1475, %dma_wait3A_1476] : memref<4x64x129xf32, #tpu.memory_space<vmem>> -> memref<1x8x128xf32, #tpu.memory_space<vmem>>
        %dma_wait3A_1478 = tpu.memref_squeeze %dma_wait3A_1477 : memref<1x8x128xf32, #tpu.memory_space<vmem>> -> memref<8x128xf32, #tpu.memory_space<vmem>>
        tpu.wait_dma2 semaphore(%arg12 : memref<!tpu.dma_semaphore, #tpu.memory_space<semaphore_mem>>) src(%dma_wait3A_1478 : memref<8x128xf32, #tpu.memory_space<vmem>>) dst(%dma_wait3A_1474 : memref<8x128xf32, #tpu.memory_space<hbm>>)
        %dma_wait3A_1479 = arith.constant 0 : i32
        %dma_wait3A_1480 = arith.constant 0 : i32
        %dma_wait3A_1481 = arith.constant 0 : i32
        %dma_wait3A_1482 = arith.constant 0 : i32
        %dma_wait3A_1483 = arith.constant 32 : i32
        %dma_wait3A_1484 = arith.constant 0 : i32
        %dma_wait3A_1485 = tpu.memref_slice %arg7[%dma_wait3A_1479, %dma_wait3A_1483, %dma_wait3A_1484] : memref<4x64x129xf32, #tpu.memory_space<vmem>> -> memref<1x8x128xf32, #tpu.memory_space<vmem>>
        %dma_wait3A_1486 = tpu.memref_squeeze %dma_wait3A_1485 : memref<1x8x128xf32, #tpu.memory_space<vmem>> -> memref<8x128xf32, #tpu.memory_space<vmem>>
        %dma_wait3A_1487 = arith.constant 0 : i32
        %dma_wait3A_1488 = arith.constant 0 : i32
        %dma_wait3A_1489 = tpu.memref_slice %arg4[%dma_wait3A_1480, %dma_wait3A_1481, %dma_wait3A_1482, %dma_wait3A_1487, %dma_wait3A_1488] : memref<200x8x32x8x128xf32, #tpu.memory_space<hbm>> -> memref<1x1x1x8x128xf32, #tpu.memory_space<hbm>>
        %dma_wait3A_1490 = tpu.memref_squeeze %dma_wait3A_1489 : memref<1x1x1x8x128xf32, #tpu.memory_space<hbm>> -> memref<8x128xf32, #tpu.memory_space<hbm>>
        %dma_wait3A_1491 = arith.constant 0 : i32
        %dma_wait3A_1492 = arith.constant 0 : i32
        %dma_wait3A_1493 = tpu.memref_slice %arg4[%dma_wait3A_1480, %dma_wait3A_1481, %dma_wait3A_1482, %dma_wait3A_1491, %dma_wait3A_1492] : memref<200x8x32x8x128xf32, #tpu.memory_space<hbm>> -> memref<1x1x1x8x128xf32, #tpu.memory_space<hbm>>
        %dma_wait3A_1494 = tpu.memref_squeeze %dma_wait3A_1493 : memref<1x1x1x8x128xf32, #tpu.memory_space<hbm>> -> memref<8x128xf32, #tpu.memory_space<hbm>>
        %dma_wait3A_1495 = arith.constant 32 : i32
        %dma_wait3A_1496 = arith.constant 0 : i32
        %dma_wait3A_1497 = tpu.memref_slice %arg7[%dma_wait3A_1479, %dma_wait3A_1495, %dma_wait3A_1496] : memref<4x64x129xf32, #tpu.memory_space<vmem>> -> memref<1x8x128xf32, #tpu.memory_space<vmem>>
        %dma_wait3A_1498 = tpu.memref_squeeze %dma_wait3A_1497 : memref<1x8x128xf32, #tpu.memory_space<vmem>> -> memref<8x128xf32, #tpu.memory_space<vmem>>
        tpu.wait_dma2 semaphore(%arg12 : memref<!tpu.dma_semaphore, #tpu.memory_space<semaphore_mem>>) src(%dma_wait3A_1498 : memref<8x128xf32, #tpu.memory_space<vmem>>) dst(%dma_wait3A_1494 : memref<8x128xf32, #tpu.memory_space<hbm>>)
        %dma_wait3A_1499 = arith.constant 0 : i32
        %dma_wait3A_1500 = arith.constant 0 : i32
        %dma_wait3A_1501 = arith.constant 0 : i32
        %dma_wait3A_1502 = arith.constant 0 : i32
        %dma_wait3A_1503 = arith.constant 40 : i32
        %dma_wait3A_1504 = arith.constant 0 : i32
        %dma_wait3A_1505 = tpu.memref_slice %arg7[%dma_wait3A_1499, %dma_wait3A_1503, %dma_wait3A_1504] : memref<4x64x129xf32, #tpu.memory_space<vmem>> -> memref<1x8x128xf32, #tpu.memory_space<vmem>>
        %dma_wait3A_1506 = tpu.memref_squeeze %dma_wait3A_1505 : memref<1x8x128xf32, #tpu.memory_space<vmem>> -> memref<8x128xf32, #tpu.memory_space<vmem>>
        %dma_wait3A_1507 = arith.constant 0 : i32
        %dma_wait3A_1508 = arith.constant 0 : i32
        %dma_wait3A_1509 = tpu.memref_slice %arg4[%dma_wait3A_1500, %dma_wait3A_1501, %dma_wait3A_1502, %dma_wait3A_1507, %dma_wait3A_1508] : memref<200x8x32x8x128xf32, #tpu.memory_space<hbm>> -> memref<1x1x1x8x128xf32, #tpu.memory_space<hbm>>
        %dma_wait3A_1510 = tpu.memref_squeeze %dma_wait3A_1509 : memref<1x1x1x8x128xf32, #tpu.memory_space<hbm>> -> memref<8x128xf32, #tpu.memory_space<hbm>>
        %dma_wait3A_1511 = arith.constant 0 : i32
        %dma_wait3A_1512 = arith.constant 0 : i32
        %dma_wait3A_1513 = tpu.memref_slice %arg4[%dma_wait3A_1500, %dma_wait3A_1501, %dma_wait3A_1502, %dma_wait3A_1511, %dma_wait3A_1512] : memref<200x8x32x8x128xf32, #tpu.memory_space<hbm>> -> memref<1x1x1x8x128xf32, #tpu.memory_space<hbm>>
        %dma_wait3A_1514 = tpu.memref_squeeze %dma_wait3A_1513 : memref<1x1x1x8x128xf32, #tpu.memory_space<hbm>> -> memref<8x128xf32, #tpu.memory_space<hbm>>
        %dma_wait3A_1515 = arith.constant 40 : i32
        %dma_wait3A_1516 = arith.constant 0 : i32
        %dma_wait3A_1517 = tpu.memref_slice %arg7[%dma_wait3A_1499, %dma_wait3A_1515, %dma_wait3A_1516] : memref<4x64x129xf32, #tpu.memory_space<vmem>> -> memref<1x8x128xf32, #tpu.memory_space<vmem>>
        %dma_wait3A_1518 = tpu.memref_squeeze %dma_wait3A_1517 : memref<1x8x128xf32, #tpu.memory_space<vmem>> -> memref<8x128xf32, #tpu.memory_space<vmem>>
        tpu.wait_dma2 semaphore(%arg12 : memref<!tpu.dma_semaphore, #tpu.memory_space<semaphore_mem>>) src(%dma_wait3A_1518 : memref<8x128xf32, #tpu.memory_space<vmem>>) dst(%dma_wait3A_1514 : memref<8x128xf32, #tpu.memory_space<hbm>>)
        %dma_wait3A_1519 = arith.constant 0 : i32
        %dma_wait3A_1520 = arith.constant 0 : i32
        %dma_wait3A_1521 = arith.constant 0 : i32
        %dma_wait3A_1522 = arith.constant 0 : i32
        %dma_wait3A_1523 = arith.constant 48 : i32
        %dma_wait3A_1524 = arith.constant 0 : i32
        %dma_wait3A_1525 = tpu.memref_slice %arg7[%dma_wait3A_1519, %dma_wait3A_1523, %dma_wait3A_1524] : memref<4x64x129xf32, #tpu.memory_space<vmem>> -> memref<1x8x128xf32, #tpu.memory_space<vmem>>
        %dma_wait3A_1526 = tpu.memref_squeeze %dma_wait3A_1525 : memref<1x8x128xf32, #tpu.memory_space<vmem>> -> memref<8x128xf32, #tpu.memory_space<vmem>>
        %dma_wait3A_1527 = arith.constant 0 : i32
        %dma_wait3A_1528 = arith.constant 0 : i32
        %dma_wait3A_1529 = tpu.memref_slice %arg4[%dma_wait3A_1520, %dma_wait3A_1521, %dma_wait3A_1522, %dma_wait3A_1527, %dma_wait3A_1528] : memref<200x8x32x8x128xf32, #tpu.memory_space<hbm>> -> memref<1x1x1x8x128xf32, #tpu.memory_space<hbm>>
        %dma_wait3A_1530 = tpu.memref_squeeze %dma_wait3A_1529 : memref<1x1x1x8x128xf32, #tpu.memory_space<hbm>> -> memref<8x128xf32, #tpu.memory_space<hbm>>
        %dma_wait3A_1531 = arith.constant 0 : i32
        %dma_wait3A_1532 = arith.constant 0 : i32
        %dma_wait3A_1533 = tpu.memref_slice %arg4[%dma_wait3A_1520, %dma_wait3A_1521, %dma_wait3A_1522, %dma_wait3A_1531, %dma_wait3A_1532] : memref<200x8x32x8x128xf32, #tpu.memory_space<hbm>> -> memref<1x1x1x8x128xf32, #tpu.memory_space<hbm>>
        %dma_wait3A_1534 = tpu.memref_squeeze %dma_wait3A_1533 : memref<1x1x1x8x128xf32, #tpu.memory_space<hbm>> -> memref<8x128xf32, #tpu.memory_space<hbm>>
        %dma_wait3A_1535 = arith.constant 48 : i32
        %dma_wait3A_1536 = arith.constant 0 : i32
        %dma_wait3A_1537 = tpu.memref_slice %arg7[%dma_wait3A_1519, %dma_wait3A_1535, %dma_wait3A_1536] : memref<4x64x129xf32, #tpu.memory_space<vmem>> -> memref<1x8x128xf32, #tpu.memory_space<vmem>>
        %dma_wait3A_1538 = tpu.memref_squeeze %dma_wait3A_1537 : memref<1x8x128xf32, #tpu.memory_space<vmem>> -> memref<8x128xf32, #tpu.memory_space<vmem>>
        tpu.wait_dma2 semaphore(%arg12 : memref<!tpu.dma_semaphore, #tpu.memory_space<semaphore_mem>>) src(%dma_wait3A_1538 : memref<8x128xf32, #tpu.memory_space<vmem>>) dst(%dma_wait3A_1534 : memref<8x128xf32, #tpu.memory_space<hbm>>)
        %dma_wait3A_1539 = arith.constant 0 : i32
        %dma_wait3A_1540 = arith.constant 0 : i32
        %dma_wait3A_1541 = arith.constant 0 : i32
        %dma_wait3A_1542 = arith.constant 0 : i32
        %dma_wait3A_1543 = arith.constant 56 : i32
        %dma_wait3A_1544 = arith.constant 0 : i32
        %dma_wait3A_1545 = tpu.memref_slice %arg7[%dma_wait3A_1539, %dma_wait3A_1543, %dma_wait3A_1544] : memref<4x64x129xf32, #tpu.memory_space<vmem>> -> memref<1x8x128xf32, #tpu.memory_space<vmem>>
        %dma_wait3A_1546 = tpu.memref_squeeze %dma_wait3A_1545 : memref<1x8x128xf32, #tpu.memory_space<vmem>> -> memref<8x128xf32, #tpu.memory_space<vmem>>
        %dma_wait3A_1547 = arith.constant 0 : i32
        %dma_wait3A_1548 = arith.constant 0 : i32
        %dma_wait3A_1549 = tpu.memref_slice %arg4[%dma_wait3A_1540, %dma_wait3A_1541, %dma_wait3A_1542, %dma_wait3A_1547, %dma_wait3A_1548] : memref<200x8x32x8x128xf32, #tpu.memory_space<hbm>> -> memref<1x1x1x8x128xf32, #tpu.memory_space<hbm>>
        %dma_wait3A_1550 = tpu.memref_squeeze %dma_wait3A_1549 : memref<1x1x1x8x128xf32, #tpu.memory_space<hbm>> -> memref<8x128xf32, #tpu.memory_space<hbm>>
        %dma_wait3A_1551 = arith.constant 0 : i32
        %dma_wait3A_1552 = arith.constant 0 : i32
        %dma_wait3A_1553 = tpu.memref_slice %arg4[%dma_wait3A_1540, %dma_wait3A_1541, %dma_wait3A_1542, %dma_wait3A_1551, %dma_wait3A_1552] : memref<200x8x32x8x128xf32, #tpu.memory_space<hbm>> -> memref<1x1x1x8x128xf32, #tpu.memory_space<hbm>>
        %dma_wait3A_1554 = tpu.memref_squeeze %dma_wait3A_1553 : memref<1x1x1x8x128xf32, #tpu.memory_space<hbm>> -> memref<8x128xf32, #tpu.memory_space<hbm>>
        %dma_wait3A_1555 = arith.constant 56 : i32
        %dma_wait3A_1556 = arith.constant 0 : i32
        %dma_wait3A_1557 = tpu.memref_slice %arg7[%dma_wait3A_1539, %dma_wait3A_1555, %dma_wait3A_1556] : memref<4x64x129xf32, #tpu.memory_space<vmem>> -> memref<1x8x128xf32, #tpu.memory_space<vmem>>
        %dma_wait3A_1558 = tpu.memref_squeeze %dma_wait3A_1557 : memref<1x8x128xf32, #tpu.memory_space<vmem>> -> memref<8x128xf32, #tpu.memory_space<vmem>>
        tpu.wait_dma2 semaphore(%arg12 : memref<!tpu.dma_semaphore, #tpu.memory_space<semaphore_mem>>) src(%dma_wait3A_1558 : memref<8x128xf32, #tpu.memory_space<vmem>>) dst(%dma_wait3A_1554 : memref<8x128xf32, #tpu.memory_space<hbm>>)
      } else {
      }
      %parallel_loop3A = arith.constant 0 : i32
      %parallel_loop3A_728 = arith.constant 128 : i32
      %parallel_loop3A_729 = arith.constant 1 : i32
      scf.for %parallel_loop3A_1399 = %parallel_loop3A to %parallel_loop3A_728 step %parallel_loop3A_729  : i32 {
        %parallel_loop3A_1400 = vector.broadcast %parallel_loop3A_1399 : i32 to vector<16xi32>
        %parallel_loop3A_1401 = arith.constant 0 : i32
        %parallel_loop3A_1402 = arith.index_cast %parallel_loop3A_1401 : i32 to index
        %parallel_loop3A_1403 = arith.index_cast %parallel_loop3A_1399 : i32 to index
        %parallel_loop3A_1404 = arith.constant 0 : index
        %parallel_loop3A_1405 = tpu.vector_load %arg6[%parallel_loop3A_1402, %parallel_loop3A_1403, %parallel_loop3A_1404] {strides = array<i32>} : memref<4x128x64xf32, #tpu.memory_space<vmem>>, vector<16xf32>,
        %parallel_loop3A_1406 = arith.constant 8.000000e+00 : f32
        %parallel_loop3A_1407 = vector.broadcast %parallel_loop3A_1406 : f32 to vector<16xf32>
        %parallel_loop3A_1408 = arith.mulf %parallel_loop3A_1405, %parallel_loop3A_1407 : vector<16xf32>
        %parallel_loop3A_1409 = arith.constant 0 : i32
        %parallel_loop3A_1410 = arith.constant 0 : i32
        %parallel_loop3A_1411 = arith.constant 0 : i32
        %parallel_loop3A_1412 = tpu.memref_slice %arg7[%parallel_loop3A_1409, %parallel_loop3A_1410, %parallel_loop3A_1411] : memref<4x64x129xf32, #tpu.memory_space<vmem>> -> memref<1x64x129xf32, #tpu.memory_space<vmem>>
        %parallel_loop3A_1413 = tpu.memref_squeeze %parallel_loop3A_1412 : memref<1x64x129xf32, #tpu.memory_space<vmem>> -> memref<64x129xf32, #tpu.memory_space<vmem>>
        tpu.vector_store_idx %parallel_loop3A_1413[%add3A_52, %parallel_loop3A_1400], %parallel_loop3A_1408 : memref<64x129xf32, #tpu.memory_space<vmem>>[vector<16xi32>, vector<16xi32>], vector<16xf32>,
        %parallel_loop3A_1414 = arith.constant 0 : i32
        %parallel_loop3A_1415 = arith.index_cast %parallel_loop3A_1414 : i32 to index
        %parallel_loop3A_1416 = arith.index_cast %parallel_loop3A_1399 : i32 to index
        %parallel_loop3A_1417 = arith.constant 16 : index
        %parallel_loop3A_1418 = tpu.vector_load %arg6[%parallel_loop3A_1415, %parallel_loop3A_1416, %parallel_loop3A_1417] {strides = array<i32>} : memref<4x128x64xf32, #tpu.memory_space<vmem>>, vector<16xf32>,
        %parallel_loop3A_1419 = arith.constant 8.000000e+00 : f32
        %parallel_loop3A_1420 = vector.broadcast %parallel_loop3A_1419 : f32 to vector<16xf32>
        %parallel_loop3A_1421 = arith.mulf %parallel_loop3A_1418, %parallel_loop3A_1420 : vector<16xf32>
        %parallel_loop3A_1422 = arith.constant 0 : i32
        %parallel_loop3A_1423 = arith.constant 0 : i32
        %parallel_loop3A_1424 = arith.constant 0 : i32
        %parallel_loop3A_1425 = tpu.memref_slice %arg7[%parallel_loop3A_1422, %parallel_loop3A_1423, %parallel_loop3A_1424] : memref<4x64x129xf32, #tpu.memory_space<vmem>> -> memref<1x64x129xf32, #tpu.memory_space<vmem>>
        %parallel_loop3A_1426 = tpu.memref_squeeze %parallel_loop3A_1425 : memref<1x64x129xf32, #tpu.memory_space<vmem>> -> memref<64x129xf32, #tpu.memory_space<vmem>>
        tpu.vector_store_idx %parallel_loop3A_1426[%add3A_56, %parallel_loop3A_1400], %parallel_loop3A_1421 : memref<64x129xf32, #tpu.memory_space<vmem>>[vector<16xi32>, vector<16xi32>], vector<16xf32>,
        %parallel_loop3A_1427 = arith.constant 0 : i32
        %parallel_loop3A_1428 = arith.index_cast %parallel_loop3A_1427 : i32 to index
        %parallel_loop3A_1429 = arith.index_cast %parallel_loop3A_1399 : i32 to index
        %parallel_loop3A_1430 = arith.constant 32 : index
        %parallel_loop3A_1431 = tpu.vector_load %arg6[%parallel_loop3A_1428, %parallel_loop3A_1429, %parallel_loop3A_1430] {strides = array<i32>} : memref<4x128x64xf32, #tpu.memory_space<vmem>>, vector<16xf32>,
        %parallel_loop3A_1432 = arith.constant 8.000000e+00 : f32
        %parallel_loop3A_1433 = vector.broadcast %parallel_loop3A_1432 : f32 to vector<16xf32>
        %parallel_loop3A_1434 = arith.mulf %parallel_loop3A_1431, %parallel_loop3A_1433 : vector<16xf32>
        %parallel_loop3A_1435 = arith.constant 0 : i32
        %parallel_loop3A_1436 = arith.constant 0 : i32
        %parallel_loop3A_1437 = arith.constant 0 : i32
        %parallel_loop3A_1438 = tpu.memref_slice %arg7[%parallel_loop3A_1435, %parallel_loop3A_1436, %parallel_loop3A_1437] : memref<4x64x129xf32, #tpu.memory_space<vmem>> -> memref<1x64x129xf32, #tpu.memory_space<vmem>>
        %parallel_loop3A_1439 = tpu.memref_squeeze %parallel_loop3A_1438 : memref<1x64x129xf32, #tpu.memory_space<vmem>> -> memref<64x129xf32, #tpu.memory_space<vmem>>
        tpu.vector_store_idx %parallel_loop3A_1439[%add3A_60, %parallel_loop3A_1400], %parallel_loop3A_1434 : memref<64x129xf32, #tpu.memory_space<vmem>>[vector<16xi32>, vector<16xi32>], vector<16xf32>,
        %parallel_loop3A_1440 = arith.constant 0 : i32
        %parallel_loop3A_1441 = arith.index_cast %parallel_loop3A_1440 : i32 to index
        %parallel_loop3A_1442 = arith.index_cast %parallel_loop3A_1399 : i32 to index
        %parallel_loop3A_1443 = arith.constant 48 : index
        %parallel_loop3A_1444 = tpu.vector_load %arg6[%parallel_loop3A_1441, %parallel_loop3A_1442, %parallel_loop3A_1443] {strides = array<i32>} : memref<4x128x64xf32, #tpu.memory_space<vmem>>, vector<16xf32>,
        %parallel_loop3A_1445 = arith.constant 8.000000e+00 : f32
        %parallel_loop3A_1446 = vector.broadcast %parallel_loop3A_1445 : f32 to vector<16xf32>
        %parallel_loop3A_1447 = arith.mulf %parallel_loop3A_1444, %parallel_loop3A_1446 : vector<16xf32>
        %parallel_loop3A_1448 = arith.constant 0 : i32
        %parallel_loop3A_1449 = arith.constant 0 : i32
        %parallel_loop3A_1450 = arith.constant 0 : i32
        %parallel_loop3A_1451 = tpu.memref_slice %arg7[%parallel_loop3A_1448, %parallel_loop3A_1449, %parallel_loop3A_1450] : memref<4x64x129xf32, #tpu.memory_space<vmem>> -> memref<1x64x129xf32, #tpu.memory_space<vmem>>
        %parallel_loop3A_1452 = tpu.memref_squeeze %parallel_loop3A_1451 : memref<1x64x129xf32, #tpu.memory_space<vmem>> -> memref<64x129xf32, #tpu.memory_space<vmem>>
        tpu.vector_store_idx %parallel_loop3A_1452[%add3A_64, %parallel_loop3A_1400], %parallel_loop3A_1447 : memref<64x129xf32, #tpu.memory_space<vmem>>[vector<16xi32>, vector<16xi32>], vector<16xf32>,
      } {sc.loop_unroll_factor = 4 : i64, sc.parallel_access}
      %dma_start3A_730 = arith.constant 0 : i32
      %dma_start3A_731 = arith.constant 0 : i32
      %dma_start3A_732 = arith.constant 0 : i32
      %dma_start3A_733 = arith.constant 0 : i32
      %dma_start3A_734 = tpu.memref_slice %arg7[%dma_start3A_730, %dma_start3A_732, %dma_start3A_733] : memref<4x64x129xf32, #tpu.memory_space<vmem>> -> memref<1x8x128xf32, #tpu.memory_space<vmem>>
      %dma_start3A_735 = tpu.memref_squeeze %dma_start3A_734 : memref<1x8x128xf32, #tpu.memory_space<vmem>> -> memref<8x128xf32, #tpu.memory_space<vmem>>
      %dma_start3A_736 = arith.constant 0 : i32
      %dma_start3A_737 = arith.constant 0 : i32
      %dma_start3A_738 = tpu.memref_slice %arg4[%add3A_713, %dma_start3A_731, %add3A, %dma_start3A_736, %dma_start3A_737] : memref<200x8x32x8x128xf32, #tpu.memory_space<hbm>> -> memref<1x1x1x8x128xf32, #tpu.memory_space<hbm>>
      %dma_start3A_739 = tpu.memref_squeeze %dma_start3A_738 : memref<1x1x1x8x128xf32, #tpu.memory_space<hbm>> -> memref<8x128xf32, #tpu.memory_space<hbm>>
      %dma_start3A_740 = arith.constant 0 : i32
      %dma_start3A_741 = arith.constant 0 : i32
      %dma_start3A_742 = tpu.memref_slice %arg4[%add3A_713, %dma_start3A_731, %add3A, %dma_start3A_740, %dma_start3A_741] : memref<200x8x32x8x128xf32, #tpu.memory_space<hbm>> -> memref<1x1x1x8x128xf32, #tpu.memory_space<hbm>>
      %dma_start3A_743 = tpu.memref_squeeze %dma_start3A_742 : memref<1x1x1x8x128xf32, #tpu.memory_space<hbm>> -> memref<8x128xf32, #tpu.memory_space<hbm>>
      %dma_start3A_744 = arith.constant 0 : i32
      %dma_start3A_745 = arith.constant 0 : i32
      %dma_start3A_746 = tpu.memref_slice %arg7[%dma_start3A_730, %dma_start3A_744, %dma_start3A_745] : memref<4x64x129xf32, #tpu.memory_space<vmem>> -> memref<1x8x128xf32, #tpu.memory_space<vmem>>
      %dma_start3A_747 = tpu.memref_squeeze %dma_start3A_746 : memref<1x8x128xf32, #tpu.memory_space<vmem>> -> memref<8x128xf32, #tpu.memory_space<vmem>>
      tpu.enqueue_dma source(%dma_start3A_747 : memref<8x128xf32, #tpu.memory_space<vmem>>) target(%dma_start3A_743 : memref<8x128xf32, #tpu.memory_space<hbm>>) target_semaphore(%arg12 : memref<!tpu.dma_semaphore, #tpu.memory_space<semaphore_mem>>)
      %dma_start3A_748 = arith.constant 0 : i32
      %dma_start3A_749 = arith.constant 1 : i32
      %dma_start3A_750 = arith.constant 8 : i32
      %dma_start3A_751 = arith.constant 0 : i32
      %dma_start3A_752 = tpu.memref_slice %arg7[%dma_start3A_748, %dma_start3A_750, %dma_start3A_751] : memref<4x64x129xf32, #tpu.memory_space<vmem>> -> memref<1x8x128xf32, #tpu.memory_space<vmem>>
      %dma_start3A_753 = tpu.memref_squeeze %dma_start3A_752 : memref<1x8x128xf32, #tpu.memory_space<vmem>> -> memref<8x128xf32, #tpu.memory_space<vmem>>
      %dma_start3A_754 = arith.constant 0 : i32
      %dma_start3A_755 = arith.constant 0 : i32
      %dma_start3A_756 = tpu.memref_slice %arg4[%add3A_713, %dma_start3A_749, %add3A, %dma_start3A_754, %dma_start3A_755] : memref<200x8x32x8x128xf32, #tpu.memory_space<hbm>> -> memref<1x1x1x8x128xf32, #tpu.memory_space<hbm>>
      %dma_start3A_757 = tpu.memref_squeeze %dma_start3A_756 : memref<1x1x1x8x128xf32, #tpu.memory_space<hbm>> -> memref<8x128xf32, #tpu.memory_space<hbm>>
      %dma_start3A_758 = arith.constant 0 : i32
      %dma_start3A_759 = arith.constant 0 : i32
      %dma_start3A_760 = tpu.memref_slice %arg4[%add3A_713, %dma_start3A_749, %add3A, %dma_start3A_758, %dma_start3A_759] : memref<200x8x32x8x128xf32, #tpu.memory_space<hbm>> -> memref<1x1x1x8x128xf32, #tpu.memory_space<hbm>>
      %dma_start3A_761 = tpu.memref_squeeze %dma_start3A_760 : memref<1x1x1x8x128xf32, #tpu.memory_space<hbm>> -> memref<8x128xf32, #tpu.memory_space<hbm>>
      %dma_start3A_762 = arith.constant 8 : i32
      %dma_start3A_763 = arith.constant 0 : i32
      %dma_start3A_764 = tpu.memref_slice %arg7[%dma_start3A_748, %dma_start3A_762, %dma_start3A_763] : memref<4x64x129xf32, #tpu.memory_space<vmem>> -> memref<1x8x128xf32, #tpu.memory_space<vmem>>
      %dma_start3A_765 = tpu.memref_squeeze %dma_start3A_764 : memref<1x8x128xf32, #tpu.memory_space<vmem>> -> memref<8x128xf32, #tpu.memory_space<vmem>>
      tpu.enqueue_dma source(%dma_start3A_765 : memref<8x128xf32, #tpu.memory_space<vmem>>) target(%dma_start3A_761 : memref<8x128xf32, #tpu.memory_space<hbm>>) target_semaphore(%arg12 : memref<!tpu.dma_semaphore, #tpu.memory_space<semaphore_mem>>)
      %dma_start3A_766 = arith.constant 0 : i32
      %dma_start3A_767 = arith.constant 2 : i32
      %dma_start3A_768 = arith.constant 16 : i32
      %dma_start3A_769 = arith.constant 0 : i32
      %dma_start3A_770 = tpu.memref_slice %arg7[%dma_start3A_766, %dma_start3A_768, %dma_start3A_769] : memref<4x64x129xf32, #tpu.memory_space<vmem>> -> memref<1x8x128xf32, #tpu.memory_space<vmem>>
      %dma_start3A_771 = tpu.memref_squeeze %dma_start3A_770 : memref<1x8x128xf32, #tpu.memory_space<vmem>> -> memref<8x128xf32, #tpu.memory_space<vmem>>
      %dma_start3A_772 = arith.constant 0 : i32
      %dma_start3A_773 = arith.constant 0 : i32
      %dma_start3A_774 = tpu.memref_slice %arg4[%add3A_713, %dma_start3A_767, %add3A, %dma_start3A_772, %dma_start3A_773] : memref<200x8x32x8x128xf32, #tpu.memory_space<hbm>> -> memref<1x1x1x8x128xf32, #tpu.memory_space<hbm>>
      %dma_start3A_775 = tpu.memref_squeeze %dma_start3A_774 : memref<1x1x1x8x128xf32, #tpu.memory_space<hbm>> -> memref<8x128xf32, #tpu.memory_space<hbm>>
      %dma_start3A_776 = arith.constant 0 : i32
      %dma_start3A_777 = arith.constant 0 : i32
      %dma_start3A_778 = tpu.memref_slice %arg4[%add3A_713, %dma_start3A_767, %add3A, %dma_start3A_776, %dma_start3A_777] : memref<200x8x32x8x128xf32, #tpu.memory_space<hbm>> -> memref<1x1x1x8x128xf32, #tpu.memory_space<hbm>>
      %dma_start3A_779 = tpu.memref_squeeze %dma_start3A_778 : memref<1x1x1x8x128xf32, #tpu.memory_space<hbm>> -> memref<8x128xf32, #tpu.memory_space<hbm>>
      %dma_start3A_780 = arith.constant 16 : i32
      %dma_start3A_781 = arith.constant 0 : i32
      %dma_start3A_782 = tpu.memref_slice %arg7[%dma_start3A_766, %dma_start3A_780, %dma_start3A_781] : memref<4x64x129xf32, #tpu.memory_space<vmem>> -> memref<1x8x128xf32, #tpu.memory_space<vmem>>
      %dma_start3A_783 = tpu.memref_squeeze %dma_start3A_782 : memref<1x8x128xf32, #tpu.memory_space<vmem>> -> memref<8x128xf32, #tpu.memory_space<vmem>>
      tpu.enqueue_dma source(%dma_start3A_783 : memref<8x128xf32, #tpu.memory_space<vmem>>) target(%dma_start3A_779 : memref<8x128xf32, #tpu.memory_space<hbm>>) target_semaphore(%arg12 : memref<!tpu.dma_semaphore, #tpu.memory_space<semaphore_mem>>)
      %dma_start3A_784 = arith.constant 0 : i32
      %dma_start3A_785 = arith.constant 3 : i32
      %dma_start3A_786 = arith.constant 24 : i32
      %dma_start3A_787 = arith.constant 0 : i32
      %dma_start3A_788 = tpu.memref_slice %arg7[%dma_start3A_784, %dma_start3A_786, %dma_start3A_787] : memref<4x64x129xf32, #tpu.memory_space<vmem>> -> memref<1x8x128xf32, #tpu.memory_space<vmem>>
      %dma_start3A_789 = tpu.memref_squeeze %dma_start3A_788 : memref<1x8x128xf32, #tpu.memory_space<vmem>> -> memref<8x128xf32, #tpu.memory_space<vmem>>
      %dma_start3A_790 = arith.constant 0 : i32
      %dma_start3A_791 = arith.constant 0 : i32
      %dma_start3A_792 = tpu.memref_slice %arg4[%add3A_713, %dma_start3A_785, %add3A, %dma_start3A_790, %dma_start3A_791] : memref<200x8x32x8x128xf32, #tpu.memory_space<hbm>> -> memref<1x1x1x8x128xf32, #tpu.memory_space<hbm>>
      %dma_start3A_793 = tpu.memref_squeeze %dma_start3A_792 : memref<1x1x1x8x128xf32, #tpu.memory_space<hbm>> -> memref<8x128xf32, #tpu.memory_space<hbm>>
      %dma_start3A_794 = arith.constant 0 : i32
      %dma_start3A_795 = arith.constant 0 : i32
      %dma_start3A_796 = tpu.memref_slice %arg4[%add3A_713, %dma_start3A_785, %add3A, %dma_start3A_794, %dma_start3A_795] : memref<200x8x32x8x128xf32, #tpu.memory_space<hbm>> -> memref<1x1x1x8x128xf32, #tpu.memory_space<hbm>>
      %dma_start3A_797 = tpu.memref_squeeze %dma_start3A_796 : memref<1x1x1x8x128xf32, #tpu.memory_space<hbm>> -> memref<8x128xf32, #tpu.memory_space<hbm>>
      %dma_start3A_798 = arith.constant 24 : i32
      %dma_start3A_799 = arith.constant 0 : i32
      %dma_start3A_800 = tpu.memref_slice %arg7[%dma_start3A_784, %dma_start3A_798, %dma_start3A_799] : memref<4x64x129xf32, #tpu.memory_space<vmem>> -> memref<1x8x128xf32, #tpu.memory_space<vmem>>
      %dma_start3A_801 = tpu.memref_squeeze %dma_start3A_800 : memref<1x8x128xf32, #tpu.memory_space<vmem>> -> memref<8x128xf32, #tpu.memory_space<vmem>>
      tpu.enqueue_dma source(%dma_start3A_801 : memref<8x128xf32, #tpu.memory_space<vmem>>) target(%dma_start3A_797 : memref<8x128xf32, #tpu.memory_space<hbm>>) target_semaphore(%arg12 : memref<!tpu.dma_semaphore, #tpu.memory_space<semaphore_mem>>)
      %dma_start3A_802 = arith.constant 0 : i32
      %dma_start3A_803 = arith.constant 4 : i32
      %dma_start3A_804 = arith.constant 32 : i32
      %dma_start3A_805 = arith.constant 0 : i32
      %dma_start3A_806 = tpu.memref_slice %arg7[%dma_start3A_802, %dma_start3A_804, %dma_start3A_805] : memref<4x64x129xf32, #tpu.memory_space<vmem>> -> memref<1x8x128xf32, #tpu.memory_space<vmem>>
      %dma_start3A_807 = tpu.memref_squeeze %dma_start3A_806 : memref<1x8x128xf32, #tpu.memory_space<vmem>> -> memref<8x128xf32, #tpu.memory_space<vmem>>
      %dma_start3A_808 = arith.constant 0 : i32
      %dma_start3A_809 = arith.constant 0 : i32
      %dma_start3A_810 = tpu.memref_slice %arg4[%add3A_713, %dma_start3A_803, %add3A, %dma_start3A_808, %dma_start3A_809] : memref<200x8x32x8x128xf32, #tpu.memory_space<hbm>> -> memref<1x1x1x8x128xf32, #tpu.memory_space<hbm>>
      %dma_start3A_811 = tpu.memref_squeeze %dma_start3A_810 : memref<1x1x1x8x128xf32, #tpu.memory_space<hbm>> -> memref<8x128xf32, #tpu.memory_space<hbm>>
      %dma_start3A_812 = arith.constant 0 : i32
      %dma_start3A_813 = arith.constant 0 : i32
      %dma_start3A_814 = tpu.memref_slice %arg4[%add3A_713, %dma_start3A_803, %add3A, %dma_start3A_812, %dma_start3A_813] : memref<200x8x32x8x128xf32, #tpu.memory_space<hbm>> -> memref<1x1x1x8x128xf32, #tpu.memory_space<hbm>>
      %dma_start3A_815 = tpu.memref_squeeze %dma_start3A_814 : memref<1x1x1x8x128xf32, #tpu.memory_space<hbm>> -> memref<8x128xf32, #tpu.memory_space<hbm>>
      %dma_start3A_816 = arith.constant 32 : i32
      %dma_start3A_817 = arith.constant 0 : i32
      %dma_start3A_818 = tpu.memref_slice %arg7[%dma_start3A_802, %dma_start3A_816, %dma_start3A_817] : memref<4x64x129xf32, #tpu.memory_space<vmem>> -> memref<1x8x128xf32, #tpu.memory_space<vmem>>
      %dma_start3A_819 = tpu.memref_squeeze %dma_start3A_818 : memref<1x8x128xf32, #tpu.memory_space<vmem>> -> memref<8x128xf32, #tpu.memory_space<vmem>>
      tpu.enqueue_dma source(%dma_start3A_819 : memref<8x128xf32, #tpu.memory_space<vmem>>) target(%dma_start3A_815 : memref<8x128xf32, #tpu.memory_space<hbm>>) target_semaphore(%arg12 : memref<!tpu.dma_semaphore, #tpu.memory_space<semaphore_mem>>)
      %dma_start3A_820 = arith.constant 0 : i32
      %dma_start3A_821 = arith.constant 5 : i32
      %dma_start3A_822 = arith.constant 40 : i32
      %dma_start3A_823 = arith.constant 0 : i32
      %dma_start3A_824 = tpu.memref_slice %arg7[%dma_start3A_820, %dma_start3A_822, %dma_start3A_823] : memref<4x64x129xf32, #tpu.memory_space<vmem>> -> memref<1x8x128xf32, #tpu.memory_space<vmem>>
      %dma_start3A_825 = tpu.memref_squeeze %dma_start3A_824 : memref<1x8x128xf32, #tpu.memory_space<vmem>> -> memref<8x128xf32, #tpu.memory_space<vmem>>
      %dma_start3A_826 = arith.constant 0 : i32
      %dma_start3A_827 = arith.constant 0 : i32
      %dma_start3A_828 = tpu.memref_slice %arg4[%add3A_713, %dma_start3A_821, %add3A, %dma_start3A_826, %dma_start3A_827] : memref<200x8x32x8x128xf32, #tpu.memory_space<hbm>> -> memref<1x1x1x8x128xf32, #tpu.memory_space<hbm>>
      %dma_start3A_829 = tpu.memref_squeeze %dma_start3A_828 : memref<1x1x1x8x128xf32, #tpu.memory_space<hbm>> -> memref<8x128xf32, #tpu.memory_space<hbm>>
      %dma_start3A_830 = arith.constant 0 : i32
      %dma_start3A_831 = arith.constant 0 : i32
      %dma_start3A_832 = tpu.memref_slice %arg4[%add3A_713, %dma_start3A_821, %add3A, %dma_start3A_830, %dma_start3A_831] : memref<200x8x32x8x128xf32, #tpu.memory_space<hbm>> -> memref<1x1x1x8x128xf32, #tpu.memory_space<hbm>>
      %dma_start3A_833 = tpu.memref_squeeze %dma_start3A_832 : memref<1x1x1x8x128xf32, #tpu.memory_space<hbm>> -> memref<8x128xf32, #tpu.memory_space<hbm>>
      %dma_start3A_834 = arith.constant 40 : i32
      %dma_start3A_835 = arith.constant 0 : i32
      %dma_start3A_836 = tpu.memref_slice %arg7[%dma_start3A_820, %dma_start3A_834, %dma_start3A_835] : memref<4x64x129xf32, #tpu.memory_space<vmem>> -> memref<1x8x128xf32, #tpu.memory_space<vmem>>
      %dma_start3A_837 = tpu.memref_squeeze %dma_start3A_836 : memref<1x8x128xf32, #tpu.memory_space<vmem>> -> memref<8x128xf32, #tpu.memory_space<vmem>>
      tpu.enqueue_dma source(%dma_start3A_837 : memref<8x128xf32, #tpu.memory_space<vmem>>) target(%dma_start3A_833 : memref<8x128xf32, #tpu.memory_space<hbm>>) target_semaphore(%arg12 : memref<!tpu.dma_semaphore, #tpu.memory_space<semaphore_mem>>)
      %dma_start3A_838 = arith.constant 0 : i32
      %dma_start3A_839 = arith.constant 6 : i32
      %dma_start3A_840 = arith.constant 48 : i32
      %dma_start3A_841 = arith.constant 0 : i32
      %dma_start3A_842 = tpu.memref_slice %arg7[%dma_start3A_838, %dma_start3A_840, %dma_start3A_841] : memref<4x64x129xf32, #tpu.memory_space<vmem>> -> memref<1x8x128xf32, #tpu.memory_space<vmem>>
      %dma_start3A_843 = tpu.memref_squeeze %dma_start3A_842 : memref<1x8x128xf32, #tpu.memory_space<vmem>> -> memref<8x128xf32, #tpu.memory_space<vmem>>
      %dma_start3A_844 = arith.constant 0 : i32
      %dma_start3A_845 = arith.constant 0 : i32
      %dma_start3A_846 = tpu.memref_slice %arg4[%add3A_713, %dma_start3A_839, %add3A, %dma_start3A_844, %dma_start3A_845] : memref<200x8x32x8x128xf32, #tpu.memory_space<hbm>> -> memref<1x1x1x8x128xf32, #tpu.memory_space<hbm>>
      %dma_start3A_847 = tpu.memref_squeeze %dma_start3A_846 : memref<1x1x1x8x128xf32, #tpu.memory_space<hbm>> -> memref<8x128xf32, #tpu.memory_space<hbm>>
      %dma_start3A_848 = arith.constant 0 : i32
      %dma_start3A_849 = arith.constant 0 : i32
      %dma_start3A_850 = tpu.memref_slice %arg4[%add3A_713, %dma_start3A_839, %add3A, %dma_start3A_848, %dma_start3A_849] : memref<200x8x32x8x128xf32, #tpu.memory_space<hbm>> -> memref<1x1x1x8x128xf32, #tpu.memory_space<hbm>>
      %dma_start3A_851 = tpu.memref_squeeze %dma_start3A_850 : memref<1x1x1x8x128xf32, #tpu.memory_space<hbm>> -> memref<8x128xf32, #tpu.memory_space<hbm>>
      %dma_start3A_852 = arith.constant 48 : i32
      %dma_start3A_853 = arith.constant 0 : i32
      %dma_start3A_854 = tpu.memref_slice %arg7[%dma_start3A_838, %dma_start3A_852, %dma_start3A_853] : memref<4x64x129xf32, #tpu.memory_space<vmem>> -> memref<1x8x128xf32, #tpu.memory_space<vmem>>
      %dma_start3A_855 = tpu.memref_squeeze %dma_start3A_854 : memref<1x8x128xf32, #tpu.memory_space<vmem>> -> memref<8x128xf32, #tpu.memory_space<vmem>>
      tpu.enqueue_dma source(%dma_start3A_855 : memref<8x128xf32, #tpu.memory_space<vmem>>) target(%dma_start3A_851 : memref<8x128xf32, #tpu.memory_space<hbm>>) target_semaphore(%arg12 : memref<!tpu.dma_semaphore, #tpu.memory_space<semaphore_mem>>)
      %dma_start3A_856 = arith.constant 0 : i32
      %dma_start3A_857 = arith.constant 7 : i32
      %dma_start3A_858 = arith.constant 56 : i32
      %dma_start3A_859 = arith.constant 0 : i32
      %dma_start3A_860 = tpu.memref_slice %arg7[%dma_start3A_856, %dma_start3A_858, %dma_start3A_859] : memref<4x64x129xf32, #tpu.memory_space<vmem>> -> memref<1x8x128xf32, #tpu.memory_space<vmem>>
      %dma_start3A_861 = tpu.memref_squeeze %dma_start3A_860 : memref<1x8x128xf32, #tpu.memory_space<vmem>> -> memref<8x128xf32, #tpu.memory_space<vmem>>
      %dma_start3A_862 = arith.constant 0 : i32
      %dma_start3A_863 = arith.constant 0 : i32
      %dma_start3A_864 = tpu.memref_slice %arg4[%add3A_713, %dma_start3A_857, %add3A, %dma_start3A_862, %dma_start3A_863] : memref<200x8x32x8x128xf32, #tpu.memory_space<hbm>> -> memref<1x1x1x8x128xf32, #tpu.memory_space<hbm>>
      %dma_start3A_865 = tpu.memref_squeeze %dma_start3A_864 : memref<1x1x1x8x128xf32, #tpu.memory_space<hbm>> -> memref<8x128xf32, #tpu.memory_space<hbm>>
      %dma_start3A_866 = arith.constant 0 : i32
      %dma_start3A_867 = arith.constant 0 : i32
      %dma_start3A_868 = tpu.memref_slice %arg4[%add3A_713, %dma_start3A_857, %add3A, %dma_start3A_866, %dma_start3A_867] : memref<200x8x32x8x128xf32, #tpu.memory_space<hbm>> -> memref<1x1x1x8x128xf32, #tpu.memory_space<hbm>>
      %dma_start3A_869 = tpu.memref_squeeze %dma_start3A_868 : memref<1x1x1x8x128xf32, #tpu.memory_space<hbm>> -> memref<8x128xf32, #tpu.memory_space<hbm>>
      %dma_start3A_870 = arith.constant 56 : i32
      %dma_start3A_871 = arith.constant 0 : i32
      %dma_start3A_872 = tpu.memref_slice %arg7[%dma_start3A_856, %dma_start3A_870, %dma_start3A_871] : memref<4x64x129xf32, #tpu.memory_space<vmem>> -> memref<1x8x128xf32, #tpu.memory_space<vmem>>
      %dma_start3A_873 = tpu.memref_squeeze %dma_start3A_872 : memref<1x8x128xf32, #tpu.memory_space<vmem>> -> memref<8x128xf32, #tpu.memory_space<vmem>>
      tpu.enqueue_dma source(%dma_start3A_873 : memref<8x128xf32, #tpu.memory_space<vmem>>) target(%dma_start3A_869 : memref<8x128xf32, #tpu.memory_space<hbm>>) target_semaphore(%arg12 : memref<!tpu.dma_semaphore, #tpu.memory_space<semaphore_mem>>)
      %add3A_874 = arith.constant 4 : i32
      %add3A_875 = arith.addi %add3A_713, %add3A_874 : i32
      %lt3A = arith.constant 200 : i32
      %lt3A_876 = arith.cmpi slt, %add3A_875, %lt3A : i32
      %convert_element_type3A_877 = arith.extui %lt3A_876 : i1 to i32
      %cond3A_878 = arith.constant 0 : i32
      %cond3A_879 = arith.cmpi ne, %convert_element_type3A_877, %cond3A_878 : i32
      scf.if %cond3A_879 {
        %add3A_1399 = arith.constant 4 : i32
        %add3A_1400 = arith.addi %add3A_713, %add3A_1399 : i32
        %dma_start3A_1401 = arith.constant 0 : i32
        %dma_start3A_1402 = arith.constant 0 : i32
        %dma_start3A_1403 = arith.constant 0 : i32
        %dma_start3A_1404 = tpu.memref_slice %arg6[%dma_start3A_1401, %dma_start3A_1402, %dma_start3A_1403] : memref<4x128x64xf32, #tpu.memory_space<vmem>> -> memref<1x128x64xf32, #tpu.memory_space<vmem>>
        %dma_start3A_1405 = tpu.memref_squeeze %dma_start3A_1404 : memref<1x128x64xf32, #tpu.memory_space<vmem>> -> memref<128x64xf32, #tpu.memory_space<vmem>>
        %dma_start3A_1406 = arith.constant 0 : i32
        %dma_start3A_1407 = tpu.memref_slice %arg5[%add3A_1400, %dma_start3A_1406] : memref<200x128xi32, #tpu.memory_space<vmem>> -> memref<1x128xi32, #tpu.memory_space<vmem>>
        %dma_start3A_1408 = tpu.memref_squeeze %dma_start3A_1407 : memref<1x128xi32, #tpu.memory_space<vmem>> -> memref<128xi32, #tpu.memory_space<vmem>>
        %dma_start3A_1409 = arith.constant 0 : i32
        %dma_start3A_1410 = arith.constant 0 : i32
        %dma_start3A_1411 = tpu.memref_slice %arg3[%dma_start3A_1409, %dma_start3A_1410] : memref<1000000x64xf32, #tpu.memory_space<hbm>> -> memref<1000000x64xf32, #tpu.memory_space<hbm>>
        tpu.enqueue_indirect_dma source(%dma_start3A_1411 : memref<1000000x64xf32, #tpu.memory_space<hbm>>) target(%dma_start3A_1405 : memref<128x64xf32, #tpu.memory_space<vmem>>) offsets(%dma_start3A_1408 : memref<128xi32, #tpu.memory_space<vmem>>) semaphore(%arg8 : memref<!tpu.dma_semaphore, #tpu.memory_space<semaphore_mem>>)
      } else {
      }
      %add3A_880 = arith.constant 1 : i32
      %add3A_881 = arith.addi %mul3A_711, %add3A_880 : i32
      %dma_wait3A_882 = arith.constant 0 : i32
      %dma_wait3A_883 = arith.constant 1 : i32
      %dma_wait3A_884 = arith.constant 0 : i32
      %dma_wait3A_885 = arith.constant 0 : i32
      %dma_wait3A_886 = tpu.memref_slice %arg6[%dma_wait3A_883, %dma_wait3A_884, %dma_wait3A_885] : memref<4x128x64xf32, #tpu.memory_space<vmem>> -> memref<1x128x64xf32, #tpu.memory_space<vmem>>
      %dma_wait3A_887 = tpu.memref_squeeze %dma_wait3A_886 : memref<1x128x64xf32, #tpu.memory_space<vmem>> -> memref<128x64xf32, #tpu.memory_space<vmem>>
      %dma_wait3A_888 = arith.constant 0 : i32
      %dma_wait3A_889 = tpu.memref_slice %arg5[%dma_wait3A_882, %dma_wait3A_888] : memref<200x128xi32, #tpu.memory_space<vmem>> -> memref<1x128xi32, #tpu.memory_space<vmem>>
      %dma_wait3A_890 = tpu.memref_squeeze %dma_wait3A_889 : memref<1x128xi32, #tpu.memory_space<vmem>> -> memref<128xi32, #tpu.memory_space<vmem>>
      %dma_wait3A_891 = arith.constant 0 : i32
      %dma_wait3A_892 = arith.constant 0 : i32
      %dma_wait3A_893 = tpu.memref_slice %arg3[%dma_wait3A_891, %dma_wait3A_892] : memref<1000000x64xf32, #tpu.memory_space<hbm>> -> memref<1000000x64xf32, #tpu.memory_space<hbm>>
      tpu.wait_indirect_dma semaphore(%arg9 : memref<!tpu.dma_semaphore, #tpu.memory_space<semaphore_mem>>) src(%dma_wait3A_893 : memref<1000000x64xf32, #tpu.memory_space<hbm>>) dst(%dma_wait3A_887 : memref<128x64xf32, #tpu.memory_space<vmem>>)
      %ge3A_894 = arith.constant 4 : i32
      %ge3A_895 = arith.cmpi sge, %add3A_881, %ge3A_894 : i32
      %convert_element_type3A_896 = arith.extui %ge3A_895 : i1 to i32
      %cond3A_897 = arith.constant 0 : i32
      %cond3A_898 = arith.cmpi ne, %convert_element_type3A_896, %cond3A_897 : i32
      scf.if %cond3A_898 {
        %dma_wait3A_1399 = arith.constant 1 : i32
        %dma_wait3A_1400 = arith.constant 0 : i32
        %dma_wait3A_1401 = arith.constant 0 : i32
        %dma_wait3A_1402 = arith.constant 0 : i32
        %dma_wait3A_1403 = arith.constant 0 : i32
        %dma_wait3A_1404 = arith.constant 0 : i32
        %dma_wait3A_1405 = tpu.memref_slice %arg7[%dma_wait3A_1399, %dma_wait3A_1403, %dma_wait3A_1404] : memref<4x64x129xf32, #tpu.memory_space<vmem>> -> memref<1x8x128xf32, #tpu.memory_space<vmem>>
        %dma_wait3A_1406 = tpu.memref_squeeze %dma_wait3A_1405 : memref<1x8x128xf32, #tpu.memory_space<vmem>> -> memref<8x128xf32, #tpu.memory_space<vmem>>
        %dma_wait3A_1407 = arith.constant 0 : i32
        %dma_wait3A_1408 = arith.constant 0 : i32
        %dma_wait3A_1409 = tpu.memref_slice %arg4[%dma_wait3A_1400, %dma_wait3A_1401, %dma_wait3A_1402, %dma_wait3A_1407, %dma_wait3A_1408] : memref<200x8x32x8x128xf32, #tpu.memory_space<hbm>> -> memref<1x1x1x8x128xf32, #tpu.memory_space<hbm>>
        %dma_wait3A_1410 = tpu.memref_squeeze %dma_wait3A_1409 : memref<1x1x1x8x128xf32, #tpu.memory_space<hbm>> -> memref<8x128xf32, #tpu.memory_space<hbm>>
        %dma_wait3A_1411 = arith.constant 0 : i32
        %dma_wait3A_1412 = arith.constant 0 : i32
        %dma_wait3A_1413 = tpu.memref_slice %arg4[%dma_wait3A_1400, %dma_wait3A_1401, %dma_wait3A_1402, %dma_wait3A_1411, %dma_wait3A_1412] : memref<200x8x32x8x128xf32, #tpu.memory_space<hbm>> -> memref<1x1x1x8x128xf32, #tpu.memory_space<hbm>>
        %dma_wait3A_1414 = tpu.memref_squeeze %dma_wait3A_1413 : memref<1x1x1x8x128xf32, #tpu.memory_space<hbm>> -> memref<8x128xf32, #tpu.memory_space<hbm>>
        %dma_wait3A_1415 = arith.constant 0 : i32
        %dma_wait3A_1416 = arith.constant 0 : i32
        %dma_wait3A_1417 = tpu.memref_slice %arg7[%dma_wait3A_1399, %dma_wait3A_1415, %dma_wait3A_1416] : memref<4x64x129xf32, #tpu.memory_space<vmem>> -> memref<1x8x128xf32, #tpu.memory_space<vmem>>
        %dma_wait3A_1418 = tpu.memref_squeeze %dma_wait3A_1417 : memref<1x8x128xf32, #tpu.memory_space<vmem>> -> memref<8x128xf32, #tpu.memory_space<vmem>>
        tpu.wait_dma2 semaphore(%arg13 : memref<!tpu.dma_semaphore, #tpu.memory_space<semaphore_mem>>) src(%dma_wait3A_1418 : memref<8x128xf32, #tpu.memory_space<vmem>>) dst(%dma_wait3A_1414 : memref<8x128xf32, #tpu.memory_space<hbm>>)
        %dma_wait3A_1419 = arith.constant 1 : i32
        %dma_wait3A_1420 = arith.constant 0 : i32
        %dma_wait3A_1421 = arith.constant 0 : i32
        %dma_wait3A_1422 = arith.constant 0 : i32
        %dma_wait3A_1423 = arith.constant 8 : i32
        %dma_wait3A_1424 = arith.constant 0 : i32
        %dma_wait3A_1425 = tpu.memref_slice %arg7[%dma_wait3A_1419, %dma_wait3A_1423, %dma_wait3A_1424] : memref<4x64x129xf32, #tpu.memory_space<vmem>> -> memref<1x8x128xf32, #tpu.memory_space<vmem>>
        %dma_wait3A_1426 = tpu.memref_squeeze %dma_wait3A_1425 : memref<1x8x128xf32, #tpu.memory_space<vmem>> -> memref<8x128xf32, #tpu.memory_space<vmem>>
        %dma_wait3A_1427 = arith.constant 0 : i32
        %dma_wait3A_1428 = arith.constant 0 : i32
        %dma_wait3A_1429 = tpu.memref_slice %arg4[%dma_wait3A_1420, %dma_wait3A_1421, %dma_wait3A_1422, %dma_wait3A_1427, %dma_wait3A_1428] : memref<200x8x32x8x128xf32, #tpu.memory_space<hbm>> -> memref<1x1x1x8x128xf32, #tpu.memory_space<hbm>>
        %dma_wait3A_1430 = tpu.memref_squeeze %dma_wait3A_1429 : memref<1x1x1x8x128xf32, #tpu.memory_space<hbm>> -> memref<8x128xf32, #tpu.memory_space<hbm>>
        %dma_wait3A_1431 = arith.constant 0 : i32
        %dma_wait3A_1432 = arith.constant 0 : i32
        %dma_wait3A_1433 = tpu.memref_slice %arg4[%dma_wait3A_1420, %dma_wait3A_1421, %dma_wait3A_1422, %dma_wait3A_1431, %dma_wait3A_1432] : memref<200x8x32x8x128xf32, #tpu.memory_space<hbm>> -> memref<1x1x1x8x128xf32, #tpu.memory_space<hbm>>
        %dma_wait3A_1434 = tpu.memref_squeeze %dma_wait3A_1433 : memref<1x1x1x8x128xf32, #tpu.memory_space<hbm>> -> memref<8x128xf32, #tpu.memory_space<hbm>>
        %dma_wait3A_1435 = arith.constant 8 : i32
        %dma_wait3A_1436 = arith.constant 0 : i32
        %dma_wait3A_1437 = tpu.memref_slice %arg7[%dma_wait3A_1419, %dma_wait3A_1435, %dma_wait3A_1436] : memref<4x64x129xf32, #tpu.memory_space<vmem>> -> memref<1x8x128xf32, #tpu.memory_space<vmem>>
        %dma_wait3A_1438 = tpu.memref_squeeze %dma_wait3A_1437 : memref<1x8x128xf32, #tpu.memory_space<vmem>> -> memref<8x128xf32, #tpu.memory_space<vmem>>
        tpu.wait_dma2 semaphore(%arg13 : memref<!tpu.dma_semaphore, #tpu.memory_space<semaphore_mem>>) src(%dma_wait3A_1438 : memref<8x128xf32, #tpu.memory_space<vmem>>) dst(%dma_wait3A_1434 : memref<8x128xf32, #tpu.memory_space<hbm>>)
        %dma_wait3A_1439 = arith.constant 1 : i32
        %dma_wait3A_1440 = arith.constant 0 : i32
        %dma_wait3A_1441 = arith.constant 0 : i32
        %dma_wait3A_1442 = arith.constant 0 : i32
        %dma_wait3A_1443 = arith.constant 16 : i32
        %dma_wait3A_1444 = arith.constant 0 : i32
        %dma_wait3A_1445 = tpu.memref_slice %arg7[%dma_wait3A_1439, %dma_wait3A_1443, %dma_wait3A_1444] : memref<4x64x129xf32, #tpu.memory_space<vmem>> -> memref<1x8x128xf32, #tpu.memory_space<vmem>>
        %dma_wait3A_1446 = tpu.memref_squeeze %dma_wait3A_1445 : memref<1x8x128xf32, #tpu.memory_space<vmem>> -> memref<8x128xf32, #tpu.memory_space<vmem>>
        %dma_wait3A_1447 = arith.constant 0 : i32
        %dma_wait3A_1448 = arith.constant 0 : i32
        %dma_wait3A_1449 = tpu.memref_slice %arg4[%dma_wait3A_1440, %dma_wait3A_1441, %dma_wait3A_1442, %dma_wait3A_1447, %dma_wait3A_1448] : memref<200x8x32x8x128xf32, #tpu.memory_space<hbm>> -> memref<1x1x1x8x128xf32, #tpu.memory_space<hbm>>
        %dma_wait3A_1450 = tpu.memref_squeeze %dma_wait3A_1449 : memref<1x1x1x8x128xf32, #tpu.memory_space<hbm>> -> memref<8x128xf32, #tpu.memory_space<hbm>>
        %dma_wait3A_1451 = arith.constant 0 : i32
        %dma_wait3A_1452 = arith.constant 0 : i32
        %dma_wait3A_1453 = tpu.memref_slice %arg4[%dma_wait3A_1440, %dma_wait3A_1441, %dma_wait3A_1442, %dma_wait3A_1451, %dma_wait3A_1452] : memref<200x8x32x8x128xf32, #tpu.memory_space<hbm>> -> memref<1x1x1x8x128xf32, #tpu.memory_space<hbm>>
        %dma_wait3A_1454 = tpu.memref_squeeze %dma_wait3A_1453 : memref<1x1x1x8x128xf32, #tpu.memory_space<hbm>> -> memref<8x128xf32, #tpu.memory_space<hbm>>
        %dma_wait3A_1455 = arith.constant 16 : i32
        %dma_wait3A_1456 = arith.constant 0 : i32
        %dma_wait3A_1457 = tpu.memref_slice %arg7[%dma_wait3A_1439, %dma_wait3A_1455, %dma_wait3A_1456] : memref<4x64x129xf32, #tpu.memory_space<vmem>> -> memref<1x8x128xf32, #tpu.memory_space<vmem>>
        %dma_wait3A_1458 = tpu.memref_squeeze %dma_wait3A_1457 : memref<1x8x128xf32, #tpu.memory_space<vmem>> -> memref<8x128xf32, #tpu.memory_space<vmem>>
        tpu.wait_dma2 semaphore(%arg13 : memref<!tpu.dma_semaphore, #tpu.memory_space<semaphore_mem>>) src(%dma_wait3A_1458 : memref<8x128xf32, #tpu.memory_space<vmem>>) dst(%dma_wait3A_1454 : memref<8x128xf32, #tpu.memory_space<hbm>>)
        %dma_wait3A_1459 = arith.constant 1 : i32
        %dma_wait3A_1460 = arith.constant 0 : i32
        %dma_wait3A_1461 = arith.constant 0 : i32
        %dma_wait3A_1462 = arith.constant 0 : i32
        %dma_wait3A_1463 = arith.constant 24 : i32
        %dma_wait3A_1464 = arith.constant 0 : i32
        %dma_wait3A_1465 = tpu.memref_slice %arg7[%dma_wait3A_1459, %dma_wait3A_1463, %dma_wait3A_1464] : memref<4x64x129xf32, #tpu.memory_space<vmem>> -> memref<1x8x128xf32, #tpu.memory_space<vmem>>
        %dma_wait3A_1466 = tpu.memref_squeeze %dma_wait3A_1465 : memref<1x8x128xf32, #tpu.memory_space<vmem>> -> memref<8x128xf32, #tpu.memory_space<vmem>>
        %dma_wait3A_1467 = arith.constant 0 : i32
        %dma_wait3A_1468 = arith.constant 0 : i32
        %dma_wait3A_1469 = tpu.memref_slice %arg4[%dma_wait3A_1460, %dma_wait3A_1461, %dma_wait3A_1462, %dma_wait3A_1467, %dma_wait3A_1468] : memref<200x8x32x8x128xf32, #tpu.memory_space<hbm>> -> memref<1x1x1x8x128xf32, #tpu.memory_space<hbm>>
        %dma_wait3A_1470 = tpu.memref_squeeze %dma_wait3A_1469 : memref<1x1x1x8x128xf32, #tpu.memory_space<hbm>> -> memref<8x128xf32, #tpu.memory_space<hbm>>
        %dma_wait3A_1471 = arith.constant 0 : i32
        %dma_wait3A_1472 = arith.constant 0 : i32
        %dma_wait3A_1473 = tpu.memref_slice %arg4[%dma_wait3A_1460, %dma_wait3A_1461, %dma_wait3A_1462, %dma_wait3A_1471, %dma_wait3A_1472] : memref<200x8x32x8x128xf32, #tpu.memory_space<hbm>> -> memref<1x1x1x8x128xf32, #tpu.memory_space<hbm>>
        %dma_wait3A_1474 = tpu.memref_squeeze %dma_wait3A_1473 : memref<1x1x1x8x128xf32, #tpu.memory_space<hbm>> -> memref<8x128xf32, #tpu.memory_space<hbm>>
        %dma_wait3A_1475 = arith.constant 24 : i32
        %dma_wait3A_1476 = arith.constant 0 : i32
        %dma_wait3A_1477 = tpu.memref_slice %arg7[%dma_wait3A_1459, %dma_wait3A_1475, %dma_wait3A_1476] : memref<4x64x129xf32, #tpu.memory_space<vmem>> -> memref<1x8x128xf32, #tpu.memory_space<vmem>>
        %dma_wait3A_1478 = tpu.memref_squeeze %dma_wait3A_1477 : memref<1x8x128xf32, #tpu.memory_space<vmem>> -> memref<8x128xf32, #tpu.memory_space<vmem>>
        tpu.wait_dma2 semaphore(%arg13 : memref<!tpu.dma_semaphore, #tpu.memory_space<semaphore_mem>>) src(%dma_wait3A_1478 : memref<8x128xf32, #tpu.memory_space<vmem>>) dst(%dma_wait3A_1474 : memref<8x128xf32, #tpu.memory_space<hbm>>)
        %dma_wait3A_1479 = arith.constant 1 : i32
        %dma_wait3A_1480 = arith.constant 0 : i32
        %dma_wait3A_1481 = arith.constant 0 : i32
        %dma_wait3A_1482 = arith.constant 0 : i32
        %dma_wait3A_1483 = arith.constant 32 : i32
        %dma_wait3A_1484 = arith.constant 0 : i32
        %dma_wait3A_1485 = tpu.memref_slice %arg7[%dma_wait3A_1479, %dma_wait3A_1483, %dma_wait3A_1484] : memref<4x64x129xf32, #tpu.memory_space<vmem>> -> memref<1x8x128xf32, #tpu.memory_space<vmem>>
        %dma_wait3A_1486 = tpu.memref_squeeze %dma_wait3A_1485 : memref<1x8x128xf32, #tpu.memory_space<vmem>> -> memref<8x128xf32, #tpu.memory_space<vmem>>
        %dma_wait3A_1487 = arith.constant 0 : i32
        %dma_wait3A_1488 = arith.constant 0 : i32
        %dma_wait3A_1489 = tpu.memref_slice %arg4[%dma_wait3A_1480, %dma_wait3A_1481, %dma_wait3A_1482, %dma_wait3A_1487, %dma_wait3A_1488] : memref<200x8x32x8x128xf32, #tpu.memory_space<hbm>> -> memref<1x1x1x8x128xf32, #tpu.memory_space<hbm>>
        %dma_wait3A_1490 = tpu.memref_squeeze %dma_wait3A_1489 : memref<1x1x1x8x128xf32, #tpu.memory_space<hbm>> -> memref<8x128xf32, #tpu.memory_space<hbm>>
        %dma_wait3A_1491 = arith.constant 0 : i32
        %dma_wait3A_1492 = arith.constant 0 : i32
        %dma_wait3A_1493 = tpu.memref_slice %arg4[%dma_wait3A_1480, %dma_wait3A_1481, %dma_wait3A_1482, %dma_wait3A_1491, %dma_wait3A_1492] : memref<200x8x32x8x128xf32, #tpu.memory_space<hbm>> -> memref<1x1x1x8x128xf32, #tpu.memory_space<hbm>>
        %dma_wait3A_1494 = tpu.memref_squeeze %dma_wait3A_1493 : memref<1x1x1x8x128xf32, #tpu.memory_space<hbm>> -> memref<8x128xf32, #tpu.memory_space<hbm>>
        %dma_wait3A_1495 = arith.constant 32 : i32
        %dma_wait3A_1496 = arith.constant 0 : i32
        %dma_wait3A_1497 = tpu.memref_slice %arg7[%dma_wait3A_1479, %dma_wait3A_1495, %dma_wait3A_1496] : memref<4x64x129xf32, #tpu.memory_space<vmem>> -> memref<1x8x128xf32, #tpu.memory_space<vmem>>
        %dma_wait3A_1498 = tpu.memref_squeeze %dma_wait3A_1497 : memref<1x8x128xf32, #tpu.memory_space<vmem>> -> memref<8x128xf32, #tpu.memory_space<vmem>>
        tpu.wait_dma2 semaphore(%arg13 : memref<!tpu.dma_semaphore, #tpu.memory_space<semaphore_mem>>) src(%dma_wait3A_1498 : memref<8x128xf32, #tpu.memory_space<vmem>>) dst(%dma_wait3A_1494 : memref<8x128xf32, #tpu.memory_space<hbm>>)
        %dma_wait3A_1499 = arith.constant 1 : i32
        %dma_wait3A_1500 = arith.constant 0 : i32
        %dma_wait3A_1501 = arith.constant 0 : i32
        %dma_wait3A_1502 = arith.constant 0 : i32
        %dma_wait3A_1503 = arith.constant 40 : i32
        %dma_wait3A_1504 = arith.constant 0 : i32
        %dma_wait3A_1505 = tpu.memref_slice %arg7[%dma_wait3A_1499, %dma_wait3A_1503, %dma_wait3A_1504] : memref<4x64x129xf32, #tpu.memory_space<vmem>> -> memref<1x8x128xf32, #tpu.memory_space<vmem>>
        %dma_wait3A_1506 = tpu.memref_squeeze %dma_wait3A_1505 : memref<1x8x128xf32, #tpu.memory_space<vmem>> -> memref<8x128xf32, #tpu.memory_space<vmem>>
        %dma_wait3A_1507 = arith.constant 0 : i32
        %dma_wait3A_1508 = arith.constant 0 : i32
        %dma_wait3A_1509 = tpu.memref_slice %arg4[%dma_wait3A_1500, %dma_wait3A_1501, %dma_wait3A_1502, %dma_wait3A_1507, %dma_wait3A_1508] : memref<200x8x32x8x128xf32, #tpu.memory_space<hbm>> -> memref<1x1x1x8x128xf32, #tpu.memory_space<hbm>>
        %dma_wait3A_1510 = tpu.memref_squeeze %dma_wait3A_1509 : memref<1x1x1x8x128xf32, #tpu.memory_space<hbm>> -> memref<8x128xf32, #tpu.memory_space<hbm>>
        %dma_wait3A_1511 = arith.constant 0 : i32
        %dma_wait3A_1512 = arith.constant 0 : i32
        %dma_wait3A_1513 = tpu.memref_slice %arg4[%dma_wait3A_1500, %dma_wait3A_1501, %dma_wait3A_1502, %dma_wait3A_1511, %dma_wait3A_1512] : memref<200x8x32x8x128xf32, #tpu.memory_space<hbm>> -> memref<1x1x1x8x128xf32, #tpu.memory_space<hbm>>
        %dma_wait3A_1514 = tpu.memref_squeeze %dma_wait3A_1513 : memref<1x1x1x8x128xf32, #tpu.memory_space<hbm>> -> memref<8x128xf32, #tpu.memory_space<hbm>>
        %dma_wait3A_1515 = arith.constant 40 : i32
        %dma_wait3A_1516 = arith.constant 0 : i32
        %dma_wait3A_1517 = tpu.memref_slice %arg7[%dma_wait3A_1499, %dma_wait3A_1515, %dma_wait3A_1516] : memref<4x64x129xf32, #tpu.memory_space<vmem>> -> memref<1x8x128xf32, #tpu.memory_space<vmem>>
        %dma_wait3A_1518 = tpu.memref_squeeze %dma_wait3A_1517 : memref<1x8x128xf32, #tpu.memory_space<vmem>> -> memref<8x128xf32, #tpu.memory_space<vmem>>
        tpu.wait_dma2 semaphore(%arg13 : memref<!tpu.dma_semaphore, #tpu.memory_space<semaphore_mem>>) src(%dma_wait3A_1518 : memref<8x128xf32, #tpu.memory_space<vmem>>) dst(%dma_wait3A_1514 : memref<8x128xf32, #tpu.memory_space<hbm>>)
        %dma_wait3A_1519 = arith.constant 1 : i32
        %dma_wait3A_1520 = arith.constant 0 : i32
        %dma_wait3A_1521 = arith.constant 0 : i32
        %dma_wait3A_1522 = arith.constant 0 : i32
        %dma_wait3A_1523 = arith.constant 48 : i32
        %dma_wait3A_1524 = arith.constant 0 : i32
        %dma_wait3A_1525 = tpu.memref_slice %arg7[%dma_wait3A_1519, %dma_wait3A_1523, %dma_wait3A_1524] : memref<4x64x129xf32, #tpu.memory_space<vmem>> -> memref<1x8x128xf32, #tpu.memory_space<vmem>>
        %dma_wait3A_1526 = tpu.memref_squeeze %dma_wait3A_1525 : memref<1x8x128xf32, #tpu.memory_space<vmem>> -> memref<8x128xf32, #tpu.memory_space<vmem>>
        %dma_wait3A_1527 = arith.constant 0 : i32
        %dma_wait3A_1528 = arith.constant 0 : i32
        %dma_wait3A_1529 = tpu.memref_slice %arg4[%dma_wait3A_1520, %dma_wait3A_1521, %dma_wait3A_1522, %dma_wait3A_1527, %dma_wait3A_1528] : memref<200x8x32x8x128xf32, #tpu.memory_space<hbm>> -> memref<1x1x1x8x128xf32, #tpu.memory_space<hbm>>
        %dma_wait3A_1530 = tpu.memref_squeeze %dma_wait3A_1529 : memref<1x1x1x8x128xf32, #tpu.memory_space<hbm>> -> memref<8x128xf32, #tpu.memory_space<hbm>>
        %dma_wait3A_1531 = arith.constant 0 : i32
        %dma_wait3A_1532 = arith.constant 0 : i32
        %dma_wait3A_1533 = tpu.memref_slice %arg4[%dma_wait3A_1520, %dma_wait3A_1521, %dma_wait3A_1522, %dma_wait3A_1531, %dma_wait3A_1532] : memref<200x8x32x8x128xf32, #tpu.memory_space<hbm>> -> memref<1x1x1x8x128xf32, #tpu.memory_space<hbm>>
        %dma_wait3A_1534 = tpu.memref_squeeze %dma_wait3A_1533 : memref<1x1x1x8x128xf32, #tpu.memory_space<hbm>> -> memref<8x128xf32, #tpu.memory_space<hbm>>
        %dma_wait3A_1535 = arith.constant 48 : i32
        %dma_wait3A_1536 = arith.constant 0 : i32
        %dma_wait3A_1537 = tpu.memref_slice %arg7[%dma_wait3A_1519, %dma_wait3A_1535, %dma_wait3A_1536] : memref<4x64x129xf32, #tpu.memory_space<vmem>> -> memref<1x8x128xf32, #tpu.memory_space<vmem>>
        %dma_wait3A_1538 = tpu.memref_squeeze %dma_wait3A_1537 : memref<1x8x128xf32, #tpu.memory_space<vmem>> -> memref<8x128xf32, #tpu.memory_space<vmem>>
        tpu.wait_dma2 semaphore(%arg13 : memref<!tpu.dma_semaphore, #tpu.memory_space<semaphore_mem>>) src(%dma_wait3A_1538 : memref<8x128xf32, #tpu.memory_space<vmem>>) dst(%dma_wait3A_1534 : memref<8x128xf32, #tpu.memory_space<hbm>>)
        %dma_wait3A_1539 = arith.constant 1 : i32
        %dma_wait3A_1540 = arith.constant 0 : i32
        %dma_wait3A_1541 = arith.constant 0 : i32
        %dma_wait3A_1542 = arith.constant 0 : i32
        %dma_wait3A_1543 = arith.constant 56 : i32
        %dma_wait3A_1544 = arith.constant 0 : i32
        %dma_wait3A_1545 = tpu.memref_slice %arg7[%dma_wait3A_1539, %dma_wait3A_1543, %dma_wait3A_1544] : memref<4x64x129xf32, #tpu.memory_space<vmem>> -> memref<1x8x128xf32, #tpu.memory_space<vmem>>
        %dma_wait3A_1546 = tpu.memref_squeeze %dma_wait3A_1545 : memref<1x8x128xf32, #tpu.memory_space<vmem>> -> memref<8x128xf32, #tpu.memory_space<vmem>>
        %dma_wait3A_1547 = arith.constant 0 : i32
        %dma_wait3A_1548 = arith.constant 0 : i32
        %dma_wait3A_1549 = tpu.memref_slice %arg4[%dma_wait3A_1540, %dma_wait3A_1541, %dma_wait3A_1542, %dma_wait3A_1547, %dma_wait3A_1548] : memref<200x8x32x8x128xf32, #tpu.memory_space<hbm>> -> memref<1x1x1x8x128xf32, #tpu.memory_space<hbm>>
        %dma_wait3A_1550 = tpu.memref_squeeze %dma_wait3A_1549 : memref<1x1x1x8x128xf32, #tpu.memory_space<hbm>> -> memref<8x128xf32, #tpu.memory_space<hbm>>
        %dma_wait3A_1551 = arith.constant 0 : i32
        %dma_wait3A_1552 = arith.constant 0 : i32
        %dma_wait3A_1553 = tpu.memref_slice %arg4[%dma_wait3A_1540, %dma_wait3A_1541, %dma_wait3A_1542, %dma_wait3A_1551, %dma_wait3A_1552] : memref<200x8x32x8x128xf32, #tpu.memory_space<hbm>> -> memref<1x1x1x8x128xf32, #tpu.memory_space<hbm>>
        %dma_wait3A_1554 = tpu.memref_squeeze %dma_wait3A_1553 : memref<1x1x1x8x128xf32, #tpu.memory_space<hbm>> -> memref<8x128xf32, #tpu.memory_space<hbm>>
        %dma_wait3A_1555 = arith.constant 56 : i32
        %dma_wait3A_1556 = arith.constant 0 : i32
        %dma_wait3A_1557 = tpu.memref_slice %arg7[%dma_wait3A_1539, %dma_wait3A_1555, %dma_wait3A_1556] : memref<4x64x129xf32, #tpu.memory_space<vmem>> -> memref<1x8x128xf32, #tpu.memory_space<vmem>>
        %dma_wait3A_1558 = tpu.memref_squeeze %dma_wait3A_1557 : memref<1x8x128xf32, #tpu.memory_space<vmem>> -> memref<8x128xf32, #tpu.memory_space<vmem>>
        tpu.wait_dma2 semaphore(%arg13 : memref<!tpu.dma_semaphore, #tpu.memory_space<semaphore_mem>>) src(%dma_wait3A_1558 : memref<8x128xf32, #tpu.memory_space<vmem>>) dst(%dma_wait3A_1554 : memref<8x128xf32, #tpu.memory_space<hbm>>)
      } else {
      }
      %parallel_loop3A_899 = arith.constant 0 : i32
      %parallel_loop3A_900 = arith.constant 128 : i32
      %parallel_loop3A_901 = arith.constant 1 : i32
      scf.for %parallel_loop3A_1399 = %parallel_loop3A_899 to %parallel_loop3A_900 step %parallel_loop3A_901  : i32 {
        %parallel_loop3A_1400 = vector.broadcast %parallel_loop3A_1399 : i32 to vector<16xi32>
        %parallel_loop3A_1401 = arith.constant 1 : i32
        %parallel_loop3A_1402 = arith.index_cast %parallel_loop3A_1401 : i32 to index
        %parallel_loop3A_1403 = arith.index_cast %parallel_loop3A_1399 : i32 to index
        %parallel_loop3A_1404 = arith.constant 0 : index
        %parallel_loop3A_1405 = tpu.vector_load %arg6[%parallel_loop3A_1402, %parallel_loop3A_1403, %parallel_loop3A_1404] {strides = array<i32>} : memref<4x128x64xf32, #tpu.memory_space<vmem>>, vector<16xf32>,
        %parallel_loop3A_1406 = arith.constant 8.000000e+00 : f32
        %parallel_loop3A_1407 = vector.broadcast %parallel_loop3A_1406 : f32 to vector<16xf32>
        %parallel_loop3A_1408 = arith.mulf %parallel_loop3A_1405, %parallel_loop3A_1407 : vector<16xf32>
        %parallel_loop3A_1409 = arith.constant 1 : i32
        %parallel_loop3A_1410 = arith.constant 0 : i32
        %parallel_loop3A_1411 = arith.constant 0 : i32
        %parallel_loop3A_1412 = tpu.memref_slice %arg7[%parallel_loop3A_1409, %parallel_loop3A_1410, %parallel_loop3A_1411] : memref<4x64x129xf32, #tpu.memory_space<vmem>> -> memref<1x64x129xf32, #tpu.memory_space<vmem>>
        %parallel_loop3A_1413 = tpu.memref_squeeze %parallel_loop3A_1412 : memref<1x64x129xf32, #tpu.memory_space<vmem>> -> memref<64x129xf32, #tpu.memory_space<vmem>>
        tpu.vector_store_idx %parallel_loop3A_1413[%add3A_52, %parallel_loop3A_1400], %parallel_loop3A_1408 : memref<64x129xf32, #tpu.memory_space<vmem>>[vector<16xi32>, vector<16xi32>], vector<16xf32>,
        %parallel_loop3A_1414 = arith.constant 1 : i32
        %parallel_loop3A_1415 = arith.index_cast %parallel_loop3A_1414 : i32 to index
        %parallel_loop3A_1416 = arith.index_cast %parallel_loop3A_1399 : i32 to index
        %parallel_loop3A_1417 = arith.constant 16 : index
        %parallel_loop3A_1418 = tpu.vector_load %arg6[%parallel_loop3A_1415, %parallel_loop3A_1416, %parallel_loop3A_1417] {strides = array<i32>} : memref<4x128x64xf32, #tpu.memory_space<vmem>>, vector<16xf32>,
        %parallel_loop3A_1419 = arith.constant 8.000000e+00 : f32
        %parallel_loop3A_1420 = vector.broadcast %parallel_loop3A_1419 : f32 to vector<16xf32>
        %parallel_loop3A_1421 = arith.mulf %parallel_loop3A_1418, %parallel_loop3A_1420 : vector<16xf32>
        %parallel_loop3A_1422 = arith.constant 1 : i32
        %parallel_loop3A_1423 = arith.constant 0 : i32
        %parallel_loop3A_1424 = arith.constant 0 : i32
        %parallel_loop3A_1425 = tpu.memref_slice %arg7[%parallel_loop3A_1422, %parallel_loop3A_1423, %parallel_loop3A_1424] : memref<4x64x129xf32, #tpu.memory_space<vmem>> -> memref<1x64x129xf32, #tpu.memory_space<vmem>>
        %parallel_loop3A_1426 = tpu.memref_squeeze %parallel_loop3A_1425 : memref<1x64x129xf32, #tpu.memory_space<vmem>> -> memref<64x129xf32, #tpu.memory_space<vmem>>
        tpu.vector_store_idx %parallel_loop3A_1426[%add3A_56, %parallel_loop3A_1400], %parallel_loop3A_1421 : memref<64x129xf32, #tpu.memory_space<vmem>>[vector<16xi32>, vector<16xi32>], vector<16xf32>,
        %parallel_loop3A_1427 = arith.constant 1 : i32
        %parallel_loop3A_1428 = arith.index_cast %parallel_loop3A_1427 : i32 to index
        %parallel_loop3A_1429 = arith.index_cast %parallel_loop3A_1399 : i32 to index
        %parallel_loop3A_1430 = arith.constant 32 : index
        %parallel_loop3A_1431 = tpu.vector_load %arg6[%parallel_loop3A_1428, %parallel_loop3A_1429, %parallel_loop3A_1430] {strides = array<i32>} : memref<4x128x64xf32, #tpu.memory_space<vmem>>, vector<16xf32>,
        %parallel_loop3A_1432 = arith.constant 8.000000e+00 : f32
        %parallel_loop3A_1433 = vector.broadcast %parallel_loop3A_1432 : f32 to vector<16xf32>
        %parallel_loop3A_1434 = arith.mulf %parallel_loop3A_1431, %parallel_loop3A_1433 : vector<16xf32>
        %parallel_loop3A_1435 = arith.constant 1 : i32
        %parallel_loop3A_1436 = arith.constant 0 : i32
        %parallel_loop3A_1437 = arith.constant 0 : i32
        %parallel_loop3A_1438 = tpu.memref_slice %arg7[%parallel_loop3A_1435, %parallel_loop3A_1436, %parallel_loop3A_1437] : memref<4x64x129xf32, #tpu.memory_space<vmem>> -> memref<1x64x129xf32, #tpu.memory_space<vmem>>
        %parallel_loop3A_1439 = tpu.memref_squeeze %parallel_loop3A_1438 : memref<1x64x129xf32, #tpu.memory_space<vmem>> -> memref<64x129xf32, #tpu.memory_space<vmem>>
        tpu.vector_store_idx %parallel_loop3A_1439[%add3A_60, %parallel_loop3A_1400], %parallel_loop3A_1434 : memref<64x129xf32, #tpu.memory_space<vmem>>[vector<16xi32>, vector<16xi32>], vector<16xf32>,
        %parallel_loop3A_1440 = arith.constant 1 : i32
        %parallel_loop3A_1441 = arith.index_cast %parallel_loop3A_1440 : i32 to index
        %parallel_loop3A_1442 = arith.index_cast %parallel_loop3A_1399 : i32 to index
        %parallel_loop3A_1443 = arith.constant 48 : index
        %parallel_loop3A_1444 = tpu.vector_load %arg6[%parallel_loop3A_1441, %parallel_loop3A_1442, %parallel_loop3A_1443] {strides = array<i32>} : memref<4x128x64xf32, #tpu.memory_space<vmem>>, vector<16xf32>,
        %parallel_loop3A_1445 = arith.constant 8.000000e+00 : f32
        %parallel_loop3A_1446 = vector.broadcast %parallel_loop3A_1445 : f32 to vector<16xf32>
        %parallel_loop3A_1447 = arith.mulf %parallel_loop3A_1444, %parallel_loop3A_1446 : vector<16xf32>
        %parallel_loop3A_1448 = arith.constant 1 : i32
        %parallel_loop3A_1449 = arith.constant 0 : i32
        %parallel_loop3A_1450 = arith.constant 0 : i32
        %parallel_loop3A_1451 = tpu.memref_slice %arg7[%parallel_loop3A_1448, %parallel_loop3A_1449, %parallel_loop3A_1450] : memref<4x64x129xf32, #tpu.memory_space<vmem>> -> memref<1x64x129xf32, #tpu.memory_space<vmem>>
        %parallel_loop3A_1452 = tpu.memref_squeeze %parallel_loop3A_1451 : memref<1x64x129xf32, #tpu.memory_space<vmem>> -> memref<64x129xf32, #tpu.memory_space<vmem>>
        tpu.vector_store_idx %parallel_loop3A_1452[%add3A_64, %parallel_loop3A_1400], %parallel_loop3A_1447 : memref<64x129xf32, #tpu.memory_space<vmem>>[vector<16xi32>, vector<16xi32>], vector<16xf32>,
      } {sc.loop_unroll_factor = 4 : i64, sc.parallel_access}
      %dma_start3A_902 = arith.constant 1 : i32
      %dma_start3A_903 = arith.constant 0 : i32
      %dma_start3A_904 = arith.constant 0 : i32
      %dma_start3A_905 = arith.constant 0 : i32
      %dma_start3A_906 = tpu.memref_slice %arg7[%dma_start3A_902, %dma_start3A_904, %dma_start3A_905] : memref<4x64x129xf32, #tpu.memory_space<vmem>> -> memref<1x8x128xf32, #tpu.memory_space<vmem>>
      %dma_start3A_907 = tpu.memref_squeeze %dma_start3A_906 : memref<1x8x128xf32, #tpu.memory_space<vmem>> -> memref<8x128xf32, #tpu.memory_space<vmem>>
      %dma_start3A_908 = arith.constant 0 : i32
      %dma_start3A_909 = arith.constant 0 : i32
      %dma_start3A_910 = tpu.memref_slice %arg4[%add3A_881, %dma_start3A_903, %add3A, %dma_start3A_908, %dma_start3A_909] : memref<200x8x32x8x128xf32, #tpu.memory_space<hbm>> -> memref<1x1x1x8x128xf32, #tpu.memory_space<hbm>>
      %dma_start3A_911 = tpu.memref_squeeze %dma_start3A_910 : memref<1x1x1x8x128xf32, #tpu.memory_space<hbm>> -> memref<8x128xf32, #tpu.memory_space<hbm>>
      %dma_start3A_912 = arith.constant 0 : i32
      %dma_start3A_913 = arith.constant 0 : i32
      %dma_start3A_914 = tpu.memref_slice %arg4[%add3A_881, %dma_start3A_903, %add3A, %dma_start3A_912, %dma_start3A_913] : memref<200x8x32x8x128xf32, #tpu.memory_space<hbm>> -> memref<1x1x1x8x128xf32, #tpu.memory_space<hbm>>
      %dma_start3A_915 = tpu.memref_squeeze %dma_start3A_914 : memref<1x1x1x8x128xf32, #tpu.memory_space<hbm>> -> memref<8x128xf32, #tpu.memory_space<hbm>>
      %dma_start3A_916 = arith.constant 0 : i32
      %dma_start3A_917 = arith.constant 0 : i32
      %dma_start3A_918 = tpu.memref_slice %arg7[%dma_start3A_902, %dma_start3A_916, %dma_start3A_917] : memref<4x64x129xf32, #tpu.memory_space<vmem>> -> memref<1x8x128xf32, #tpu.memory_space<vmem>>
      %dma_start3A_919 = tpu.memref_squeeze %dma_start3A_918 : memref<1x8x128xf32, #tpu.memory_space<vmem>> -> memref<8x128xf32, #tpu.memory_space<vmem>>
      tpu.enqueue_dma source(%dma_start3A_919 : memref<8x128xf32, #tpu.memory_space<vmem>>) target(%dma_start3A_915 : memref<8x128xf32, #tpu.memory_space<hbm>>) target_semaphore(%arg13 : memref<!tpu.dma_semaphore, #tpu.memory_space<semaphore_mem>>)
      %dma_start3A_920 = arith.constant 1 : i32
      %dma_start3A_921 = arith.constant 1 : i32
      %dma_start3A_922 = arith.constant 8 : i32
      %dma_start3A_923 = arith.constant 0 : i32
      %dma_start3A_924 = tpu.memref_slice %arg7[%dma_start3A_920, %dma_start3A_922, %dma_start3A_923] : memref<4x64x129xf32, #tpu.memory_space<vmem>> -> memref<1x8x128xf32, #tpu.memory_space<vmem>>
      %dma_start3A_925 = tpu.memref_squeeze %dma_start3A_924 : memref<1x8x128xf32, #tpu.memory_space<vmem>> -> memref<8x128xf32, #tpu.memory_space<vmem>>
      %dma_start3A_926 = arith.constant 0 : i32
      %dma_start3A_927 = arith.constant 0 : i32
      %dma_start3A_928 = tpu.memref_slice %arg4[%add3A_881, %dma_start3A_921, %add3A, %dma_start3A_926, %dma_start3A_927] : memref<200x8x32x8x128xf32, #tpu.memory_space<hbm>> -> memref<1x1x1x8x128xf32, #tpu.memory_space<hbm>>
      %dma_start3A_929 = tpu.memref_squeeze %dma_start3A_928 : memref<1x1x1x8x128xf32, #tpu.memory_space<hbm>> -> memref<8x128xf32, #tpu.memory_space<hbm>>
      %dma_start3A_930 = arith.constant 0 : i32
      %dma_start3A_931 = arith.constant 0 : i32
      %dma_start3A_932 = tpu.memref_slice %arg4[%add3A_881, %dma_start3A_921, %add3A, %dma_start3A_930, %dma_start3A_931] : memref<200x8x32x8x128xf32, #tpu.memory_space<hbm>> -> memref<1x1x1x8x128xf32, #tpu.memory_space<hbm>>
      %dma_start3A_933 = tpu.memref_squeeze %dma_start3A_932 : memref<1x1x1x8x128xf32, #tpu.memory_space<hbm>> -> memref<8x128xf32, #tpu.memory_space<hbm>>
      %dma_start3A_934 = arith.constant 8 : i32
      %dma_start3A_935 = arith.constant 0 : i32
      %dma_start3A_936 = tpu.memref_slice %arg7[%dma_start3A_920, %dma_start3A_934, %dma_start3A_935] : memref<4x64x129xf32, #tpu.memory_space<vmem>> -> memref<1x8x128xf32, #tpu.memory_space<vmem>>
      %dma_start3A_937 = tpu.memref_squeeze %dma_start3A_936 : memref<1x8x128xf32, #tpu.memory_space<vmem>> -> memref<8x128xf32, #tpu.memory_space<vmem>>
      tpu.enqueue_dma source(%dma_start3A_937 : memref<8x128xf32, #tpu.memory_space<vmem>>) target(%dma_start3A_933 : memref<8x128xf32, #tpu.memory_space<hbm>>) target_semaphore(%arg13 : memref<!tpu.dma_semaphore, #tpu.memory_space<semaphore_mem>>)
      %dma_start3A_938 = arith.constant 1 : i32
      %dma_start3A_939 = arith.constant 2 : i32
      %dma_start3A_940 = arith.constant 16 : i32
      %dma_start3A_941 = arith.constant 0 : i32
      %dma_start3A_942 = tpu.memref_slice %arg7[%dma_start3A_938, %dma_start3A_940, %dma_start3A_941] : memref<4x64x129xf32, #tpu.memory_space<vmem>> -> memref<1x8x128xf32, #tpu.memory_space<vmem>>
      %dma_start3A_943 = tpu.memref_squeeze %dma_start3A_942 : memref<1x8x128xf32, #tpu.memory_space<vmem>> -> memref<8x128xf32, #tpu.memory_space<vmem>>
      %dma_start3A_944 = arith.constant 0 : i32
      %dma_start3A_945 = arith.constant 0 : i32
      %dma_start3A_946 = tpu.memref_slice %arg4[%add3A_881, %dma_start3A_939, %add3A, %dma_start3A_944, %dma_start3A_945] : memref<200x8x32x8x128xf32, #tpu.memory_space<hbm>> -> memref<1x1x1x8x128xf32, #tpu.memory_space<hbm>>
      %dma_start3A_947 = tpu.memref_squeeze %dma_start3A_946 : memref<1x1x1x8x128xf32, #tpu.memory_space<hbm>> -> memref<8x128xf32, #tpu.memory_space<hbm>>
      %dma_start3A_948 = arith.constant 0 : i32
      %dma_start3A_949 = arith.constant 0 : i32
      %dma_start3A_950 = tpu.memref_slice %arg4[%add3A_881, %dma_start3A_939, %add3A, %dma_start3A_948, %dma_start3A_949] : memref<200x8x32x8x128xf32, #tpu.memory_space<hbm>> -> memref<1x1x1x8x128xf32, #tpu.memory_space<hbm>>
      %dma_start3A_951 = tpu.memref_squeeze %dma_start3A_950 : memref<1x1x1x8x128xf32, #tpu.memory_space<hbm>> -> memref<8x128xf32, #tpu.memory_space<hbm>>
      %dma_start3A_952 = arith.constant 16 : i32
      %dma_start3A_953 = arith.constant 0 : i32
      %dma_start3A_954 = tpu.memref_slice %arg7[%dma_start3A_938, %dma_start3A_952, %dma_start3A_953] : memref<4x64x129xf32, #tpu.memory_space<vmem>> -> memref<1x8x128xf32, #tpu.memory_space<vmem>>
      %dma_start3A_955 = tpu.memref_squeeze %dma_start3A_954 : memref<1x8x128xf32, #tpu.memory_space<vmem>> -> memref<8x128xf32, #tpu.memory_space<vmem>>
      tpu.enqueue_dma source(%dma_start3A_955 : memref<8x128xf32, #tpu.memory_space<vmem>>) target(%dma_start3A_951 : memref<8x128xf32, #tpu.memory_space<hbm>>) target_semaphore(%arg13 : memref<!tpu.dma_semaphore, #tpu.memory_space<semaphore_mem>>)
      %dma_start3A_956 = arith.constant 1 : i32
      %dma_start3A_957 = arith.constant 3 : i32
      %dma_start3A_958 = arith.constant 24 : i32
      %dma_start3A_959 = arith.constant 0 : i32
      %dma_start3A_960 = tpu.memref_slice %arg7[%dma_start3A_956, %dma_start3A_958, %dma_start3A_959] : memref<4x64x129xf32, #tpu.memory_space<vmem>> -> memref<1x8x128xf32, #tpu.memory_space<vmem>>
      %dma_start3A_961 = tpu.memref_squeeze %dma_start3A_960 : memref<1x8x128xf32, #tpu.memory_space<vmem>> -> memref<8x128xf32, #tpu.memory_space<vmem>>
      %dma_start3A_962 = arith.constant 0 : i32
      %dma_start3A_963 = arith.constant 0 : i32
      %dma_start3A_964 = tpu.memref_slice %arg4[%add3A_881, %dma_start3A_957, %add3A, %dma_start3A_962, %dma_start3A_963] : memref<200x8x32x8x128xf32, #tpu.memory_space<hbm>> -> memref<1x1x1x8x128xf32, #tpu.memory_space<hbm>>
      %dma_start3A_965 = tpu.memref_squeeze %dma_start3A_964 : memref<1x1x1x8x128xf32, #tpu.memory_space<hbm>> -> memref<8x128xf32, #tpu.memory_space<hbm>>
      %dma_start3A_966 = arith.constant 0 : i32
      %dma_start3A_967 = arith.constant 0 : i32
      %dma_start3A_968 = tpu.memref_slice %arg4[%add3A_881, %dma_start3A_957, %add3A, %dma_start3A_966, %dma_start3A_967] : memref<200x8x32x8x128xf32, #tpu.memory_space<hbm>> -> memref<1x1x1x8x128xf32, #tpu.memory_space<hbm>>
      %dma_start3A_969 = tpu.memref_squeeze %dma_start3A_968 : memref<1x1x1x8x128xf32, #tpu.memory_space<hbm>> -> memref<8x128xf32, #tpu.memory_space<hbm>>
      %dma_start3A_970 = arith.constant 24 : i32
      %dma_start3A_971 = arith.constant 0 : i32
      %dma_start3A_972 = tpu.memref_slice %arg7[%dma_start3A_956, %dma_start3A_970, %dma_start3A_971] : memref<4x64x129xf32, #tpu.memory_space<vmem>> -> memref<1x8x128xf32, #tpu.memory_space<vmem>>
      %dma_start3A_973 = tpu.memref_squeeze %dma_start3A_972 : memref<1x8x128xf32, #tpu.memory_space<vmem>> -> memref<8x128xf32, #tpu.memory_space<vmem>>
      tpu.enqueue_dma source(%dma_start3A_973 : memref<8x128xf32, #tpu.memory_space<vmem>>) target(%dma_start3A_969 : memref<8x128xf32, #tpu.memory_space<hbm>>) target_semaphore(%arg13 : memref<!tpu.dma_semaphore, #tpu.memory_space<semaphore_mem>>)
      %dma_start3A_974 = arith.constant 1 : i32
      %dma_start3A_975 = arith.constant 4 : i32
      %dma_start3A_976 = arith.constant 32 : i32
      %dma_start3A_977 = arith.constant 0 : i32
      %dma_start3A_978 = tpu.memref_slice %arg7[%dma_start3A_974, %dma_start3A_976, %dma_start3A_977] : memref<4x64x129xf32, #tpu.memory_space<vmem>> -> memref<1x8x128xf32, #tpu.memory_space<vmem>>
      %dma_start3A_979 = tpu.memref_squeeze %dma_start3A_978 : memref<1x8x128xf32, #tpu.memory_space<vmem>> -> memref<8x128xf32, #tpu.memory_space<vmem>>
      %dma_start3A_980 = arith.constant 0 : i32
      %dma_start3A_981 = arith.constant 0 : i32
      %dma_start3A_982 = tpu.memref_slice %arg4[%add3A_881, %dma_start3A_975, %add3A, %dma_start3A_980, %dma_start3A_981] : memref<200x8x32x8x128xf32, #tpu.memory_space<hbm>> -> memref<1x1x1x8x128xf32, #tpu.memory_space<hbm>>
      %dma_start3A_983 = tpu.memref_squeeze %dma_start3A_982 : memref<1x1x1x8x128xf32, #tpu.memory_space<hbm>> -> memref<8x128xf32, #tpu.memory_space<hbm>>
      %dma_start3A_984 = arith.constant 0 : i32
      %dma_start3A_985 = arith.constant 0 : i32
      %dma_start3A_986 = tpu.memref_slice %arg4[%add3A_881, %dma_start3A_975, %add3A, %dma_start3A_984, %dma_start3A_985] : memref<200x8x32x8x128xf32, #tpu.memory_space<hbm>> -> memref<1x1x1x8x128xf32, #tpu.memory_space<hbm>>
      %dma_start3A_987 = tpu.memref_squeeze %dma_start3A_986 : memref<1x1x1x8x128xf32, #tpu.memory_space<hbm>> -> memref<8x128xf32, #tpu.memory_space<hbm>>
      %dma_start3A_988 = arith.constant 32 : i32
      %dma_start3A_989 = arith.constant 0 : i32
      %dma_start3A_990 = tpu.memref_slice %arg7[%dma_start3A_974, %dma_start3A_988, %dma_start3A_989] : memref<4x64x129xf32, #tpu.memory_space<vmem>> -> memref<1x8x128xf32, #tpu.memory_space<vmem>>
      %dma_start3A_991 = tpu.memref_squeeze %dma_start3A_990 : memref<1x8x128xf32, #tpu.memory_space<vmem>> -> memref<8x128xf32, #tpu.memory_space<vmem>>
      tpu.enqueue_dma source(%dma_start3A_991 : memref<8x128xf32, #tpu.memory_space<vmem>>) target(%dma_start3A_987 : memref<8x128xf32, #tpu.memory_space<hbm>>) target_semaphore(%arg13 : memref<!tpu.dma_semaphore, #tpu.memory_space<semaphore_mem>>)
      %dma_start3A_992 = arith.constant 1 : i32
      %dma_start3A_993 = arith.constant 5 : i32
      %dma_start3A_994 = arith.constant 40 : i32
      %dma_start3A_995 = arith.constant 0 : i32
      %dma_start3A_996 = tpu.memref_slice %arg7[%dma_start3A_992, %dma_start3A_994, %dma_start3A_995] : memref<4x64x129xf32, #tpu.memory_space<vmem>> -> memref<1x8x128xf32, #tpu.memory_space<vmem>>
      %dma_start3A_997 = tpu.memref_squeeze %dma_start3A_996 : memref<1x8x128xf32, #tpu.memory_space<vmem>> -> memref<8x128xf32, #tpu.memory_space<vmem>>
      %dma_start3A_998 = arith.constant 0 : i32
      %dma_start3A_999 = arith.constant 0 : i32
      %dma_start3A_1000 = tpu.memref_slice %arg4[%add3A_881, %dma_start3A_993, %add3A, %dma_start3A_998, %dma_start3A_999] : memref<200x8x32x8x128xf32, #tpu.memory_space<hbm>> -> memref<1x1x1x8x128xf32, #tpu.memory_space<hbm>>
      %dma_start3A_1001 = tpu.memref_squeeze %dma_start3A_1000 : memref<1x1x1x8x128xf32, #tpu.memory_space<hbm>> -> memref<8x128xf32, #tpu.memory_space<hbm>>
      %dma_start3A_1002 = arith.constant 0 : i32
      %dma_start3A_1003 = arith.constant 0 : i32
      %dma_start3A_1004 = tpu.memref_slice %arg4[%add3A_881, %dma_start3A_993, %add3A, %dma_start3A_1002, %dma_start3A_1003] : memref<200x8x32x8x128xf32, #tpu.memory_space<hbm>> -> memref<1x1x1x8x128xf32, #tpu.memory_space<hbm>>
      %dma_start3A_1005 = tpu.memref_squeeze %dma_start3A_1004 : memref<1x1x1x8x128xf32, #tpu.memory_space<hbm>> -> memref<8x128xf32, #tpu.memory_space<hbm>>
      %dma_start3A_1006 = arith.constant 40 : i32
      %dma_start3A_1007 = arith.constant 0 : i32
      %dma_start3A_1008 = tpu.memref_slice %arg7[%dma_start3A_992, %dma_start3A_1006, %dma_start3A_1007] : memref<4x64x129xf32, #tpu.memory_space<vmem>> -> memref<1x8x128xf32, #tpu.memory_space<vmem>>
      %dma_start3A_1009 = tpu.memref_squeeze %dma_start3A_1008 : memref<1x8x128xf32, #tpu.memory_space<vmem>> -> memref<8x128xf32, #tpu.memory_space<vmem>>
      tpu.enqueue_dma source(%dma_start3A_1009 : memref<8x128xf32, #tpu.memory_space<vmem>>) target(%dma_start3A_1005 : memref<8x128xf32, #tpu.memory_space<hbm>>) target_semaphore(%arg13 : memref<!tpu.dma_semaphore, #tpu.memory_space<semaphore_mem>>)
      %dma_start3A_1010 = arith.constant 1 : i32
      %dma_start3A_1011 = arith.constant 6 : i32
      %dma_start3A_1012 = arith.constant 48 : i32
      %dma_start3A_1013 = arith.constant 0 : i32
      %dma_start3A_1014 = tpu.memref_slice %arg7[%dma_start3A_1010, %dma_start3A_1012, %dma_start3A_1013] : memref<4x64x129xf32, #tpu.memory_space<vmem>> -> memref<1x8x128xf32, #tpu.memory_space<vmem>>
      %dma_start3A_1015 = tpu.memref_squeeze %dma_start3A_1014 : memref<1x8x128xf32, #tpu.memory_space<vmem>> -> memref<8x128xf32, #tpu.memory_space<vmem>>
      %dma_start3A_1016 = arith.constant 0 : i32
      %dma_start3A_1017 = arith.constant 0 : i32
      %dma_start3A_1018 = tpu.memref_slice %arg4[%add3A_881, %dma_start3A_1011, %add3A, %dma_start3A_1016, %dma_start3A_1017] : memref<200x8x32x8x128xf32, #tpu.memory_space<hbm>> -> memref<1x1x1x8x128xf32, #tpu.memory_space<hbm>>
      %dma_start3A_1019 = tpu.memref_squeeze %dma_start3A_1018 : memref<1x1x1x8x128xf32, #tpu.memory_space<hbm>> -> memref<8x128xf32, #tpu.memory_space<hbm>>
      %dma_start3A_1020 = arith.constant 0 : i32
      %dma_start3A_1021 = arith.constant 0 : i32
      %dma_start3A_1022 = tpu.memref_slice %arg4[%add3A_881, %dma_start3A_1011, %add3A, %dma_start3A_1020, %dma_start3A_1021] : memref<200x8x32x8x128xf32, #tpu.memory_space<hbm>> -> memref<1x1x1x8x128xf32, #tpu.memory_space<hbm>>
      %dma_start3A_1023 = tpu.memref_squeeze %dma_start3A_1022 : memref<1x1x1x8x128xf32, #tpu.memory_space<hbm>> -> memref<8x128xf32, #tpu.memory_space<hbm>>
      %dma_start3A_1024 = arith.constant 48 : i32
      %dma_start3A_1025 = arith.constant 0 : i32
      %dma_start3A_1026 = tpu.memref_slice %arg7[%dma_start3A_1010, %dma_start3A_1024, %dma_start3A_1025] : memref<4x64x129xf32, #tpu.memory_space<vmem>> -> memref<1x8x128xf32, #tpu.memory_space<vmem>>
      %dma_start3A_1027 = tpu.memref_squeeze %dma_start3A_1026 : memref<1x8x128xf32, #tpu.memory_space<vmem>> -> memref<8x128xf32, #tpu.memory_space<vmem>>
      tpu.enqueue_dma source(%dma_start3A_1027 : memref<8x128xf32, #tpu.memory_space<vmem>>) target(%dma_start3A_1023 : memref<8x128xf32, #tpu.memory_space<hbm>>) target_semaphore(%arg13 : memref<!tpu.dma_semaphore, #tpu.memory_space<semaphore_mem>>)
      %dma_start3A_1028 = arith.constant 1 : i32
      %dma_start3A_1029 = arith.constant 7 : i32
      %dma_start3A_1030 = arith.constant 56 : i32
      %dma_start3A_1031 = arith.constant 0 : i32
      %dma_start3A_1032 = tpu.memref_slice %arg7[%dma_start3A_1028, %dma_start3A_1030, %dma_start3A_1031] : memref<4x64x129xf32, #tpu.memory_space<vmem>> -> memref<1x8x128xf32, #tpu.memory_space<vmem>>
      %dma_start3A_1033 = tpu.memref_squeeze %dma_start3A_1032 : memref<1x8x128xf32, #tpu.memory_space<vmem>> -> memref<8x128xf32, #tpu.memory_space<vmem>>
      %dma_start3A_1034 = arith.constant 0 : i32
      %dma_start3A_1035 = arith.constant 0 : i32
      %dma_start3A_1036 = tpu.memref_slice %arg4[%add3A_881, %dma_start3A_1029, %add3A, %dma_start3A_1034, %dma_start3A_1035] : memref<200x8x32x8x128xf32, #tpu.memory_space<hbm>> -> memref<1x1x1x8x128xf32, #tpu.memory_space<hbm>>
      %dma_start3A_1037 = tpu.memref_squeeze %dma_start3A_1036 : memref<1x1x1x8x128xf32, #tpu.memory_space<hbm>> -> memref<8x128xf32, #tpu.memory_space<hbm>>
      %dma_start3A_1038 = arith.constant 0 : i32
      %dma_start3A_1039 = arith.constant 0 : i32
      %dma_start3A_1040 = tpu.memref_slice %arg4[%add3A_881, %dma_start3A_1029, %add3A, %dma_start3A_1038, %dma_start3A_1039] : memref<200x8x32x8x128xf32, #tpu.memory_space<hbm>> -> memref<1x1x1x8x128xf32, #tpu.memory_space<hbm>>
      %dma_start3A_1041 = tpu.memref_squeeze %dma_start3A_1040 : memref<1x1x1x8x128xf32, #tpu.memory_space<hbm>> -> memref<8x128xf32, #tpu.memory_space<hbm>>
      %dma_start3A_1042 = arith.constant 56 : i32
      %dma_start3A_1043 = arith.constant 0 : i32
      %dma_start3A_1044 = tpu.memref_slice %arg7[%dma_start3A_1028, %dma_start3A_1042, %dma_start3A_1043] : memref<4x64x129xf32, #tpu.memory_space<vmem>> -> memref<1x8x128xf32, #tpu.memory_space<vmem>>
      %dma_start3A_1045 = tpu.memref_squeeze %dma_start3A_1044 : memref<1x8x128xf32, #tpu.memory_space<vmem>> -> memref<8x128xf32, #tpu.memory_space<vmem>>
      tpu.enqueue_dma source(%dma_start3A_1045 : memref<8x128xf32, #tpu.memory_space<vmem>>) target(%dma_start3A_1041 : memref<8x128xf32, #tpu.memory_space<hbm>>) target_semaphore(%arg13 : memref<!tpu.dma_semaphore, #tpu.memory_space<semaphore_mem>>)
      %add3A_1046 = arith.constant 4 : i32
      %add3A_1047 = arith.addi %add3A_881, %add3A_1046 : i32
      %lt3A_1048 = arith.constant 200 : i32
      %lt3A_1049 = arith.cmpi slt, %add3A_1047, %lt3A_1048 : i32
      %convert_element_type3A_1050 = arith.extui %lt3A_1049 : i1 to i32
      %cond3A_1051 = arith.constant 0 : i32
      %cond3A_1052 = arith.cmpi ne, %convert_element_type3A_1050, %cond3A_1051 : i32
      scf.if %cond3A_1052 {
        %add3A_1399 = arith.constant 4 : i32
        %add3A_1400 = arith.addi %add3A_881, %add3A_1399 : i32
        %dma_start3A_1401 = arith.constant 1 : i32
        %dma_start3A_1402 = arith.constant 0 : i32
        %dma_start3A_1403 = arith.constant 0 : i32
        %dma_start3A_1404 = tpu.memref_slice %arg6[%dma_start3A_1401, %dma_start3A_1402, %dma_start3A_1403] : memref<4x128x64xf32, #tpu.memory_space<vmem>> -> memref<1x128x64xf32, #tpu.memory_space<vmem>>
        %dma_start3A_1405 = tpu.memref_squeeze %dma_start3A_1404 : memref<1x128x64xf32, #tpu.memory_space<vmem>> -> memref<128x64xf32, #tpu.memory_space<vmem>>
        %dma_start3A_1406 = arith.constant 0 : i32
        %dma_start3A_1407 = tpu.memref_slice %arg5[%add3A_1400, %dma_start3A_1406] : memref<200x128xi32, #tpu.memory_space<vmem>> -> memref<1x128xi32, #tpu.memory_space<vmem>>
        %dma_start3A_1408 = tpu.memref_squeeze %dma_start3A_1407 : memref<1x128xi32, #tpu.memory_space<vmem>> -> memref<128xi32, #tpu.memory_space<vmem>>
        %dma_start3A_1409 = arith.constant 0 : i32
        %dma_start3A_1410 = arith.constant 0 : i32
        %dma_start3A_1411 = tpu.memref_slice %arg3[%dma_start3A_1409, %dma_start3A_1410] : memref<1000000x64xf32, #tpu.memory_space<hbm>> -> memref<1000000x64xf32, #tpu.memory_space<hbm>>
        tpu.enqueue_indirect_dma source(%dma_start3A_1411 : memref<1000000x64xf32, #tpu.memory_space<hbm>>) target(%dma_start3A_1405 : memref<128x64xf32, #tpu.memory_space<vmem>>) offsets(%dma_start3A_1408 : memref<128xi32, #tpu.memory_space<vmem>>) semaphore(%arg9 : memref<!tpu.dma_semaphore, #tpu.memory_space<semaphore_mem>>)
      } else {
      }
      %add3A_1053 = arith.constant 2 : i32
      %add3A_1054 = arith.addi %mul3A_711, %add3A_1053 : i32
      %dma_wait3A_1055 = arith.constant 0 : i32
      %dma_wait3A_1056 = arith.constant 2 : i32
      %dma_wait3A_1057 = arith.constant 0 : i32
      %dma_wait3A_1058 = arith.constant 0 : i32
      %dma_wait3A_1059 = tpu.memref_slice %arg6[%dma_wait3A_1056, %dma_wait3A_1057, %dma_wait3A_1058] : memref<4x128x64xf32, #tpu.memory_space<vmem>> -> memref<1x128x64xf32, #tpu.memory_space<vmem>>
      %dma_wait3A_1060 = tpu.memref_squeeze %dma_wait3A_1059 : memref<1x128x64xf32, #tpu.memory_space<vmem>> -> memref<128x64xf32, #tpu.memory_space<vmem>>
      %dma_wait3A_1061 = arith.constant 0 : i32
      %dma_wait3A_1062 = tpu.memref_slice %arg5[%dma_wait3A_1055, %dma_wait3A_1061] : memref<200x128xi32, #tpu.memory_space<vmem>> -> memref<1x128xi32, #tpu.memory_space<vmem>>
      %dma_wait3A_1063 = tpu.memref_squeeze %dma_wait3A_1062 : memref<1x128xi32, #tpu.memory_space<vmem>> -> memref<128xi32, #tpu.memory_space<vmem>>
      %dma_wait3A_1064 = arith.constant 0 : i32
      %dma_wait3A_1065 = arith.constant 0 : i32
      %dma_wait3A_1066 = tpu.memref_slice %arg3[%dma_wait3A_1064, %dma_wait3A_1065] : memref<1000000x64xf32, #tpu.memory_space<hbm>> -> memref<1000000x64xf32, #tpu.memory_space<hbm>>
      tpu.wait_indirect_dma semaphore(%arg10 : memref<!tpu.dma_semaphore, #tpu.memory_space<semaphore_mem>>) src(%dma_wait3A_1066 : memref<1000000x64xf32, #tpu.memory_space<hbm>>) dst(%dma_wait3A_1060 : memref<128x64xf32, #tpu.memory_space<vmem>>)
      %ge3A_1067 = arith.constant 4 : i32
      %ge3A_1068 = arith.cmpi sge, %add3A_1054, %ge3A_1067 : i32
      %convert_element_type3A_1069 = arith.extui %ge3A_1068 : i1 to i32
      %cond3A_1070 = arith.constant 0 : i32
      %cond3A_1071 = arith.cmpi ne, %convert_element_type3A_1069, %cond3A_1070 : i32
      scf.if %cond3A_1071 {
        %dma_wait3A_1399 = arith.constant 2 : i32
        %dma_wait3A_1400 = arith.constant 0 : i32
        %dma_wait3A_1401 = arith.constant 0 : i32
        %dma_wait3A_1402 = arith.constant 0 : i32
        %dma_wait3A_1403 = arith.constant 0 : i32
        %dma_wait3A_1404 = arith.constant 0 : i32
        %dma_wait3A_1405 = tpu.memref_slice %arg7[%dma_wait3A_1399, %dma_wait3A_1403, %dma_wait3A_1404] : memref<4x64x129xf32, #tpu.memory_space<vmem>> -> memref<1x8x128xf32, #tpu.memory_space<vmem>>
        %dma_wait3A_1406 = tpu.memref_squeeze %dma_wait3A_1405 : memref<1x8x128xf32, #tpu.memory_space<vmem>> -> memref<8x128xf32, #tpu.memory_space<vmem>>
        %dma_wait3A_1407 = arith.constant 0 : i32
        %dma_wait3A_1408 = arith.constant 0 : i32
        %dma_wait3A_1409 = tpu.memref_slice %arg4[%dma_wait3A_1400, %dma_wait3A_1401, %dma_wait3A_1402, %dma_wait3A_1407, %dma_wait3A_1408] : memref<200x8x32x8x128xf32, #tpu.memory_space<hbm>> -> memref<1x1x1x8x128xf32, #tpu.memory_space<hbm>>
        %dma_wait3A_1410 = tpu.memref_squeeze %dma_wait3A_1409 : memref<1x1x1x8x128xf32, #tpu.memory_space<hbm>> -> memref<8x128xf32, #tpu.memory_space<hbm>>
        %dma_wait3A_1411 = arith.constant 0 : i32
        %dma_wait3A_1412 = arith.constant 0 : i32
        %dma_wait3A_1413 = tpu.memref_slice %arg4[%dma_wait3A_1400, %dma_wait3A_1401, %dma_wait3A_1402, %dma_wait3A_1411, %dma_wait3A_1412] : memref<200x8x32x8x128xf32, #tpu.memory_space<hbm>> -> memref<1x1x1x8x128xf32, #tpu.memory_space<hbm>>
        %dma_wait3A_1414 = tpu.memref_squeeze %dma_wait3A_1413 : memref<1x1x1x8x128xf32, #tpu.memory_space<hbm>> -> memref<8x128xf32, #tpu.memory_space<hbm>>
        %dma_wait3A_1415 = arith.constant 0 : i32
        %dma_wait3A_1416 = arith.constant 0 : i32
        %dma_wait3A_1417 = tpu.memref_slice %arg7[%dma_wait3A_1399, %dma_wait3A_1415, %dma_wait3A_1416] : memref<4x64x129xf32, #tpu.memory_space<vmem>> -> memref<1x8x128xf32, #tpu.memory_space<vmem>>
        %dma_wait3A_1418 = tpu.memref_squeeze %dma_wait3A_1417 : memref<1x8x128xf32, #tpu.memory_space<vmem>> -> memref<8x128xf32, #tpu.memory_space<vmem>>
        tpu.wait_dma2 semaphore(%arg14 : memref<!tpu.dma_semaphore, #tpu.memory_space<semaphore_mem>>) src(%dma_wait3A_1418 : memref<8x128xf32, #tpu.memory_space<vmem>>) dst(%dma_wait3A_1414 : memref<8x128xf32, #tpu.memory_space<hbm>>)
        %dma_wait3A_1419 = arith.constant 2 : i32
        %dma_wait3A_1420 = arith.constant 0 : i32
        %dma_wait3A_1421 = arith.constant 0 : i32
        %dma_wait3A_1422 = arith.constant 0 : i32
        %dma_wait3A_1423 = arith.constant 8 : i32
        %dma_wait3A_1424 = arith.constant 0 : i32
        %dma_wait3A_1425 = tpu.memref_slice %arg7[%dma_wait3A_1419, %dma_wait3A_1423, %dma_wait3A_1424] : memref<4x64x129xf32, #tpu.memory_space<vmem>> -> memref<1x8x128xf32, #tpu.memory_space<vmem>>
        %dma_wait3A_1426 = tpu.memref_squeeze %dma_wait3A_1425 : memref<1x8x128xf32, #tpu.memory_space<vmem>> -> memref<8x128xf32, #tpu.memory_space<vmem>>
        %dma_wait3A_1427 = arith.constant 0 : i32
        %dma_wait3A_1428 = arith.constant 0 : i32
        %dma_wait3A_1429 = tpu.memref_slice %arg4[%dma_wait3A_1420, %dma_wait3A_1421, %dma_wait3A_1422, %dma_wait3A_1427, %dma_wait3A_1428] : memref<200x8x32x8x128xf32, #tpu.memory_space<hbm>> -> memref<1x1x1x8x128xf32, #tpu.memory_space<hbm>>
        %dma_wait3A_1430 = tpu.memref_squeeze %dma_wait3A_1429 : memref<1x1x1x8x128xf32, #tpu.memory_space<hbm>> -> memref<8x128xf32, #tpu.memory_space<hbm>>
        %dma_wait3A_1431 = arith.constant 0 : i32
        %dma_wait3A_1432 = arith.constant 0 : i32
        %dma_wait3A_1433 = tpu.memref_slice %arg4[%dma_wait3A_1420, %dma_wait3A_1421, %dma_wait3A_1422, %dma_wait3A_1431, %dma_wait3A_1432] : memref<200x8x32x8x128xf32, #tpu.memory_space<hbm>> -> memref<1x1x1x8x128xf32, #tpu.memory_space<hbm>>
        %dma_wait3A_1434 = tpu.memref_squeeze %dma_wait3A_1433 : memref<1x1x1x8x128xf32, #tpu.memory_space<hbm>> -> memref<8x128xf32, #tpu.memory_space<hbm>>
        %dma_wait3A_1435 = arith.constant 8 : i32
        %dma_wait3A_1436 = arith.constant 0 : i32
        %dma_wait3A_1437 = tpu.memref_slice %arg7[%dma_wait3A_1419, %dma_wait3A_1435, %dma_wait3A_1436] : memref<4x64x129xf32, #tpu.memory_space<vmem>> -> memref<1x8x128xf32, #tpu.memory_space<vmem>>
        %dma_wait3A_1438 = tpu.memref_squeeze %dma_wait3A_1437 : memref<1x8x128xf32, #tpu.memory_space<vmem>> -> memref<8x128xf32, #tpu.memory_space<vmem>>
        tpu.wait_dma2 semaphore(%arg14 : memref<!tpu.dma_semaphore, #tpu.memory_space<semaphore_mem>>) src(%dma_wait3A_1438 : memref<8x128xf32, #tpu.memory_space<vmem>>) dst(%dma_wait3A_1434 : memref<8x128xf32, #tpu.memory_space<hbm>>)
        %dma_wait3A_1439 = arith.constant 2 : i32
        %dma_wait3A_1440 = arith.constant 0 : i32
        %dma_wait3A_1441 = arith.constant 0 : i32
        %dma_wait3A_1442 = arith.constant 0 : i32
        %dma_wait3A_1443 = arith.constant 16 : i32
        %dma_wait3A_1444 = arith.constant 0 : i32
        %dma_wait3A_1445 = tpu.memref_slice %arg7[%dma_wait3A_1439, %dma_wait3A_1443, %dma_wait3A_1444] : memref<4x64x129xf32, #tpu.memory_space<vmem>> -> memref<1x8x128xf32, #tpu.memory_space<vmem>>
        %dma_wait3A_1446 = tpu.memref_squeeze %dma_wait3A_1445 : memref<1x8x128xf32, #tpu.memory_space<vmem>> -> memref<8x128xf32, #tpu.memory_space<vmem>>
        %dma_wait3A_1447 = arith.constant 0 : i32
        %dma_wait3A_1448 = arith.constant 0 : i32
        %dma_wait3A_1449 = tpu.memref_slice %arg4[%dma_wait3A_1440, %dma_wait3A_1441, %dma_wait3A_1442, %dma_wait3A_1447, %dma_wait3A_1448] : memref<200x8x32x8x128xf32, #tpu.memory_space<hbm>> -> memref<1x1x1x8x128xf32, #tpu.memory_space<hbm>>
        %dma_wait3A_1450 = tpu.memref_squeeze %dma_wait3A_1449 : memref<1x1x1x8x128xf32, #tpu.memory_space<hbm>> -> memref<8x128xf32, #tpu.memory_space<hbm>>
        %dma_wait3A_1451 = arith.constant 0 : i32
        %dma_wait3A_1452 = arith.constant 0 : i32
        %dma_wait3A_1453 = tpu.memref_slice %arg4[%dma_wait3A_1440, %dma_wait3A_1441, %dma_wait3A_1442, %dma_wait3A_1451, %dma_wait3A_1452] : memref<200x8x32x8x128xf32, #tpu.memory_space<hbm>> -> memref<1x1x1x8x128xf32, #tpu.memory_space<hbm>>
        %dma_wait3A_1454 = tpu.memref_squeeze %dma_wait3A_1453 : memref<1x1x1x8x128xf32, #tpu.memory_space<hbm>> -> memref<8x128xf32, #tpu.memory_space<hbm>>
        %dma_wait3A_1455 = arith.constant 16 : i32
        %dma_wait3A_1456 = arith.constant 0 : i32
        %dma_wait3A_1457 = tpu.memref_slice %arg7[%dma_wait3A_1439, %dma_wait3A_1455, %dma_wait3A_1456] : memref<4x64x129xf32, #tpu.memory_space<vmem>> -> memref<1x8x128xf32, #tpu.memory_space<vmem>>
        %dma_wait3A_1458 = tpu.memref_squeeze %dma_wait3A_1457 : memref<1x8x128xf32, #tpu.memory_space<vmem>> -> memref<8x128xf32, #tpu.memory_space<vmem>>
        tpu.wait_dma2 semaphore(%arg14 : memref<!tpu.dma_semaphore, #tpu.memory_space<semaphore_mem>>) src(%dma_wait3A_1458 : memref<8x128xf32, #tpu.memory_space<vmem>>) dst(%dma_wait3A_1454 : memref<8x128xf32, #tpu.memory_space<hbm>>)
        %dma_wait3A_1459 = arith.constant 2 : i32
        %dma_wait3A_1460 = arith.constant 0 : i32
        %dma_wait3A_1461 = arith.constant 0 : i32
        %dma_wait3A_1462 = arith.constant 0 : i32
        %dma_wait3A_1463 = arith.constant 24 : i32
        %dma_wait3A_1464 = arith.constant 0 : i32
        %dma_wait3A_1465 = tpu.memref_slice %arg7[%dma_wait3A_1459, %dma_wait3A_1463, %dma_wait3A_1464] : memref<4x64x129xf32, #tpu.memory_space<vmem>> -> memref<1x8x128xf32, #tpu.memory_space<vmem>>
        %dma_wait3A_1466 = tpu.memref_squeeze %dma_wait3A_1465 : memref<1x8x128xf32, #tpu.memory_space<vmem>> -> memref<8x128xf32, #tpu.memory_space<vmem>>
        %dma_wait3A_1467 = arith.constant 0 : i32
        %dma_wait3A_1468 = arith.constant 0 : i32
        %dma_wait3A_1469 = tpu.memref_slice %arg4[%dma_wait3A_1460, %dma_wait3A_1461, %dma_wait3A_1462, %dma_wait3A_1467, %dma_wait3A_1468] : memref<200x8x32x8x128xf32, #tpu.memory_space<hbm>> -> memref<1x1x1x8x128xf32, #tpu.memory_space<hbm>>
        %dma_wait3A_1470 = tpu.memref_squeeze %dma_wait3A_1469 : memref<1x1x1x8x128xf32, #tpu.memory_space<hbm>> -> memref<8x128xf32, #tpu.memory_space<hbm>>
        %dma_wait3A_1471 = arith.constant 0 : i32
        %dma_wait3A_1472 = arith.constant 0 : i32
        %dma_wait3A_1473 = tpu.memref_slice %arg4[%dma_wait3A_1460, %dma_wait3A_1461, %dma_wait3A_1462, %dma_wait3A_1471, %dma_wait3A_1472] : memref<200x8x32x8x128xf32, #tpu.memory_space<hbm>> -> memref<1x1x1x8x128xf32, #tpu.memory_space<hbm>>
        %dma_wait3A_1474 = tpu.memref_squeeze %dma_wait3A_1473 : memref<1x1x1x8x128xf32, #tpu.memory_space<hbm>> -> memref<8x128xf32, #tpu.memory_space<hbm>>
        %dma_wait3A_1475 = arith.constant 24 : i32
        %dma_wait3A_1476 = arith.constant 0 : i32
        %dma_wait3A_1477 = tpu.memref_slice %arg7[%dma_wait3A_1459, %dma_wait3A_1475, %dma_wait3A_1476] : memref<4x64x129xf32, #tpu.memory_space<vmem>> -> memref<1x8x128xf32, #tpu.memory_space<vmem>>
        %dma_wait3A_1478 = tpu.memref_squeeze %dma_wait3A_1477 : memref<1x8x128xf32, #tpu.memory_space<vmem>> -> memref<8x128xf32, #tpu.memory_space<vmem>>
        tpu.wait_dma2 semaphore(%arg14 : memref<!tpu.dma_semaphore, #tpu.memory_space<semaphore_mem>>) src(%dma_wait3A_1478 : memref<8x128xf32, #tpu.memory_space<vmem>>) dst(%dma_wait3A_1474 : memref<8x128xf32, #tpu.memory_space<hbm>>)
        %dma_wait3A_1479 = arith.constant 2 : i32
        %dma_wait3A_1480 = arith.constant 0 : i32
        %dma_wait3A_1481 = arith.constant 0 : i32
        %dma_wait3A_1482 = arith.constant 0 : i32
        %dma_wait3A_1483 = arith.constant 32 : i32
        %dma_wait3A_1484 = arith.constant 0 : i32
        %dma_wait3A_1485 = tpu.memref_slice %arg7[%dma_wait3A_1479, %dma_wait3A_1483, %dma_wait3A_1484] : memref<4x64x129xf32, #tpu.memory_space<vmem>> -> memref<1x8x128xf32, #tpu.memory_space<vmem>>
        %dma_wait3A_1486 = tpu.memref_squeeze %dma_wait3A_1485 : memref<1x8x128xf32, #tpu.memory_space<vmem>> -> memref<8x128xf32, #tpu.memory_space<vmem>>
        %dma_wait3A_1487 = arith.constant 0 : i32
        %dma_wait3A_1488 = arith.constant 0 : i32
        %dma_wait3A_1489 = tpu.memref_slice %arg4[%dma_wait3A_1480, %dma_wait3A_1481, %dma_wait3A_1482, %dma_wait3A_1487, %dma_wait3A_1488] : memref<200x8x32x8x128xf32, #tpu.memory_space<hbm>> -> memref<1x1x1x8x128xf32, #tpu.memory_space<hbm>>
        %dma_wait3A_1490 = tpu.memref_squeeze %dma_wait3A_1489 : memref<1x1x1x8x128xf32, #tpu.memory_space<hbm>> -> memref<8x128xf32, #tpu.memory_space<hbm>>
        %dma_wait3A_1491 = arith.constant 0 : i32
        %dma_wait3A_1492 = arith.constant 0 : i32
        %dma_wait3A_1493 = tpu.memref_slice %arg4[%dma_wait3A_1480, %dma_wait3A_1481, %dma_wait3A_1482, %dma_wait3A_1491, %dma_wait3A_1492] : memref<200x8x32x8x128xf32, #tpu.memory_space<hbm>> -> memref<1x1x1x8x128xf32, #tpu.memory_space<hbm>>
        %dma_wait3A_1494 = tpu.memref_squeeze %dma_wait3A_1493 : memref<1x1x1x8x128xf32, #tpu.memory_space<hbm>> -> memref<8x128xf32, #tpu.memory_space<hbm>>
        %dma_wait3A_1495 = arith.constant 32 : i32
        %dma_wait3A_1496 = arith.constant 0 : i32
        %dma_wait3A_1497 = tpu.memref_slice %arg7[%dma_wait3A_1479, %dma_wait3A_1495, %dma_wait3A_1496] : memref<4x64x129xf32, #tpu.memory_space<vmem>> -> memref<1x8x128xf32, #tpu.memory_space<vmem>>
        %dma_wait3A_1498 = tpu.memref_squeeze %dma_wait3A_1497 : memref<1x8x128xf32, #tpu.memory_space<vmem>> -> memref<8x128xf32, #tpu.memory_space<vmem>>
        tpu.wait_dma2 semaphore(%arg14 : memref<!tpu.dma_semaphore, #tpu.memory_space<semaphore_mem>>) src(%dma_wait3A_1498 : memref<8x128xf32, #tpu.memory_space<vmem>>) dst(%dma_wait3A_1494 : memref<8x128xf32, #tpu.memory_space<hbm>>)
        %dma_wait3A_1499 = arith.constant 2 : i32
        %dma_wait3A_1500 = arith.constant 0 : i32
        %dma_wait3A_1501 = arith.constant 0 : i32
        %dma_wait3A_1502 = arith.constant 0 : i32
        %dma_wait3A_1503 = arith.constant 40 : i32
        %dma_wait3A_1504 = arith.constant 0 : i32
        %dma_wait3A_1505 = tpu.memref_slice %arg7[%dma_wait3A_1499, %dma_wait3A_1503, %dma_wait3A_1504] : memref<4x64x129xf32, #tpu.memory_space<vmem>> -> memref<1x8x128xf32, #tpu.memory_space<vmem>>
        %dma_wait3A_1506 = tpu.memref_squeeze %dma_wait3A_1505 : memref<1x8x128xf32, #tpu.memory_space<vmem>> -> memref<8x128xf32, #tpu.memory_space<vmem>>
        %dma_wait3A_1507 = arith.constant 0 : i32
        %dma_wait3A_1508 = arith.constant 0 : i32
        %dma_wait3A_1509 = tpu.memref_slice %arg4[%dma_wait3A_1500, %dma_wait3A_1501, %dma_wait3A_1502, %dma_wait3A_1507, %dma_wait3A_1508] : memref<200x8x32x8x128xf32, #tpu.memory_space<hbm>> -> memref<1x1x1x8x128xf32, #tpu.memory_space<hbm>>
        %dma_wait3A_1510 = tpu.memref_squeeze %dma_wait3A_1509 : memref<1x1x1x8x128xf32, #tpu.memory_space<hbm>> -> memref<8x128xf32, #tpu.memory_space<hbm>>
        %dma_wait3A_1511 = arith.constant 0 : i32
        %dma_wait3A_1512 = arith.constant 0 : i32
        %dma_wait3A_1513 = tpu.memref_slice %arg4[%dma_wait3A_1500, %dma_wait3A_1501, %dma_wait3A_1502, %dma_wait3A_1511, %dma_wait3A_1512] : memref<200x8x32x8x128xf32, #tpu.memory_space<hbm>> -> memref<1x1x1x8x128xf32, #tpu.memory_space<hbm>>
        %dma_wait3A_1514 = tpu.memref_squeeze %dma_wait3A_1513 : memref<1x1x1x8x128xf32, #tpu.memory_space<hbm>> -> memref<8x128xf32, #tpu.memory_space<hbm>>
        %dma_wait3A_1515 = arith.constant 40 : i32
        %dma_wait3A_1516 = arith.constant 0 : i32
        %dma_wait3A_1517 = tpu.memref_slice %arg7[%dma_wait3A_1499, %dma_wait3A_1515, %dma_wait3A_1516] : memref<4x64x129xf32, #tpu.memory_space<vmem>> -> memref<1x8x128xf32, #tpu.memory_space<vmem>>
        %dma_wait3A_1518 = tpu.memref_squeeze %dma_wait3A_1517 : memref<1x8x128xf32, #tpu.memory_space<vmem>> -> memref<8x128xf32, #tpu.memory_space<vmem>>
        tpu.wait_dma2 semaphore(%arg14 : memref<!tpu.dma_semaphore, #tpu.memory_space<semaphore_mem>>) src(%dma_wait3A_1518 : memref<8x128xf32, #tpu.memory_space<vmem>>) dst(%dma_wait3A_1514 : memref<8x128xf32, #tpu.memory_space<hbm>>)
        %dma_wait3A_1519 = arith.constant 2 : i32
        %dma_wait3A_1520 = arith.constant 0 : i32
        %dma_wait3A_1521 = arith.constant 0 : i32
        %dma_wait3A_1522 = arith.constant 0 : i32
        %dma_wait3A_1523 = arith.constant 48 : i32
        %dma_wait3A_1524 = arith.constant 0 : i32
        %dma_wait3A_1525 = tpu.memref_slice %arg7[%dma_wait3A_1519, %dma_wait3A_1523, %dma_wait3A_1524] : memref<4x64x129xf32, #tpu.memory_space<vmem>> -> memref<1x8x128xf32, #tpu.memory_space<vmem>>
        %dma_wait3A_1526 = tpu.memref_squeeze %dma_wait3A_1525 : memref<1x8x128xf32, #tpu.memory_space<vmem>> -> memref<8x128xf32, #tpu.memory_space<vmem>>
        %dma_wait3A_1527 = arith.constant 0 : i32
        %dma_wait3A_1528 = arith.constant 0 : i32
        %dma_wait3A_1529 = tpu.memref_slice %arg4[%dma_wait3A_1520, %dma_wait3A_1521, %dma_wait3A_1522, %dma_wait3A_1527, %dma_wait3A_1528] : memref<200x8x32x8x128xf32, #tpu.memory_space<hbm>> -> memref<1x1x1x8x128xf32, #tpu.memory_space<hbm>>
        %dma_wait3A_1530 = tpu.memref_squeeze %dma_wait3A_1529 : memref<1x1x1x8x128xf32, #tpu.memory_space<hbm>> -> memref<8x128xf32, #tpu.memory_space<hbm>>
        %dma_wait3A_1531 = arith.constant 0 : i32
        %dma_wait3A_1532 = arith.constant 0 : i32
        %dma_wait3A_1533 = tpu.memref_slice %arg4[%dma_wait3A_1520, %dma_wait3A_1521, %dma_wait3A_1522, %dma_wait3A_1531, %dma_wait3A_1532] : memref<200x8x32x8x128xf32, #tpu.memory_space<hbm>> -> memref<1x1x1x8x128xf32, #tpu.memory_space<hbm>>
        %dma_wait3A_1534 = tpu.memref_squeeze %dma_wait3A_1533 : memref<1x1x1x8x128xf32, #tpu.memory_space<hbm>> -> memref<8x128xf32, #tpu.memory_space<hbm>>
        %dma_wait3A_1535 = arith.constant 48 : i32
        %dma_wait3A_1536 = arith.constant 0 : i32
        %dma_wait3A_1537 = tpu.memref_slice %arg7[%dma_wait3A_1519, %dma_wait3A_1535, %dma_wait3A_1536] : memref<4x64x129xf32, #tpu.memory_space<vmem>> -> memref<1x8x128xf32, #tpu.memory_space<vmem>>
        %dma_wait3A_1538 = tpu.memref_squeeze %dma_wait3A_1537 : memref<1x8x128xf32, #tpu.memory_space<vmem>> -> memref<8x128xf32, #tpu.memory_space<vmem>>
        tpu.wait_dma2 semaphore(%arg14 : memref<!tpu.dma_semaphore, #tpu.memory_space<semaphore_mem>>) src(%dma_wait3A_1538 : memref<8x128xf32, #tpu.memory_space<vmem>>) dst(%dma_wait3A_1534 : memref<8x128xf32, #tpu.memory_space<hbm>>)
        %dma_wait3A_1539 = arith.constant 2 : i32
        %dma_wait3A_1540 = arith.constant 0 : i32
        %dma_wait3A_1541 = arith.constant 0 : i32
        %dma_wait3A_1542 = arith.constant 0 : i32
        %dma_wait3A_1543 = arith.constant 56 : i32
        %dma_wait3A_1544 = arith.constant 0 : i32
        %dma_wait3A_1545 = tpu.memref_slice %arg7[%dma_wait3A_1539, %dma_wait3A_1543, %dma_wait3A_1544] : memref<4x64x129xf32, #tpu.memory_space<vmem>> -> memref<1x8x128xf32, #tpu.memory_space<vmem>>
        %dma_wait3A_1546 = tpu.memref_squeeze %dma_wait3A_1545 : memref<1x8x128xf32, #tpu.memory_space<vmem>> -> memref<8x128xf32, #tpu.memory_space<vmem>>
        %dma_wait3A_1547 = arith.constant 0 : i32
        %dma_wait3A_1548 = arith.constant 0 : i32
        %dma_wait3A_1549 = tpu.memref_slice %arg4[%dma_wait3A_1540, %dma_wait3A_1541, %dma_wait3A_1542, %dma_wait3A_1547, %dma_wait3A_1548] : memref<200x8x32x8x128xf32, #tpu.memory_space<hbm>> -> memref<1x1x1x8x128xf32, #tpu.memory_space<hbm>>
        %dma_wait3A_1550 = tpu.memref_squeeze %dma_wait3A_1549 : memref<1x1x1x8x128xf32, #tpu.memory_space<hbm>> -> memref<8x128xf32, #tpu.memory_space<hbm>>
        %dma_wait3A_1551 = arith.constant 0 : i32
        %dma_wait3A_1552 = arith.constant 0 : i32
        %dma_wait3A_1553 = tpu.memref_slice %arg4[%dma_wait3A_1540, %dma_wait3A_1541, %dma_wait3A_1542, %dma_wait3A_1551, %dma_wait3A_1552] : memref<200x8x32x8x128xf32, #tpu.memory_space<hbm>> -> memref<1x1x1x8x128xf32, #tpu.memory_space<hbm>>
        %dma_wait3A_1554 = tpu.memref_squeeze %dma_wait3A_1553 : memref<1x1x1x8x128xf32, #tpu.memory_space<hbm>> -> memref<8x128xf32, #tpu.memory_space<hbm>>
        %dma_wait3A_1555 = arith.constant 56 : i32
        %dma_wait3A_1556 = arith.constant 0 : i32
        %dma_wait3A_1557 = tpu.memref_slice %arg7[%dma_wait3A_1539, %dma_wait3A_1555, %dma_wait3A_1556] : memref<4x64x129xf32, #tpu.memory_space<vmem>> -> memref<1x8x128xf32, #tpu.memory_space<vmem>>
        %dma_wait3A_1558 = tpu.memref_squeeze %dma_wait3A_1557 : memref<1x8x128xf32, #tpu.memory_space<vmem>> -> memref<8x128xf32, #tpu.memory_space<vmem>>
        tpu.wait_dma2 semaphore(%arg14 : memref<!tpu.dma_semaphore, #tpu.memory_space<semaphore_mem>>) src(%dma_wait3A_1558 : memref<8x128xf32, #tpu.memory_space<vmem>>) dst(%dma_wait3A_1554 : memref<8x128xf32, #tpu.memory_space<hbm>>)
      } else {
      }
      %parallel_loop3A_1072 = arith.constant 0 : i32
      %parallel_loop3A_1073 = arith.constant 128 : i32
      %parallel_loop3A_1074 = arith.constant 1 : i32
      scf.for %parallel_loop3A_1399 = %parallel_loop3A_1072 to %parallel_loop3A_1073 step %parallel_loop3A_1074  : i32 {
        %parallel_loop3A_1400 = vector.broadcast %parallel_loop3A_1399 : i32 to vector<16xi32>
        %parallel_loop3A_1401 = arith.constant 2 : i32
        %parallel_loop3A_1402 = arith.index_cast %parallel_loop3A_1401 : i32 to index
        %parallel_loop3A_1403 = arith.index_cast %parallel_loop3A_1399 : i32 to index
        %parallel_loop3A_1404 = arith.constant 0 : index
        %parallel_loop3A_1405 = tpu.vector_load %arg6[%parallel_loop3A_1402, %parallel_loop3A_1403, %parallel_loop3A_1404] {strides = array<i32>} : memref<4x128x64xf32, #tpu.memory_space<vmem>>, vector<16xf32>,
        %parallel_loop3A_1406 = arith.constant 8.000000e+00 : f32
        %parallel_loop3A_1407 = vector.broadcast %parallel_loop3A_1406 : f32 to vector<16xf32>
        %parallel_loop3A_1408 = arith.mulf %parallel_loop3A_1405, %parallel_loop3A_1407 : vector<16xf32>
        %parallel_loop3A_1409 = arith.constant 2 : i32
        %parallel_loop3A_1410 = arith.constant 0 : i32
        %parallel_loop3A_1411 = arith.constant 0 : i32
        %parallel_loop3A_1412 = tpu.memref_slice %arg7[%parallel_loop3A_1409, %parallel_loop3A_1410, %parallel_loop3A_1411] : memref<4x64x129xf32, #tpu.memory_space<vmem>> -> memref<1x64x129xf32, #tpu.memory_space<vmem>>
        %parallel_loop3A_1413 = tpu.memref_squeeze %parallel_loop3A_1412 : memref<1x64x129xf32, #tpu.memory_space<vmem>> -> memref<64x129xf32, #tpu.memory_space<vmem>>
        tpu.vector_store_idx %parallel_loop3A_1413[%add3A_52, %parallel_loop3A_1400], %parallel_loop3A_1408 : memref<64x129xf32, #tpu.memory_space<vmem>>[vector<16xi32>, vector<16xi32>], vector<16xf32>,
        %parallel_loop3A_1414 = arith.constant 2 : i32
        %parallel_loop3A_1415 = arith.index_cast %parallel_loop3A_1414 : i32 to index
        %parallel_loop3A_1416 = arith.index_cast %parallel_loop3A_1399 : i32 to index
        %parallel_loop3A_1417 = arith.constant 16 : index
        %parallel_loop3A_1418 = tpu.vector_load %arg6[%parallel_loop3A_1415, %parallel_loop3A_1416, %parallel_loop3A_1417] {strides = array<i32>} : memref<4x128x64xf32, #tpu.memory_space<vmem>>, vector<16xf32>,
        %parallel_loop3A_1419 = arith.constant 8.000000e+00 : f32
        %parallel_loop3A_1420 = vector.broadcast %parallel_loop3A_1419 : f32 to vector<16xf32>
        %parallel_loop3A_1421 = arith.mulf %parallel_loop3A_1418, %parallel_loop3A_1420 : vector<16xf32>
        %parallel_loop3A_1422 = arith.constant 2 : i32
        %parallel_loop3A_1423 = arith.constant 0 : i32
        %parallel_loop3A_1424 = arith.constant 0 : i32
        %parallel_loop3A_1425 = tpu.memref_slice %arg7[%parallel_loop3A_1422, %parallel_loop3A_1423, %parallel_loop3A_1424] : memref<4x64x129xf32, #tpu.memory_space<vmem>> -> memref<1x64x129xf32, #tpu.memory_space<vmem>>
        %parallel_loop3A_1426 = tpu.memref_squeeze %parallel_loop3A_1425 : memref<1x64x129xf32, #tpu.memory_space<vmem>> -> memref<64x129xf32, #tpu.memory_space<vmem>>
        tpu.vector_store_idx %parallel_loop3A_1426[%add3A_56, %parallel_loop3A_1400], %parallel_loop3A_1421 : memref<64x129xf32, #tpu.memory_space<vmem>>[vector<16xi32>, vector<16xi32>], vector<16xf32>,
        %parallel_loop3A_1427 = arith.constant 2 : i32
        %parallel_loop3A_1428 = arith.index_cast %parallel_loop3A_1427 : i32 to index
        %parallel_loop3A_1429 = arith.index_cast %parallel_loop3A_1399 : i32 to index
        %parallel_loop3A_1430 = arith.constant 32 : index
        %parallel_loop3A_1431 = tpu.vector_load %arg6[%parallel_loop3A_1428, %parallel_loop3A_1429, %parallel_loop3A_1430] {strides = array<i32>} : memref<4x128x64xf32, #tpu.memory_space<vmem>>, vector<16xf32>,
        %parallel_loop3A_1432 = arith.constant 8.000000e+00 : f32
        %parallel_loop3A_1433 = vector.broadcast %parallel_loop3A_1432 : f32 to vector<16xf32>
        %parallel_loop3A_1434 = arith.mulf %parallel_loop3A_1431, %parallel_loop3A_1433 : vector<16xf32>
        %parallel_loop3A_1435 = arith.constant 2 : i32
        %parallel_loop3A_1436 = arith.constant 0 : i32
        %parallel_loop3A_1437 = arith.constant 0 : i32
        %parallel_loop3A_1438 = tpu.memref_slice %arg7[%parallel_loop3A_1435, %parallel_loop3A_1436, %parallel_loop3A_1437] : memref<4x64x129xf32, #tpu.memory_space<vmem>> -> memref<1x64x129xf32, #tpu.memory_space<vmem>>
        %parallel_loop3A_1439 = tpu.memref_squeeze %parallel_loop3A_1438 : memref<1x64x129xf32, #tpu.memory_space<vmem>> -> memref<64x129xf32, #tpu.memory_space<vmem>>
        tpu.vector_store_idx %parallel_loop3A_1439[%add3A_60, %parallel_loop3A_1400], %parallel_loop3A_1434 : memref<64x129xf32, #tpu.memory_space<vmem>>[vector<16xi32>, vector<16xi32>], vector<16xf32>,
        %parallel_loop3A_1440 = arith.constant 2 : i32
        %parallel_loop3A_1441 = arith.index_cast %parallel_loop3A_1440 : i32 to index
        %parallel_loop3A_1442 = arith.index_cast %parallel_loop3A_1399 : i32 to index
        %parallel_loop3A_1443 = arith.constant 48 : index
        %parallel_loop3A_1444 = tpu.vector_load %arg6[%parallel_loop3A_1441, %parallel_loop3A_1442, %parallel_loop3A_1443] {strides = array<i32>} : memref<4x128x64xf32, #tpu.memory_space<vmem>>, vector<16xf32>,
        %parallel_loop3A_1445 = arith.constant 8.000000e+00 : f32
        %parallel_loop3A_1446 = vector.broadcast %parallel_loop3A_1445 : f32 to vector<16xf32>
        %parallel_loop3A_1447 = arith.mulf %parallel_loop3A_1444, %parallel_loop3A_1446 : vector<16xf32>
        %parallel_loop3A_1448 = arith.constant 2 : i32
        %parallel_loop3A_1449 = arith.constant 0 : i32
        %parallel_loop3A_1450 = arith.constant 0 : i32
        %parallel_loop3A_1451 = tpu.memref_slice %arg7[%parallel_loop3A_1448, %parallel_loop3A_1449, %parallel_loop3A_1450] : memref<4x64x129xf32, #tpu.memory_space<vmem>> -> memref<1x64x129xf32, #tpu.memory_space<vmem>>
        %parallel_loop3A_1452 = tpu.memref_squeeze %parallel_loop3A_1451 : memref<1x64x129xf32, #tpu.memory_space<vmem>> -> memref<64x129xf32, #tpu.memory_space<vmem>>
        tpu.vector_store_idx %parallel_loop3A_1452[%add3A_64, %parallel_loop3A_1400], %parallel_loop3A_1447 : memref<64x129xf32, #tpu.memory_space<vmem>>[vector<16xi32>, vector<16xi32>], vector<16xf32>,
      } {sc.loop_unroll_factor = 4 : i64, sc.parallel_access}
      %dma_start3A_1075 = arith.constant 2 : i32
      %dma_start3A_1076 = arith.constant 0 : i32
      %dma_start3A_1077 = arith.constant 0 : i32
      %dma_start3A_1078 = arith.constant 0 : i32
      %dma_start3A_1079 = tpu.memref_slice %arg7[%dma_start3A_1075, %dma_start3A_1077, %dma_start3A_1078] : memref<4x64x129xf32, #tpu.memory_space<vmem>> -> memref<1x8x128xf32, #tpu.memory_space<vmem>>
      %dma_start3A_1080 = tpu.memref_squeeze %dma_start3A_1079 : memref<1x8x128xf32, #tpu.memory_space<vmem>> -> memref<8x128xf32, #tpu.memory_space<vmem>>
      %dma_start3A_1081 = arith.constant 0 : i32
      %dma_start3A_1082 = arith.constant 0 : i32
      %dma_start3A_1083 = tpu.memref_slice %arg4[%add3A_1054, %dma_start3A_1076, %add3A, %dma_start3A_1081, %dma_start3A_1082] : memref<200x8x32x8x128xf32, #tpu.memory_space<hbm>> -> memref<1x1x1x8x128xf32, #tpu.memory_space<hbm>>
      %dma_start3A_1084 = tpu.memref_squeeze %dma_start3A_1083 : memref<1x1x1x8x128xf32, #tpu.memory_space<hbm>> -> memref<8x128xf32, #tpu.memory_space<hbm>>
      %dma_start3A_1085 = arith.constant 0 : i32
      %dma_start3A_1086 = arith.constant 0 : i32
      %dma_start3A_1087 = tpu.memref_slice %arg4[%add3A_1054, %dma_start3A_1076, %add3A, %dma_start3A_1085, %dma_start3A_1086] : memref<200x8x32x8x128xf32, #tpu.memory_space<hbm>> -> memref<1x1x1x8x128xf32, #tpu.memory_space<hbm>>
      %dma_start3A_1088 = tpu.memref_squeeze %dma_start3A_1087 : memref<1x1x1x8x128xf32, #tpu.memory_space<hbm>> -> memref<8x128xf32, #tpu.memory_space<hbm>>
      %dma_start3A_1089 = arith.constant 0 : i32
      %dma_start3A_1090 = arith.constant 0 : i32
      %dma_start3A_1091 = tpu.memref_slice %arg7[%dma_start3A_1075, %dma_start3A_1089, %dma_start3A_1090] : memref<4x64x129xf32, #tpu.memory_space<vmem>> -> memref<1x8x128xf32, #tpu.memory_space<vmem>>
      %dma_start3A_1092 = tpu.memref_squeeze %dma_start3A_1091 : memref<1x8x128xf32, #tpu.memory_space<vmem>> -> memref<8x128xf32, #tpu.memory_space<vmem>>
      tpu.enqueue_dma source(%dma_start3A_1092 : memref<8x128xf32, #tpu.memory_space<vmem>>) target(%dma_start3A_1088 : memref<8x128xf32, #tpu.memory_space<hbm>>) target_semaphore(%arg14 : memref<!tpu.dma_semaphore, #tpu.memory_space<semaphore_mem>>)
      %dma_start3A_1093 = arith.constant 2 : i32
      %dma_start3A_1094 = arith.constant 1 : i32
      %dma_start3A_1095 = arith.constant 8 : i32
      %dma_start3A_1096 = arith.constant 0 : i32
      %dma_start3A_1097 = tpu.memref_slice %arg7[%dma_start3A_1093, %dma_start3A_1095, %dma_start3A_1096] : memref<4x64x129xf32, #tpu.memory_space<vmem>> -> memref<1x8x128xf32, #tpu.memory_space<vmem>>
      %dma_start3A_1098 = tpu.memref_squeeze %dma_start3A_1097 : memref<1x8x128xf32, #tpu.memory_space<vmem>> -> memref<8x128xf32, #tpu.memory_space<vmem>>
      %dma_start3A_1099 = arith.constant 0 : i32
      %dma_start3A_1100 = arith.constant 0 : i32
      %dma_start3A_1101 = tpu.memref_slice %arg4[%add3A_1054, %dma_start3A_1094, %add3A, %dma_start3A_1099, %dma_start3A_1100] : memref<200x8x32x8x128xf32, #tpu.memory_space<hbm>> -> memref<1x1x1x8x128xf32, #tpu.memory_space<hbm>>
      %dma_start3A_1102 = tpu.memref_squeeze %dma_start3A_1101 : memref<1x1x1x8x128xf32, #tpu.memory_space<hbm>> -> memref<8x128xf32, #tpu.memory_space<hbm>>
      %dma_start3A_1103 = arith.constant 0 : i32
      %dma_start3A_1104 = arith.constant 0 : i32
      %dma_start3A_1105 = tpu.memref_slice %arg4[%add3A_1054, %dma_start3A_1094, %add3A, %dma_start3A_1103, %dma_start3A_1104] : memref<200x8x32x8x128xf32, #tpu.memory_space<hbm>> -> memref<1x1x1x8x128xf32, #tpu.memory_space<hbm>>
      %dma_start3A_1106 = tpu.memref_squeeze %dma_start3A_1105 : memref<1x1x1x8x128xf32, #tpu.memory_space<hbm>> -> memref<8x128xf32, #tpu.memory_space<hbm>>
      %dma_start3A_1107 = arith.constant 8 : i32
      %dma_start3A_1108 = arith.constant 0 : i32
      %dma_start3A_1109 = tpu.memref_slice %arg7[%dma_start3A_1093, %dma_start3A_1107, %dma_start3A_1108] : memref<4x64x129xf32, #tpu.memory_space<vmem>> -> memref<1x8x128xf32, #tpu.memory_space<vmem>>
      %dma_start3A_1110 = tpu.memref_squeeze %dma_start3A_1109 : memref<1x8x128xf32, #tpu.memory_space<vmem>> -> memref<8x128xf32, #tpu.memory_space<vmem>>
      tpu.enqueue_dma source(%dma_start3A_1110 : memref<8x128xf32, #tpu.memory_space<vmem>>) target(%dma_start3A_1106 : memref<8x128xf32, #tpu.memory_space<hbm>>) target_semaphore(%arg14 : memref<!tpu.dma_semaphore, #tpu.memory_space<semaphore_mem>>)
      %dma_start3A_1111 = arith.constant 2 : i32
      %dma_start3A_1112 = arith.constant 2 : i32
      %dma_start3A_1113 = arith.constant 16 : i32
      %dma_start3A_1114 = arith.constant 0 : i32
      %dma_start3A_1115 = tpu.memref_slice %arg7[%dma_start3A_1111, %dma_start3A_1113, %dma_start3A_1114] : memref<4x64x129xf32, #tpu.memory_space<vmem>> -> memref<1x8x128xf32, #tpu.memory_space<vmem>>
      %dma_start3A_1116 = tpu.memref_squeeze %dma_start3A_1115 : memref<1x8x128xf32, #tpu.memory_space<vmem>> -> memref<8x128xf32, #tpu.memory_space<vmem>>
      %dma_start3A_1117 = arith.constant 0 : i32
      %dma_start3A_1118 = arith.constant 0 : i32
      %dma_start3A_1119 = tpu.memref_slice %arg4[%add3A_1054, %dma_start3A_1112, %add3A, %dma_start3A_1117, %dma_start3A_1118] : memref<200x8x32x8x128xf32, #tpu.memory_space<hbm>> -> memref<1x1x1x8x128xf32, #tpu.memory_space<hbm>>
      %dma_start3A_1120 = tpu.memref_squeeze %dma_start3A_1119 : memref<1x1x1x8x128xf32, #tpu.memory_space<hbm>> -> memref<8x128xf32, #tpu.memory_space<hbm>>
      %dma_start3A_1121 = arith.constant 0 : i32
      %dma_start3A_1122 = arith.constant 0 : i32
      %dma_start3A_1123 = tpu.memref_slice %arg4[%add3A_1054, %dma_start3A_1112, %add3A, %dma_start3A_1121, %dma_start3A_1122] : memref<200x8x32x8x128xf32, #tpu.memory_space<hbm>> -> memref<1x1x1x8x128xf32, #tpu.memory_space<hbm>>
      %dma_start3A_1124 = tpu.memref_squeeze %dma_start3A_1123 : memref<1x1x1x8x128xf32, #tpu.memory_space<hbm>> -> memref<8x128xf32, #tpu.memory_space<hbm>>
      %dma_start3A_1125 = arith.constant 16 : i32
      %dma_start3A_1126 = arith.constant 0 : i32
      %dma_start3A_1127 = tpu.memref_slice %arg7[%dma_start3A_1111, %dma_start3A_1125, %dma_start3A_1126] : memref<4x64x129xf32, #tpu.memory_space<vmem>> -> memref<1x8x128xf32, #tpu.memory_space<vmem>>
      %dma_start3A_1128 = tpu.memref_squeeze %dma_start3A_1127 : memref<1x8x128xf32, #tpu.memory_space<vmem>> -> memref<8x128xf32, #tpu.memory_space<vmem>>
      tpu.enqueue_dma source(%dma_start3A_1128 : memref<8x128xf32, #tpu.memory_space<vmem>>) target(%dma_start3A_1124 : memref<8x128xf32, #tpu.memory_space<hbm>>) target_semaphore(%arg14 : memref<!tpu.dma_semaphore, #tpu.memory_space<semaphore_mem>>)
      %dma_start3A_1129 = arith.constant 2 : i32
      %dma_start3A_1130 = arith.constant 3 : i32
      %dma_start3A_1131 = arith.constant 24 : i32
      %dma_start3A_1132 = arith.constant 0 : i32
      %dma_start3A_1133 = tpu.memref_slice %arg7[%dma_start3A_1129, %dma_start3A_1131, %dma_start3A_1132] : memref<4x64x129xf32, #tpu.memory_space<vmem>> -> memref<1x8x128xf32, #tpu.memory_space<vmem>>
      %dma_start3A_1134 = tpu.memref_squeeze %dma_start3A_1133 : memref<1x8x128xf32, #tpu.memory_space<vmem>> -> memref<8x128xf32, #tpu.memory_space<vmem>>
      %dma_start3A_1135 = arith.constant 0 : i32
      %dma_start3A_1136 = arith.constant 0 : i32
      %dma_start3A_1137 = tpu.memref_slice %arg4[%add3A_1054, %dma_start3A_1130, %add3A, %dma_start3A_1135, %dma_start3A_1136] : memref<200x8x32x8x128xf32, #tpu.memory_space<hbm>> -> memref<1x1x1x8x128xf32, #tpu.memory_space<hbm>>
      %dma_start3A_1138 = tpu.memref_squeeze %dma_start3A_1137 : memref<1x1x1x8x128xf32, #tpu.memory_space<hbm>> -> memref<8x128xf32, #tpu.memory_space<hbm>>
      %dma_start3A_1139 = arith.constant 0 : i32
      %dma_start3A_1140 = arith.constant 0 : i32
      %dma_start3A_1141 = tpu.memref_slice %arg4[%add3A_1054, %dma_start3A_1130, %add3A, %dma_start3A_1139, %dma_start3A_1140] : memref<200x8x32x8x128xf32, #tpu.memory_space<hbm>> -> memref<1x1x1x8x128xf32, #tpu.memory_space<hbm>>
      %dma_start3A_1142 = tpu.memref_squeeze %dma_start3A_1141 : memref<1x1x1x8x128xf32, #tpu.memory_space<hbm>> -> memref<8x128xf32, #tpu.memory_space<hbm>>
      %dma_start3A_1143 = arith.constant 24 : i32
      %dma_start3A_1144 = arith.constant 0 : i32
      %dma_start3A_1145 = tpu.memref_slice %arg7[%dma_start3A_1129, %dma_start3A_1143, %dma_start3A_1144] : memref<4x64x129xf32, #tpu.memory_space<vmem>> -> memref<1x8x128xf32, #tpu.memory_space<vmem>>
      %dma_start3A_1146 = tpu.memref_squeeze %dma_start3A_1145 : memref<1x8x128xf32, #tpu.memory_space<vmem>> -> memref<8x128xf32, #tpu.memory_space<vmem>>
      tpu.enqueue_dma source(%dma_start3A_1146 : memref<8x128xf32, #tpu.memory_space<vmem>>) target(%dma_start3A_1142 : memref<8x128xf32, #tpu.memory_space<hbm>>) target_semaphore(%arg14 : memref<!tpu.dma_semaphore, #tpu.memory_space<semaphore_mem>>)
      %dma_start3A_1147 = arith.constant 2 : i32
      %dma_start3A_1148 = arith.constant 4 : i32
      %dma_start3A_1149 = arith.constant 32 : i32
      %dma_start3A_1150 = arith.constant 0 : i32
      %dma_start3A_1151 = tpu.memref_slice %arg7[%dma_start3A_1147, %dma_start3A_1149, %dma_start3A_1150] : memref<4x64x129xf32, #tpu.memory_space<vmem>> -> memref<1x8x128xf32, #tpu.memory_space<vmem>>
      %dma_start3A_1152 = tpu.memref_squeeze %dma_start3A_1151 : memref<1x8x128xf32, #tpu.memory_space<vmem>> -> memref<8x128xf32, #tpu.memory_space<vmem>>
      %dma_start3A_1153 = arith.constant 0 : i32
      %dma_start3A_1154 = arith.constant 0 : i32
      %dma_start3A_1155 = tpu.memref_slice %arg4[%add3A_1054, %dma_start3A_1148, %add3A, %dma_start3A_1153, %dma_start3A_1154] : memref<200x8x32x8x128xf32, #tpu.memory_space<hbm>> -> memref<1x1x1x8x128xf32, #tpu.memory_space<hbm>>
      %dma_start3A_1156 = tpu.memref_squeeze %dma_start3A_1155 : memref<1x1x1x8x128xf32, #tpu.memory_space<hbm>> -> memref<8x128xf32, #tpu.memory_space<hbm>>
      %dma_start3A_1157 = arith.constant 0 : i32
      %dma_start3A_1158 = arith.constant 0 : i32
      %dma_start3A_1159 = tpu.memref_slice %arg4[%add3A_1054, %dma_start3A_1148, %add3A, %dma_start3A_1157, %dma_start3A_1158] : memref<200x8x32x8x128xf32, #tpu.memory_space<hbm>> -> memref<1x1x1x8x128xf32, #tpu.memory_space<hbm>>
      %dma_start3A_1160 = tpu.memref_squeeze %dma_start3A_1159 : memref<1x1x1x8x128xf32, #tpu.memory_space<hbm>> -> memref<8x128xf32, #tpu.memory_space<hbm>>
      %dma_start3A_1161 = arith.constant 32 : i32
      %dma_start3A_1162 = arith.constant 0 : i32
      %dma_start3A_1163 = tpu.memref_slice %arg7[%dma_start3A_1147, %dma_start3A_1161, %dma_start3A_1162] : memref<4x64x129xf32, #tpu.memory_space<vmem>> -> memref<1x8x128xf32, #tpu.memory_space<vmem>>
      %dma_start3A_1164 = tpu.memref_squeeze %dma_start3A_1163 : memref<1x8x128xf32, #tpu.memory_space<vmem>> -> memref<8x128xf32, #tpu.memory_space<vmem>>
      tpu.enqueue_dma source(%dma_start3A_1164 : memref<8x128xf32, #tpu.memory_space<vmem>>) target(%dma_start3A_1160 : memref<8x128xf32, #tpu.memory_space<hbm>>) target_semaphore(%arg14 : memref<!tpu.dma_semaphore, #tpu.memory_space<semaphore_mem>>)
      %dma_start3A_1165 = arith.constant 2 : i32
      %dma_start3A_1166 = arith.constant 5 : i32
      %dma_start3A_1167 = arith.constant 40 : i32
      %dma_start3A_1168 = arith.constant 0 : i32
      %dma_start3A_1169 = tpu.memref_slice %arg7[%dma_start3A_1165, %dma_start3A_1167, %dma_start3A_1168] : memref<4x64x129xf32, #tpu.memory_space<vmem>> -> memref<1x8x128xf32, #tpu.memory_space<vmem>>
      %dma_start3A_1170 = tpu.memref_squeeze %dma_start3A_1169 : memref<1x8x128xf32, #tpu.memory_space<vmem>> -> memref<8x128xf32, #tpu.memory_space<vmem>>
      %dma_start3A_1171 = arith.constant 0 : i32
      %dma_start3A_1172 = arith.constant 0 : i32
      %dma_start3A_1173 = tpu.memref_slice %arg4[%add3A_1054, %dma_start3A_1166, %add3A, %dma_start3A_1171, %dma_start3A_1172] : memref<200x8x32x8x128xf32, #tpu.memory_space<hbm>> -> memref<1x1x1x8x128xf32, #tpu.memory_space<hbm>>
      %dma_start3A_1174 = tpu.memref_squeeze %dma_start3A_1173 : memref<1x1x1x8x128xf32, #tpu.memory_space<hbm>> -> memref<8x128xf32, #tpu.memory_space<hbm>>
      %dma_start3A_1175 = arith.constant 0 : i32
      %dma_start3A_1176 = arith.constant 0 : i32
      %dma_start3A_1177 = tpu.memref_slice %arg4[%add3A_1054, %dma_start3A_1166, %add3A, %dma_start3A_1175, %dma_start3A_1176] : memref<200x8x32x8x128xf32, #tpu.memory_space<hbm>> -> memref<1x1x1x8x128xf32, #tpu.memory_space<hbm>>
      %dma_start3A_1178 = tpu.memref_squeeze %dma_start3A_1177 : memref<1x1x1x8x128xf32, #tpu.memory_space<hbm>> -> memref<8x128xf32, #tpu.memory_space<hbm>>
      %dma_start3A_1179 = arith.constant 40 : i32
      %dma_start3A_1180 = arith.constant 0 : i32
      %dma_start3A_1181 = tpu.memref_slice %arg7[%dma_start3A_1165, %dma_start3A_1179, %dma_start3A_1180] : memref<4x64x129xf32, #tpu.memory_space<vmem>> -> memref<1x8x128xf32, #tpu.memory_space<vmem>>
      %dma_start3A_1182 = tpu.memref_squeeze %dma_start3A_1181 : memref<1x8x128xf32, #tpu.memory_space<vmem>> -> memref<8x128xf32, #tpu.memory_space<vmem>>
      tpu.enqueue_dma source(%dma_start3A_1182 : memref<8x128xf32, #tpu.memory_space<vmem>>) target(%dma_start3A_1178 : memref<8x128xf32, #tpu.memory_space<hbm>>) target_semaphore(%arg14 : memref<!tpu.dma_semaphore, #tpu.memory_space<semaphore_mem>>)
      %dma_start3A_1183 = arith.constant 2 : i32
      %dma_start3A_1184 = arith.constant 6 : i32
      %dma_start3A_1185 = arith.constant 48 : i32
      %dma_start3A_1186 = arith.constant 0 : i32
      %dma_start3A_1187 = tpu.memref_slice %arg7[%dma_start3A_1183, %dma_start3A_1185, %dma_start3A_1186] : memref<4x64x129xf32, #tpu.memory_space<vmem>> -> memref<1x8x128xf32, #tpu.memory_space<vmem>>
      %dma_start3A_1188 = tpu.memref_squeeze %dma_start3A_1187 : memref<1x8x128xf32, #tpu.memory_space<vmem>> -> memref<8x128xf32, #tpu.memory_space<vmem>>
      %dma_start3A_1189 = arith.constant 0 : i32
      %dma_start3A_1190 = arith.constant 0 : i32
      %dma_start3A_1191 = tpu.memref_slice %arg4[%add3A_1054, %dma_start3A_1184, %add3A, %dma_start3A_1189, %dma_start3A_1190] : memref<200x8x32x8x128xf32, #tpu.memory_space<hbm>> -> memref<1x1x1x8x128xf32, #tpu.memory_space<hbm>>
      %dma_start3A_1192 = tpu.memref_squeeze %dma_start3A_1191 : memref<1x1x1x8x128xf32, #tpu.memory_space<hbm>> -> memref<8x128xf32, #tpu.memory_space<hbm>>
      %dma_start3A_1193 = arith.constant 0 : i32
      %dma_start3A_1194 = arith.constant 0 : i32
      %dma_start3A_1195 = tpu.memref_slice %arg4[%add3A_1054, %dma_start3A_1184, %add3A, %dma_start3A_1193, %dma_start3A_1194] : memref<200x8x32x8x128xf32, #tpu.memory_space<hbm>> -> memref<1x1x1x8x128xf32, #tpu.memory_space<hbm>>
      %dma_start3A_1196 = tpu.memref_squeeze %dma_start3A_1195 : memref<1x1x1x8x128xf32, #tpu.memory_space<hbm>> -> memref<8x128xf32, #tpu.memory_space<hbm>>
      %dma_start3A_1197 = arith.constant 48 : i32
      %dma_start3A_1198 = arith.constant 0 : i32
      %dma_start3A_1199 = tpu.memref_slice %arg7[%dma_start3A_1183, %dma_start3A_1197, %dma_start3A_1198] : memref<4x64x129xf32, #tpu.memory_space<vmem>> -> memref<1x8x128xf32, #tpu.memory_space<vmem>>
      %dma_start3A_1200 = tpu.memref_squeeze %dma_start3A_1199 : memref<1x8x128xf32, #tpu.memory_space<vmem>> -> memref<8x128xf32, #tpu.memory_space<vmem>>
      tpu.enqueue_dma source(%dma_start3A_1200 : memref<8x128xf32, #tpu.memory_space<vmem>>) target(%dma_start3A_1196 : memref<8x128xf32, #tpu.memory_space<hbm>>) target_semaphore(%arg14 : memref<!tpu.dma_semaphore, #tpu.memory_space<semaphore_mem>>)
      %dma_start3A_1201 = arith.constant 2 : i32
      %dma_start3A_1202 = arith.constant 7 : i32
      %dma_start3A_1203 = arith.constant 56 : i32
      %dma_start3A_1204 = arith.constant 0 : i32
      %dma_start3A_1205 = tpu.memref_slice %arg7[%dma_start3A_1201, %dma_start3A_1203, %dma_start3A_1204] : memref<4x64x129xf32, #tpu.memory_space<vmem>> -> memref<1x8x128xf32, #tpu.memory_space<vmem>>
      %dma_start3A_1206 = tpu.memref_squeeze %dma_start3A_1205 : memref<1x8x128xf32, #tpu.memory_space<vmem>> -> memref<8x128xf32, #tpu.memory_space<vmem>>
      %dma_start3A_1207 = arith.constant 0 : i32
      %dma_start3A_1208 = arith.constant 0 : i32
      %dma_start3A_1209 = tpu.memref_slice %arg4[%add3A_1054, %dma_start3A_1202, %add3A, %dma_start3A_1207, %dma_start3A_1208] : memref<200x8x32x8x128xf32, #tpu.memory_space<hbm>> -> memref<1x1x1x8x128xf32, #tpu.memory_space<hbm>>
      %dma_start3A_1210 = tpu.memref_squeeze %dma_start3A_1209 : memref<1x1x1x8x128xf32, #tpu.memory_space<hbm>> -> memref<8x128xf32, #tpu.memory_space<hbm>>
      %dma_start3A_1211 = arith.constant 0 : i32
      %dma_start3A_1212 = arith.constant 0 : i32
      %dma_start3A_1213 = tpu.memref_slice %arg4[%add3A_1054, %dma_start3A_1202, %add3A, %dma_start3A_1211, %dma_start3A_1212] : memref<200x8x32x8x128xf32, #tpu.memory_space<hbm>> -> memref<1x1x1x8x128xf32, #tpu.memory_space<hbm>>
      %dma_start3A_1214 = tpu.memref_squeeze %dma_start3A_1213 : memref<1x1x1x8x128xf32, #tpu.memory_space<hbm>> -> memref<8x128xf32, #tpu.memory_space<hbm>>
      %dma_start3A_1215 = arith.constant 56 : i32
      %dma_start3A_1216 = arith.constant 0 : i32
      %dma_start3A_1217 = tpu.memref_slice %arg7[%dma_start3A_1201, %dma_start3A_1215, %dma_start3A_1216] : memref<4x64x129xf32, #tpu.memory_space<vmem>> -> memref<1x8x128xf32, #tpu.memory_space<vmem>>
      %dma_start3A_1218 = tpu.memref_squeeze %dma_start3A_1217 : memref<1x8x128xf32, #tpu.memory_space<vmem>> -> memref<8x128xf32, #tpu.memory_space<vmem>>
      tpu.enqueue_dma source(%dma_start3A_1218 : memref<8x128xf32, #tpu.memory_space<vmem>>) target(%dma_start3A_1214 : memref<8x128xf32, #tpu.memory_space<hbm>>) target_semaphore(%arg14 : memref<!tpu.dma_semaphore, #tpu.memory_space<semaphore_mem>>)
      %add3A_1219 = arith.constant 4 : i32
      %add3A_1220 = arith.addi %add3A_1054, %add3A_1219 : i32
      %lt3A_1221 = arith.constant 200 : i32
      %lt3A_1222 = arith.cmpi slt, %add3A_1220, %lt3A_1221 : i32
      %convert_element_type3A_1223 = arith.extui %lt3A_1222 : i1 to i32
      %cond3A_1224 = arith.constant 0 : i32
      %cond3A_1225 = arith.cmpi ne, %convert_element_type3A_1223, %cond3A_1224 : i32
      scf.if %cond3A_1225 {
        %add3A_1399 = arith.constant 4 : i32
        %add3A_1400 = arith.addi %add3A_1054, %add3A_1399 : i32
        %dma_start3A_1401 = arith.constant 2 : i32
        %dma_start3A_1402 = arith.constant 0 : i32
        %dma_start3A_1403 = arith.constant 0 : i32
        %dma_start3A_1404 = tpu.memref_slice %arg6[%dma_start3A_1401, %dma_start3A_1402, %dma_start3A_1403] : memref<4x128x64xf32, #tpu.memory_space<vmem>> -> memref<1x128x64xf32, #tpu.memory_space<vmem>>
        %dma_start3A_1405 = tpu.memref_squeeze %dma_start3A_1404 : memref<1x128x64xf32, #tpu.memory_space<vmem>> -> memref<128x64xf32, #tpu.memory_space<vmem>>
        %dma_start3A_1406 = arith.constant 0 : i32
        %dma_start3A_1407 = tpu.memref_slice %arg5[%add3A_1400, %dma_start3A_1406] : memref<200x128xi32, #tpu.memory_space<vmem>> -> memref<1x128xi32, #tpu.memory_space<vmem>>
        %dma_start3A_1408 = tpu.memref_squeeze %dma_start3A_1407 : memref<1x128xi32, #tpu.memory_space<vmem>> -> memref<128xi32, #tpu.memory_space<vmem>>
        %dma_start3A_1409 = arith.constant 0 : i32
        %dma_start3A_1410 = arith.constant 0 : i32
        %dma_start3A_1411 = tpu.memref_slice %arg3[%dma_start3A_1409, %dma_start3A_1410] : memref<1000000x64xf32, #tpu.memory_space<hbm>> -> memref<1000000x64xf32, #tpu.memory_space<hbm>>
        tpu.enqueue_indirect_dma source(%dma_start3A_1411 : memref<1000000x64xf32, #tpu.memory_space<hbm>>) target(%dma_start3A_1405 : memref<128x64xf32, #tpu.memory_space<vmem>>) offsets(%dma_start3A_1408 : memref<128xi32, #tpu.memory_space<vmem>>) semaphore(%arg10 : memref<!tpu.dma_semaphore, #tpu.memory_space<semaphore_mem>>)
      } else {
      }
      %add3A_1226 = arith.constant 3 : i32
      %add3A_1227 = arith.addi %mul3A_711, %add3A_1226 : i32
      %dma_wait3A_1228 = arith.constant 0 : i32
      %dma_wait3A_1229 = arith.constant 3 : i32
      %dma_wait3A_1230 = arith.constant 0 : i32
      %dma_wait3A_1231 = arith.constant 0 : i32
      %dma_wait3A_1232 = tpu.memref_slice %arg6[%dma_wait3A_1229, %dma_wait3A_1230, %dma_wait3A_1231] : memref<4x128x64xf32, #tpu.memory_space<vmem>> -> memref<1x128x64xf32, #tpu.memory_space<vmem>>
      %dma_wait3A_1233 = tpu.memref_squeeze %dma_wait3A_1232 : memref<1x128x64xf32, #tpu.memory_space<vmem>> -> memref<128x64xf32, #tpu.memory_space<vmem>>
      %dma_wait3A_1234 = arith.constant 0 : i32
      %dma_wait3A_1235 = tpu.memref_slice %arg5[%dma_wait3A_1228, %dma_wait3A_1234] : memref<200x128xi32, #tpu.memory_space<vmem>> -> memref<1x128xi32, #tpu.memory_space<vmem>>
      %dma_wait3A_1236 = tpu.memref_squeeze %dma_wait3A_1235 : memref<1x128xi32, #tpu.memory_space<vmem>> -> memref<128xi32, #tpu.memory_space<vmem>>
      %dma_wait3A_1237 = arith.constant 0 : i32
      %dma_wait3A_1238 = arith.constant 0 : i32
      %dma_wait3A_1239 = tpu.memref_slice %arg3[%dma_wait3A_1237, %dma_wait3A_1238] : memref<1000000x64xf32, #tpu.memory_space<hbm>> -> memref<1000000x64xf32, #tpu.memory_space<hbm>>
      tpu.wait_indirect_dma semaphore(%arg11 : memref<!tpu.dma_semaphore, #tpu.memory_space<semaphore_mem>>) src(%dma_wait3A_1239 : memref<1000000x64xf32, #tpu.memory_space<hbm>>) dst(%dma_wait3A_1233 : memref<128x64xf32, #tpu.memory_space<vmem>>)
      %ge3A_1240 = arith.constant 4 : i32
      %ge3A_1241 = arith.cmpi sge, %add3A_1227, %ge3A_1240 : i32
      %convert_element_type3A_1242 = arith.extui %ge3A_1241 : i1 to i32
      %cond3A_1243 = arith.constant 0 : i32
      %cond3A_1244 = arith.cmpi ne, %convert_element_type3A_1242, %cond3A_1243 : i32
      scf.if %cond3A_1244 {
        %dma_wait3A_1399 = arith.constant 3 : i32
        %dma_wait3A_1400 = arith.constant 0 : i32
        %dma_wait3A_1401 = arith.constant 0 : i32
        %dma_wait3A_1402 = arith.constant 0 : i32
        %dma_wait3A_1403 = arith.constant 0 : i32
        %dma_wait3A_1404 = arith.constant 0 : i32
        %dma_wait3A_1405 = tpu.memref_slice %arg7[%dma_wait3A_1399, %dma_wait3A_1403, %dma_wait3A_1404] : memref<4x64x129xf32, #tpu.memory_space<vmem>> -> memref<1x8x128xf32, #tpu.memory_space<vmem>>
        %dma_wait3A_1406 = tpu.memref_squeeze %dma_wait3A_1405 : memref<1x8x128xf32, #tpu.memory_space<vmem>> -> memref<8x128xf32, #tpu.memory_space<vmem>>
        %dma_wait3A_1407 = arith.constant 0 : i32
        %dma_wait3A_1408 = arith.constant 0 : i32
        %dma_wait3A_1409 = tpu.memref_slice %arg4[%dma_wait3A_1400, %dma_wait3A_1401, %dma_wait3A_1402, %dma_wait3A_1407, %dma_wait3A_1408] : memref<200x8x32x8x128xf32, #tpu.memory_space<hbm>> -> memref<1x1x1x8x128xf32, #tpu.memory_space<hbm>>
        %dma_wait3A_1410 = tpu.memref_squeeze %dma_wait3A_1409 : memref<1x1x1x8x128xf32, #tpu.memory_space<hbm>> -> memref<8x128xf32, #tpu.memory_space<hbm>>
        %dma_wait3A_1411 = arith.constant 0 : i32
        %dma_wait3A_1412 = arith.constant 0 : i32
        %dma_wait3A_1413 = tpu.memref_slice %arg4[%dma_wait3A_1400, %dma_wait3A_1401, %dma_wait3A_1402, %dma_wait3A_1411, %dma_wait3A_1412] : memref<200x8x32x8x128xf32, #tpu.memory_space<hbm>> -> memref<1x1x1x8x128xf32, #tpu.memory_space<hbm>>
        %dma_wait3A_1414 = tpu.memref_squeeze %dma_wait3A_1413 : memref<1x1x1x8x128xf32, #tpu.memory_space<hbm>> -> memref<8x128xf32, #tpu.memory_space<hbm>>
        %dma_wait3A_1415 = arith.constant 0 : i32
        %dma_wait3A_1416 = arith.constant 0 : i32
        %dma_wait3A_1417 = tpu.memref_slice %arg7[%dma_wait3A_1399, %dma_wait3A_1415, %dma_wait3A_1416] : memref<4x64x129xf32, #tpu.memory_space<vmem>> -> memref<1x8x128xf32, #tpu.memory_space<vmem>>
        %dma_wait3A_1418 = tpu.memref_squeeze %dma_wait3A_1417 : memref<1x8x128xf32, #tpu.memory_space<vmem>> -> memref<8x128xf32, #tpu.memory_space<vmem>>
        tpu.wait_dma2 semaphore(%arg15 : memref<!tpu.dma_semaphore, #tpu.memory_space<semaphore_mem>>) src(%dma_wait3A_1418 : memref<8x128xf32, #tpu.memory_space<vmem>>) dst(%dma_wait3A_1414 : memref<8x128xf32, #tpu.memory_space<hbm>>)
        %dma_wait3A_1419 = arith.constant 3 : i32
        %dma_wait3A_1420 = arith.constant 0 : i32
        %dma_wait3A_1421 = arith.constant 0 : i32
        %dma_wait3A_1422 = arith.constant 0 : i32
        %dma_wait3A_1423 = arith.constant 8 : i32
        %dma_wait3A_1424 = arith.constant 0 : i32
        %dma_wait3A_1425 = tpu.memref_slice %arg7[%dma_wait3A_1419, %dma_wait3A_1423, %dma_wait3A_1424] : memref<4x64x129xf32, #tpu.memory_space<vmem>> -> memref<1x8x128xf32, #tpu.memory_space<vmem>>
        %dma_wait3A_1426 = tpu.memref_squeeze %dma_wait3A_1425 : memref<1x8x128xf32, #tpu.memory_space<vmem>> -> memref<8x128xf32, #tpu.memory_space<vmem>>
        %dma_wait3A_1427 = arith.constant 0 : i32
        %dma_wait3A_1428 = arith.constant 0 : i32
        %dma_wait3A_1429 = tpu.memref_slice %arg4[%dma_wait3A_1420, %dma_wait3A_1421, %dma_wait3A_1422, %dma_wait3A_1427, %dma_wait3A_1428] : memref<200x8x32x8x128xf32, #tpu.memory_space<hbm>> -> memref<1x1x1x8x128xf32, #tpu.memory_space<hbm>>
        %dma_wait3A_1430 = tpu.memref_squeeze %dma_wait3A_1429 : memref<1x1x1x8x128xf32, #tpu.memory_space<hbm>> -> memref<8x128xf32, #tpu.memory_space<hbm>>
        %dma_wait3A_1431 = arith.constant 0 : i32
        %dma_wait3A_1432 = arith.constant 0 : i32
        %dma_wait3A_1433 = tpu.memref_slice %arg4[%dma_wait3A_1420, %dma_wait3A_1421, %dma_wait3A_1422, %dma_wait3A_1431, %dma_wait3A_1432] : memref<200x8x32x8x128xf32, #tpu.memory_space<hbm>> -> memref<1x1x1x8x128xf32, #tpu.memory_space<hbm>>
        %dma_wait3A_1434 = tpu.memref_squeeze %dma_wait3A_1433 : memref<1x1x1x8x128xf32, #tpu.memory_space<hbm>> -> memref<8x128xf32, #tpu.memory_space<hbm>>
        %dma_wait3A_1435 = arith.constant 8 : i32
        %dma_wait3A_1436 = arith.constant 0 : i32
        %dma_wait3A_1437 = tpu.memref_slice %arg7[%dma_wait3A_1419, %dma_wait3A_1435, %dma_wait3A_1436] : memref<4x64x129xf32, #tpu.memory_space<vmem>> -> memref<1x8x128xf32, #tpu.memory_space<vmem>>
        %dma_wait3A_1438 = tpu.memref_squeeze %dma_wait3A_1437 : memref<1x8x128xf32, #tpu.memory_space<vmem>> -> memref<8x128xf32, #tpu.memory_space<vmem>>
        tpu.wait_dma2 semaphore(%arg15 : memref<!tpu.dma_semaphore, #tpu.memory_space<semaphore_mem>>) src(%dma_wait3A_1438 : memref<8x128xf32, #tpu.memory_space<vmem>>) dst(%dma_wait3A_1434 : memref<8x128xf32, #tpu.memory_space<hbm>>)
        %dma_wait3A_1439 = arith.constant 3 : i32
        %dma_wait3A_1440 = arith.constant 0 : i32
        %dma_wait3A_1441 = arith.constant 0 : i32
        %dma_wait3A_1442 = arith.constant 0 : i32
        %dma_wait3A_1443 = arith.constant 16 : i32
        %dma_wait3A_1444 = arith.constant 0 : i32
        %dma_wait3A_1445 = tpu.memref_slice %arg7[%dma_wait3A_1439, %dma_wait3A_1443, %dma_wait3A_1444] : memref<4x64x129xf32, #tpu.memory_space<vmem>> -> memref<1x8x128xf32, #tpu.memory_space<vmem>>
        %dma_wait3A_1446 = tpu.memref_squeeze %dma_wait3A_1445 : memref<1x8x128xf32, #tpu.memory_space<vmem>> -> memref<8x128xf32, #tpu.memory_space<vmem>>
        %dma_wait3A_1447 = arith.constant 0 : i32
        %dma_wait3A_1448 = arith.constant 0 : i32
        %dma_wait3A_1449 = tpu.memref_slice %arg4[%dma_wait3A_1440, %dma_wait3A_1441, %dma_wait3A_1442, %dma_wait3A_1447, %dma_wait3A_1448] : memref<200x8x32x8x128xf32, #tpu.memory_space<hbm>> -> memref<1x1x1x8x128xf32, #tpu.memory_space<hbm>>
        %dma_wait3A_1450 = tpu.memref_squeeze %dma_wait3A_1449 : memref<1x1x1x8x128xf32, #tpu.memory_space<hbm>> -> memref<8x128xf32, #tpu.memory_space<hbm>>
        %dma_wait3A_1451 = arith.constant 0 : i32
        %dma_wait3A_1452 = arith.constant 0 : i32
        %dma_wait3A_1453 = tpu.memref_slice %arg4[%dma_wait3A_1440, %dma_wait3A_1441, %dma_wait3A_1442, %dma_wait3A_1451, %dma_wait3A_1452] : memref<200x8x32x8x128xf32, #tpu.memory_space<hbm>> -> memref<1x1x1x8x128xf32, #tpu.memory_space<hbm>>
        %dma_wait3A_1454 = tpu.memref_squeeze %dma_wait3A_1453 : memref<1x1x1x8x128xf32, #tpu.memory_space<hbm>> -> memref<8x128xf32, #tpu.memory_space<hbm>>
        %dma_wait3A_1455 = arith.constant 16 : i32
        %dma_wait3A_1456 = arith.constant 0 : i32
        %dma_wait3A_1457 = tpu.memref_slice %arg7[%dma_wait3A_1439, %dma_wait3A_1455, %dma_wait3A_1456] : memref<4x64x129xf32, #tpu.memory_space<vmem>> -> memref<1x8x128xf32, #tpu.memory_space<vmem>>
        %dma_wait3A_1458 = tpu.memref_squeeze %dma_wait3A_1457 : memref<1x8x128xf32, #tpu.memory_space<vmem>> -> memref<8x128xf32, #tpu.memory_space<vmem>>
        tpu.wait_dma2 semaphore(%arg15 : memref<!tpu.dma_semaphore, #tpu.memory_space<semaphore_mem>>) src(%dma_wait3A_1458 : memref<8x128xf32, #tpu.memory_space<vmem>>) dst(%dma_wait3A_1454 : memref<8x128xf32, #tpu.memory_space<hbm>>)
        %dma_wait3A_1459 = arith.constant 3 : i32
        %dma_wait3A_1460 = arith.constant 0 : i32
        %dma_wait3A_1461 = arith.constant 0 : i32
        %dma_wait3A_1462 = arith.constant 0 : i32
        %dma_wait3A_1463 = arith.constant 24 : i32
        %dma_wait3A_1464 = arith.constant 0 : i32
        %dma_wait3A_1465 = tpu.memref_slice %arg7[%dma_wait3A_1459, %dma_wait3A_1463, %dma_wait3A_1464] : memref<4x64x129xf32, #tpu.memory_space<vmem>> -> memref<1x8x128xf32, #tpu.memory_space<vmem>>
        %dma_wait3A_1466 = tpu.memref_squeeze %dma_wait3A_1465 : memref<1x8x128xf32, #tpu.memory_space<vmem>> -> memref<8x128xf32, #tpu.memory_space<vmem>>
        %dma_wait3A_1467 = arith.constant 0 : i32
        %dma_wait3A_1468 = arith.constant 0 : i32
        %dma_wait3A_1469 = tpu.memref_slice %arg4[%dma_wait3A_1460, %dma_wait3A_1461, %dma_wait3A_1462, %dma_wait3A_1467, %dma_wait3A_1468] : memref<200x8x32x8x128xf32, #tpu.memory_space<hbm>> -> memref<1x1x1x8x128xf32, #tpu.memory_space<hbm>>
        %dma_wait3A_1470 = tpu.memref_squeeze %dma_wait3A_1469 : memref<1x1x1x8x128xf32, #tpu.memory_space<hbm>> -> memref<8x128xf32, #tpu.memory_space<hbm>>
        %dma_wait3A_1471 = arith.constant 0 : i32
        %dma_wait3A_1472 = arith.constant 0 : i32
        %dma_wait3A_1473 = tpu.memref_slice %arg4[%dma_wait3A_1460, %dma_wait3A_1461, %dma_wait3A_1462, %dma_wait3A_1471, %dma_wait3A_1472] : memref<200x8x32x8x128xf32, #tpu.memory_space<hbm>> -> memref<1x1x1x8x128xf32, #tpu.memory_space<hbm>>
        %dma_wait3A_1474 = tpu.memref_squeeze %dma_wait3A_1473 : memref<1x1x1x8x128xf32, #tpu.memory_space<hbm>> -> memref<8x128xf32, #tpu.memory_space<hbm>>
        %dma_wait3A_1475 = arith.constant 24 : i32
        %dma_wait3A_1476 = arith.constant 0 : i32
        %dma_wait3A_1477 = tpu.memref_slice %arg7[%dma_wait3A_1459, %dma_wait3A_1475, %dma_wait3A_1476] : memref<4x64x129xf32, #tpu.memory_space<vmem>> -> memref<1x8x128xf32, #tpu.memory_space<vmem>>
        %dma_wait3A_1478 = tpu.memref_squeeze %dma_wait3A_1477 : memref<1x8x128xf32, #tpu.memory_space<vmem>> -> memref<8x128xf32, #tpu.memory_space<vmem>>
        tpu.wait_dma2 semaphore(%arg15 : memref<!tpu.dma_semaphore, #tpu.memory_space<semaphore_mem>>) src(%dma_wait3A_1478 : memref<8x128xf32, #tpu.memory_space<vmem>>) dst(%dma_wait3A_1474 : memref<8x128xf32, #tpu.memory_space<hbm>>)
        %dma_wait3A_1479 = arith.constant 3 : i32
        %dma_wait3A_1480 = arith.constant 0 : i32
        %dma_wait3A_1481 = arith.constant 0 : i32
        %dma_wait3A_1482 = arith.constant 0 : i32
        %dma_wait3A_1483 = arith.constant 32 : i32
        %dma_wait3A_1484 = arith.constant 0 : i32
        %dma_wait3A_1485 = tpu.memref_slice %arg7[%dma_wait3A_1479, %dma_wait3A_1483, %dma_wait3A_1484] : memref<4x64x129xf32, #tpu.memory_space<vmem>> -> memref<1x8x128xf32, #tpu.memory_space<vmem>>
        %dma_wait3A_1486 = tpu.memref_squeeze %dma_wait3A_1485 : memref<1x8x128xf32, #tpu.memory_space<vmem>> -> memref<8x128xf32, #tpu.memory_space<vmem>>
        %dma_wait3A_1487 = arith.constant 0 : i32
        %dma_wait3A_1488 = arith.constant 0 : i32
        %dma_wait3A_1489 = tpu.memref_slice %arg4[%dma_wait3A_1480, %dma_wait3A_1481, %dma_wait3A_1482, %dma_wait3A_1487, %dma_wait3A_1488] : memref<200x8x32x8x128xf32, #tpu.memory_space<hbm>> -> memref<1x1x1x8x128xf32, #tpu.memory_space<hbm>>
        %dma_wait3A_1490 = tpu.memref_squeeze %dma_wait3A_1489 : memref<1x1x1x8x128xf32, #tpu.memory_space<hbm>> -> memref<8x128xf32, #tpu.memory_space<hbm>>
        %dma_wait3A_1491 = arith.constant 0 : i32
        %dma_wait3A_1492 = arith.constant 0 : i32
        %dma_wait3A_1493 = tpu.memref_slice %arg4[%dma_wait3A_1480, %dma_wait3A_1481, %dma_wait3A_1482, %dma_wait3A_1491, %dma_wait3A_1492] : memref<200x8x32x8x128xf32, #tpu.memory_space<hbm>> -> memref<1x1x1x8x128xf32, #tpu.memory_space<hbm>>
        %dma_wait3A_1494 = tpu.memref_squeeze %dma_wait3A_1493 : memref<1x1x1x8x128xf32, #tpu.memory_space<hbm>> -> memref<8x128xf32, #tpu.memory_space<hbm>>
        %dma_wait3A_1495 = arith.constant 32 : i32
        %dma_wait3A_1496 = arith.constant 0 : i32
        %dma_wait3A_1497 = tpu.memref_slice %arg7[%dma_wait3A_1479, %dma_wait3A_1495, %dma_wait3A_1496] : memref<4x64x129xf32, #tpu.memory_space<vmem>> -> memref<1x8x128xf32, #tpu.memory_space<vmem>>
        %dma_wait3A_1498 = tpu.memref_squeeze %dma_wait3A_1497 : memref<1x8x128xf32, #tpu.memory_space<vmem>> -> memref<8x128xf32, #tpu.memory_space<vmem>>
        tpu.wait_dma2 semaphore(%arg15 : memref<!tpu.dma_semaphore, #tpu.memory_space<semaphore_mem>>) src(%dma_wait3A_1498 : memref<8x128xf32, #tpu.memory_space<vmem>>) dst(%dma_wait3A_1494 : memref<8x128xf32, #tpu.memory_space<hbm>>)
        %dma_wait3A_1499 = arith.constant 3 : i32
        %dma_wait3A_1500 = arith.constant 0 : i32
        %dma_wait3A_1501 = arith.constant 0 : i32
        %dma_wait3A_1502 = arith.constant 0 : i32
        %dma_wait3A_1503 = arith.constant 40 : i32
        %dma_wait3A_1504 = arith.constant 0 : i32
        %dma_wait3A_1505 = tpu.memref_slice %arg7[%dma_wait3A_1499, %dma_wait3A_1503, %dma_wait3A_1504] : memref<4x64x129xf32, #tpu.memory_space<vmem>> -> memref<1x8x128xf32, #tpu.memory_space<vmem>>
        %dma_wait3A_1506 = tpu.memref_squeeze %dma_wait3A_1505 : memref<1x8x128xf32, #tpu.memory_space<vmem>> -> memref<8x128xf32, #tpu.memory_space<vmem>>
        %dma_wait3A_1507 = arith.constant 0 : i32
        %dma_wait3A_1508 = arith.constant 0 : i32
        %dma_wait3A_1509 = tpu.memref_slice %arg4[%dma_wait3A_1500, %dma_wait3A_1501, %dma_wait3A_1502, %dma_wait3A_1507, %dma_wait3A_1508] : memref<200x8x32x8x128xf32, #tpu.memory_space<hbm>> -> memref<1x1x1x8x128xf32, #tpu.memory_space<hbm>>
        %dma_wait3A_1510 = tpu.memref_squeeze %dma_wait3A_1509 : memref<1x1x1x8x128xf32, #tpu.memory_space<hbm>> -> memref<8x128xf32, #tpu.memory_space<hbm>>
        %dma_wait3A_1511 = arith.constant 0 : i32
        %dma_wait3A_1512 = arith.constant 0 : i32
        %dma_wait3A_1513 = tpu.memref_slice %arg4[%dma_wait3A_1500, %dma_wait3A_1501, %dma_wait3A_1502, %dma_wait3A_1511, %dma_wait3A_1512] : memref<200x8x32x8x128xf32, #tpu.memory_space<hbm>> -> memref<1x1x1x8x128xf32, #tpu.memory_space<hbm>>
        %dma_wait3A_1514 = tpu.memref_squeeze %dma_wait3A_1513 : memref<1x1x1x8x128xf32, #tpu.memory_space<hbm>> -> memref<8x128xf32, #tpu.memory_space<hbm>>
        %dma_wait3A_1515 = arith.constant 40 : i32
        %dma_wait3A_1516 = arith.constant 0 : i32
        %dma_wait3A_1517 = tpu.memref_slice %arg7[%dma_wait3A_1499, %dma_wait3A_1515, %dma_wait3A_1516] : memref<4x64x129xf32, #tpu.memory_space<vmem>> -> memref<1x8x128xf32, #tpu.memory_space<vmem>>
        %dma_wait3A_1518 = tpu.memref_squeeze %dma_wait3A_1517 : memref<1x8x128xf32, #tpu.memory_space<vmem>> -> memref<8x128xf32, #tpu.memory_space<vmem>>
        tpu.wait_dma2 semaphore(%arg15 : memref<!tpu.dma_semaphore, #tpu.memory_space<semaphore_mem>>) src(%dma_wait3A_1518 : memref<8x128xf32, #tpu.memory_space<vmem>>) dst(%dma_wait3A_1514 : memref<8x128xf32, #tpu.memory_space<hbm>>)
        %dma_wait3A_1519 = arith.constant 3 : i32
        %dma_wait3A_1520 = arith.constant 0 : i32
        %dma_wait3A_1521 = arith.constant 0 : i32
        %dma_wait3A_1522 = arith.constant 0 : i32
        %dma_wait3A_1523 = arith.constant 48 : i32
        %dma_wait3A_1524 = arith.constant 0 : i32
        %dma_wait3A_1525 = tpu.memref_slice %arg7[%dma_wait3A_1519, %dma_wait3A_1523, %dma_wait3A_1524] : memref<4x64x129xf32, #tpu.memory_space<vmem>> -> memref<1x8x128xf32, #tpu.memory_space<vmem>>
        %dma_wait3A_1526 = tpu.memref_squeeze %dma_wait3A_1525 : memref<1x8x128xf32, #tpu.memory_space<vmem>> -> memref<8x128xf32, #tpu.memory_space<vmem>>
        %dma_wait3A_1527 = arith.constant 0 : i32
        %dma_wait3A_1528 = arith.constant 0 : i32
        %dma_wait3A_1529 = tpu.memref_slice %arg4[%dma_wait3A_1520, %dma_wait3A_1521, %dma_wait3A_1522, %dma_wait3A_1527, %dma_wait3A_1528] : memref<200x8x32x8x128xf32, #tpu.memory_space<hbm>> -> memref<1x1x1x8x128xf32, #tpu.memory_space<hbm>>
        %dma_wait3A_1530 = tpu.memref_squeeze %dma_wait3A_1529 : memref<1x1x1x8x128xf32, #tpu.memory_space<hbm>> -> memref<8x128xf32, #tpu.memory_space<hbm>>
        %dma_wait3A_1531 = arith.constant 0 : i32
        %dma_wait3A_1532 = arith.constant 0 : i32
        %dma_wait3A_1533 = tpu.memref_slice %arg4[%dma_wait3A_1520, %dma_wait3A_1521, %dma_wait3A_1522, %dma_wait3A_1531, %dma_wait3A_1532] : memref<200x8x32x8x128xf32, #tpu.memory_space<hbm>> -> memref<1x1x1x8x128xf32, #tpu.memory_space<hbm>>
        %dma_wait3A_1534 = tpu.memref_squeeze %dma_wait3A_1533 : memref<1x1x1x8x128xf32, #tpu.memory_space<hbm>> -> memref<8x128xf32, #tpu.memory_space<hbm>>
        %dma_wait3A_1535 = arith.constant 48 : i32
        %dma_wait3A_1536 = arith.constant 0 : i32
        %dma_wait3A_1537 = tpu.memref_slice %arg7[%dma_wait3A_1519, %dma_wait3A_1535, %dma_wait3A_1536] : memref<4x64x129xf32, #tpu.memory_space<vmem>> -> memref<1x8x128xf32, #tpu.memory_space<vmem>>
        %dma_wait3A_1538 = tpu.memref_squeeze %dma_wait3A_1537 : memref<1x8x128xf32, #tpu.memory_space<vmem>> -> memref<8x128xf32, #tpu.memory_space<vmem>>
        tpu.wait_dma2 semaphore(%arg15 : memref<!tpu.dma_semaphore, #tpu.memory_space<semaphore_mem>>) src(%dma_wait3A_1538 : memref<8x128xf32, #tpu.memory_space<vmem>>) dst(%dma_wait3A_1534 : memref<8x128xf32, #tpu.memory_space<hbm>>)
        %dma_wait3A_1539 = arith.constant 3 : i32
        %dma_wait3A_1540 = arith.constant 0 : i32
        %dma_wait3A_1541 = arith.constant 0 : i32
        %dma_wait3A_1542 = arith.constant 0 : i32
        %dma_wait3A_1543 = arith.constant 56 : i32
        %dma_wait3A_1544 = arith.constant 0 : i32
        %dma_wait3A_1545 = tpu.memref_slice %arg7[%dma_wait3A_1539, %dma_wait3A_1543, %dma_wait3A_1544] : memref<4x64x129xf32, #tpu.memory_space<vmem>> -> memref<1x8x128xf32, #tpu.memory_space<vmem>>
        %dma_wait3A_1546 = tpu.memref_squeeze %dma_wait3A_1545 : memref<1x8x128xf32, #tpu.memory_space<vmem>> -> memref<8x128xf32, #tpu.memory_space<vmem>>
        %dma_wait3A_1547 = arith.constant 0 : i32
        %dma_wait3A_1548 = arith.constant 0 : i32
        %dma_wait3A_1549 = tpu.memref_slice %arg4[%dma_wait3A_1540, %dma_wait3A_1541, %dma_wait3A_1542, %dma_wait3A_1547, %dma_wait3A_1548] : memref<200x8x32x8x128xf32, #tpu.memory_space<hbm>> -> memref<1x1x1x8x128xf32, #tpu.memory_space<hbm>>
        %dma_wait3A_1550 = tpu.memref_squeeze %dma_wait3A_1549 : memref<1x1x1x8x128xf32, #tpu.memory_space<hbm>> -> memref<8x128xf32, #tpu.memory_space<hbm>>
        %dma_wait3A_1551 = arith.constant 0 : i32
        %dma_wait3A_1552 = arith.constant 0 : i32
        %dma_wait3A_1553 = tpu.memref_slice %arg4[%dma_wait3A_1540, %dma_wait3A_1541, %dma_wait3A_1542, %dma_wait3A_1551, %dma_wait3A_1552] : memref<200x8x32x8x128xf32, #tpu.memory_space<hbm>> -> memref<1x1x1x8x128xf32, #tpu.memory_space<hbm>>
        %dma_wait3A_1554 = tpu.memref_squeeze %dma_wait3A_1553 : memref<1x1x1x8x128xf32, #tpu.memory_space<hbm>> -> memref<8x128xf32, #tpu.memory_space<hbm>>
        %dma_wait3A_1555 = arith.constant 56 : i32
        %dma_wait3A_1556 = arith.constant 0 : i32
        %dma_wait3A_1557 = tpu.memref_slice %arg7[%dma_wait3A_1539, %dma_wait3A_1555, %dma_wait3A_1556] : memref<4x64x129xf32, #tpu.memory_space<vmem>> -> memref<1x8x128xf32, #tpu.memory_space<vmem>>
        %dma_wait3A_1558 = tpu.memref_squeeze %dma_wait3A_1557 : memref<1x8x128xf32, #tpu.memory_space<vmem>> -> memref<8x128xf32, #tpu.memory_space<vmem>>
        tpu.wait_dma2 semaphore(%arg15 : memref<!tpu.dma_semaphore, #tpu.memory_space<semaphore_mem>>) src(%dma_wait3A_1558 : memref<8x128xf32, #tpu.memory_space<vmem>>) dst(%dma_wait3A_1554 : memref<8x128xf32, #tpu.memory_space<hbm>>)
      } else {
      }
      %parallel_loop3A_1245 = arith.constant 0 : i32
      %parallel_loop3A_1246 = arith.constant 128 : i32
      %parallel_loop3A_1247 = arith.constant 1 : i32
      scf.for %parallel_loop3A_1399 = %parallel_loop3A_1245 to %parallel_loop3A_1246 step %parallel_loop3A_1247  : i32 {
        %parallel_loop3A_1400 = vector.broadcast %parallel_loop3A_1399 : i32 to vector<16xi32>
        %parallel_loop3A_1401 = arith.constant 3 : i32
        %parallel_loop3A_1402 = arith.index_cast %parallel_loop3A_1401 : i32 to index
        %parallel_loop3A_1403 = arith.index_cast %parallel_loop3A_1399 : i32 to index
        %parallel_loop3A_1404 = arith.constant 0 : index
        %parallel_loop3A_1405 = tpu.vector_load %arg6[%parallel_loop3A_1402, %parallel_loop3A_1403, %parallel_loop3A_1404] {strides = array<i32>} : memref<4x128x64xf32, #tpu.memory_space<vmem>>, vector<16xf32>,
        %parallel_loop3A_1406 = arith.constant 8.000000e+00 : f32
        %parallel_loop3A_1407 = vector.broadcast %parallel_loop3A_1406 : f32 to vector<16xf32>
        %parallel_loop3A_1408 = arith.mulf %parallel_loop3A_1405, %parallel_loop3A_1407 : vector<16xf32>
        %parallel_loop3A_1409 = arith.constant 3 : i32
        %parallel_loop3A_1410 = arith.constant 0 : i32
        %parallel_loop3A_1411 = arith.constant 0 : i32
        %parallel_loop3A_1412 = tpu.memref_slice %arg7[%parallel_loop3A_1409, %parallel_loop3A_1410, %parallel_loop3A_1411] : memref<4x64x129xf32, #tpu.memory_space<vmem>> -> memref<1x64x129xf32, #tpu.memory_space<vmem>>
        %parallel_loop3A_1413 = tpu.memref_squeeze %parallel_loop3A_1412 : memref<1x64x129xf32, #tpu.memory_space<vmem>> -> memref<64x129xf32, #tpu.memory_space<vmem>>
        tpu.vector_store_idx %parallel_loop3A_1413[%add3A_52, %parallel_loop3A_1400], %parallel_loop3A_1408 : memref<64x129xf32, #tpu.memory_space<vmem>>[vector<16xi32>, vector<16xi32>], vector<16xf32>,
        %parallel_loop3A_1414 = arith.constant 3 : i32
        %parallel_loop3A_1415 = arith.index_cast %parallel_loop3A_1414 : i32 to index
        %parallel_loop3A_1416 = arith.index_cast %parallel_loop3A_1399 : i32 to index
        %parallel_loop3A_1417 = arith.constant 16 : index
        %parallel_loop3A_1418 = tpu.vector_load %arg6[%parallel_loop3A_1415, %parallel_loop3A_1416, %parallel_loop3A_1417] {strides = array<i32>} : memref<4x128x64xf32, #tpu.memory_space<vmem>>, vector<16xf32>,
        %parallel_loop3A_1419 = arith.constant 8.000000e+00 : f32
        %parallel_loop3A_1420 = vector.broadcast %parallel_loop3A_1419 : f32 to vector<16xf32>
        %parallel_loop3A_1421 = arith.mulf %parallel_loop3A_1418, %parallel_loop3A_1420 : vector<16xf32>
        %parallel_loop3A_1422 = arith.constant 3 : i32
        %parallel_loop3A_1423 = arith.constant 0 : i32
        %parallel_loop3A_1424 = arith.constant 0 : i32
        %parallel_loop3A_1425 = tpu.memref_slice %arg7[%parallel_loop3A_1422, %parallel_loop3A_1423, %parallel_loop3A_1424] : memref<4x64x129xf32, #tpu.memory_space<vmem>> -> memref<1x64x129xf32, #tpu.memory_space<vmem>>
        %parallel_loop3A_1426 = tpu.memref_squeeze %parallel_loop3A_1425 : memref<1x64x129xf32, #tpu.memory_space<vmem>> -> memref<64x129xf32, #tpu.memory_space<vmem>>
        tpu.vector_store_idx %parallel_loop3A_1426[%add3A_56, %parallel_loop3A_1400], %parallel_loop3A_1421 : memref<64x129xf32, #tpu.memory_space<vmem>>[vector<16xi32>, vector<16xi32>], vector<16xf32>,
        %parallel_loop3A_1427 = arith.constant 3 : i32
        %parallel_loop3A_1428 = arith.index_cast %parallel_loop3A_1427 : i32 to index
        %parallel_loop3A_1429 = arith.index_cast %parallel_loop3A_1399 : i32 to index
        %parallel_loop3A_1430 = arith.constant 32 : index
        %parallel_loop3A_1431 = tpu.vector_load %arg6[%parallel_loop3A_1428, %parallel_loop3A_1429, %parallel_loop3A_1430] {strides = array<i32>} : memref<4x128x64xf32, #tpu.memory_space<vmem>>, vector<16xf32>,
        %parallel_loop3A_1432 = arith.constant 8.000000e+00 : f32
        %parallel_loop3A_1433 = vector.broadcast %parallel_loop3A_1432 : f32 to vector<16xf32>
        %parallel_loop3A_1434 = arith.mulf %parallel_loop3A_1431, %parallel_loop3A_1433 : vector<16xf32>
        %parallel_loop3A_1435 = arith.constant 3 : i32
        %parallel_loop3A_1436 = arith.constant 0 : i32
        %parallel_loop3A_1437 = arith.constant 0 : i32
        %parallel_loop3A_1438 = tpu.memref_slice %arg7[%parallel_loop3A_1435, %parallel_loop3A_1436, %parallel_loop3A_1437] : memref<4x64x129xf32, #tpu.memory_space<vmem>> -> memref<1x64x129xf32, #tpu.memory_space<vmem>>
        %parallel_loop3A_1439 = tpu.memref_squeeze %parallel_loop3A_1438 : memref<1x64x129xf32, #tpu.memory_space<vmem>> -> memref<64x129xf32, #tpu.memory_space<vmem>>
        tpu.vector_store_idx %parallel_loop3A_1439[%add3A_60, %parallel_loop3A_1400], %parallel_loop3A_1434 : memref<64x129xf32, #tpu.memory_space<vmem>>[vector<16xi32>, vector<16xi32>], vector<16xf32>,
        %parallel_loop3A_1440 = arith.constant 3 : i32
        %parallel_loop3A_1441 = arith.index_cast %parallel_loop3A_1440 : i32 to index
        %parallel_loop3A_1442 = arith.index_cast %parallel_loop3A_1399 : i32 to index
        %parallel_loop3A_1443 = arith.constant 48 : index
        %parallel_loop3A_1444 = tpu.vector_load %arg6[%parallel_loop3A_1441, %parallel_loop3A_1442, %parallel_loop3A_1443] {strides = array<i32>} : memref<4x128x64xf32, #tpu.memory_space<vmem>>, vector<16xf32>,
        %parallel_loop3A_1445 = arith.constant 8.000000e+00 : f32
        %parallel_loop3A_1446 = vector.broadcast %parallel_loop3A_1445 : f32 to vector<16xf32>
        %parallel_loop3A_1447 = arith.mulf %parallel_loop3A_1444, %parallel_loop3A_1446 : vector<16xf32>
        %parallel_loop3A_1448 = arith.constant 3 : i32
        %parallel_loop3A_1449 = arith.constant 0 : i32
        %parallel_loop3A_1450 = arith.constant 0 : i32
        %parallel_loop3A_1451 = tpu.memref_slice %arg7[%parallel_loop3A_1448, %parallel_loop3A_1449, %parallel_loop3A_1450] : memref<4x64x129xf32, #tpu.memory_space<vmem>> -> memref<1x64x129xf32, #tpu.memory_space<vmem>>
        %parallel_loop3A_1452 = tpu.memref_squeeze %parallel_loop3A_1451 : memref<1x64x129xf32, #tpu.memory_space<vmem>> -> memref<64x129xf32, #tpu.memory_space<vmem>>
        tpu.vector_store_idx %parallel_loop3A_1452[%add3A_64, %parallel_loop3A_1400], %parallel_loop3A_1447 : memref<64x129xf32, #tpu.memory_space<vmem>>[vector<16xi32>, vector<16xi32>], vector<16xf32>,
      } {sc.loop_unroll_factor = 4 : i64, sc.parallel_access}
      %dma_start3A_1248 = arith.constant 3 : i32
      %dma_start3A_1249 = arith.constant 0 : i32
      %dma_start3A_1250 = arith.constant 0 : i32
      %dma_start3A_1251 = arith.constant 0 : i32
      %dma_start3A_1252 = tpu.memref_slice %arg7[%dma_start3A_1248, %dma_start3A_1250, %dma_start3A_1251] : memref<4x64x129xf32, #tpu.memory_space<vmem>> -> memref<1x8x128xf32, #tpu.memory_space<vmem>>
      %dma_start3A_1253 = tpu.memref_squeeze %dma_start3A_1252 : memref<1x8x128xf32, #tpu.memory_space<vmem>> -> memref<8x128xf32, #tpu.memory_space<vmem>>
      %dma_start3A_1254 = arith.constant 0 : i32
      %dma_start3A_1255 = arith.constant 0 : i32
      %dma_start3A_1256 = tpu.memref_slice %arg4[%add3A_1227, %dma_start3A_1249, %add3A, %dma_start3A_1254, %dma_start3A_1255] : memref<200x8x32x8x128xf32, #tpu.memory_space<hbm>> -> memref<1x1x1x8x128xf32, #tpu.memory_space<hbm>>
      %dma_start3A_1257 = tpu.memref_squeeze %dma_start3A_1256 : memref<1x1x1x8x128xf32, #tpu.memory_space<hbm>> -> memref<8x128xf32, #tpu.memory_space<hbm>>
      %dma_start3A_1258 = arith.constant 0 : i32
      %dma_start3A_1259 = arith.constant 0 : i32
      %dma_start3A_1260 = tpu.memref_slice %arg4[%add3A_1227, %dma_start3A_1249, %add3A, %dma_start3A_1258, %dma_start3A_1259] : memref<200x8x32x8x128xf32, #tpu.memory_space<hbm>> -> memref<1x1x1x8x128xf32, #tpu.memory_space<hbm>>
      %dma_start3A_1261 = tpu.memref_squeeze %dma_start3A_1260 : memref<1x1x1x8x128xf32, #tpu.memory_space<hbm>> -> memref<8x128xf32, #tpu.memory_space<hbm>>
      %dma_start3A_1262 = arith.constant 0 : i32
      %dma_start3A_1263 = arith.constant 0 : i32
      %dma_start3A_1264 = tpu.memref_slice %arg7[%dma_start3A_1248, %dma_start3A_1262, %dma_start3A_1263] : memref<4x64x129xf32, #tpu.memory_space<vmem>> -> memref<1x8x128xf32, #tpu.memory_space<vmem>>
      %dma_start3A_1265 = tpu.memref_squeeze %dma_start3A_1264 : memref<1x8x128xf32, #tpu.memory_space<vmem>> -> memref<8x128xf32, #tpu.memory_space<vmem>>
      tpu.enqueue_dma source(%dma_start3A_1265 : memref<8x128xf32, #tpu.memory_space<vmem>>) target(%dma_start3A_1261 : memref<8x128xf32, #tpu.memory_space<hbm>>) target_semaphore(%arg15 : memref<!tpu.dma_semaphore, #tpu.memory_space<semaphore_mem>>)
      %dma_start3A_1266 = arith.constant 3 : i32
      %dma_start3A_1267 = arith.constant 1 : i32
      %dma_start3A_1268 = arith.constant 8 : i32
      %dma_start3A_1269 = arith.constant 0 : i32
      %dma_start3A_1270 = tpu.memref_slice %arg7[%dma_start3A_1266, %dma_start3A_1268, %dma_start3A_1269] : memref<4x64x129xf32, #tpu.memory_space<vmem>> -> memref<1x8x128xf32, #tpu.memory_space<vmem>>
      %dma_start3A_1271 = tpu.memref_squeeze %dma_start3A_1270 : memref<1x8x128xf32, #tpu.memory_space<vmem>> -> memref<8x128xf32, #tpu.memory_space<vmem>>
      %dma_start3A_1272 = arith.constant 0 : i32
      %dma_start3A_1273 = arith.constant 0 : i32
      %dma_start3A_1274 = tpu.memref_slice %arg4[%add3A_1227, %dma_start3A_1267, %add3A, %dma_start3A_1272, %dma_start3A_1273] : memref<200x8x32x8x128xf32, #tpu.memory_space<hbm>> -> memref<1x1x1x8x128xf32, #tpu.memory_space<hbm>>
      %dma_start3A_1275 = tpu.memref_squeeze %dma_start3A_1274 : memref<1x1x1x8x128xf32, #tpu.memory_space<hbm>> -> memref<8x128xf32, #tpu.memory_space<hbm>>
      %dma_start3A_1276 = arith.constant 0 : i32
      %dma_start3A_1277 = arith.constant 0 : i32
      %dma_start3A_1278 = tpu.memref_slice %arg4[%add3A_1227, %dma_start3A_1267, %add3A, %dma_start3A_1276, %dma_start3A_1277] : memref<200x8x32x8x128xf32, #tpu.memory_space<hbm>> -> memref<1x1x1x8x128xf32, #tpu.memory_space<hbm>>
      %dma_start3A_1279 = tpu.memref_squeeze %dma_start3A_1278 : memref<1x1x1x8x128xf32, #tpu.memory_space<hbm>> -> memref<8x128xf32, #tpu.memory_space<hbm>>
      %dma_start3A_1280 = arith.constant 8 : i32
      %dma_start3A_1281 = arith.constant 0 : i32
      %dma_start3A_1282 = tpu.memref_slice %arg7[%dma_start3A_1266, %dma_start3A_1280, %dma_start3A_1281] : memref<4x64x129xf32, #tpu.memory_space<vmem>> -> memref<1x8x128xf32, #tpu.memory_space<vmem>>
      %dma_start3A_1283 = tpu.memref_squeeze %dma_start3A_1282 : memref<1x8x128xf32, #tpu.memory_space<vmem>> -> memref<8x128xf32, #tpu.memory_space<vmem>>
      tpu.enqueue_dma source(%dma_start3A_1283 : memref<8x128xf32, #tpu.memory_space<vmem>>) target(%dma_start3A_1279 : memref<8x128xf32, #tpu.memory_space<hbm>>) target_semaphore(%arg15 : memref<!tpu.dma_semaphore, #tpu.memory_space<semaphore_mem>>)
      %dma_start3A_1284 = arith.constant 3 : i32
      %dma_start3A_1285 = arith.constant 2 : i32
      %dma_start3A_1286 = arith.constant 16 : i32
      %dma_start3A_1287 = arith.constant 0 : i32
      %dma_start3A_1288 = tpu.memref_slice %arg7[%dma_start3A_1284, %dma_start3A_1286, %dma_start3A_1287] : memref<4x64x129xf32, #tpu.memory_space<vmem>> -> memref<1x8x128xf32, #tpu.memory_space<vmem>>
      %dma_start3A_1289 = tpu.memref_squeeze %dma_start3A_1288 : memref<1x8x128xf32, #tpu.memory_space<vmem>> -> memref<8x128xf32, #tpu.memory_space<vmem>>
      %dma_start3A_1290 = arith.constant 0 : i32
      %dma_start3A_1291 = arith.constant 0 : i32
      %dma_start3A_1292 = tpu.memref_slice %arg4[%add3A_1227, %dma_start3A_1285, %add3A, %dma_start3A_1290, %dma_start3A_1291] : memref<200x8x32x8x128xf32, #tpu.memory_space<hbm>> -> memref<1x1x1x8x128xf32, #tpu.memory_space<hbm>>
      %dma_start3A_1293 = tpu.memref_squeeze %dma_start3A_1292 : memref<1x1x1x8x128xf32, #tpu.memory_space<hbm>> -> memref<8x128xf32, #tpu.memory_space<hbm>>
      %dma_start3A_1294 = arith.constant 0 : i32
      %dma_start3A_1295 = arith.constant 0 : i32
      %dma_start3A_1296 = tpu.memref_slice %arg4[%add3A_1227, %dma_start3A_1285, %add3A, %dma_start3A_1294, %dma_start3A_1295] : memref<200x8x32x8x128xf32, #tpu.memory_space<hbm>> -> memref<1x1x1x8x128xf32, #tpu.memory_space<hbm>>
      %dma_start3A_1297 = tpu.memref_squeeze %dma_start3A_1296 : memref<1x1x1x8x128xf32, #tpu.memory_space<hbm>> -> memref<8x128xf32, #tpu.memory_space<hbm>>
      %dma_start3A_1298 = arith.constant 16 : i32
      %dma_start3A_1299 = arith.constant 0 : i32
      %dma_start3A_1300 = tpu.memref_slice %arg7[%dma_start3A_1284, %dma_start3A_1298, %dma_start3A_1299] : memref<4x64x129xf32, #tpu.memory_space<vmem>> -> memref<1x8x128xf32, #tpu.memory_space<vmem>>
      %dma_start3A_1301 = tpu.memref_squeeze %dma_start3A_1300 : memref<1x8x128xf32, #tpu.memory_space<vmem>> -> memref<8x128xf32, #tpu.memory_space<vmem>>
      tpu.enqueue_dma source(%dma_start3A_1301 : memref<8x128xf32, #tpu.memory_space<vmem>>) target(%dma_start3A_1297 : memref<8x128xf32, #tpu.memory_space<hbm>>) target_semaphore(%arg15 : memref<!tpu.dma_semaphore, #tpu.memory_space<semaphore_mem>>)
      %dma_start3A_1302 = arith.constant 3 : i32
      %dma_start3A_1303 = arith.constant 3 : i32
      %dma_start3A_1304 = arith.constant 24 : i32
      %dma_start3A_1305 = arith.constant 0 : i32
      %dma_start3A_1306 = tpu.memref_slice %arg7[%dma_start3A_1302, %dma_start3A_1304, %dma_start3A_1305] : memref<4x64x129xf32, #tpu.memory_space<vmem>> -> memref<1x8x128xf32, #tpu.memory_space<vmem>>
      %dma_start3A_1307 = tpu.memref_squeeze %dma_start3A_1306 : memref<1x8x128xf32, #tpu.memory_space<vmem>> -> memref<8x128xf32, #tpu.memory_space<vmem>>
      %dma_start3A_1308 = arith.constant 0 : i32
      %dma_start3A_1309 = arith.constant 0 : i32
      %dma_start3A_1310 = tpu.memref_slice %arg4[%add3A_1227, %dma_start3A_1303, %add3A, %dma_start3A_1308, %dma_start3A_1309] : memref<200x8x32x8x128xf32, #tpu.memory_space<hbm>> -> memref<1x1x1x8x128xf32, #tpu.memory_space<hbm>>
      %dma_start3A_1311 = tpu.memref_squeeze %dma_start3A_1310 : memref<1x1x1x8x128xf32, #tpu.memory_space<hbm>> -> memref<8x128xf32, #tpu.memory_space<hbm>>
      %dma_start3A_1312 = arith.constant 0 : i32
      %dma_start3A_1313 = arith.constant 0 : i32
      %dma_start3A_1314 = tpu.memref_slice %arg4[%add3A_1227, %dma_start3A_1303, %add3A, %dma_start3A_1312, %dma_start3A_1313] : memref<200x8x32x8x128xf32, #tpu.memory_space<hbm>> -> memref<1x1x1x8x128xf32, #tpu.memory_space<hbm>>
      %dma_start3A_1315 = tpu.memref_squeeze %dma_start3A_1314 : memref<1x1x1x8x128xf32, #tpu.memory_space<hbm>> -> memref<8x128xf32, #tpu.memory_space<hbm>>
      %dma_start3A_1316 = arith.constant 24 : i32
      %dma_start3A_1317 = arith.constant 0 : i32
      %dma_start3A_1318 = tpu.memref_slice %arg7[%dma_start3A_1302, %dma_start3A_1316, %dma_start3A_1317] : memref<4x64x129xf32, #tpu.memory_space<vmem>> -> memref<1x8x128xf32, #tpu.memory_space<vmem>>
      %dma_start3A_1319 = tpu.memref_squeeze %dma_start3A_1318 : memref<1x8x128xf32, #tpu.memory_space<vmem>> -> memref<8x128xf32, #tpu.memory_space<vmem>>
      tpu.enqueue_dma source(%dma_start3A_1319 : memref<8x128xf32, #tpu.memory_space<vmem>>) target(%dma_start3A_1315 : memref<8x128xf32, #tpu.memory_space<hbm>>) target_semaphore(%arg15 : memref<!tpu.dma_semaphore, #tpu.memory_space<semaphore_mem>>)
      %dma_start3A_1320 = arith.constant 3 : i32
      %dma_start3A_1321 = arith.constant 4 : i32
      %dma_start3A_1322 = arith.constant 32 : i32
      %dma_start3A_1323 = arith.constant 0 : i32
      %dma_start3A_1324 = tpu.memref_slice %arg7[%dma_start3A_1320, %dma_start3A_1322, %dma_start3A_1323] : memref<4x64x129xf32, #tpu.memory_space<vmem>> -> memref<1x8x128xf32, #tpu.memory_space<vmem>>
      %dma_start3A_1325 = tpu.memref_squeeze %dma_start3A_1324 : memref<1x8x128xf32, #tpu.memory_space<vmem>> -> memref<8x128xf32, #tpu.memory_space<vmem>>
      %dma_start3A_1326 = arith.constant 0 : i32
      %dma_start3A_1327 = arith.constant 0 : i32
      %dma_start3A_1328 = tpu.memref_slice %arg4[%add3A_1227, %dma_start3A_1321, %add3A, %dma_start3A_1326, %dma_start3A_1327] : memref<200x8x32x8x128xf32, #tpu.memory_space<hbm>> -> memref<1x1x1x8x128xf32, #tpu.memory_space<hbm>>
      %dma_start3A_1329 = tpu.memref_squeeze %dma_start3A_1328 : memref<1x1x1x8x128xf32, #tpu.memory_space<hbm>> -> memref<8x128xf32, #tpu.memory_space<hbm>>
      %dma_start3A_1330 = arith.constant 0 : i32
      %dma_start3A_1331 = arith.constant 0 : i32
      %dma_start3A_1332 = tpu.memref_slice %arg4[%add3A_1227, %dma_start3A_1321, %add3A, %dma_start3A_1330, %dma_start3A_1331] : memref<200x8x32x8x128xf32, #tpu.memory_space<hbm>> -> memref<1x1x1x8x128xf32, #tpu.memory_space<hbm>>
      %dma_start3A_1333 = tpu.memref_squeeze %dma_start3A_1332 : memref<1x1x1x8x128xf32, #tpu.memory_space<hbm>> -> memref<8x128xf32, #tpu.memory_space<hbm>>
      %dma_start3A_1334 = arith.constant 32 : i32
      %dma_start3A_1335 = arith.constant 0 : i32
      %dma_start3A_1336 = tpu.memref_slice %arg7[%dma_start3A_1320, %dma_start3A_1334, %dma_start3A_1335] : memref<4x64x129xf32, #tpu.memory_space<vmem>> -> memref<1x8x128xf32, #tpu.memory_space<vmem>>
      %dma_start3A_1337 = tpu.memref_squeeze %dma_start3A_1336 : memref<1x8x128xf32, #tpu.memory_space<vmem>> -> memref<8x128xf32, #tpu.memory_space<vmem>>
      tpu.enqueue_dma source(%dma_start3A_1337 : memref<8x128xf32, #tpu.memory_space<vmem>>) target(%dma_start3A_1333 : memref<8x128xf32, #tpu.memory_space<hbm>>) target_semaphore(%arg15 : memref<!tpu.dma_semaphore, #tpu.memory_space<semaphore_mem>>)
      %dma_start3A_1338 = arith.constant 3 : i32
      %dma_start3A_1339 = arith.constant 5 : i32
      %dma_start3A_1340 = arith.constant 40 : i32
      %dma_start3A_1341 = arith.constant 0 : i32
      %dma_start3A_1342 = tpu.memref_slice %arg7[%dma_start3A_1338, %dma_start3A_1340, %dma_start3A_1341] : memref<4x64x129xf32, #tpu.memory_space<vmem>> -> memref<1x8x128xf32, #tpu.memory_space<vmem>>
      %dma_start3A_1343 = tpu.memref_squeeze %dma_start3A_1342 : memref<1x8x128xf32, #tpu.memory_space<vmem>> -> memref<8x128xf32, #tpu.memory_space<vmem>>
      %dma_start3A_1344 = arith.constant 0 : i32
      %dma_start3A_1345 = arith.constant 0 : i32
      %dma_start3A_1346 = tpu.memref_slice %arg4[%add3A_1227, %dma_start3A_1339, %add3A, %dma_start3A_1344, %dma_start3A_1345] : memref<200x8x32x8x128xf32, #tpu.memory_space<hbm>> -> memref<1x1x1x8x128xf32, #tpu.memory_space<hbm>>
      %dma_start3A_1347 = tpu.memref_squeeze %dma_start3A_1346 : memref<1x1x1x8x128xf32, #tpu.memory_space<hbm>> -> memref<8x128xf32, #tpu.memory_space<hbm>>
      %dma_start3A_1348 = arith.constant 0 : i32
      %dma_start3A_1349 = arith.constant 0 : i32
      %dma_start3A_1350 = tpu.memref_slice %arg4[%add3A_1227, %dma_start3A_1339, %add3A, %dma_start3A_1348, %dma_start3A_1349] : memref<200x8x32x8x128xf32, #tpu.memory_space<hbm>> -> memref<1x1x1x8x128xf32, #tpu.memory_space<hbm>>
      %dma_start3A_1351 = tpu.memref_squeeze %dma_start3A_1350 : memref<1x1x1x8x128xf32, #tpu.memory_space<hbm>> -> memref<8x128xf32, #tpu.memory_space<hbm>>
      %dma_start3A_1352 = arith.constant 40 : i32
      %dma_start3A_1353 = arith.constant 0 : i32
      %dma_start3A_1354 = tpu.memref_slice %arg7[%dma_start3A_1338, %dma_start3A_1352, %dma_start3A_1353] : memref<4x64x129xf32, #tpu.memory_space<vmem>> -> memref<1x8x128xf32, #tpu.memory_space<vmem>>
      %dma_start3A_1355 = tpu.memref_squeeze %dma_start3A_1354 : memref<1x8x128xf32, #tpu.memory_space<vmem>> -> memref<8x128xf32, #tpu.memory_space<vmem>>
      tpu.enqueue_dma source(%dma_start3A_1355 : memref<8x128xf32, #tpu.memory_space<vmem>>) target(%dma_start3A_1351 : memref<8x128xf32, #tpu.memory_space<hbm>>) target_semaphore(%arg15 : memref<!tpu.dma_semaphore, #tpu.memory_space<semaphore_mem>>)
      %dma_start3A_1356 = arith.constant 3 : i32
      %dma_start3A_1357 = arith.constant 6 : i32
      %dma_start3A_1358 = arith.constant 48 : i32
      %dma_start3A_1359 = arith.constant 0 : i32
      %dma_start3A_1360 = tpu.memref_slice %arg7[%dma_start3A_1356, %dma_start3A_1358, %dma_start3A_1359] : memref<4x64x129xf32, #tpu.memory_space<vmem>> -> memref<1x8x128xf32, #tpu.memory_space<vmem>>
      %dma_start3A_1361 = tpu.memref_squeeze %dma_start3A_1360 : memref<1x8x128xf32, #tpu.memory_space<vmem>> -> memref<8x128xf32, #tpu.memory_space<vmem>>
      %dma_start3A_1362 = arith.constant 0 : i32
      %dma_start3A_1363 = arith.constant 0 : i32
      %dma_start3A_1364 = tpu.memref_slice %arg4[%add3A_1227, %dma_start3A_1357, %add3A, %dma_start3A_1362, %dma_start3A_1363] : memref<200x8x32x8x128xf32, #tpu.memory_space<hbm>> -> memref<1x1x1x8x128xf32, #tpu.memory_space<hbm>>
      %dma_start3A_1365 = tpu.memref_squeeze %dma_start3A_1364 : memref<1x1x1x8x128xf32, #tpu.memory_space<hbm>> -> memref<8x128xf32, #tpu.memory_space<hbm>>
      %dma_start3A_1366 = arith.constant 0 : i32
      %dma_start3A_1367 = arith.constant 0 : i32
      %dma_start3A_1368 = tpu.memref_slice %arg4[%add3A_1227, %dma_start3A_1357, %add3A, %dma_start3A_1366, %dma_start3A_1367] : memref<200x8x32x8x128xf32, #tpu.memory_space<hbm>> -> memref<1x1x1x8x128xf32, #tpu.memory_space<hbm>>
      %dma_start3A_1369 = tpu.memref_squeeze %dma_start3A_1368 : memref<1x1x1x8x128xf32, #tpu.memory_space<hbm>> -> memref<8x128xf32, #tpu.memory_space<hbm>>
      %dma_start3A_1370 = arith.constant 48 : i32
      %dma_start3A_1371 = arith.constant 0 : i32
      %dma_start3A_1372 = tpu.memref_slice %arg7[%dma_start3A_1356, %dma_start3A_1370, %dma_start3A_1371] : memref<4x64x129xf32, #tpu.memory_space<vmem>> -> memref<1x8x128xf32, #tpu.memory_space<vmem>>
      %dma_start3A_1373 = tpu.memref_squeeze %dma_start3A_1372 : memref<1x8x128xf32, #tpu.memory_space<vmem>> -> memref<8x128xf32, #tpu.memory_space<vmem>>
      tpu.enqueue_dma source(%dma_start3A_1373 : memref<8x128xf32, #tpu.memory_space<vmem>>) target(%dma_start3A_1369 : memref<8x128xf32, #tpu.memory_space<hbm>>) target_semaphore(%arg15 : memref<!tpu.dma_semaphore, #tpu.memory_space<semaphore_mem>>)
      %dma_start3A_1374 = arith.constant 3 : i32
      %dma_start3A_1375 = arith.constant 7 : i32
      %dma_start3A_1376 = arith.constant 56 : i32
      %dma_start3A_1377 = arith.constant 0 : i32
      %dma_start3A_1378 = tpu.memref_slice %arg7[%dma_start3A_1374, %dma_start3A_1376, %dma_start3A_1377] : memref<4x64x129xf32, #tpu.memory_space<vmem>> -> memref<1x8x128xf32, #tpu.memory_space<vmem>>
      %dma_start3A_1379 = tpu.memref_squeeze %dma_start3A_1378 : memref<1x8x128xf32, #tpu.memory_space<vmem>> -> memref<8x128xf32, #tpu.memory_space<vmem>>
      %dma_start3A_1380 = arith.constant 0 : i32
      %dma_start3A_1381 = arith.constant 0 : i32
      %dma_start3A_1382 = tpu.memref_slice %arg4[%add3A_1227, %dma_start3A_1375, %add3A, %dma_start3A_1380, %dma_start3A_1381] : memref<200x8x32x8x128xf32, #tpu.memory_space<hbm>> -> memref<1x1x1x8x128xf32, #tpu.memory_space<hbm>>
      %dma_start3A_1383 = tpu.memref_squeeze %dma_start3A_1382 : memref<1x1x1x8x128xf32, #tpu.memory_space<hbm>> -> memref<8x128xf32, #tpu.memory_space<hbm>>
      %dma_start3A_1384 = arith.constant 0 : i32
      %dma_start3A_1385 = arith.constant 0 : i32
      %dma_start3A_1386 = tpu.memref_slice %arg4[%add3A_1227, %dma_start3A_1375, %add3A, %dma_start3A_1384, %dma_start3A_1385] : memref<200x8x32x8x128xf32, #tpu.memory_space<hbm>> -> memref<1x1x1x8x128xf32, #tpu.memory_space<hbm>>
      %dma_start3A_1387 = tpu.memref_squeeze %dma_start3A_1386 : memref<1x1x1x8x128xf32, #tpu.memory_space<hbm>> -> memref<8x128xf32, #tpu.memory_space<hbm>>
      %dma_start3A_1388 = arith.constant 56 : i32
      %dma_start3A_1389 = arith.constant 0 : i32
      %dma_start3A_1390 = tpu.memref_slice %arg7[%dma_start3A_1374, %dma_start3A_1388, %dma_start3A_1389] : memref<4x64x129xf32, #tpu.memory_space<vmem>> -> memref<1x8x128xf32, #tpu.memory_space<vmem>>
      %dma_start3A_1391 = tpu.memref_squeeze %dma_start3A_1390 : memref<1x8x128xf32, #tpu.memory_space<vmem>> -> memref<8x128xf32, #tpu.memory_space<vmem>>
      tpu.enqueue_dma source(%dma_start3A_1391 : memref<8x128xf32, #tpu.memory_space<vmem>>) target(%dma_start3A_1387 : memref<8x128xf32, #tpu.memory_space<hbm>>) target_semaphore(%arg15 : memref<!tpu.dma_semaphore, #tpu.memory_space<semaphore_mem>>)
      %add3A_1392 = arith.constant 4 : i32
      %add3A_1393 = arith.addi %add3A_1227, %add3A_1392 : i32
      %lt3A_1394 = arith.constant 200 : i32
      %lt3A_1395 = arith.cmpi slt, %add3A_1393, %lt3A_1394 : i32
      %convert_element_type3A_1396 = arith.extui %lt3A_1395 : i1 to i32
      %cond3A_1397 = arith.constant 0 : i32
      %cond3A_1398 = arith.cmpi ne, %convert_element_type3A_1396, %cond3A_1397 : i32
      scf.if %cond3A_1398 {
        %add3A_1399 = arith.constant 4 : i32
        %add3A_1400 = arith.addi %add3A_1227, %add3A_1399 : i32
        %dma_start3A_1401 = arith.constant 3 : i32
        %dma_start3A_1402 = arith.constant 0 : i32
        %dma_start3A_1403 = arith.constant 0 : i32
        %dma_start3A_1404 = tpu.memref_slice %arg6[%dma_start3A_1401, %dma_start3A_1402, %dma_start3A_1403] : memref<4x128x64xf32, #tpu.memory_space<vmem>> -> memref<1x128x64xf32, #tpu.memory_space<vmem>>
        %dma_start3A_1405 = tpu.memref_squeeze %dma_start3A_1404 : memref<1x128x64xf32, #tpu.memory_space<vmem>> -> memref<128x64xf32, #tpu.memory_space<vmem>>
        %dma_start3A_1406 = arith.constant 0 : i32
        %dma_start3A_1407 = tpu.memref_slice %arg5[%add3A_1400, %dma_start3A_1406] : memref<200x128xi32, #tpu.memory_space<vmem>> -> memref<1x128xi32, #tpu.memory_space<vmem>>
        %dma_start3A_1408 = tpu.memref_squeeze %dma_start3A_1407 : memref<1x128xi32, #tpu.memory_space<vmem>> -> memref<128xi32, #tpu.memory_space<vmem>>
        %dma_start3A_1409 = arith.constant 0 : i32
        %dma_start3A_1410 = arith.constant 0 : i32
        %dma_start3A_1411 = tpu.memref_slice %arg3[%dma_start3A_1409, %dma_start3A_1410] : memref<1000000x64xf32, #tpu.memory_space<hbm>> -> memref<1000000x64xf32, #tpu.memory_space<hbm>>
        tpu.enqueue_indirect_dma source(%dma_start3A_1411 : memref<1000000x64xf32, #tpu.memory_space<hbm>>) target(%dma_start3A_1405 : memref<128x64xf32, #tpu.memory_space<vmem>>) offsets(%dma_start3A_1408 : memref<128xi32, #tpu.memory_space<vmem>>) semaphore(%arg11 : memref<!tpu.dma_semaphore, #tpu.memory_space<semaphore_mem>>)
      } else {
      }
    }
    %scan3A_69 = arith.constant 50 : i32
    %dma_wait3A = arith.constant 0 : i32
    %dma_wait3A_70 = arith.constant 0 : i32
    %dma_wait3A_71 = arith.constant 0 : i32
    %dma_wait3A_72 = arith.constant 0 : i32
    %dma_wait3A_73 = arith.constant 0 : i32
    %dma_wait3A_74 = arith.constant 0 : i32
    %dma_wait3A_75 = tpu.memref_slice %arg7[%dma_wait3A, %dma_wait3A_73, %dma_wait3A_74] : memref<4x64x129xf32, #tpu.memory_space<vmem>> -> memref<1x8x128xf32, #tpu.memory_space<vmem>>
    %dma_wait3A_76 = tpu.memref_squeeze %dma_wait3A_75 : memref<1x8x128xf32, #tpu.memory_space<vmem>> -> memref<8x128xf32, #tpu.memory_space<vmem>>
    %dma_wait3A_77 = arith.constant 0 : i32
    %dma_wait3A_78 = arith.constant 0 : i32
    %dma_wait3A_79 = tpu.memref_slice %arg4[%dma_wait3A_70, %dma_wait3A_71, %dma_wait3A_72, %dma_wait3A_77, %dma_wait3A_78] : memref<200x8x32x8x128xf32, #tpu.memory_space<hbm>> -> memref<1x1x1x8x128xf32, #tpu.memory_space<hbm>>
    %dma_wait3A_80 = tpu.memref_squeeze %dma_wait3A_79 : memref<1x1x1x8x128xf32, #tpu.memory_space<hbm>> -> memref<8x128xf32, #tpu.memory_space<hbm>>
    %dma_wait3A_81 = arith.constant 0 : i32
    %dma_wait3A_82 = arith.constant 0 : i32
    %dma_wait3A_83 = tpu.memref_slice %arg4[%dma_wait3A_70, %dma_wait3A_71, %dma_wait3A_72, %dma_wait3A_81, %dma_wait3A_82] : memref<200x8x32x8x128xf32, #tpu.memory_space<hbm>> -> memref<1x1x1x8x128xf32, #tpu.memory_space<hbm>>
    %dma_wait3A_84 = tpu.memref_squeeze %dma_wait3A_83 : memref<1x1x1x8x128xf32, #tpu.memory_space<hbm>> -> memref<8x128xf32, #tpu.memory_space<hbm>>
    %dma_wait3A_85 = arith.constant 0 : i32
    %dma_wait3A_86 = arith.constant 0 : i32
    %dma_wait3A_87 = tpu.memref_slice %arg7[%dma_wait3A, %dma_wait3A_85, %dma_wait3A_86] : memref<4x64x129xf32, #tpu.memory_space<vmem>> -> memref<1x8x128xf32, #tpu.memory_space<vmem>>
    %dma_wait3A_88 = tpu.memref_squeeze %dma_wait3A_87 : memref<1x8x128xf32, #tpu.memory_space<vmem>> -> memref<8x128xf32, #tpu.memory_space<vmem>>
    tpu.wait_dma2 semaphore(%arg12 : memref<!tpu.dma_semaphore, #tpu.memory_space<semaphore_mem>>) src(%dma_wait3A_88 : memref<8x128xf32, #tpu.memory_space<vmem>>) dst(%dma_wait3A_84 : memref<8x128xf32, #tpu.memory_space<hbm>>)
    %dma_wait3A_89 = arith.constant 0 : i32
    %dma_wait3A_90 = arith.constant 0 : i32
    %dma_wait3A_91 = arith.constant 0 : i32
    %dma_wait3A_92 = arith.constant 0 : i32
    %dma_wait3A_93 = arith.constant 8 : i32
    %dma_wait3A_94 = arith.constant 0 : i32
    %dma_wait3A_95 = tpu.memref_slice %arg7[%dma_wait3A_89, %dma_wait3A_93, %dma_wait3A_94] : memref<4x64x129xf32, #tpu.memory_space<vmem>> -> memref<1x8x128xf32, #tpu.memory_space<vmem>>
    %dma_wait3A_96 = tpu.memref_squeeze %dma_wait3A_95 : memref<1x8x128xf32, #tpu.memory_space<vmem>> -> memref<8x128xf32, #tpu.memory_space<vmem>>
    %dma_wait3A_97 = arith.constant 0 : i32
    %dma_wait3A_98 = arith.constant 0 : i32
    %dma_wait3A_99 = tpu.memref_slice %arg4[%dma_wait3A_90, %dma_wait3A_91, %dma_wait3A_92, %dma_wait3A_97, %dma_wait3A_98] : memref<200x8x32x8x128xf32, #tpu.memory_space<hbm>> -> memref<1x1x1x8x128xf32, #tpu.memory_space<hbm>>
    %dma_wait3A_100 = tpu.memref_squeeze %dma_wait3A_99 : memref<1x1x1x8x128xf32, #tpu.memory_space<hbm>> -> memref<8x128xf32, #tpu.memory_space<hbm>>
    %dma_wait3A_101 = arith.constant 0 : i32
    %dma_wait3A_102 = arith.constant 0 : i32
    %dma_wait3A_103 = tpu.memref_slice %arg4[%dma_wait3A_90, %dma_wait3A_91, %dma_wait3A_92, %dma_wait3A_101, %dma_wait3A_102] : memref<200x8x32x8x128xf32, #tpu.memory_space<hbm>> -> memref<1x1x1x8x128xf32, #tpu.memory_space<hbm>>
    %dma_wait3A_104 = tpu.memref_squeeze %dma_wait3A_103 : memref<1x1x1x8x128xf32, #tpu.memory_space<hbm>> -> memref<8x128xf32, #tpu.memory_space<hbm>>
    %dma_wait3A_105 = arith.constant 8 : i32
    %dma_wait3A_106 = arith.constant 0 : i32
    %dma_wait3A_107 = tpu.memref_slice %arg7[%dma_wait3A_89, %dma_wait3A_105, %dma_wait3A_106] : memref<4x64x129xf32, #tpu.memory_space<vmem>> -> memref<1x8x128xf32, #tpu.memory_space<vmem>>
    %dma_wait3A_108 = tpu.memref_squeeze %dma_wait3A_107 : memref<1x8x128xf32, #tpu.memory_space<vmem>> -> memref<8x128xf32, #tpu.memory_space<vmem>>
    tpu.wait_dma2 semaphore(%arg12 : memref<!tpu.dma_semaphore, #tpu.memory_space<semaphore_mem>>) src(%dma_wait3A_108 : memref<8x128xf32, #tpu.memory_space<vmem>>) dst(%dma_wait3A_104 : memref<8x128xf32, #tpu.memory_space<hbm>>)
    %dma_wait3A_109 = arith.constant 0 : i32
    %dma_wait3A_110 = arith.constant 0 : i32
    %dma_wait3A_111 = arith.constant 0 : i32
    %dma_wait3A_112 = arith.constant 0 : i32
    %dma_wait3A_113 = arith.constant 16 : i32
    %dma_wait3A_114 = arith.constant 0 : i32
    %dma_wait3A_115 = tpu.memref_slice %arg7[%dma_wait3A_109, %dma_wait3A_113, %dma_wait3A_114] : memref<4x64x129xf32, #tpu.memory_space<vmem>> -> memref<1x8x128xf32, #tpu.memory_space<vmem>>
    %dma_wait3A_116 = tpu.memref_squeeze %dma_wait3A_115 : memref<1x8x128xf32, #tpu.memory_space<vmem>> -> memref<8x128xf32, #tpu.memory_space<vmem>>
    %dma_wait3A_117 = arith.constant 0 : i32
    %dma_wait3A_118 = arith.constant 0 : i32
    %dma_wait3A_119 = tpu.memref_slice %arg4[%dma_wait3A_110, %dma_wait3A_111, %dma_wait3A_112, %dma_wait3A_117, %dma_wait3A_118] : memref<200x8x32x8x128xf32, #tpu.memory_space<hbm>> -> memref<1x1x1x8x128xf32, #tpu.memory_space<hbm>>
    %dma_wait3A_120 = tpu.memref_squeeze %dma_wait3A_119 : memref<1x1x1x8x128xf32, #tpu.memory_space<hbm>> -> memref<8x128xf32, #tpu.memory_space<hbm>>
    %dma_wait3A_121 = arith.constant 0 : i32
    %dma_wait3A_122 = arith.constant 0 : i32
    %dma_wait3A_123 = tpu.memref_slice %arg4[%dma_wait3A_110, %dma_wait3A_111, %dma_wait3A_112, %dma_wait3A_121, %dma_wait3A_122] : memref<200x8x32x8x128xf32, #tpu.memory_space<hbm>> -> memref<1x1x1x8x128xf32, #tpu.memory_space<hbm>>
    %dma_wait3A_124 = tpu.memref_squeeze %dma_wait3A_123 : memref<1x1x1x8x128xf32, #tpu.memory_space<hbm>> -> memref<8x128xf32, #tpu.memory_space<hbm>>
    %dma_wait3A_125 = arith.constant 16 : i32
    %dma_wait3A_126 = arith.constant 0 : i32
    %dma_wait3A_127 = tpu.memref_slice %arg7[%dma_wait3A_109, %dma_wait3A_125, %dma_wait3A_126] : memref<4x64x129xf32, #tpu.memory_space<vmem>> -> memref<1x8x128xf32, #tpu.memory_space<vmem>>
    %dma_wait3A_128 = tpu.memref_squeeze %dma_wait3A_127 : memref<1x8x128xf32, #tpu.memory_space<vmem>> -> memref<8x128xf32, #tpu.memory_space<vmem>>
    tpu.wait_dma2 semaphore(%arg12 : memref<!tpu.dma_semaphore, #tpu.memory_space<semaphore_mem>>) src(%dma_wait3A_128 : memref<8x128xf32, #tpu.memory_space<vmem>>) dst(%dma_wait3A_124 : memref<8x128xf32, #tpu.memory_space<hbm>>)
    %dma_wait3A_129 = arith.constant 0 : i32
    %dma_wait3A_130 = arith.constant 0 : i32
    %dma_wait3A_131 = arith.constant 0 : i32
    %dma_wait3A_132 = arith.constant 0 : i32
    %dma_wait3A_133 = arith.constant 24 : i32
    %dma_wait3A_134 = arith.constant 0 : i32
    %dma_wait3A_135 = tpu.memref_slice %arg7[%dma_wait3A_129, %dma_wait3A_133, %dma_wait3A_134] : memref<4x64x129xf32, #tpu.memory_space<vmem>> -> memref<1x8x128xf32, #tpu.memory_space<vmem>>
    %dma_wait3A_136 = tpu.memref_squeeze %dma_wait3A_135 : memref<1x8x128xf32, #tpu.memory_space<vmem>> -> memref<8x128xf32, #tpu.memory_space<vmem>>
    %dma_wait3A_137 = arith.constant 0 : i32
    %dma_wait3A_138 = arith.constant 0 : i32
    %dma_wait3A_139 = tpu.memref_slice %arg4[%dma_wait3A_130, %dma_wait3A_131, %dma_wait3A_132, %dma_wait3A_137, %dma_wait3A_138] : memref<200x8x32x8x128xf32, #tpu.memory_space<hbm>> -> memref<1x1x1x8x128xf32, #tpu.memory_space<hbm>>
    %dma_wait3A_140 = tpu.memref_squeeze %dma_wait3A_139 : memref<1x1x1x8x128xf32, #tpu.memory_space<hbm>> -> memref<8x128xf32, #tpu.memory_space<hbm>>
    %dma_wait3A_141 = arith.constant 0 : i32
    %dma_wait3A_142 = arith.constant 0 : i32
    %dma_wait3A_143 = tpu.memref_slice %arg4[%dma_wait3A_130, %dma_wait3A_131, %dma_wait3A_132, %dma_wait3A_141, %dma_wait3A_142] : memref<200x8x32x8x128xf32, #tpu.memory_space<hbm>> -> memref<1x1x1x8x128xf32, #tpu.memory_space<hbm>>
    %dma_wait3A_144 = tpu.memref_squeeze %dma_wait3A_143 : memref<1x1x1x8x128xf32, #tpu.memory_space<hbm>> -> memref<8x128xf32, #tpu.memory_space<hbm>>
    %dma_wait3A_145 = arith.constant 24 : i32
    %dma_wait3A_146 = arith.constant 0 : i32
    %dma_wait3A_147 = tpu.memref_slice %arg7[%dma_wait3A_129, %dma_wait3A_145, %dma_wait3A_146] : memref<4x64x129xf32, #tpu.memory_space<vmem>> -> memref<1x8x128xf32, #tpu.memory_space<vmem>>
    %dma_wait3A_148 = tpu.memref_squeeze %dma_wait3A_147 : memref<1x8x128xf32, #tpu.memory_space<vmem>> -> memref<8x128xf32, #tpu.memory_space<vmem>>
    tpu.wait_dma2 semaphore(%arg12 : memref<!tpu.dma_semaphore, #tpu.memory_space<semaphore_mem>>) src(%dma_wait3A_148 : memref<8x128xf32, #tpu.memory_space<vmem>>) dst(%dma_wait3A_144 : memref<8x128xf32, #tpu.memory_space<hbm>>)
    %dma_wait3A_149 = arith.constant 0 : i32
    %dma_wait3A_150 = arith.constant 0 : i32
    %dma_wait3A_151 = arith.constant 0 : i32
    %dma_wait3A_152 = arith.constant 0 : i32
    %dma_wait3A_153 = arith.constant 32 : i32
    %dma_wait3A_154 = arith.constant 0 : i32
    %dma_wait3A_155 = tpu.memref_slice %arg7[%dma_wait3A_149, %dma_wait3A_153, %dma_wait3A_154] : memref<4x64x129xf32, #tpu.memory_space<vmem>> -> memref<1x8x128xf32, #tpu.memory_space<vmem>>
    %dma_wait3A_156 = tpu.memref_squeeze %dma_wait3A_155 : memref<1x8x128xf32, #tpu.memory_space<vmem>> -> memref<8x128xf32, #tpu.memory_space<vmem>>
    %dma_wait3A_157 = arith.constant 0 : i32
    %dma_wait3A_158 = arith.constant 0 : i32
    %dma_wait3A_159 = tpu.memref_slice %arg4[%dma_wait3A_150, %dma_wait3A_151, %dma_wait3A_152, %dma_wait3A_157, %dma_wait3A_158] : memref<200x8x32x8x128xf32, #tpu.memory_space<hbm>> -> memref<1x1x1x8x128xf32, #tpu.memory_space<hbm>>
    %dma_wait3A_160 = tpu.memref_squeeze %dma_wait3A_159 : memref<1x1x1x8x128xf32, #tpu.memory_space<hbm>> -> memref<8x128xf32, #tpu.memory_space<hbm>>
    %dma_wait3A_161 = arith.constant 0 : i32
    %dma_wait3A_162 = arith.constant 0 : i32
    %dma_wait3A_163 = tpu.memref_slice %arg4[%dma_wait3A_150, %dma_wait3A_151, %dma_wait3A_152, %dma_wait3A_161, %dma_wait3A_162] : memref<200x8x32x8x128xf32, #tpu.memory_space<hbm>> -> memref<1x1x1x8x128xf32, #tpu.memory_space<hbm>>
    %dma_wait3A_164 = tpu.memref_squeeze %dma_wait3A_163 : memref<1x1x1x8x128xf32, #tpu.memory_space<hbm>> -> memref<8x128xf32, #tpu.memory_space<hbm>>
    %dma_wait3A_165 = arith.constant 32 : i32
    %dma_wait3A_166 = arith.constant 0 : i32
    %dma_wait3A_167 = tpu.memref_slice %arg7[%dma_wait3A_149, %dma_wait3A_165, %dma_wait3A_166] : memref<4x64x129xf32, #tpu.memory_space<vmem>> -> memref<1x8x128xf32, #tpu.memory_space<vmem>>
    %dma_wait3A_168 = tpu.memref_squeeze %dma_wait3A_167 : memref<1x8x128xf32, #tpu.memory_space<vmem>> -> memref<8x128xf32, #tpu.memory_space<vmem>>
    tpu.wait_dma2 semaphore(%arg12 : memref<!tpu.dma_semaphore, #tpu.memory_space<semaphore_mem>>) src(%dma_wait3A_168 : memref<8x128xf32, #tpu.memory_space<vmem>>) dst(%dma_wait3A_164 : memref<8x128xf32, #tpu.memory_space<hbm>>)
    %dma_wait3A_169 = arith.constant 0 : i32
    %dma_wait3A_170 = arith.constant 0 : i32
    %dma_wait3A_171 = arith.constant 0 : i32
    %dma_wait3A_172 = arith.constant 0 : i32
    %dma_wait3A_173 = arith.constant 40 : i32
    %dma_wait3A_174 = arith.constant 0 : i32
    %dma_wait3A_175 = tpu.memref_slice %arg7[%dma_wait3A_169, %dma_wait3A_173, %dma_wait3A_174] : memref<4x64x129xf32, #tpu.memory_space<vmem>> -> memref<1x8x128xf32, #tpu.memory_space<vmem>>
    %dma_wait3A_176 = tpu.memref_squeeze %dma_wait3A_175 : memref<1x8x128xf32, #tpu.memory_space<vmem>> -> memref<8x128xf32, #tpu.memory_space<vmem>>
    %dma_wait3A_177 = arith.constant 0 : i32
    %dma_wait3A_178 = arith.constant 0 : i32
    %dma_wait3A_179 = tpu.memref_slice %arg4[%dma_wait3A_170, %dma_wait3A_171, %dma_wait3A_172, %dma_wait3A_177, %dma_wait3A_178] : memref<200x8x32x8x128xf32, #tpu.memory_space<hbm>> -> memref<1x1x1x8x128xf32, #tpu.memory_space<hbm>>
    %dma_wait3A_180 = tpu.memref_squeeze %dma_wait3A_179 : memref<1x1x1x8x128xf32, #tpu.memory_space<hbm>> -> memref<8x128xf32, #tpu.memory_space<hbm>>
    %dma_wait3A_181 = arith.constant 0 : i32
    %dma_wait3A_182 = arith.constant 0 : i32
    %dma_wait3A_183 = tpu.memref_slice %arg4[%dma_wait3A_170, %dma_wait3A_171, %dma_wait3A_172, %dma_wait3A_181, %dma_wait3A_182] : memref<200x8x32x8x128xf32, #tpu.memory_space<hbm>> -> memref<1x1x1x8x128xf32, #tpu.memory_space<hbm>>
    %dma_wait3A_184 = tpu.memref_squeeze %dma_wait3A_183 : memref<1x1x1x8x128xf32, #tpu.memory_space<hbm>> -> memref<8x128xf32, #tpu.memory_space<hbm>>
    %dma_wait3A_185 = arith.constant 40 : i32
    %dma_wait3A_186 = arith.constant 0 : i32
    %dma_wait3A_187 = tpu.memref_slice %arg7[%dma_wait3A_169, %dma_wait3A_185, %dma_wait3A_186] : memref<4x64x129xf32, #tpu.memory_space<vmem>> -> memref<1x8x128xf32, #tpu.memory_space<vmem>>
    %dma_wait3A_188 = tpu.memref_squeeze %dma_wait3A_187 : memref<1x8x128xf32, #tpu.memory_space<vmem>> -> memref<8x128xf32, #tpu.memory_space<vmem>>
    tpu.wait_dma2 semaphore(%arg12 : memref<!tpu.dma_semaphore, #tpu.memory_space<semaphore_mem>>) src(%dma_wait3A_188 : memref<8x128xf32, #tpu.memory_space<vmem>>) dst(%dma_wait3A_184 : memref<8x128xf32, #tpu.memory_space<hbm>>)
    %dma_wait3A_189 = arith.constant 0 : i32
    %dma_wait3A_190 = arith.constant 0 : i32
    %dma_wait3A_191 = arith.constant 0 : i32
    %dma_wait3A_192 = arith.constant 0 : i32
    %dma_wait3A_193 = arith.constant 48 : i32
    %dma_wait3A_194 = arith.constant 0 : i32
    %dma_wait3A_195 = tpu.memref_slice %arg7[%dma_wait3A_189, %dma_wait3A_193, %dma_wait3A_194] : memref<4x64x129xf32, #tpu.memory_space<vmem>> -> memref<1x8x128xf32, #tpu.memory_space<vmem>>
    %dma_wait3A_196 = tpu.memref_squeeze %dma_wait3A_195 : memref<1x8x128xf32, #tpu.memory_space<vmem>> -> memref<8x128xf32, #tpu.memory_space<vmem>>
    %dma_wait3A_197 = arith.constant 0 : i32
    %dma_wait3A_198 = arith.constant 0 : i32
    %dma_wait3A_199 = tpu.memref_slice %arg4[%dma_wait3A_190, %dma_wait3A_191, %dma_wait3A_192, %dma_wait3A_197, %dma_wait3A_198] : memref<200x8x32x8x128xf32, #tpu.memory_space<hbm>> -> memref<1x1x1x8x128xf32, #tpu.memory_space<hbm>>
    %dma_wait3A_200 = tpu.memref_squeeze %dma_wait3A_199 : memref<1x1x1x8x128xf32, #tpu.memory_space<hbm>> -> memref<8x128xf32, #tpu.memory_space<hbm>>
    %dma_wait3A_201 = arith.constant 0 : i32
    %dma_wait3A_202 = arith.constant 0 : i32
    %dma_wait3A_203 = tpu.memref_slice %arg4[%dma_wait3A_190, %dma_wait3A_191, %dma_wait3A_192, %dma_wait3A_201, %dma_wait3A_202] : memref<200x8x32x8x128xf32, #tpu.memory_space<hbm>> -> memref<1x1x1x8x128xf32, #tpu.memory_space<hbm>>
    %dma_wait3A_204 = tpu.memref_squeeze %dma_wait3A_203 : memref<1x1x1x8x128xf32, #tpu.memory_space<hbm>> -> memref<8x128xf32, #tpu.memory_space<hbm>>
    %dma_wait3A_205 = arith.constant 48 : i32
    %dma_wait3A_206 = arith.constant 0 : i32
    %dma_wait3A_207 = tpu.memref_slice %arg7[%dma_wait3A_189, %dma_wait3A_205, %dma_wait3A_206] : memref<4x64x129xf32, #tpu.memory_space<vmem>> -> memref<1x8x128xf32, #tpu.memory_space<vmem>>
    %dma_wait3A_208 = tpu.memref_squeeze %dma_wait3A_207 : memref<1x8x128xf32, #tpu.memory_space<vmem>> -> memref<8x128xf32, #tpu.memory_space<vmem>>
    tpu.wait_dma2 semaphore(%arg12 : memref<!tpu.dma_semaphore, #tpu.memory_space<semaphore_mem>>) src(%dma_wait3A_208 : memref<8x128xf32, #tpu.memory_space<vmem>>) dst(%dma_wait3A_204 : memref<8x128xf32, #tpu.memory_space<hbm>>)
    %dma_wait3A_209 = arith.constant 0 : i32
    %dma_wait3A_210 = arith.constant 0 : i32
    %dma_wait3A_211 = arith.constant 0 : i32
    %dma_wait3A_212 = arith.constant 0 : i32
    %dma_wait3A_213 = arith.constant 56 : i32
    %dma_wait3A_214 = arith.constant 0 : i32
    %dma_wait3A_215 = tpu.memref_slice %arg7[%dma_wait3A_209, %dma_wait3A_213, %dma_wait3A_214] : memref<4x64x129xf32, #tpu.memory_space<vmem>> -> memref<1x8x128xf32, #tpu.memory_space<vmem>>
    %dma_wait3A_216 = tpu.memref_squeeze %dma_wait3A_215 : memref<1x8x128xf32, #tpu.memory_space<vmem>> -> memref<8x128xf32, #tpu.memory_space<vmem>>
    %dma_wait3A_217 = arith.constant 0 : i32
    %dma_wait3A_218 = arith.constant 0 : i32
    %dma_wait3A_219 = tpu.memref_slice %arg4[%dma_wait3A_210, %dma_wait3A_211, %dma_wait3A_212, %dma_wait3A_217, %dma_wait3A_218] : memref<200x8x32x8x128xf32, #tpu.memory_space<hbm>> -> memref<1x1x1x8x128xf32, #tpu.memory_space<hbm>>
    %dma_wait3A_220 = tpu.memref_squeeze %dma_wait3A_219 : memref<1x1x1x8x128xf32, #tpu.memory_space<hbm>> -> memref<8x128xf32, #tpu.memory_space<hbm>>
    %dma_wait3A_221 = arith.constant 0 : i32
    %dma_wait3A_222 = arith.constant 0 : i32
    %dma_wait3A_223 = tpu.memref_slice %arg4[%dma_wait3A_210, %dma_wait3A_211, %dma_wait3A_212, %dma_wait3A_221, %dma_wait3A_222] : memref<200x8x32x8x128xf32, #tpu.memory_space<hbm>> -> memref<1x1x1x8x128xf32, #tpu.memory_space<hbm>>
    %dma_wait3A_224 = tpu.memref_squeeze %dma_wait3A_223 : memref<1x1x1x8x128xf32, #tpu.memory_space<hbm>> -> memref<8x128xf32, #tpu.memory_space<hbm>>
    %dma_wait3A_225 = arith.constant 56 : i32
    %dma_wait3A_226 = arith.constant 0 : i32
    %dma_wait3A_227 = tpu.memref_slice %arg7[%dma_wait3A_209, %dma_wait3A_225, %dma_wait3A_226] : memref<4x64x129xf32, #tpu.memory_space<vmem>> -> memref<1x8x128xf32, #tpu.memory_space<vmem>>
    %dma_wait3A_228 = tpu.memref_squeeze %dma_wait3A_227 : memref<1x8x128xf32, #tpu.memory_space<vmem>> -> memref<8x128xf32, #tpu.memory_space<vmem>>
    tpu.wait_dma2 semaphore(%arg12 : memref<!tpu.dma_semaphore, #tpu.memory_space<semaphore_mem>>) src(%dma_wait3A_228 : memref<8x128xf32, #tpu.memory_space<vmem>>) dst(%dma_wait3A_224 : memref<8x128xf32, #tpu.memory_space<hbm>>)
    %dma_wait3A_229 = arith.constant 1 : i32
    %dma_wait3A_230 = arith.constant 0 : i32
    %dma_wait3A_231 = arith.constant 0 : i32
    %dma_wait3A_232 = arith.constant 0 : i32
    %dma_wait3A_233 = arith.constant 0 : i32
    %dma_wait3A_234 = arith.constant 0 : i32
    %dma_wait3A_235 = tpu.memref_slice %arg7[%dma_wait3A_229, %dma_wait3A_233, %dma_wait3A_234] : memref<4x64x129xf32, #tpu.memory_space<vmem>> -> memref<1x8x128xf32, #tpu.memory_space<vmem>>
    %dma_wait3A_236 = tpu.memref_squeeze %dma_wait3A_235 : memref<1x8x128xf32, #tpu.memory_space<vmem>> -> memref<8x128xf32, #tpu.memory_space<vmem>>
    %dma_wait3A_237 = arith.constant 0 : i32
    %dma_wait3A_238 = arith.constant 0 : i32
    %dma_wait3A_239 = tpu.memref_slice %arg4[%dma_wait3A_230, %dma_wait3A_231, %dma_wait3A_232, %dma_wait3A_237, %dma_wait3A_238] : memref<200x8x32x8x128xf32, #tpu.memory_space<hbm>> -> memref<1x1x1x8x128xf32, #tpu.memory_space<hbm>>
    %dma_wait3A_240 = tpu.memref_squeeze %dma_wait3A_239 : memref<1x1x1x8x128xf32, #tpu.memory_space<hbm>> -> memref<8x128xf32, #tpu.memory_space<hbm>>
    %dma_wait3A_241 = arith.constant 0 : i32
    %dma_wait3A_242 = arith.constant 0 : i32
    %dma_wait3A_243 = tpu.memref_slice %arg4[%dma_wait3A_230, %dma_wait3A_231, %dma_wait3A_232, %dma_wait3A_241, %dma_wait3A_242] : memref<200x8x32x8x128xf32, #tpu.memory_space<hbm>> -> memref<1x1x1x8x128xf32, #tpu.memory_space<hbm>>
    %dma_wait3A_244 = tpu.memref_squeeze %dma_wait3A_243 : memref<1x1x1x8x128xf32, #tpu.memory_space<hbm>> -> memref<8x128xf32, #tpu.memory_space<hbm>>
    %dma_wait3A_245 = arith.constant 0 : i32
    %dma_wait3A_246 = arith.constant 0 : i32
    %dma_wait3A_247 = tpu.memref_slice %arg7[%dma_wait3A_229, %dma_wait3A_245, %dma_wait3A_246] : memref<4x64x129xf32, #tpu.memory_space<vmem>> -> memref<1x8x128xf32, #tpu.memory_space<vmem>>
    %dma_wait3A_248 = tpu.memref_squeeze %dma_wait3A_247 : memref<1x8x128xf32, #tpu.memory_space<vmem>> -> memref<8x128xf32, #tpu.memory_space<vmem>>
    tpu.wait_dma2 semaphore(%arg13 : memref<!tpu.dma_semaphore, #tpu.memory_space<semaphore_mem>>) src(%dma_wait3A_248 : memref<8x128xf32, #tpu.memory_space<vmem>>) dst(%dma_wait3A_244 : memref<8x128xf32, #tpu.memory_space<hbm>>)
    %dma_wait3A_249 = arith.constant 1 : i32
    %dma_wait3A_250 = arith.constant 0 : i32
    %dma_wait3A_251 = arith.constant 0 : i32
    %dma_wait3A_252 = arith.constant 0 : i32
    %dma_wait3A_253 = arith.constant 8 : i32
    %dma_wait3A_254 = arith.constant 0 : i32
    %dma_wait3A_255 = tpu.memref_slice %arg7[%dma_wait3A_249, %dma_wait3A_253, %dma_wait3A_254] : memref<4x64x129xf32, #tpu.memory_space<vmem>> -> memref<1x8x128xf32, #tpu.memory_space<vmem>>
    %dma_wait3A_256 = tpu.memref_squeeze %dma_wait3A_255 : memref<1x8x128xf32, #tpu.memory_space<vmem>> -> memref<8x128xf32, #tpu.memory_space<vmem>>
    %dma_wait3A_257 = arith.constant 0 : i32
    %dma_wait3A_258 = arith.constant 0 : i32
    %dma_wait3A_259 = tpu.memref_slice %arg4[%dma_wait3A_250, %dma_wait3A_251, %dma_wait3A_252, %dma_wait3A_257, %dma_wait3A_258] : memref<200x8x32x8x128xf32, #tpu.memory_space<hbm>> -> memref<1x1x1x8x128xf32, #tpu.memory_space<hbm>>
    %dma_wait3A_260 = tpu.memref_squeeze %dma_wait3A_259 : memref<1x1x1x8x128xf32, #tpu.memory_space<hbm>> -> memref<8x128xf32, #tpu.memory_space<hbm>>
    %dma_wait3A_261 = arith.constant 0 : i32
    %dma_wait3A_262 = arith.constant 0 : i32
    %dma_wait3A_263 = tpu.memref_slice %arg4[%dma_wait3A_250, %dma_wait3A_251, %dma_wait3A_252, %dma_wait3A_261, %dma_wait3A_262] : memref<200x8x32x8x128xf32, #tpu.memory_space<hbm>> -> memref<1x1x1x8x128xf32, #tpu.memory_space<hbm>>
    %dma_wait3A_264 = tpu.memref_squeeze %dma_wait3A_263 : memref<1x1x1x8x128xf32, #tpu.memory_space<hbm>> -> memref<8x128xf32, #tpu.memory_space<hbm>>
    %dma_wait3A_265 = arith.constant 8 : i32
    %dma_wait3A_266 = arith.constant 0 : i32
    %dma_wait3A_267 = tpu.memref_slice %arg7[%dma_wait3A_249, %dma_wait3A_265, %dma_wait3A_266] : memref<4x64x129xf32, #tpu.memory_space<vmem>> -> memref<1x8x128xf32, #tpu.memory_space<vmem>>
    %dma_wait3A_268 = tpu.memref_squeeze %dma_wait3A_267 : memref<1x8x128xf32, #tpu.memory_space<vmem>> -> memref<8x128xf32, #tpu.memory_space<vmem>>
    tpu.wait_dma2 semaphore(%arg13 : memref<!tpu.dma_semaphore, #tpu.memory_space<semaphore_mem>>) src(%dma_wait3A_268 : memref<8x128xf32, #tpu.memory_space<vmem>>) dst(%dma_wait3A_264 : memref<8x128xf32, #tpu.memory_space<hbm>>)
    %dma_wait3A_269 = arith.constant 1 : i32
    %dma_wait3A_270 = arith.constant 0 : i32
    %dma_wait3A_271 = arith.constant 0 : i32
    %dma_wait3A_272 = arith.constant 0 : i32
    %dma_wait3A_273 = arith.constant 16 : i32
    %dma_wait3A_274 = arith.constant 0 : i32
    %dma_wait3A_275 = tpu.memref_slice %arg7[%dma_wait3A_269, %dma_wait3A_273, %dma_wait3A_274] : memref<4x64x129xf32, #tpu.memory_space<vmem>> -> memref<1x8x128xf32, #tpu.memory_space<vmem>>
    %dma_wait3A_276 = tpu.memref_squeeze %dma_wait3A_275 : memref<1x8x128xf32, #tpu.memory_space<vmem>> -> memref<8x128xf32, #tpu.memory_space<vmem>>
    %dma_wait3A_277 = arith.constant 0 : i32
    %dma_wait3A_278 = arith.constant 0 : i32
    %dma_wait3A_279 = tpu.memref_slice %arg4[%dma_wait3A_270, %dma_wait3A_271, %dma_wait3A_272, %dma_wait3A_277, %dma_wait3A_278] : memref<200x8x32x8x128xf32, #tpu.memory_space<hbm>> -> memref<1x1x1x8x128xf32, #tpu.memory_space<hbm>>
    %dma_wait3A_280 = tpu.memref_squeeze %dma_wait3A_279 : memref<1x1x1x8x128xf32, #tpu.memory_space<hbm>> -> memref<8x128xf32, #tpu.memory_space<hbm>>
    %dma_wait3A_281 = arith.constant 0 : i32
    %dma_wait3A_282 = arith.constant 0 : i32
    %dma_wait3A_283 = tpu.memref_slice %arg4[%dma_wait3A_270, %dma_wait3A_271, %dma_wait3A_272, %dma_wait3A_281, %dma_wait3A_282] : memref<200x8x32x8x128xf32, #tpu.memory_space<hbm>> -> memref<1x1x1x8x128xf32, #tpu.memory_space<hbm>>
    %dma_wait3A_284 = tpu.memref_squeeze %dma_wait3A_283 : memref<1x1x1x8x128xf32, #tpu.memory_space<hbm>> -> memref<8x128xf32, #tpu.memory_space<hbm>>
    %dma_wait3A_285 = arith.constant 16 : i32
    %dma_wait3A_286 = arith.constant 0 : i32
    %dma_wait3A_287 = tpu.memref_slice %arg7[%dma_wait3A_269, %dma_wait3A_285, %dma_wait3A_286] : memref<4x64x129xf32, #tpu.memory_space<vmem>> -> memref<1x8x128xf32, #tpu.memory_space<vmem>>
    %dma_wait3A_288 = tpu.memref_squeeze %dma_wait3A_287 : memref<1x8x128xf32, #tpu.memory_space<vmem>> -> memref<8x128xf32, #tpu.memory_space<vmem>>
    tpu.wait_dma2 semaphore(%arg13 : memref<!tpu.dma_semaphore, #tpu.memory_space<semaphore_mem>>) src(%dma_wait3A_288 : memref<8x128xf32, #tpu.memory_space<vmem>>) dst(%dma_wait3A_284 : memref<8x128xf32, #tpu.memory_space<hbm>>)
    %dma_wait3A_289 = arith.constant 1 : i32
    %dma_wait3A_290 = arith.constant 0 : i32
    %dma_wait3A_291 = arith.constant 0 : i32
    %dma_wait3A_292 = arith.constant 0 : i32
    %dma_wait3A_293 = arith.constant 24 : i32
    %dma_wait3A_294 = arith.constant 0 : i32
    %dma_wait3A_295 = tpu.memref_slice %arg7[%dma_wait3A_289, %dma_wait3A_293, %dma_wait3A_294] : memref<4x64x129xf32, #tpu.memory_space<vmem>> -> memref<1x8x128xf32, #tpu.memory_space<vmem>>
    %dma_wait3A_296 = tpu.memref_squeeze %dma_wait3A_295 : memref<1x8x128xf32, #tpu.memory_space<vmem>> -> memref<8x128xf32, #tpu.memory_space<vmem>>
    %dma_wait3A_297 = arith.constant 0 : i32
    %dma_wait3A_298 = arith.constant 0 : i32
    %dma_wait3A_299 = tpu.memref_slice %arg4[%dma_wait3A_290, %dma_wait3A_291, %dma_wait3A_292, %dma_wait3A_297, %dma_wait3A_298] : memref<200x8x32x8x128xf32, #tpu.memory_space<hbm>> -> memref<1x1x1x8x128xf32, #tpu.memory_space<hbm>>
    %dma_wait3A_300 = tpu.memref_squeeze %dma_wait3A_299 : memref<1x1x1x8x128xf32, #tpu.memory_space<hbm>> -> memref<8x128xf32, #tpu.memory_space<hbm>>
    %dma_wait3A_301 = arith.constant 0 : i32
    %dma_wait3A_302 = arith.constant 0 : i32
    %dma_wait3A_303 = tpu.memref_slice %arg4[%dma_wait3A_290, %dma_wait3A_291, %dma_wait3A_292, %dma_wait3A_301, %dma_wait3A_302] : memref<200x8x32x8x128xf32, #tpu.memory_space<hbm>> -> memref<1x1x1x8x128xf32, #tpu.memory_space<hbm>>
    %dma_wait3A_304 = tpu.memref_squeeze %dma_wait3A_303 : memref<1x1x1x8x128xf32, #tpu.memory_space<hbm>> -> memref<8x128xf32, #tpu.memory_space<hbm>>
    %dma_wait3A_305 = arith.constant 24 : i32
    %dma_wait3A_306 = arith.constant 0 : i32
    %dma_wait3A_307 = tpu.memref_slice %arg7[%dma_wait3A_289, %dma_wait3A_305, %dma_wait3A_306] : memref<4x64x129xf32, #tpu.memory_space<vmem>> -> memref<1x8x128xf32, #tpu.memory_space<vmem>>
    %dma_wait3A_308 = tpu.memref_squeeze %dma_wait3A_307 : memref<1x8x128xf32, #tpu.memory_space<vmem>> -> memref<8x128xf32, #tpu.memory_space<vmem>>
    tpu.wait_dma2 semaphore(%arg13 : memref<!tpu.dma_semaphore, #tpu.memory_space<semaphore_mem>>) src(%dma_wait3A_308 : memref<8x128xf32, #tpu.memory_space<vmem>>) dst(%dma_wait3A_304 : memref<8x128xf32, #tpu.memory_space<hbm>>)
    %dma_wait3A_309 = arith.constant 1 : i32
    %dma_wait3A_310 = arith.constant 0 : i32
    %dma_wait3A_311 = arith.constant 0 : i32
    %dma_wait3A_312 = arith.constant 0 : i32
    %dma_wait3A_313 = arith.constant 32 : i32
    %dma_wait3A_314 = arith.constant 0 : i32
    %dma_wait3A_315 = tpu.memref_slice %arg7[%dma_wait3A_309, %dma_wait3A_313, %dma_wait3A_314] : memref<4x64x129xf32, #tpu.memory_space<vmem>> -> memref<1x8x128xf32, #tpu.memory_space<vmem>>
    %dma_wait3A_316 = tpu.memref_squeeze %dma_wait3A_315 : memref<1x8x128xf32, #tpu.memory_space<vmem>> -> memref<8x128xf32, #tpu.memory_space<vmem>>
    %dma_wait3A_317 = arith.constant 0 : i32
    %dma_wait3A_318 = arith.constant 0 : i32
    %dma_wait3A_319 = tpu.memref_slice %arg4[%dma_wait3A_310, %dma_wait3A_311, %dma_wait3A_312, %dma_wait3A_317, %dma_wait3A_318] : memref<200x8x32x8x128xf32, #tpu.memory_space<hbm>> -> memref<1x1x1x8x128xf32, #tpu.memory_space<hbm>>
    %dma_wait3A_320 = tpu.memref_squeeze %dma_wait3A_319 : memref<1x1x1x8x128xf32, #tpu.memory_space<hbm>> -> memref<8x128xf32, #tpu.memory_space<hbm>>
    %dma_wait3A_321 = arith.constant 0 : i32
    %dma_wait3A_322 = arith.constant 0 : i32
    %dma_wait3A_323 = tpu.memref_slice %arg4[%dma_wait3A_310, %dma_wait3A_311, %dma_wait3A_312, %dma_wait3A_321, %dma_wait3A_322] : memref<200x8x32x8x128xf32, #tpu.memory_space<hbm>> -> memref<1x1x1x8x128xf32, #tpu.memory_space<hbm>>
    %dma_wait3A_324 = tpu.memref_squeeze %dma_wait3A_323 : memref<1x1x1x8x128xf32, #tpu.memory_space<hbm>> -> memref<8x128xf32, #tpu.memory_space<hbm>>
    %dma_wait3A_325 = arith.constant 32 : i32
    %dma_wait3A_326 = arith.constant 0 : i32
    %dma_wait3A_327 = tpu.memref_slice %arg7[%dma_wait3A_309, %dma_wait3A_325, %dma_wait3A_326] : memref<4x64x129xf32, #tpu.memory_space<vmem>> -> memref<1x8x128xf32, #tpu.memory_space<vmem>>
    %dma_wait3A_328 = tpu.memref_squeeze %dma_wait3A_327 : memref<1x8x128xf32, #tpu.memory_space<vmem>> -> memref<8x128xf32, #tpu.memory_space<vmem>>
    tpu.wait_dma2 semaphore(%arg13 : memref<!tpu.dma_semaphore, #tpu.memory_space<semaphore_mem>>) src(%dma_wait3A_328 : memref<8x128xf32, #tpu.memory_space<vmem>>) dst(%dma_wait3A_324 : memref<8x128xf32, #tpu.memory_space<hbm>>)
    %dma_wait3A_329 = arith.constant 1 : i32
    %dma_wait3A_330 = arith.constant 0 : i32
    %dma_wait3A_331 = arith.constant 0 : i32
    %dma_wait3A_332 = arith.constant 0 : i32
    %dma_wait3A_333 = arith.constant 40 : i32
    %dma_wait3A_334 = arith.constant 0 : i32
    %dma_wait3A_335 = tpu.memref_slice %arg7[%dma_wait3A_329, %dma_wait3A_333, %dma_wait3A_334] : memref<4x64x129xf32, #tpu.memory_space<vmem>> -> memref<1x8x128xf32, #tpu.memory_space<vmem>>
    %dma_wait3A_336 = tpu.memref_squeeze %dma_wait3A_335 : memref<1x8x128xf32, #tpu.memory_space<vmem>> -> memref<8x128xf32, #tpu.memory_space<vmem>>
    %dma_wait3A_337 = arith.constant 0 : i32
    %dma_wait3A_338 = arith.constant 0 : i32
    %dma_wait3A_339 = tpu.memref_slice %arg4[%dma_wait3A_330, %dma_wait3A_331, %dma_wait3A_332, %dma_wait3A_337, %dma_wait3A_338] : memref<200x8x32x8x128xf32, #tpu.memory_space<hbm>> -> memref<1x1x1x8x128xf32, #tpu.memory_space<hbm>>
    %dma_wait3A_340 = tpu.memref_squeeze %dma_wait3A_339 : memref<1x1x1x8x128xf32, #tpu.memory_space<hbm>> -> memref<8x128xf32, #tpu.memory_space<hbm>>
    %dma_wait3A_341 = arith.constant 0 : i32
    %dma_wait3A_342 = arith.constant 0 : i32
    %dma_wait3A_343 = tpu.memref_slice %arg4[%dma_wait3A_330, %dma_wait3A_331, %dma_wait3A_332, %dma_wait3A_341, %dma_wait3A_342] : memref<200x8x32x8x128xf32, #tpu.memory_space<hbm>> -> memref<1x1x1x8x128xf32, #tpu.memory_space<hbm>>
    %dma_wait3A_344 = tpu.memref_squeeze %dma_wait3A_343 : memref<1x1x1x8x128xf32, #tpu.memory_space<hbm>> -> memref<8x128xf32, #tpu.memory_space<hbm>>
    %dma_wait3A_345 = arith.constant 40 : i32
    %dma_wait3A_346 = arith.constant 0 : i32
    %dma_wait3A_347 = tpu.memref_slice %arg7[%dma_wait3A_329, %dma_wait3A_345, %dma_wait3A_346] : memref<4x64x129xf32, #tpu.memory_space<vmem>> -> memref<1x8x128xf32, #tpu.memory_space<vmem>>
    %dma_wait3A_348 = tpu.memref_squeeze %dma_wait3A_347 : memref<1x8x128xf32, #tpu.memory_space<vmem>> -> memref<8x128xf32, #tpu.memory_space<vmem>>
    tpu.wait_dma2 semaphore(%arg13 : memref<!tpu.dma_semaphore, #tpu.memory_space<semaphore_mem>>) src(%dma_wait3A_348 : memref<8x128xf32, #tpu.memory_space<vmem>>) dst(%dma_wait3A_344 : memref<8x128xf32, #tpu.memory_space<hbm>>)
    %dma_wait3A_349 = arith.constant 1 : i32
    %dma_wait3A_350 = arith.constant 0 : i32
    %dma_wait3A_351 = arith.constant 0 : i32
    %dma_wait3A_352 = arith.constant 0 : i32
    %dma_wait3A_353 = arith.constant 48 : i32
    %dma_wait3A_354 = arith.constant 0 : i32
    %dma_wait3A_355 = tpu.memref_slice %arg7[%dma_wait3A_349, %dma_wait3A_353, %dma_wait3A_354] : memref<4x64x129xf32, #tpu.memory_space<vmem>> -> memref<1x8x128xf32, #tpu.memory_space<vmem>>
    %dma_wait3A_356 = tpu.memref_squeeze %dma_wait3A_355 : memref<1x8x128xf32, #tpu.memory_space<vmem>> -> memref<8x128xf32, #tpu.memory_space<vmem>>
    %dma_wait3A_357 = arith.constant 0 : i32
    %dma_wait3A_358 = arith.constant 0 : i32
    %dma_wait3A_359 = tpu.memref_slice %arg4[%dma_wait3A_350, %dma_wait3A_351, %dma_wait3A_352, %dma_wait3A_357, %dma_wait3A_358] : memref<200x8x32x8x128xf32, #tpu.memory_space<hbm>> -> memref<1x1x1x8x128xf32, #tpu.memory_space<hbm>>
    %dma_wait3A_360 = tpu.memref_squeeze %dma_wait3A_359 : memref<1x1x1x8x128xf32, #tpu.memory_space<hbm>> -> memref<8x128xf32, #tpu.memory_space<hbm>>
    %dma_wait3A_361 = arith.constant 0 : i32
    %dma_wait3A_362 = arith.constant 0 : i32
    %dma_wait3A_363 = tpu.memref_slice %arg4[%dma_wait3A_350, %dma_wait3A_351, %dma_wait3A_352, %dma_wait3A_361, %dma_wait3A_362] : memref<200x8x32x8x128xf32, #tpu.memory_space<hbm>> -> memref<1x1x1x8x128xf32, #tpu.memory_space<hbm>>
    %dma_wait3A_364 = tpu.memref_squeeze %dma_wait3A_363 : memref<1x1x1x8x128xf32, #tpu.memory_space<hbm>> -> memref<8x128xf32, #tpu.memory_space<hbm>>
    %dma_wait3A_365 = arith.constant 48 : i32
    %dma_wait3A_366 = arith.constant 0 : i32
    %dma_wait3A_367 = tpu.memref_slice %arg7[%dma_wait3A_349, %dma_wait3A_365, %dma_wait3A_366] : memref<4x64x129xf32, #tpu.memory_space<vmem>> -> memref<1x8x128xf32, #tpu.memory_space<vmem>>
    %dma_wait3A_368 = tpu.memref_squeeze %dma_wait3A_367 : memref<1x8x128xf32, #tpu.memory_space<vmem>> -> memref<8x128xf32, #tpu.memory_space<vmem>>
    tpu.wait_dma2 semaphore(%arg13 : memref<!tpu.dma_semaphore, #tpu.memory_space<semaphore_mem>>) src(%dma_wait3A_368 : memref<8x128xf32, #tpu.memory_space<vmem>>) dst(%dma_wait3A_364 : memref<8x128xf32, #tpu.memory_space<hbm>>)
    %dma_wait3A_369 = arith.constant 1 : i32
    %dma_wait3A_370 = arith.constant 0 : i32
    %dma_wait3A_371 = arith.constant 0 : i32
    %dma_wait3A_372 = arith.constant 0 : i32
    %dma_wait3A_373 = arith.constant 56 : i32
    %dma_wait3A_374 = arith.constant 0 : i32
    %dma_wait3A_375 = tpu.memref_slice %arg7[%dma_wait3A_369, %dma_wait3A_373, %dma_wait3A_374] : memref<4x64x129xf32, #tpu.memory_space<vmem>> -> memref<1x8x128xf32, #tpu.memory_space<vmem>>
    %dma_wait3A_376 = tpu.memref_squeeze %dma_wait3A_375 : memref<1x8x128xf32, #tpu.memory_space<vmem>> -> memref<8x128xf32, #tpu.memory_space<vmem>>
    %dma_wait3A_377 = arith.constant 0 : i32
    %dma_wait3A_378 = arith.constant 0 : i32
    %dma_wait3A_379 = tpu.memref_slice %arg4[%dma_wait3A_370, %dma_wait3A_371, %dma_wait3A_372, %dma_wait3A_377, %dma_wait3A_378] : memref<200x8x32x8x128xf32, #tpu.memory_space<hbm>> -> memref<1x1x1x8x128xf32, #tpu.memory_space<hbm>>
    %dma_wait3A_380 = tpu.memref_squeeze %dma_wait3A_379 : memref<1x1x1x8x128xf32, #tpu.memory_space<hbm>> -> memref<8x128xf32, #tpu.memory_space<hbm>>
    %dma_wait3A_381 = arith.constant 0 : i32
    %dma_wait3A_382 = arith.constant 0 : i32
    %dma_wait3A_383 = tpu.memref_slice %arg4[%dma_wait3A_370, %dma_wait3A_371, %dma_wait3A_372, %dma_wait3A_381, %dma_wait3A_382] : memref<200x8x32x8x128xf32, #tpu.memory_space<hbm>> -> memref<1x1x1x8x128xf32, #tpu.memory_space<hbm>>
    %dma_wait3A_384 = tpu.memref_squeeze %dma_wait3A_383 : memref<1x1x1x8x128xf32, #tpu.memory_space<hbm>> -> memref<8x128xf32, #tpu.memory_space<hbm>>
    %dma_wait3A_385 = arith.constant 56 : i32
    %dma_wait3A_386 = arith.constant 0 : i32
    %dma_wait3A_387 = tpu.memref_slice %arg7[%dma_wait3A_369, %dma_wait3A_385, %dma_wait3A_386] : memref<4x64x129xf32, #tpu.memory_space<vmem>> -> memref<1x8x128xf32, #tpu.memory_space<vmem>>
    %dma_wait3A_388 = tpu.memref_squeeze %dma_wait3A_387 : memref<1x8x128xf32, #tpu.memory_space<vmem>> -> memref<8x128xf32, #tpu.memory_space<vmem>>
    tpu.wait_dma2 semaphore(%arg13 : memref<!tpu.dma_semaphore, #tpu.memory_space<semaphore_mem>>) src(%dma_wait3A_388 : memref<8x128xf32, #tpu.memory_space<vmem>>) dst(%dma_wait3A_384 : memref<8x128xf32, #tpu.memory_space<hbm>>)
    %dma_wait3A_389 = arith.constant 2 : i32
    %dma_wait3A_390 = arith.constant 0 : i32
    %dma_wait3A_391 = arith.constant 0 : i32
    %dma_wait3A_392 = arith.constant 0 : i32
    %dma_wait3A_393 = arith.constant 0 : i32
    %dma_wait3A_394 = arith.constant 0 : i32
    %dma_wait3A_395 = tpu.memref_slice %arg7[%dma_wait3A_389, %dma_wait3A_393, %dma_wait3A_394] : memref<4x64x129xf32, #tpu.memory_space<vmem>> -> memref<1x8x128xf32, #tpu.memory_space<vmem>>
    %dma_wait3A_396 = tpu.memref_squeeze %dma_wait3A_395 : memref<1x8x128xf32, #tpu.memory_space<vmem>> -> memref<8x128xf32, #tpu.memory_space<vmem>>
    %dma_wait3A_397 = arith.constant 0 : i32
    %dma_wait3A_398 = arith.constant 0 : i32
    %dma_wait3A_399 = tpu.memref_slice %arg4[%dma_wait3A_390, %dma_wait3A_391, %dma_wait3A_392, %dma_wait3A_397, %dma_wait3A_398] : memref<200x8x32x8x128xf32, #tpu.memory_space<hbm>> -> memref<1x1x1x8x128xf32, #tpu.memory_space<hbm>>
    %dma_wait3A_400 = tpu.memref_squeeze %dma_wait3A_399 : memref<1x1x1x8x128xf32, #tpu.memory_space<hbm>> -> memref<8x128xf32, #tpu.memory_space<hbm>>
    %dma_wait3A_401 = arith.constant 0 : i32
    %dma_wait3A_402 = arith.constant 0 : i32
    %dma_wait3A_403 = tpu.memref_slice %arg4[%dma_wait3A_390, %dma_wait3A_391, %dma_wait3A_392, %dma_wait3A_401, %dma_wait3A_402] : memref<200x8x32x8x128xf32, #tpu.memory_space<hbm>> -> memref<1x1x1x8x128xf32, #tpu.memory_space<hbm>>
    %dma_wait3A_404 = tpu.memref_squeeze %dma_wait3A_403 : memref<1x1x1x8x128xf32, #tpu.memory_space<hbm>> -> memref<8x128xf32, #tpu.memory_space<hbm>>
    %dma_wait3A_405 = arith.constant 0 : i32
    %dma_wait3A_406 = arith.constant 0 : i32
    %dma_wait3A_407 = tpu.memref_slice %arg7[%dma_wait3A_389, %dma_wait3A_405, %dma_wait3A_406] : memref<4x64x129xf32, #tpu.memory_space<vmem>> -> memref<1x8x128xf32, #tpu.memory_space<vmem>>
    %dma_wait3A_408 = tpu.memref_squeeze %dma_wait3A_407 : memref<1x8x128xf32, #tpu.memory_space<vmem>> -> memref<8x128xf32, #tpu.memory_space<vmem>>
    tpu.wait_dma2 semaphore(%arg14 : memref<!tpu.dma_semaphore, #tpu.memory_space<semaphore_mem>>) src(%dma_wait3A_408 : memref<8x128xf32, #tpu.memory_space<vmem>>) dst(%dma_wait3A_404 : memref<8x128xf32, #tpu.memory_space<hbm>>)
    %dma_wait3A_409 = arith.constant 2 : i32
    %dma_wait3A_410 = arith.constant 0 : i32
    %dma_wait3A_411 = arith.constant 0 : i32
    %dma_wait3A_412 = arith.constant 0 : i32
    %dma_wait3A_413 = arith.constant 8 : i32
    %dma_wait3A_414 = arith.constant 0 : i32
    %dma_wait3A_415 = tpu.memref_slice %arg7[%dma_wait3A_409, %dma_wait3A_413, %dma_wait3A_414] : memref<4x64x129xf32, #tpu.memory_space<vmem>> -> memref<1x8x128xf32, #tpu.memory_space<vmem>>
    %dma_wait3A_416 = tpu.memref_squeeze %dma_wait3A_415 : memref<1x8x128xf32, #tpu.memory_space<vmem>> -> memref<8x128xf32, #tpu.memory_space<vmem>>
    %dma_wait3A_417 = arith.constant 0 : i32
    %dma_wait3A_418 = arith.constant 0 : i32
    %dma_wait3A_419 = tpu.memref_slice %arg4[%dma_wait3A_410, %dma_wait3A_411, %dma_wait3A_412, %dma_wait3A_417, %dma_wait3A_418] : memref<200x8x32x8x128xf32, #tpu.memory_space<hbm>> -> memref<1x1x1x8x128xf32, #tpu.memory_space<hbm>>
    %dma_wait3A_420 = tpu.memref_squeeze %dma_wait3A_419 : memref<1x1x1x8x128xf32, #tpu.memory_space<hbm>> -> memref<8x128xf32, #tpu.memory_space<hbm>>
    %dma_wait3A_421 = arith.constant 0 : i32
    %dma_wait3A_422 = arith.constant 0 : i32
    %dma_wait3A_423 = tpu.memref_slice %arg4[%dma_wait3A_410, %dma_wait3A_411, %dma_wait3A_412, %dma_wait3A_421, %dma_wait3A_422] : memref<200x8x32x8x128xf32, #tpu.memory_space<hbm>> -> memref<1x1x1x8x128xf32, #tpu.memory_space<hbm>>
    %dma_wait3A_424 = tpu.memref_squeeze %dma_wait3A_423 : memref<1x1x1x8x128xf32, #tpu.memory_space<hbm>> -> memref<8x128xf32, #tpu.memory_space<hbm>>
    %dma_wait3A_425 = arith.constant 8 : i32
    %dma_wait3A_426 = arith.constant 0 : i32
    %dma_wait3A_427 = tpu.memref_slice %arg7[%dma_wait3A_409, %dma_wait3A_425, %dma_wait3A_426] : memref<4x64x129xf32, #tpu.memory_space<vmem>> -> memref<1x8x128xf32, #tpu.memory_space<vmem>>
    %dma_wait3A_428 = tpu.memref_squeeze %dma_wait3A_427 : memref<1x8x128xf32, #tpu.memory_space<vmem>> -> memref<8x128xf32, #tpu.memory_space<vmem>>
    tpu.wait_dma2 semaphore(%arg14 : memref<!tpu.dma_semaphore, #tpu.memory_space<semaphore_mem>>) src(%dma_wait3A_428 : memref<8x128xf32, #tpu.memory_space<vmem>>) dst(%dma_wait3A_424 : memref<8x128xf32, #tpu.memory_space<hbm>>)
    %dma_wait3A_429 = arith.constant 2 : i32
    %dma_wait3A_430 = arith.constant 0 : i32
    %dma_wait3A_431 = arith.constant 0 : i32
    %dma_wait3A_432 = arith.constant 0 : i32
    %dma_wait3A_433 = arith.constant 16 : i32
    %dma_wait3A_434 = arith.constant 0 : i32
    %dma_wait3A_435 = tpu.memref_slice %arg7[%dma_wait3A_429, %dma_wait3A_433, %dma_wait3A_434] : memref<4x64x129xf32, #tpu.memory_space<vmem>> -> memref<1x8x128xf32, #tpu.memory_space<vmem>>
    %dma_wait3A_436 = tpu.memref_squeeze %dma_wait3A_435 : memref<1x8x128xf32, #tpu.memory_space<vmem>> -> memref<8x128xf32, #tpu.memory_space<vmem>>
    %dma_wait3A_437 = arith.constant 0 : i32
    %dma_wait3A_438 = arith.constant 0 : i32
    %dma_wait3A_439 = tpu.memref_slice %arg4[%dma_wait3A_430, %dma_wait3A_431, %dma_wait3A_432, %dma_wait3A_437, %dma_wait3A_438] : memref<200x8x32x8x128xf32, #tpu.memory_space<hbm>> -> memref<1x1x1x8x128xf32, #tpu.memory_space<hbm>>
    %dma_wait3A_440 = tpu.memref_squeeze %dma_wait3A_439 : memref<1x1x1x8x128xf32, #tpu.memory_space<hbm>> -> memref<8x128xf32, #tpu.memory_space<hbm>>
    %dma_wait3A_441 = arith.constant 0 : i32
    %dma_wait3A_442 = arith.constant 0 : i32
    %dma_wait3A_443 = tpu.memref_slice %arg4[%dma_wait3A_430, %dma_wait3A_431, %dma_wait3A_432, %dma_wait3A_441, %dma_wait3A_442] : memref<200x8x32x8x128xf32, #tpu.memory_space<hbm>> -> memref<1x1x1x8x128xf32, #tpu.memory_space<hbm>>
    %dma_wait3A_444 = tpu.memref_squeeze %dma_wait3A_443 : memref<1x1x1x8x128xf32, #tpu.memory_space<hbm>> -> memref<8x128xf32, #tpu.memory_space<hbm>>
    %dma_wait3A_445 = arith.constant 16 : i32
    %dma_wait3A_446 = arith.constant 0 : i32
    %dma_wait3A_447 = tpu.memref_slice %arg7[%dma_wait3A_429, %dma_wait3A_445, %dma_wait3A_446] : memref<4x64x129xf32, #tpu.memory_space<vmem>> -> memref<1x8x128xf32, #tpu.memory_space<vmem>>
    %dma_wait3A_448 = tpu.memref_squeeze %dma_wait3A_447 : memref<1x8x128xf32, #tpu.memory_space<vmem>> -> memref<8x128xf32, #tpu.memory_space<vmem>>
    tpu.wait_dma2 semaphore(%arg14 : memref<!tpu.dma_semaphore, #tpu.memory_space<semaphore_mem>>) src(%dma_wait3A_448 : memref<8x128xf32, #tpu.memory_space<vmem>>) dst(%dma_wait3A_444 : memref<8x128xf32, #tpu.memory_space<hbm>>)
    %dma_wait3A_449 = arith.constant 2 : i32
    %dma_wait3A_450 = arith.constant 0 : i32
    %dma_wait3A_451 = arith.constant 0 : i32
    %dma_wait3A_452 = arith.constant 0 : i32
    %dma_wait3A_453 = arith.constant 24 : i32
    %dma_wait3A_454 = arith.constant 0 : i32
    %dma_wait3A_455 = tpu.memref_slice %arg7[%dma_wait3A_449, %dma_wait3A_453, %dma_wait3A_454] : memref<4x64x129xf32, #tpu.memory_space<vmem>> -> memref<1x8x128xf32, #tpu.memory_space<vmem>>
    %dma_wait3A_456 = tpu.memref_squeeze %dma_wait3A_455 : memref<1x8x128xf32, #tpu.memory_space<vmem>> -> memref<8x128xf32, #tpu.memory_space<vmem>>
    %dma_wait3A_457 = arith.constant 0 : i32
    %dma_wait3A_458 = arith.constant 0 : i32
    %dma_wait3A_459 = tpu.memref_slice %arg4[%dma_wait3A_450, %dma_wait3A_451, %dma_wait3A_452, %dma_wait3A_457, %dma_wait3A_458] : memref<200x8x32x8x128xf32, #tpu.memory_space<hbm>> -> memref<1x1x1x8x128xf32, #tpu.memory_space<hbm>>
    %dma_wait3A_460 = tpu.memref_squeeze %dma_wait3A_459 : memref<1x1x1x8x128xf32, #tpu.memory_space<hbm>> -> memref<8x128xf32, #tpu.memory_space<hbm>>
    %dma_wait3A_461 = arith.constant 0 : i32
    %dma_wait3A_462 = arith.constant 0 : i32
    %dma_wait3A_463 = tpu.memref_slice %arg4[%dma_wait3A_450, %dma_wait3A_451, %dma_wait3A_452, %dma_wait3A_461, %dma_wait3A_462] : memref<200x8x32x8x128xf32, #tpu.memory_space<hbm>> -> memref<1x1x1x8x128xf32, #tpu.memory_space<hbm>>
    %dma_wait3A_464 = tpu.memref_squeeze %dma_wait3A_463 : memref<1x1x1x8x128xf32, #tpu.memory_space<hbm>> -> memref<8x128xf32, #tpu.memory_space<hbm>>
    %dma_wait3A_465 = arith.constant 24 : i32
    %dma_wait3A_466 = arith.constant 0 : i32
    %dma_wait3A_467 = tpu.memref_slice %arg7[%dma_wait3A_449, %dma_wait3A_465, %dma_wait3A_466] : memref<4x64x129xf32, #tpu.memory_space<vmem>> -> memref<1x8x128xf32, #tpu.memory_space<vmem>>
    %dma_wait3A_468 = tpu.memref_squeeze %dma_wait3A_467 : memref<1x8x128xf32, #tpu.memory_space<vmem>> -> memref<8x128xf32, #tpu.memory_space<vmem>>
    tpu.wait_dma2 semaphore(%arg14 : memref<!tpu.dma_semaphore, #tpu.memory_space<semaphore_mem>>) src(%dma_wait3A_468 : memref<8x128xf32, #tpu.memory_space<vmem>>) dst(%dma_wait3A_464 : memref<8x128xf32, #tpu.memory_space<hbm>>)
    %dma_wait3A_469 = arith.constant 2 : i32
    %dma_wait3A_470 = arith.constant 0 : i32
    %dma_wait3A_471 = arith.constant 0 : i32
    %dma_wait3A_472 = arith.constant 0 : i32
    %dma_wait3A_473 = arith.constant 32 : i32
    %dma_wait3A_474 = arith.constant 0 : i32
    %dma_wait3A_475 = tpu.memref_slice %arg7[%dma_wait3A_469, %dma_wait3A_473, %dma_wait3A_474] : memref<4x64x129xf32, #tpu.memory_space<vmem>> -> memref<1x8x128xf32, #tpu.memory_space<vmem>>
    %dma_wait3A_476 = tpu.memref_squeeze %dma_wait3A_475 : memref<1x8x128xf32, #tpu.memory_space<vmem>> -> memref<8x128xf32, #tpu.memory_space<vmem>>
    %dma_wait3A_477 = arith.constant 0 : i32
    %dma_wait3A_478 = arith.constant 0 : i32
    %dma_wait3A_479 = tpu.memref_slice %arg4[%dma_wait3A_470, %dma_wait3A_471, %dma_wait3A_472, %dma_wait3A_477, %dma_wait3A_478] : memref<200x8x32x8x128xf32, #tpu.memory_space<hbm>> -> memref<1x1x1x8x128xf32, #tpu.memory_space<hbm>>
    %dma_wait3A_480 = tpu.memref_squeeze %dma_wait3A_479 : memref<1x1x1x8x128xf32, #tpu.memory_space<hbm>> -> memref<8x128xf32, #tpu.memory_space<hbm>>
    %dma_wait3A_481 = arith.constant 0 : i32
    %dma_wait3A_482 = arith.constant 0 : i32
    %dma_wait3A_483 = tpu.memref_slice %arg4[%dma_wait3A_470, %dma_wait3A_471, %dma_wait3A_472, %dma_wait3A_481, %dma_wait3A_482] : memref<200x8x32x8x128xf32, #tpu.memory_space<hbm>> -> memref<1x1x1x8x128xf32, #tpu.memory_space<hbm>>
    %dma_wait3A_484 = tpu.memref_squeeze %dma_wait3A_483 : memref<1x1x1x8x128xf32, #tpu.memory_space<hbm>> -> memref<8x128xf32, #tpu.memory_space<hbm>>
    %dma_wait3A_485 = arith.constant 32 : i32
    %dma_wait3A_486 = arith.constant 0 : i32
    %dma_wait3A_487 = tpu.memref_slice %arg7[%dma_wait3A_469, %dma_wait3A_485, %dma_wait3A_486] : memref<4x64x129xf32, #tpu.memory_space<vmem>> -> memref<1x8x128xf32, #tpu.memory_space<vmem>>
    %dma_wait3A_488 = tpu.memref_squeeze %dma_wait3A_487 : memref<1x8x128xf32, #tpu.memory_space<vmem>> -> memref<8x128xf32, #tpu.memory_space<vmem>>
    tpu.wait_dma2 semaphore(%arg14 : memref<!tpu.dma_semaphore, #tpu.memory_space<semaphore_mem>>) src(%dma_wait3A_488 : memref<8x128xf32, #tpu.memory_space<vmem>>) dst(%dma_wait3A_484 : memref<8x128xf32, #tpu.memory_space<hbm>>)
    %dma_wait3A_489 = arith.constant 2 : i32
    %dma_wait3A_490 = arith.constant 0 : i32
    %dma_wait3A_491 = arith.constant 0 : i32
    %dma_wait3A_492 = arith.constant 0 : i32
    %dma_wait3A_493 = arith.constant 40 : i32
    %dma_wait3A_494 = arith.constant 0 : i32
    %dma_wait3A_495 = tpu.memref_slice %arg7[%dma_wait3A_489, %dma_wait3A_493, %dma_wait3A_494] : memref<4x64x129xf32, #tpu.memory_space<vmem>> -> memref<1x8x128xf32, #tpu.memory_space<vmem>>
    %dma_wait3A_496 = tpu.memref_squeeze %dma_wait3A_495 : memref<1x8x128xf32, #tpu.memory_space<vmem>> -> memref<8x128xf32, #tpu.memory_space<vmem>>
    %dma_wait3A_497 = arith.constant 0 : i32
    %dma_wait3A_498 = arith.constant 0 : i32
    %dma_wait3A_499 = tpu.memref_slice %arg4[%dma_wait3A_490, %dma_wait3A_491, %dma_wait3A_492, %dma_wait3A_497, %dma_wait3A_498] : memref<200x8x32x8x128xf32, #tpu.memory_space<hbm>> -> memref<1x1x1x8x128xf32, #tpu.memory_space<hbm>>
    %dma_wait3A_500 = tpu.memref_squeeze %dma_wait3A_499 : memref<1x1x1x8x128xf32, #tpu.memory_space<hbm>> -> memref<8x128xf32, #tpu.memory_space<hbm>>
    %dma_wait3A_501 = arith.constant 0 : i32
    %dma_wait3A_502 = arith.constant 0 : i32
    %dma_wait3A_503 = tpu.memref_slice %arg4[%dma_wait3A_490, %dma_wait3A_491, %dma_wait3A_492, %dma_wait3A_501, %dma_wait3A_502] : memref<200x8x32x8x128xf32, #tpu.memory_space<hbm>> -> memref<1x1x1x8x128xf32, #tpu.memory_space<hbm>>
    %dma_wait3A_504 = tpu.memref_squeeze %dma_wait3A_503 : memref<1x1x1x8x128xf32, #tpu.memory_space<hbm>> -> memref<8x128xf32, #tpu.memory_space<hbm>>
    %dma_wait3A_505 = arith.constant 40 : i32
    %dma_wait3A_506 = arith.constant 0 : i32
    %dma_wait3A_507 = tpu.memref_slice %arg7[%dma_wait3A_489, %dma_wait3A_505, %dma_wait3A_506] : memref<4x64x129xf32, #tpu.memory_space<vmem>> -> memref<1x8x128xf32, #tpu.memory_space<vmem>>
    %dma_wait3A_508 = tpu.memref_squeeze %dma_wait3A_507 : memref<1x8x128xf32, #tpu.memory_space<vmem>> -> memref<8x128xf32, #tpu.memory_space<vmem>>
    tpu.wait_dma2 semaphore(%arg14 : memref<!tpu.dma_semaphore, #tpu.memory_space<semaphore_mem>>) src(%dma_wait3A_508 : memref<8x128xf32, #tpu.memory_space<vmem>>) dst(%dma_wait3A_504 : memref<8x128xf32, #tpu.memory_space<hbm>>)
    %dma_wait3A_509 = arith.constant 2 : i32
    %dma_wait3A_510 = arith.constant 0 : i32
    %dma_wait3A_511 = arith.constant 0 : i32
    %dma_wait3A_512 = arith.constant 0 : i32
    %dma_wait3A_513 = arith.constant 48 : i32
    %dma_wait3A_514 = arith.constant 0 : i32
    %dma_wait3A_515 = tpu.memref_slice %arg7[%dma_wait3A_509, %dma_wait3A_513, %dma_wait3A_514] : memref<4x64x129xf32, #tpu.memory_space<vmem>> -> memref<1x8x128xf32, #tpu.memory_space<vmem>>
    %dma_wait3A_516 = tpu.memref_squeeze %dma_wait3A_515 : memref<1x8x128xf32, #tpu.memory_space<vmem>> -> memref<8x128xf32, #tpu.memory_space<vmem>>
    %dma_wait3A_517 = arith.constant 0 : i32
    %dma_wait3A_518 = arith.constant 0 : i32
    %dma_wait3A_519 = tpu.memref_slice %arg4[%dma_wait3A_510, %dma_wait3A_511, %dma_wait3A_512, %dma_wait3A_517, %dma_wait3A_518] : memref<200x8x32x8x128xf32, #tpu.memory_space<hbm>> -> memref<1x1x1x8x128xf32, #tpu.memory_space<hbm>>
    %dma_wait3A_520 = tpu.memref_squeeze %dma_wait3A_519 : memref<1x1x1x8x128xf32, #tpu.memory_space<hbm>> -> memref<8x128xf32, #tpu.memory_space<hbm>>
    %dma_wait3A_521 = arith.constant 0 : i32
    %dma_wait3A_522 = arith.constant 0 : i32
    %dma_wait3A_523 = tpu.memref_slice %arg4[%dma_wait3A_510, %dma_wait3A_511, %dma_wait3A_512, %dma_wait3A_521, %dma_wait3A_522] : memref<200x8x32x8x128xf32, #tpu.memory_space<hbm>> -> memref<1x1x1x8x128xf32, #tpu.memory_space<hbm>>
    %dma_wait3A_524 = tpu.memref_squeeze %dma_wait3A_523 : memref<1x1x1x8x128xf32, #tpu.memory_space<hbm>> -> memref<8x128xf32, #tpu.memory_space<hbm>>
    %dma_wait3A_525 = arith.constant 48 : i32
    %dma_wait3A_526 = arith.constant 0 : i32
    %dma_wait3A_527 = tpu.memref_slice %arg7[%dma_wait3A_509, %dma_wait3A_525, %dma_wait3A_526] : memref<4x64x129xf32, #tpu.memory_space<vmem>> -> memref<1x8x128xf32, #tpu.memory_space<vmem>>
    %dma_wait3A_528 = tpu.memref_squeeze %dma_wait3A_527 : memref<1x8x128xf32, #tpu.memory_space<vmem>> -> memref<8x128xf32, #tpu.memory_space<vmem>>
    tpu.wait_dma2 semaphore(%arg14 : memref<!tpu.dma_semaphore, #tpu.memory_space<semaphore_mem>>) src(%dma_wait3A_528 : memref<8x128xf32, #tpu.memory_space<vmem>>) dst(%dma_wait3A_524 : memref<8x128xf32, #tpu.memory_space<hbm>>)
    %dma_wait3A_529 = arith.constant 2 : i32
    %dma_wait3A_530 = arith.constant 0 : i32
    %dma_wait3A_531 = arith.constant 0 : i32
    %dma_wait3A_532 = arith.constant 0 : i32
    %dma_wait3A_533 = arith.constant 56 : i32
    %dma_wait3A_534 = arith.constant 0 : i32
    %dma_wait3A_535 = tpu.memref_slice %arg7[%dma_wait3A_529, %dma_wait3A_533, %dma_wait3A_534] : memref<4x64x129xf32, #tpu.memory_space<vmem>> -> memref<1x8x128xf32, #tpu.memory_space<vmem>>
    %dma_wait3A_536 = tpu.memref_squeeze %dma_wait3A_535 : memref<1x8x128xf32, #tpu.memory_space<vmem>> -> memref<8x128xf32, #tpu.memory_space<vmem>>
    %dma_wait3A_537 = arith.constant 0 : i32
    %dma_wait3A_538 = arith.constant 0 : i32
    %dma_wait3A_539 = tpu.memref_slice %arg4[%dma_wait3A_530, %dma_wait3A_531, %dma_wait3A_532, %dma_wait3A_537, %dma_wait3A_538] : memref<200x8x32x8x128xf32, #tpu.memory_space<hbm>> -> memref<1x1x1x8x128xf32, #tpu.memory_space<hbm>>
    %dma_wait3A_540 = tpu.memref_squeeze %dma_wait3A_539 : memref<1x1x1x8x128xf32, #tpu.memory_space<hbm>> -> memref<8x128xf32, #tpu.memory_space<hbm>>
    %dma_wait3A_541 = arith.constant 0 : i32
    %dma_wait3A_542 = arith.constant 0 : i32
    %dma_wait3A_543 = tpu.memref_slice %arg4[%dma_wait3A_530, %dma_wait3A_531, %dma_wait3A_532, %dma_wait3A_541, %dma_wait3A_542] : memref<200x8x32x8x128xf32, #tpu.memory_space<hbm>> -> memref<1x1x1x8x128xf32, #tpu.memory_space<hbm>>
    %dma_wait3A_544 = tpu.memref_squeeze %dma_wait3A_543 : memref<1x1x1x8x128xf32, #tpu.memory_space<hbm>> -> memref<8x128xf32, #tpu.memory_space<hbm>>
    %dma_wait3A_545 = arith.constant 56 : i32
    %dma_wait3A_546 = arith.constant 0 : i32
    %dma_wait3A_547 = tpu.memref_slice %arg7[%dma_wait3A_529, %dma_wait3A_545, %dma_wait3A_546] : memref<4x64x129xf32, #tpu.memory_space<vmem>> -> memref<1x8x128xf32, #tpu.memory_space<vmem>>
    %dma_wait3A_548 = tpu.memref_squeeze %dma_wait3A_547 : memref<1x8x128xf32, #tpu.memory_space<vmem>> -> memref<8x128xf32, #tpu.memory_space<vmem>>
    tpu.wait_dma2 semaphore(%arg14 : memref<!tpu.dma_semaphore, #tpu.memory_space<semaphore_mem>>) src(%dma_wait3A_548 : memref<8x128xf32, #tpu.memory_space<vmem>>) dst(%dma_wait3A_544 : memref<8x128xf32, #tpu.memory_space<hbm>>)
    %dma_wait3A_549 = arith.constant 3 : i32
    %dma_wait3A_550 = arith.constant 0 : i32
    %dma_wait3A_551 = arith.constant 0 : i32
    %dma_wait3A_552 = arith.constant 0 : i32
    %dma_wait3A_553 = arith.constant 0 : i32
    %dma_wait3A_554 = arith.constant 0 : i32
    %dma_wait3A_555 = tpu.memref_slice %arg7[%dma_wait3A_549, %dma_wait3A_553, %dma_wait3A_554] : memref<4x64x129xf32, #tpu.memory_space<vmem>> -> memref<1x8x128xf32, #tpu.memory_space<vmem>>
    %dma_wait3A_556 = tpu.memref_squeeze %dma_wait3A_555 : memref<1x8x128xf32, #tpu.memory_space<vmem>> -> memref<8x128xf32, #tpu.memory_space<vmem>>
    %dma_wait3A_557 = arith.constant 0 : i32
    %dma_wait3A_558 = arith.constant 0 : i32
    %dma_wait3A_559 = tpu.memref_slice %arg4[%dma_wait3A_550, %dma_wait3A_551, %dma_wait3A_552, %dma_wait3A_557, %dma_wait3A_558] : memref<200x8x32x8x128xf32, #tpu.memory_space<hbm>> -> memref<1x1x1x8x128xf32, #tpu.memory_space<hbm>>
    %dma_wait3A_560 = tpu.memref_squeeze %dma_wait3A_559 : memref<1x1x1x8x128xf32, #tpu.memory_space<hbm>> -> memref<8x128xf32, #tpu.memory_space<hbm>>
    %dma_wait3A_561 = arith.constant 0 : i32
    %dma_wait3A_562 = arith.constant 0 : i32
    %dma_wait3A_563 = tpu.memref_slice %arg4[%dma_wait3A_550, %dma_wait3A_551, %dma_wait3A_552, %dma_wait3A_561, %dma_wait3A_562] : memref<200x8x32x8x128xf32, #tpu.memory_space<hbm>> -> memref<1x1x1x8x128xf32, #tpu.memory_space<hbm>>
    %dma_wait3A_564 = tpu.memref_squeeze %dma_wait3A_563 : memref<1x1x1x8x128xf32, #tpu.memory_space<hbm>> -> memref<8x128xf32, #tpu.memory_space<hbm>>
    %dma_wait3A_565 = arith.constant 0 : i32
    %dma_wait3A_566 = arith.constant 0 : i32
    %dma_wait3A_567 = tpu.memref_slice %arg7[%dma_wait3A_549, %dma_wait3A_565, %dma_wait3A_566] : memref<4x64x129xf32, #tpu.memory_space<vmem>> -> memref<1x8x128xf32, #tpu.memory_space<vmem>>
    %dma_wait3A_568 = tpu.memref_squeeze %dma_wait3A_567 : memref<1x8x128xf32, #tpu.memory_space<vmem>> -> memref<8x128xf32, #tpu.memory_space<vmem>>
    tpu.wait_dma2 semaphore(%arg15 : memref<!tpu.dma_semaphore, #tpu.memory_space<semaphore_mem>>) src(%dma_wait3A_568 : memref<8x128xf32, #tpu.memory_space<vmem>>) dst(%dma_wait3A_564 : memref<8x128xf32, #tpu.memory_space<hbm>>)
    %dma_wait3A_569 = arith.constant 3 : i32
    %dma_wait3A_570 = arith.constant 0 : i32
    %dma_wait3A_571 = arith.constant 0 : i32
    %dma_wait3A_572 = arith.constant 0 : i32
    %dma_wait3A_573 = arith.constant 8 : i32
    %dma_wait3A_574 = arith.constant 0 : i32
    %dma_wait3A_575 = tpu.memref_slice %arg7[%dma_wait3A_569, %dma_wait3A_573, %dma_wait3A_574] : memref<4x64x129xf32, #tpu.memory_space<vmem>> -> memref<1x8x128xf32, #tpu.memory_space<vmem>>
    %dma_wait3A_576 = tpu.memref_squeeze %dma_wait3A_575 : memref<1x8x128xf32, #tpu.memory_space<vmem>> -> memref<8x128xf32, #tpu.memory_space<vmem>>
    %dma_wait3A_577 = arith.constant 0 : i32
    %dma_wait3A_578 = arith.constant 0 : i32
    %dma_wait3A_579 = tpu.memref_slice %arg4[%dma_wait3A_570, %dma_wait3A_571, %dma_wait3A_572, %dma_wait3A_577, %dma_wait3A_578] : memref<200x8x32x8x128xf32, #tpu.memory_space<hbm>> -> memref<1x1x1x8x128xf32, #tpu.memory_space<hbm>>
    %dma_wait3A_580 = tpu.memref_squeeze %dma_wait3A_579 : memref<1x1x1x8x128xf32, #tpu.memory_space<hbm>> -> memref<8x128xf32, #tpu.memory_space<hbm>>
    %dma_wait3A_581 = arith.constant 0 : i32
    %dma_wait3A_582 = arith.constant 0 : i32
    %dma_wait3A_583 = tpu.memref_slice %arg4[%dma_wait3A_570, %dma_wait3A_571, %dma_wait3A_572, %dma_wait3A_581, %dma_wait3A_582] : memref<200x8x32x8x128xf32, #tpu.memory_space<hbm>> -> memref<1x1x1x8x128xf32, #tpu.memory_space<hbm>>
    %dma_wait3A_584 = tpu.memref_squeeze %dma_wait3A_583 : memref<1x1x1x8x128xf32, #tpu.memory_space<hbm>> -> memref<8x128xf32, #tpu.memory_space<hbm>>
    %dma_wait3A_585 = arith.constant 8 : i32
    %dma_wait3A_586 = arith.constant 0 : i32
    %dma_wait3A_587 = tpu.memref_slice %arg7[%dma_wait3A_569, %dma_wait3A_585, %dma_wait3A_586] : memref<4x64x129xf32, #tpu.memory_space<vmem>> -> memref<1x8x128xf32, #tpu.memory_space<vmem>>
    %dma_wait3A_588 = tpu.memref_squeeze %dma_wait3A_587 : memref<1x8x128xf32, #tpu.memory_space<vmem>> -> memref<8x128xf32, #tpu.memory_space<vmem>>
    tpu.wait_dma2 semaphore(%arg15 : memref<!tpu.dma_semaphore, #tpu.memory_space<semaphore_mem>>) src(%dma_wait3A_588 : memref<8x128xf32, #tpu.memory_space<vmem>>) dst(%dma_wait3A_584 : memref<8x128xf32, #tpu.memory_space<hbm>>)
    %dma_wait3A_589 = arith.constant 3 : i32
    %dma_wait3A_590 = arith.constant 0 : i32
    %dma_wait3A_591 = arith.constant 0 : i32
    %dma_wait3A_592 = arith.constant 0 : i32
    %dma_wait3A_593 = arith.constant 16 : i32
    %dma_wait3A_594 = arith.constant 0 : i32
    %dma_wait3A_595 = tpu.memref_slice %arg7[%dma_wait3A_589, %dma_wait3A_593, %dma_wait3A_594] : memref<4x64x129xf32, #tpu.memory_space<vmem>> -> memref<1x8x128xf32, #tpu.memory_space<vmem>>
    %dma_wait3A_596 = tpu.memref_squeeze %dma_wait3A_595 : memref<1x8x128xf32, #tpu.memory_space<vmem>> -> memref<8x128xf32, #tpu.memory_space<vmem>>
    %dma_wait3A_597 = arith.constant 0 : i32
    %dma_wait3A_598 = arith.constant 0 : i32
    %dma_wait3A_599 = tpu.memref_slice %arg4[%dma_wait3A_590, %dma_wait3A_591, %dma_wait3A_592, %dma_wait3A_597, %dma_wait3A_598] : memref<200x8x32x8x128xf32, #tpu.memory_space<hbm>> -> memref<1x1x1x8x128xf32, #tpu.memory_space<hbm>>
    %dma_wait3A_600 = tpu.memref_squeeze %dma_wait3A_599 : memref<1x1x1x8x128xf32, #tpu.memory_space<hbm>> -> memref<8x128xf32, #tpu.memory_space<hbm>>
    %dma_wait3A_601 = arith.constant 0 : i32
    %dma_wait3A_602 = arith.constant 0 : i32
    %dma_wait3A_603 = tpu.memref_slice %arg4[%dma_wait3A_590, %dma_wait3A_591, %dma_wait3A_592, %dma_wait3A_601, %dma_wait3A_602] : memref<200x8x32x8x128xf32, #tpu.memory_space<hbm>> -> memref<1x1x1x8x128xf32, #tpu.memory_space<hbm>>
    %dma_wait3A_604 = tpu.memref_squeeze %dma_wait3A_603 : memref<1x1x1x8x128xf32, #tpu.memory_space<hbm>> -> memref<8x128xf32, #tpu.memory_space<hbm>>
    %dma_wait3A_605 = arith.constant 16 : i32
    %dma_wait3A_606 = arith.constant 0 : i32
    %dma_wait3A_607 = tpu.memref_slice %arg7[%dma_wait3A_589, %dma_wait3A_605, %dma_wait3A_606] : memref<4x64x129xf32, #tpu.memory_space<vmem>> -> memref<1x8x128xf32, #tpu.memory_space<vmem>>
    %dma_wait3A_608 = tpu.memref_squeeze %dma_wait3A_607 : memref<1x8x128xf32, #tpu.memory_space<vmem>> -> memref<8x128xf32, #tpu.memory_space<vmem>>
    tpu.wait_dma2 semaphore(%arg15 : memref<!tpu.dma_semaphore, #tpu.memory_space<semaphore_mem>>) src(%dma_wait3A_608 : memref<8x128xf32, #tpu.memory_space<vmem>>) dst(%dma_wait3A_604 : memref<8x128xf32, #tpu.memory_space<hbm>>)
    %dma_wait3A_609 = arith.constant 3 : i32
    %dma_wait3A_610 = arith.constant 0 : i32
    %dma_wait3A_611 = arith.constant 0 : i32
    %dma_wait3A_612 = arith.constant 0 : i32
    %dma_wait3A_613 = arith.constant 24 : i32
    %dma_wait3A_614 = arith.constant 0 : i32
    %dma_wait3A_615 = tpu.memref_slice %arg7[%dma_wait3A_609, %dma_wait3A_613, %dma_wait3A_614] : memref<4x64x129xf32, #tpu.memory_space<vmem>> -> memref<1x8x128xf32, #tpu.memory_space<vmem>>
    %dma_wait3A_616 = tpu.memref_squeeze %dma_wait3A_615 : memref<1x8x128xf32, #tpu.memory_space<vmem>> -> memref<8x128xf32, #tpu.memory_space<vmem>>
    %dma_wait3A_617 = arith.constant 0 : i32
    %dma_wait3A_618 = arith.constant 0 : i32
    %dma_wait3A_619 = tpu.memref_slice %arg4[%dma_wait3A_610, %dma_wait3A_611, %dma_wait3A_612, %dma_wait3A_617, %dma_wait3A_618] : memref<200x8x32x8x128xf32, #tpu.memory_space<hbm>> -> memref<1x1x1x8x128xf32, #tpu.memory_space<hbm>>
    %dma_wait3A_620 = tpu.memref_squeeze %dma_wait3A_619 : memref<1x1x1x8x128xf32, #tpu.memory_space<hbm>> -> memref<8x128xf32, #tpu.memory_space<hbm>>
    %dma_wait3A_621 = arith.constant 0 : i32
    %dma_wait3A_622 = arith.constant 0 : i32
    %dma_wait3A_623 = tpu.memref_slice %arg4[%dma_wait3A_610, %dma_wait3A_611, %dma_wait3A_612, %dma_wait3A_621, %dma_wait3A_622] : memref<200x8x32x8x128xf32, #tpu.memory_space<hbm>> -> memref<1x1x1x8x128xf32, #tpu.memory_space<hbm>>
    %dma_wait3A_624 = tpu.memref_squeeze %dma_wait3A_623 : memref<1x1x1x8x128xf32, #tpu.memory_space<hbm>> -> memref<8x128xf32, #tpu.memory_space<hbm>>
    %dma_wait3A_625 = arith.constant 24 : i32
    %dma_wait3A_626 = arith.constant 0 : i32
    %dma_wait3A_627 = tpu.memref_slice %arg7[%dma_wait3A_609, %dma_wait3A_625, %dma_wait3A_626] : memref<4x64x129xf32, #tpu.memory_space<vmem>> -> memref<1x8x128xf32, #tpu.memory_space<vmem>>
    %dma_wait3A_628 = tpu.memref_squeeze %dma_wait3A_627 : memref<1x8x128xf32, #tpu.memory_space<vmem>> -> memref<8x128xf32, #tpu.memory_space<vmem>>
    tpu.wait_dma2 semaphore(%arg15 : memref<!tpu.dma_semaphore, #tpu.memory_space<semaphore_mem>>) src(%dma_wait3A_628 : memref<8x128xf32, #tpu.memory_space<vmem>>) dst(%dma_wait3A_624 : memref<8x128xf32, #tpu.memory_space<hbm>>)
    %dma_wait3A_629 = arith.constant 3 : i32
    %dma_wait3A_630 = arith.constant 0 : i32
    %dma_wait3A_631 = arith.constant 0 : i32
    %dma_wait3A_632 = arith.constant 0 : i32
    %dma_wait3A_633 = arith.constant 32 : i32
    %dma_wait3A_634 = arith.constant 0 : i32
    %dma_wait3A_635 = tpu.memref_slice %arg7[%dma_wait3A_629, %dma_wait3A_633, %dma_wait3A_634] : memref<4x64x129xf32, #tpu.memory_space<vmem>> -> memref<1x8x128xf32, #tpu.memory_space<vmem>>
    %dma_wait3A_636 = tpu.memref_squeeze %dma_wait3A_635 : memref<1x8x128xf32, #tpu.memory_space<vmem>> -> memref<8x128xf32, #tpu.memory_space<vmem>>
    %dma_wait3A_637 = arith.constant 0 : i32
    %dma_wait3A_638 = arith.constant 0 : i32
    %dma_wait3A_639 = tpu.memref_slice %arg4[%dma_wait3A_630, %dma_wait3A_631, %dma_wait3A_632, %dma_wait3A_637, %dma_wait3A_638] : memref<200x8x32x8x128xf32, #tpu.memory_space<hbm>> -> memref<1x1x1x8x128xf32, #tpu.memory_space<hbm>>
    %dma_wait3A_640 = tpu.memref_squeeze %dma_wait3A_639 : memref<1x1x1x8x128xf32, #tpu.memory_space<hbm>> -> memref<8x128xf32, #tpu.memory_space<hbm>>
    %dma_wait3A_641 = arith.constant 0 : i32
    %dma_wait3A_642 = arith.constant 0 : i32
    %dma_wait3A_643 = tpu.memref_slice %arg4[%dma_wait3A_630, %dma_wait3A_631, %dma_wait3A_632, %dma_wait3A_641, %dma_wait3A_642] : memref<200x8x32x8x128xf32, #tpu.memory_space<hbm>> -> memref<1x1x1x8x128xf32, #tpu.memory_space<hbm>>
    %dma_wait3A_644 = tpu.memref_squeeze %dma_wait3A_643 : memref<1x1x1x8x128xf32, #tpu.memory_space<hbm>> -> memref<8x128xf32, #tpu.memory_space<hbm>>
    %dma_wait3A_645 = arith.constant 32 : i32
    %dma_wait3A_646 = arith.constant 0 : i32
    %dma_wait3A_647 = tpu.memref_slice %arg7[%dma_wait3A_629, %dma_wait3A_645, %dma_wait3A_646] : memref<4x64x129xf32, #tpu.memory_space<vmem>> -> memref<1x8x128xf32, #tpu.memory_space<vmem>>
    %dma_wait3A_648 = tpu.memref_squeeze %dma_wait3A_647 : memref<1x8x128xf32, #tpu.memory_space<vmem>> -> memref<8x128xf32, #tpu.memory_space<vmem>>
    tpu.wait_dma2 semaphore(%arg15 : memref<!tpu.dma_semaphore, #tpu.memory_space<semaphore_mem>>) src(%dma_wait3A_648 : memref<8x128xf32, #tpu.memory_space<vmem>>) dst(%dma_wait3A_644 : memref<8x128xf32, #tpu.memory_space<hbm>>)
    %dma_wait3A_649 = arith.constant 3 : i32
    %dma_wait3A_650 = arith.constant 0 : i32
    %dma_wait3A_651 = arith.constant 0 : i32
    %dma_wait3A_652 = arith.constant 0 : i32
    %dma_wait3A_653 = arith.constant 40 : i32
    %dma_wait3A_654 = arith.constant 0 : i32
    %dma_wait3A_655 = tpu.memref_slice %arg7[%dma_wait3A_649, %dma_wait3A_653, %dma_wait3A_654] : memref<4x64x129xf32, #tpu.memory_space<vmem>> -> memref<1x8x128xf32, #tpu.memory_space<vmem>>
    %dma_wait3A_656 = tpu.memref_squeeze %dma_wait3A_655 : memref<1x8x128xf32, #tpu.memory_space<vmem>> -> memref<8x128xf32, #tpu.memory_space<vmem>>
    %dma_wait3A_657 = arith.constant 0 : i32
    %dma_wait3A_658 = arith.constant 0 : i32
    %dma_wait3A_659 = tpu.memref_slice %arg4[%dma_wait3A_650, %dma_wait3A_651, %dma_wait3A_652, %dma_wait3A_657, %dma_wait3A_658] : memref<200x8x32x8x128xf32, #tpu.memory_space<hbm>> -> memref<1x1x1x8x128xf32, #tpu.memory_space<hbm>>
    %dma_wait3A_660 = tpu.memref_squeeze %dma_wait3A_659 : memref<1x1x1x8x128xf32, #tpu.memory_space<hbm>> -> memref<8x128xf32, #tpu.memory_space<hbm>>
    %dma_wait3A_661 = arith.constant 0 : i32
    %dma_wait3A_662 = arith.constant 0 : i32
    %dma_wait3A_663 = tpu.memref_slice %arg4[%dma_wait3A_650, %dma_wait3A_651, %dma_wait3A_652, %dma_wait3A_661, %dma_wait3A_662] : memref<200x8x32x8x128xf32, #tpu.memory_space<hbm>> -> memref<1x1x1x8x128xf32, #tpu.memory_space<hbm>>
    %dma_wait3A_664 = tpu.memref_squeeze %dma_wait3A_663 : memref<1x1x1x8x128xf32, #tpu.memory_space<hbm>> -> memref<8x128xf32, #tpu.memory_space<hbm>>
    %dma_wait3A_665 = arith.constant 40 : i32
    %dma_wait3A_666 = arith.constant 0 : i32
    %dma_wait3A_667 = tpu.memref_slice %arg7[%dma_wait3A_649, %dma_wait3A_665, %dma_wait3A_666] : memref<4x64x129xf32, #tpu.memory_space<vmem>> -> memref<1x8x128xf32, #tpu.memory_space<vmem>>
    %dma_wait3A_668 = tpu.memref_squeeze %dma_wait3A_667 : memref<1x8x128xf32, #tpu.memory_space<vmem>> -> memref<8x128xf32, #tpu.memory_space<vmem>>
    tpu.wait_dma2 semaphore(%arg15 : memref<!tpu.dma_semaphore, #tpu.memory_space<semaphore_mem>>) src(%dma_wait3A_668 : memref<8x128xf32, #tpu.memory_space<vmem>>) dst(%dma_wait3A_664 : memref<8x128xf32, #tpu.memory_space<hbm>>)
    %dma_wait3A_669 = arith.constant 3 : i32
    %dma_wait3A_670 = arith.constant 0 : i32
    %dma_wait3A_671 = arith.constant 0 : i32
    %dma_wait3A_672 = arith.constant 0 : i32
    %dma_wait3A_673 = arith.constant 48 : i32
    %dma_wait3A_674 = arith.constant 0 : i32
    %dma_wait3A_675 = tpu.memref_slice %arg7[%dma_wait3A_669, %dma_wait3A_673, %dma_wait3A_674] : memref<4x64x129xf32, #tpu.memory_space<vmem>> -> memref<1x8x128xf32, #tpu.memory_space<vmem>>
    %dma_wait3A_676 = tpu.memref_squeeze %dma_wait3A_675 : memref<1x8x128xf32, #tpu.memory_space<vmem>> -> memref<8x128xf32, #tpu.memory_space<vmem>>
    %dma_wait3A_677 = arith.constant 0 : i32
    %dma_wait3A_678 = arith.constant 0 : i32
    %dma_wait3A_679 = tpu.memref_slice %arg4[%dma_wait3A_670, %dma_wait3A_671, %dma_wait3A_672, %dma_wait3A_677, %dma_wait3A_678] : memref<200x8x32x8x128xf32, #tpu.memory_space<hbm>> -> memref<1x1x1x8x128xf32, #tpu.memory_space<hbm>>
    %dma_wait3A_680 = tpu.memref_squeeze %dma_wait3A_679 : memref<1x1x1x8x128xf32, #tpu.memory_space<hbm>> -> memref<8x128xf32, #tpu.memory_space<hbm>>
    %dma_wait3A_681 = arith.constant 0 : i32
    %dma_wait3A_682 = arith.constant 0 : i32
    %dma_wait3A_683 = tpu.memref_slice %arg4[%dma_wait3A_670, %dma_wait3A_671, %dma_wait3A_672, %dma_wait3A_681, %dma_wait3A_682] : memref<200x8x32x8x128xf32, #tpu.memory_space<hbm>> -> memref<1x1x1x8x128xf32, #tpu.memory_space<hbm>>
    %dma_wait3A_684 = tpu.memref_squeeze %dma_wait3A_683 : memref<1x1x1x8x128xf32, #tpu.memory_space<hbm>> -> memref<8x128xf32, #tpu.memory_space<hbm>>
    %dma_wait3A_685 = arith.constant 48 : i32
    %dma_wait3A_686 = arith.constant 0 : i32
    %dma_wait3A_687 = tpu.memref_slice %arg7[%dma_wait3A_669, %dma_wait3A_685, %dma_wait3A_686] : memref<4x64x129xf32, #tpu.memory_space<vmem>> -> memref<1x8x128xf32, #tpu.memory_space<vmem>>
    %dma_wait3A_688 = tpu.memref_squeeze %dma_wait3A_687 : memref<1x8x128xf32, #tpu.memory_space<vmem>> -> memref<8x128xf32, #tpu.memory_space<vmem>>
    tpu.wait_dma2 semaphore(%arg15 : memref<!tpu.dma_semaphore, #tpu.memory_space<semaphore_mem>>) src(%dma_wait3A_688 : memref<8x128xf32, #tpu.memory_space<vmem>>) dst(%dma_wait3A_684 : memref<8x128xf32, #tpu.memory_space<hbm>>)
    %dma_wait3A_689 = arith.constant 3 : i32
    %dma_wait3A_690 = arith.constant 0 : i32
    %dma_wait3A_691 = arith.constant 0 : i32
    %dma_wait3A_692 = arith.constant 0 : i32
    %dma_wait3A_693 = arith.constant 56 : i32
    %dma_wait3A_694 = arith.constant 0 : i32
    %dma_wait3A_695 = tpu.memref_slice %arg7[%dma_wait3A_689, %dma_wait3A_693, %dma_wait3A_694] : memref<4x64x129xf32, #tpu.memory_space<vmem>> -> memref<1x8x128xf32, #tpu.memory_space<vmem>>
    %dma_wait3A_696 = tpu.memref_squeeze %dma_wait3A_695 : memref<1x8x128xf32, #tpu.memory_space<vmem>> -> memref<8x128xf32, #tpu.memory_space<vmem>>
    %dma_wait3A_697 = arith.constant 0 : i32
    %dma_wait3A_698 = arith.constant 0 : i32
    %dma_wait3A_699 = tpu.memref_slice %arg4[%dma_wait3A_690, %dma_wait3A_691, %dma_wait3A_692, %dma_wait3A_697, %dma_wait3A_698] : memref<200x8x32x8x128xf32, #tpu.memory_space<hbm>> -> memref<1x1x1x8x128xf32, #tpu.memory_space<hbm>>
    %dma_wait3A_700 = tpu.memref_squeeze %dma_wait3A_699 : memref<1x1x1x8x128xf32, #tpu.memory_space<hbm>> -> memref<8x128xf32, #tpu.memory_space<hbm>>
    %dma_wait3A_701 = arith.constant 0 : i32
    %dma_wait3A_702 = arith.constant 0 : i32
    %dma_wait3A_703 = tpu.memref_slice %arg4[%dma_wait3A_690, %dma_wait3A_691, %dma_wait3A_692, %dma_wait3A_701, %dma_wait3A_702] : memref<200x8x32x8x128xf32, #tpu.memory_space<hbm>> -> memref<1x1x1x8x128xf32, #tpu.memory_space<hbm>>
    %dma_wait3A_704 = tpu.memref_squeeze %dma_wait3A_703 : memref<1x1x1x8x128xf32, #tpu.memory_space<hbm>> -> memref<8x128xf32, #tpu.memory_space<hbm>>
    %dma_wait3A_705 = arith.constant 56 : i32
    %dma_wait3A_706 = arith.constant 0 : i32
    %dma_wait3A_707 = tpu.memref_slice %arg7[%dma_wait3A_689, %dma_wait3A_705, %dma_wait3A_706] : memref<4x64x129xf32, #tpu.memory_space<vmem>> -> memref<1x8x128xf32, #tpu.memory_space<vmem>>
    %dma_wait3A_708 = tpu.memref_squeeze %dma_wait3A_707 : memref<1x8x128xf32, #tpu.memory_space<vmem>> -> memref<8x128xf32, #tpu.memory_space<vmem>>
    tpu.wait_dma2 semaphore(%arg15 : memref<!tpu.dma_semaphore, #tpu.memory_space<semaphore_mem>>) src(%dma_wait3A_708 : memref<8x128xf32, #tpu.memory_space<vmem>>) dst(%dma_wait3A_704 : memref<8x128xf32, #tpu.memory_space<hbm>>)
    return
  }
}

</mosaic_0001>

<sc_bundles>
// kernel: kernel.3.cloned.1.call-start
scs
__scs_entry_jumppad:
0x0: {  	(pc) =	sbr.rel $0x88, $3  }
0x1: {  	(tag) =	ssettag $0x0;
	lr =	simm.s32 $0x1  }
0x2: {  	[smem:$0x3F9F] =	sst lr;
	_ =	strace $0xD0000000  }
0x3: {  	_ = 	snop  }
0x4: {  	_ = 	snop  }
0x5: {  	_ = 	snop  }
0x6: {  	_ = 	snop  }
0x7: {  	_ = 	snop  }
__scs_overlays_trampoline_lowered:
0x8: {  	[smem:$0x3FAE] =	sst s0  }
0x9: {  	[smem:$0x3FAF] =	sst s1  }
0xa: {  	[smem:$0x3FB0] =	sst s2  }
0xb: {  	[smem:$0x3FB1] =	sst s3  }
0xc: {  	[smem:$0x3FB2] =	sst s4  }
0xd: {  	[smem:$0x3FB3] =	sst s5  }
0xe: {  	[smem:$0x3FB4] =	sst s6  }
0xf: {  	[smem:$0x3FB5] =	sst s7  }
0x10: {  	[smem:$0x3FB6] =	sst s8  }
0x11: {  	[smem:$0x3FB7] =	sst s9;
	s0 =	simm.s32 @!p0 $0x0  }
0x12: {  	s1 =	sld [smem:$0x3F9D];
	s0 =	simm.s32 @p0 $0x1  }
0x13: {  	[smem:$0x3FB8] =	sst s0;
	s0 =	simm.s32 @!p1 $0x0  }
0x14: {  	s2 =	sld [smem:$0x3F9C];
	s0 =	simm.s32 @p1 $0x1  }
0x15: {  	[smem:$0x3FB9] =	sst s0;
	s0 =	simm.s32 @!p2 $0x0  }
0x16: {  	s3 =	sld [smem:$0x3FDB];
	s0 =	simm.s32 @p2 $0x1  }
0x17: {  	s4 =	simm.s32 $0x1BF5;
	[smem:$0x3FBB] =	sst s0  }
0x18: {  	s0 =	sld [smem:$0x3F9E];
	_ =	swait.ge [sflag:s4], $0x0  }
0x19: {  	s7 =	sld [smem:$0x3F9F]  }
0x1a: {  	s8 =	sadd.s32 $0xFFFFE003, lr  }
0x1b: {  	s9 =	sadd.s32 $0xFFFFFEF7, lr;
	s5 =	simm.s32 $0xFFFFFFFF;
	p2 =	slt.u32 s8, $0xFFFFF086  }
0x1c: {  	p1 =	slt.u32 s9, $0xF7A;
	s5 =	simm.s32 @!p2 $0x0  }
0x1d: {  	s5 =	simm.s32 @p1 $0x1;
	p0 =	seq.s32 s7, s2  }
0x1e: {  	s7 =	smul.u32 @!p0 $0xF7A, s2;
	p2 =	seq.s32 @!p0 s5, $0x0  }
0x1f: {  	s9 =	smul.u32 $0xF7A, s1;
	s8 =	simm.s32 @!p0 $0x1BF5;
	p2 =	por !p2, p0  }
0x20: {  	[sflag:s8] =	ssyncset.s32 @!p0 $0xFFFFF086;
	s6 =	sadd.s32 @!p0 s3, s7;
	s7 =	simm.s32 @!p0 $0x108  }
0x21: {  	s3 =	sadd.s32 s3, s9;
	s6 =	sadd.s32 @!p0 $0x88, s6;
	s7 =	simm.s32 @p2 $0x1082  }
0x22: {  	[simem:s7], [sflag:s8] =	dma.local @!p0 [hbm:s6], $0xF7A  }
0x23: {  	s9 =	sor.u32 $0xD0000000, s2;
	s6 =	simm.s32 $0x108;
	_ =	swait.ge @!p0 [sflag:s8], $0x0  }
0x24: {  	s3 =	sadd.s32 $0x88, s3;
	s6 =	simm.s32 @!p1 $0x1082;
	[sflag:s4] =	ssyncset.s32 $0xFFFFF086  }
0x25: {  	[simem:s6], [sflag:s4] =	dma.local [hbm:s3], $0xF7A  }
0x26: {  	[smem:$0x3F9F] =	sst s1;
	(tag) =	ssettag s2;
	_ =	strace s9  }
0x27: {  	s1 =	sld [smem:$0x3FAF]  }
0x28: {  	s2 =	sld [smem:$0x3FB0]  }
0x29: {  	s4 =	sld [smem:$0x3FB2]  }
0x2a: {  	p0 =	seq.s32 s5, $0x0;
	s5 =	sld [smem:$0x3FB3]  }
0x2b: {  	s6 =	sld [smem:$0x3FB4]  }
0x2c: {  	s7 =	sld [smem:$0x3FB5]  }
0x2d: {  	s3 =	simm.s32 $0x108;
	s8 =	sld [smem:$0x3FB6]  }
0x2e: {  	s3 =	simm.s32 @!p0 $0x1082;
	s9 =	sld [smem:$0x3FB7]  }
0x2f: {  	lr =	sadd.s32 s0, s3;
	s0 =	sld [smem:$0x3FAE]  }
0x30: {  	s3 =	sld [smem:$0x3FB1]  }
0x31: {  	[smem:$0x3FBA] =	sst s10  }
0x32: {  	s10 =	sld [smem:$0x3FB8];
	_ =	sdelay $0x3  }
0x33: {  	p0 =	seq.s32 s10, $0x1;
	s10 =	sld [smem:$0x3FBA];
	_ =	sdelay $0x3  }
0x34: {  	[smem:$0x3FBA] =	sst s10  }
0x35: {  	s10 =	sld [smem:$0x3FB9];
	_ =	sdelay $0x3  }
0x36: {  	p1 =	seq.s32 s10, $0x1;
	s10 =	sld [smem:$0x3FBA];
	_ =	sdelay $0x3  }
0x37: {  	[smem:$0x3FBA] =	sst s10  }
0x38: {  	s10 =	sld [smem:$0x3FBB]  }
0x39: {  	_ = 	snop;
	(pc) =	sbr.ind lr, $3  }
0x3a: {  	_ = 	snop  }
0x3b: {  	_ = 	snop  }
0x3c: {  	p2 =	seq.s32 s10, $0x1;
	s10 =	sld [smem:$0x3FBA]  }
0x3d: {  	_ =	shalt  }
0x3e: {  	_ =	shalt  }
0x3f: {  	_ =	shalt  }
0x40: {  	_ =	shalt  }
0x41: {  	_ =	shalt  }
0x42: {  	_ =	shalt  }
0x43: {  	_ =	shalt  }
0x44: {  	_ =	shalt  }
0x45: {  	_ =	shalt  }
0x46: {  	_ =	shalt  }
0x47: {  	_ =	shalt  }
0x48: {  	_ =	shalt  }
0x49: {  	_ =	shalt  }
0x4a: {  	_ =	shalt  }
0x4b: {  	_ =	shalt  }
0x4c: {  	_ =	shalt  }
0x4d: {  	_ =	shalt  }
0x4e: {  	_ =	shalt  }
0x4f: {  	_ =	shalt  }
0x50: {  	_ =	shalt  }
0x51: {  	_ =	shalt  }
0x52: {  	_ =	shalt  }
0x53: {  	_ =	shalt  }
0x54: {  	_ =	shalt  }
0x55: {  	_ =	shalt  }
0x56: {  	_ =	shalt  }
0x57: {  	_ =	shalt  }
0x58: {  	_ =	shalt  }
0x59: {  	_ =	shalt  }
0x5a: {  	_ =	shalt  }
0x5b: {  	_ =	shalt  }
0x5c: {  	_ =	shalt  }
0x5d: {  	_ =	shalt  }
0x5e: {  	_ =	shalt  }
0x5f: {  	_ =	shalt  }
0x60: {  	_ =	shalt  }
0x61: {  	_ =	shalt  }
0x62: {  	_ =	shalt  }
0x63: {  	_ =	shalt  }
0x64: {  	_ =	shalt  }
0x65: {  	_ =	shalt  }
0x66: {  	_ =	shalt  }
0x67: {  	_ =	shalt  }
0x68: {  	_ =	shalt  }
0x69: {  	_ =	shalt  }
0x6a: {  	_ =	shalt  }
0x6b: {  	_ =	shalt  }
0x6c: {  	_ =	shalt  }
0x6d: {  	_ =	shalt  }
0x6e: {  	_ =	shalt  }
0x6f: {  	_ =	shalt  }
0x70: {  	_ =	shalt  }
0x71: {  	_ =	shalt  }
0x72: {  	_ =	shalt  }
0x73: {  	_ =	shalt  }
0x74: {  	_ =	shalt  }
0x75: {  	_ =	shalt  }
0x76: {  	_ =	shalt  }
0x77: {  	_ =	shalt  }
0x78: {  	_ =	shalt  }
0x79: {  	_ =	shalt  }
0x7a: {  	_ =	shalt  }
0x7b: {  	_ =	shalt  }
0x7c: {  	_ =	shalt  }
0x7d: {  	_ =	shalt  }
0x7e: {  	_ =	shalt  }
0x7f: {  	_ =	shalt  }
0x80: {  	_ =	shalt  }
0x81: {  	_ =	shalt  }
0x82: {  	_ =	shalt  }
0x83: {  	_ =	shalt  }
0x84: {  	_ =	shalt  }
0x85: {  	_ =	shalt  }
0x86: {  	_ =	shalt  }
0x87: {  	_ =	shalt  }
.Lfunc_end0:
.L_simem_size_0:
called_computation_lowered:
.L_overlay_start_0:
0x88: {  	s2 =	sld [smem:$0x3FD9]  }
0x89: {  	s3 =	sld [smem:$0x3FFE];
	_ =	sdelay $0x1  }
0x8a: {  	s1 =	srdreg.scid  }
0x8b: {  	s0 =	sand.u32 $0x1, s1  }
0x8c: {  	s17 =	sshll.u32 s0, $0xA;
	s2 =	sadd.s32 s3, s2  }
0x8d: {  	s2 =	sadd.s32 s2, s17  }
0x8e: {  	[smem:$0x3FC6] =	sst s2  }
0x8f: {  	_ = 	snop  }
0x90: {  	s2 =	sld [smem:$0x3FD0];
	(tm) =	ssettm $0x1  }
0x91: {  	s18 =	sld [smem:$0x3FFB];
	_ =	sdelay $0x3  }
0x92: {  	_ =	strace s18  }
0x93: {  	s3 =	sld [smem:$0x3FFC];
	_ =	sdelay $0x3  }
0x94: {  	_ =	strace s3  }
0x95: {  	s3 =	sld [smem:$0x3FFD];
	_ =	sdelay $0x3  }
0x96: {  	_ =	strace s3  }
0x97: {  	_ =	strace $0x8FFFFFFF  }
0x98: {  	s19 =	sld [smem:$0x3FDB];
	_ =	sdelay $0x1  }
0x99: {  	s4 =	simm.s32 $_scs_section_size  }
0x9a: {  	s5 =	simm.s32 $_size__tile_overlayer_lowered;
	s6 =	simm.s32 $_tile_overlayer_lowered  }
0x9b: {  	s22 =	simm.s32 $0x1BFF;
	s21 =	sshll.u32 s6, $0x1;
	s3 =	sadd.s32 s4, s19  }
0x9c: {  	s7 =	simm.s32 $0x0;
	s20 =	sshll.u32 s5, $0x1;
	s5 =	sadd.s32 s21, s3  }
0x9d: {  	[timem:s7], [sflag:s22] =	dma.local [hbm:s5], s20  }
0x9e: {  	_ =	swait.ge [sflag:s22], s20  }
0x9f: {  	s4 =	ssub.s32 $0x0, s20;
	[sflag:s22] =	ssyncset.done $0x0  }
0xa0: {  	[sflag:s22] =	ssyncadd.s32 s4;
	_ =	sdelay $0x1  }
0xa1: {  	s23 =	simm.s32 $0x1B8B  }
0xa2: {  	_ =	swait.ge [sflag:s23], $0x1  }
0xa3: {  	[sflag:s23] =	ssyncset.done $0x0  }
0xa4: {  	s25 =	simm.s32 $0x1B8E;
	s24 =	sld [smem:$0x3FFE];
	[sflag:s23] =	ssyncadd.s32 $0xFFFFFFFF  }
0xa5: {  	s26 =	simm.s32 $execute0_lowered;
	[smem:$0x3FD2] =	sst s25  }
0xa6: {  	s5 =	sshll.u32 s26, $0x1;
	_ =	strace $0x80000046;
	[dreg:$0x1] =	wrdreg $0xFFFFFFFF  }
0xa7: {  	s28 =	simm.s32 $_size_execute0_lowered;
	s3 =	sadd.s32 s3, s5;
	[dreg:$0x0] =	wrdreg $0x0  }
0xa8: {  	s5 =	sshll.u32 s28, $0x1;
	[dreg:$0x2] =	wrdreg s3  }
0xa9: {  	[dreg:$0x3] =	wrdreg s5  }
0xaa: {  	[dreg:$0x4] =	wrdreg $0xC0  }
0xab: {  	_ =	task [dreg:s7], $0x5FFFF  }
0xac: {  	[dreg:$0x1] =	wrdreg $0xFFFFFFFF  }
0xad: {  	[dreg:$0x0] =	wrdreg $0x60  }
0xae: {  	[dreg:$0x2] =	wrdreg s24  }
0xaf: {  	[dreg:$0x3] =	wrdreg s2  }
0xb0: {  	[dreg:$0x4] =	wrdreg $0x9  }
0xb1: {  	_ =	task.clear_ibuf [dreg:s7], $0x5FFFF;
	_ =	strace $0x90000046  }
0xb2: {  	s29 =	simm.s32 $0x9;
	_ =	strace $0x80000048  }
0xb3: {  	_ =	swait.ge [sflag:s29], $0x1  }
0xb4: {  	[sflag:s29] =	ssyncadd.s32 $0xFFFFFFFF  }
0xb5: {  	_ =	strace $0x90000048  }
0xb6: {  	_ =	sfence  }
0xb7: {  	s30 =	sld [smem:$0x0];
	_ =	sdelay $0x2  }
0xb8: {  	s31 =	sshll.u32 s1, $0xD;
	s1 =	sshrl.u32 s1, $0x2  }
0xb9: {  	s3 =	sand.u32 $0x4000, s31;
	s1 =	sadd.s32 s1, s30  }
0xba: {  	s0 =	sor.u32 s3, s0;
	s1 =	sshll.u32 s1, $0x11  }
0xbb: {  	s0 =	sor.u32 s1, s0  }
0xbc: {  	s0 =	sadd.s32 $0x8F2B, s0  }
0xbd: {  	[sflag:s0] =	ssyncadd.remote.s32 $0x1  }
0xbe: {  	_ =	sfence.sel $0xFFFF  }
0xbf: {  	[dreg:$0x0] =	wrdreg $0xFFFFFFFF;
	(pc) =	sbr.abs _section_cstart, $3  }
0xc0: {  	[dreg:$0x1] =	wrdreg $0xFFFFFFFF  }
0xc1: {  	_ =	task.clear_ibuf [dreg:s7], $0x2FFFF;
	_ =	strace $0x9FFFFFFF  }
0xc2: {  	(tm) =	ssettm $0x7FFFFFFF  }
0xc3: {  	_ =	shalt  }
tec
execute0_lowered:
.L_overlay_start_1:
0x0: {  	(tag) =	ssettag $0x1  }
0x1: {  	s0 =	rddreg [dreg:$0x0]  }
0x2: {  	s8 =	rddreg [dreg:$0x1];
	s3 =	simm.s32 $0x0  }
0x3: {  	[smem:$0x7FF] =	sst s3;
	s7 =	sadd.s32 $0x1000, s8  }
0x4: {  	s9 =	sadd.s32 $0x2000, s8;
	_ =	strace $0x80000047;
	[dreg:$0x5] =	wrdreg s7  }
0x5: {  	s10 =	sadd.s32 $0x3000, s8;
	[dreg:$0x6] =	wrdreg s9  }
0x6: {  	s11 =	sadd.s32 $0x4000, s8;
	[dreg:$0x7] =	wrdreg s10  }
0x7: {  	s12 =	sadd.s32 $0x5000, s8;
	[dreg:$0x8] =	wrdreg s11  }
0x8: {  	s13 =	sadd.s32 $0x6000, s8;
	[dreg:$0x9] =	wrdreg s12  }
0x9: {  	s14 =	sadd.s32 $0x7000, s8;
	[dreg:$0xa] =	wrdreg s13  }
0xa: {  	s15 =	sadd.s32 $0x8000, s8;
	[dreg:$0xb] =	wrdreg s14  }
0xb: {  	s16 =	sadd.s32 $0x9000, s8;
	[dreg:$0xc] =	wrdreg s15  }
0xc: {  	s17 =	sadd.s32 $0xA000, s8;
	[dreg:$0xd] =	wrdreg s16  }
0xd: {  	s18 =	sadd.s32 $0xB000, s8;
	[dreg:$0xe] =	wrdreg s17  }
0xe: {  	s19 =	sadd.s32 $0xC000, s8;
	[dreg:$0xf] =	wrdreg s18  }
0xf: {  	s20 =	sadd.s32 $0xD000, s8;
	[dreg:$0x10] =	wrdreg s19  }
0x10: {  	s21 =	sadd.s32 $0xE000, s8;
	[dreg:$0x11] =	wrdreg s20  }
0x11: {  	s1 =	srdreg.scid;
	s22 =	sadd.s32 $0xF000, s8;
	[dreg:$0x12] =	wrdreg s21  }
0x12: {  	s2 =	stileid.u32;
	s23 =	sadd.s32 $0x10000, s8;
	[dreg:$0x13] =	wrdreg s22  }
0x13: {  	s1 =	sand.u32 $0x1, s1;
	s24 =	sadd.s32 $0x11000, s8;
	[dreg:$0x14] =	wrdreg s23  }
0x14: {  	s2 =	sshll.u32 s2, $0x1;
	s25 =	sadd.s32 $0x12000, s8;
	[dreg:$0x15] =	wrdreg s24  }
0x15: {  	s26 =	sadd.s32 $0x13000, s8;
	s28 =	sadd.s32 $0x14000, s8;
	[dreg:$0x16] =	wrdreg s25  }
0x16: {  	s29 =	sadd.s32 $0x15000, s8;
	s31 =	sadd.s32 $0x17000, s8;
	[dreg:$0x18] =	wrdreg s26  }
0x17: {  	s2 =	sor.u32 s1, s2;
	s1 =	ssub.s32 $0x2, s1;
	[dreg:$0x19] =	wrdreg s28  }
0x18: {  	[dreg:$0x1a] =	wrdreg s29;
	s25 =	sadd.s32 $0x1B000, s8;
	s7 =	sadd.s32 $0x1E000, s8  }
0x19: {  	s9 =	simm.s32 $0x80;
	s10 =	simm.s32 $0x1;
	s11 =	simm.s32 $0xE400  }
0x1a: {  	s12 =	simm.s32 $0x2;
	s13 =	simm.s32 $0x6;
	s14 =	simm.s32 $0x10600  }
0x1b: {  	s15 =	simm.s32 $0x3;
	s16 =	simm.s32 $0x7;
	s17 =	simm.s32 $0x12800  }
0x1c: {  	s18 =	simm.s32 $0x4;
	s19 =	simm.s32 $0x8;
	s20 =	simm.s32 $0x14A00  }
0x1d: {  	s4 =	sshll.u32 s2, $0x4;
	s30 =	sshrl.u32 s1, $0x1;
	s6 =	sshll.u32 s2, $0x7  }
0x1e: {  	s5 =	sadd.s32 s4, s0;
	s4 =	sadd.s32 $0xF42A00, s0;
	s0 =	ssub.s32 s1, s30  }
.Ltmp0:
0x1f: {  	[dreg:$0x4] =	wrdreg s6;
	s30 =	sadd.s32 $0x16000, s8;
	(pc) =	sbr.rel .LBB2_1-.Ltmp0, $4  }
0x20: {  	v0 =	vlaneseq.u32;
	s22 =	simm.s32 $0x0;
	s5 =	sadd.s32 $0x600, s5;
	[dreg:$0x1b] =	wrdreg s30  }
0x21: {  	v0 =	vmul.u32 $0x88, v0;
	s2 =	sadd.s32 $0x1C000, s8;
	s0 =	smax.u32 s0, $0x1;
	[dreg:$0x3] =	wrdreg s5  }
0x22: {  	s1 =	sadd.s32 $0x19000, s8;
	s6 =	sadd.s32 $0x1D000, s8;
	[dreg:$0x17] =	wrdreg s0  }
0x23: {  	v1 =	vadd.s32 $0x880, v0;
	v2 =	vadd.s32 $0x1100, v0;
	v3 =	vadd.s32 $0x1980, v0;
	s0 =	sadd.s32 $0x18000, s8;
	s5 =	sadd.s32 $0x1A000, s8;
	s8 =	sadd.s32 $0x1F000, s8  }
.LBB2_24:
0x24: {  	s21 =	simm.s32 $0x5  }
0x25: {  	_ =	swait.ge [sflag:s21], $0x400  }
0x26: {  	[sflag:s21] =	ssyncset.done $0x0  }
0x27: {  	[sflag:s21] =	ssyncadd.s32 $0xFFFFFC00  }
0x28: {  	_ =	swait.ge [sflag:s21], $0x400  }
0x29: {  	[sflag:s21] =	ssyncset.done $0x0  }
0x2a: {  	[sflag:s21] =	ssyncadd.s32 $0xFFFFFC00  }
0x2b: {  	_ =	swait.ge [sflag:s21], $0x400  }
0x2c: {  	[sflag:s21] =	ssyncset.done $0x0  }
0x2d: {  	[sflag:s21] =	ssyncadd.s32 $0xFFFFFC00  }
0x2e: {  	_ =	swait.ge [sflag:s21], $0x400  }
0x2f: {  	[sflag:s21] =	ssyncset.done $0x0  }
0x30: {  	[sflag:s21] =	ssyncadd.s32 $0xFFFFFC00  }
0x31: {  	_ =	swait.ge [sflag:s21], $0x400  }
0x32: {  	[sflag:s21] =	ssyncset.done $0x0  }
0x33: {  	[sflag:s21] =	ssyncadd.s32 $0xFFFFFC00  }
0x34: {  	_ =	swait.ge [sflag:s21], $0x400  }
0x35: {  	[sflag:s21] =	ssyncset.done $0x0  }
0x36: {  	[sflag:s21] =	ssyncadd.s32 $0xFFFFFC00  }
0x37: {  	_ =	swait.ge [sflag:s21], $0x400  }
0x38: {  	[sflag:s21] =	ssyncset.done $0x0  }
0x39: {  	[sflag:s21] =	ssyncadd.s32 $0xFFFFFC00  }
0x3a: {  	_ =	swait.ge [sflag:s21], $0x400  }
0x3b: {  	[sflag:s21] =	ssyncset.done $0x0  }
0x3c: {  	[sflag:s21] =	ssyncadd.s32 $0xFFFFFC00  }
0x3d: {  	_ =	swait.ge [sflag:s13], $0x400  }
0x3e: {  	[sflag:s13] =	ssyncset.done $0x0  }
0x3f: {  	[sflag:s13] =	ssyncadd.s32 $0xFFFFFC00  }
0x40: {  	_ =	swait.ge [sflag:s13], $0x400  }
0x41: {  	[sflag:s13] =	ssyncset.done $0x0  }
0x42: {  	[sflag:s13] =	ssyncadd.s32 $0xFFFFFC00  }
0x43: {  	_ =	swait.ge [sflag:s13], $0x400  }
0x44: {  	[sflag:s13] =	ssyncset.done $0x0  }
0x45: {  	[sflag:s13] =	ssyncadd.s32 $0xFFFFFC00  }
0x46: {  	_ =	swait.ge [sflag:s13], $0x400  }
0x47: {  	[sflag:s13] =	ssyncset.done $0x0  }
0x48: {  	[sflag:s13] =	ssyncadd.s32 $0xFFFFFC00  }
0x49: {  	_ =	swait.ge [sflag:s13], $0x400  }
0x4a: {  	[sflag:s13] =	ssyncset.done $0x0  }
0x4b: {  	[sflag:s13] =	ssyncadd.s32 $0xFFFFFC00  }
0x4c: {  	_ =	swait.ge [sflag:s13], $0x400  }
0x4d: {  	[sflag:s13] =	ssyncset.done $0x0  }
0x4e: {  	[sflag:s13] =	ssyncadd.s32 $0xFFFFFC00  }
0x4f: {  	_ =	swait.ge [sflag:s13], $0x400  }
0x50: {  	[sflag:s13] =	ssyncset.done $0x0  }
0x51: {  	[sflag:s13] =	ssyncadd.s32 $0xFFFFFC00  }
0x52: {  	_ =	swait.ge [sflag:s13], $0x400  }
0x53: {  	[sflag:s13] =	ssyncset.done $0x0  }
0x54: {  	[sflag:s13] =	ssyncadd.s32 $0xFFFFFC00  }
0x55: {  	_ =	swait.ge [sflag:s16], $0x400  }
0x56: {  	[sflag:s16] =	ssyncset.done $0x0  }
0x57: {  	[sflag:s16] =	ssyncadd.s32 $0xFFFFFC00  }
0x58: {  	_ =	swait.ge [sflag:s16], $0x400  }
0x59: {  	[sflag:s16] =	ssyncset.done $0x0  }
0x5a: {  	[sflag:s16] =	ssyncadd.s32 $0xFFFFFC00  }
0x5b: {  	_ =	swait.ge [sflag:s16], $0x400  }
0x5c: {  	[sflag:s16] =	ssyncset.done $0x0  }
0x5d: {  	[sflag:s16] =	ssyncadd.s32 $0xFFFFFC00  }
0x5e: {  	_ =	swait.ge [sflag:s16], $0x400  }
0x5f: {  	[sflag:s16] =	ssyncset.done $0x0  }
0x60: {  	[sflag:s16] =	ssyncadd.s32 $0xFFFFFC00  }
0x61: {  	_ =	swait.ge [sflag:s16], $0x400  }
0x62: {  	[sflag:s16] =	ssyncset.done $0x0  }
0x63: {  	[sflag:s16] =	ssyncadd.s32 $0xFFFFFC00  }
0x64: {  	_ =	swait.ge [sflag:s16], $0x400  }
0x65: {  	[sflag:s16] =	ssyncset.done $0x0  }
0x66: {  	[sflag:s16] =	ssyncadd.s32 $0xFFFFFC00  }
0x67: {  	_ =	swait.ge [sflag:s16], $0x400  }
0x68: {  	[sflag:s16] =	ssyncset.done $0x0  }
0x69: {  	[sflag:s16] =	ssyncadd.s32 $0xFFFFFC00  }
0x6a: {  	_ =	swait.ge [sflag:s16], $0x400  }
0x6b: {  	[sflag:s16] =	ssyncset.done $0x0  }
0x6c: {  	[sflag:s16] =	ssyncadd.s32 $0xFFFFFC00  }
0x6d: {  	_ =	swait.ge [sflag:s19], $0x400  }
0x6e: {  	[sflag:s19] =	ssyncset.done $0x0  }
0x6f: {  	[sflag:s19] =	ssyncadd.s32 $0xFFFFFC00  }
0x70: {  	_ =	swait.ge [sflag:s19], $0x400  }
0x71: {  	[sflag:s19] =	ssyncset.done $0x0  }
0x72: {  	[sflag:s19] =	ssyncadd.s32 $0xFFFFFC00  }
0x73: {  	_ =	swait.ge [sflag:s19], $0x400  }
0x74: {  	[sflag:s19] =	ssyncset.done $0x0  }
0x75: {  	[sflag:s19] =	ssyncadd.s32 $0xFFFFFC00  }
0x76: {  	_ =	swait.ge [sflag:s19], $0x400  }
0x77: {  	[sflag:s19] =	ssyncset.done $0x0  }
0x78: {  	[sflag:s19] =	ssyncadd.s32 $0xFFFFFC00  }
0x79: {  	_ =	swait.ge [sflag:s19], $0x400  }
0x7a: {  	[sflag:s19] =	ssyncset.done $0x0  }
0x7b: {  	[sflag:s19] =	ssyncadd.s32 $0xFFFFFC00  }
0x7c: {  	_ =	swait.ge [sflag:s19], $0x400  }
0x7d: {  	[sflag:s19] =	ssyncset.done $0x0  }
0x7e: {  	[sflag:s19] =	ssyncadd.s32 $0xFFFFFC00  }
0x7f: {  	_ =	swait.ge [sflag:s19], $0x400  }
0x80: {  	[sflag:s19] =	ssyncset.done $0x0  }
0x81: {  	[sflag:s19] =	ssyncadd.s32 $0xFFFFFC00  }
0x82: {  	_ =	swait.ge [sflag:s19], $0x400  }
0x83: {  	s22 =	rddreg [dreg:$0x1c]  }
0x84: {  	s30 =	rddreg [dreg:$0x17];
	s22 =	sadd.s32 $0x1, s22  }
0x85: {  	p0 =	sne.s32 s22, s30  }
.Ltmp1:
0x86: {  	_ = 	snop;
	(pc) =	sbr.rel @!p0 .LBB2_25-.Ltmp1, $3  }
0x87: {  	_ =	sdelay $0x1  }
0x88: {  	[sflag:s19] =	ssyncset.done $0x0  }
0x89: {  	[sflag:s19] =	ssyncadd.s32 $0xFFFFFC00  }
.LBB2_1:
0x8a: {  	[dreg:$0x1c] =	wrdreg s22  }
0x8b: {  	s21 =	rddreg [dreg:$0x3];
	s30 =	simm.s32 $0x1000;
	s22 =	simm.s32 $0x9  }
0x8c: {  	[tilespmem:s3], [sflag:$0x9] =	stream.strided.gather [hbm4b:s21+s9], $0x6400, s30, s9, $0x38;
	[tilespmem:$0x16C00] =	vst v63  }
0x8d: {  	_ =	swait.ge [sflag:s22], $0x6400  }
0x8e: {  	[sflag:s22] =	ssyncset.done $0x0  }
0x8f: {  	s23 =	simm.s32 $0x6400;
	[sflag:s22] =	ssyncadd.s32 $0xFFFF9C00  }
0x90: {  	[tilespmem:s23], [sflag:$0x1] =	stream.indirect.gather [hbm4b:s4+s9], $0x40, s3, s9, $0xb8;
	[tilespmem:$0x16C00] =	vst v63  }
0x91: {  	s24 =	simm.s32 $0x8400  }
0x92: {  	[tilespmem:s24], [sflag:$0x2] =	stream.indirect.gather [hbm4b:s4+s9], $0x40, s9, s9, $0xb8;
	[tilespmem:$0x16C00] =	vst v63  }
0x93: {  	s26 =	simm.s32 $0x100;
	s28 =	simm.s32 $0xA400  }
0x94: {  	[tilespmem:s28], [sflag:$0x3] =	stream.indirect.gather [hbm4b:s4+s9], $0x40, s26, s9, $0xb8;
	[tilespmem:$0x16C00] =	vst v63  }
0x95: {  	s29 =	simm.s32 $0x180;
	s30 =	simm.s32 $0xC400;
	s21 =	simm.s32 $0x0  }
0x96: {  	[tilespmem:s30], [sflag:$0x4] =	stream.indirect.gather [hbm4b:s4+s9], $0x40, s29, s9, $0xb8;
	[tilespmem:$0x16C00] =	vst v63  }
.LBB2_2:
0x97: {  	_ =	swait.ge [sflag:s10], $0x2000  }
0x98: {  	p0 =	seq.s32 s21, $0x0;
	[sflag:s10] =	ssyncset.done $0x0  }
0x99: {  	s22 =	simm.s32 @!p0 $0x5;
	[sflag:s10] =	ssyncadd.s32 $0xFFFFE000  }
0x9a: {  	_ =	swait.ge @!p0 [sflag:s22], $0x400  }
0x9b: {  	[sflag:s22] =	ssyncset.done @!p0 $0x0  }
0x9c: {  	[sflag:s22] =	ssyncadd.s32 @!p0 $0xFFFFFC00  }
0x9d: {  	_ =	swait.ge @!p0 [sflag:s22], $0x400  }
0x9e: {  	[sflag:s22] =	ssyncset.done @!p0 $0x0  }
0x9f: {  	[sflag:s22] =	ssyncadd.s32 @!p0 $0xFFFFFC00  }
0xa0: {  	_ =	swait.ge @!p0 [sflag:s22], $0x400  }
0xa1: {  	[sflag:s22] =	ssyncset.done @!p0 $0x0  }
0xa2: {  	[sflag:s22] =	ssyncadd.s32 @!p0 $0xFFFFFC00  }
0xa3: {  	_ =	swait.ge @!p0 [sflag:s22], $0x400  }
0xa4: {  	[sflag:s22] =	ssyncset.done @!p0 $0x0  }
0xa5: {  	[sflag:s22] =	ssyncadd.s32 @!p0 $0xFFFFFC00  }
0xa6: {  	_ =	swait.ge @!p0 [sflag:s22], $0x400  }
0xa7: {  	[sflag:s22] =	ssyncset.done @!p0 $0x0  }
0xa8: {  	[sflag:s22] =	ssyncadd.s32 @!p0 $0xFFFFFC00  }
0xa9: {  	_ =	swait.ge @!p0 [sflag:s22], $0x400  }
0xaa: {  	[sflag:s22] =	ssyncset.done @!p0 $0x0  }
0xab: {  	[sflag:s22] =	ssyncadd.s32 @!p0 $0xFFFFFC00  }
0xac: {  	_ =	swait.ge @!p0 [sflag:s22], $0x400  }
0xad: {  	[sflag:s22] =	ssyncset.done @!p0 $0x0  }
0xae: {  	[sflag:s22] =	ssyncadd.s32 @!p0 $0xFFFFFC00  }
0xaf: {  	_ =	swait.ge @!p0 [sflag:s22], $0x400  }
0xb0: {  	[sflag:s22] =	ssyncset.done @!p0 $0x0  }
0xb1: {  	s23 =	simm.s32 $0x3;
	[sflag:s22] =	ssyncadd.s32 @!p0 $0xFFFFFC00;
	s22 =	simm.s32 $0x6480  }
0xb2: {  	v4 =	vmov s23;
	v5 =	vld [tilespmem:s22+$0x40]  }
0xb3: {  	v9 =	vand.u32 $0x7F, v4  }
0xb4: {  	s26 =	simm.s32 $0x0;
	v4 =	vadd.s32 v0, v9  }
0xb5: {  	s29 =	simm.s32 $0x1;
	s24 =	simm.s32 $0x2;
	v6 =	vmov s26;
	v7 =	vld [tilespmem:s22+$0xFFFFFF80]  }
0xb6: {  	v11 =	vmov s24;
	v8 =	vand.u32 $0x7C, v6;
	v6 =	vmov s29;
	v10 =	vld [tilespmem:s22+$0xFFFFFFC0]  }
0xb7: {  	v12 =	vadd.s32 v0, v8;
	v15 =	vand.u32 $0x7D, v6;
	v6 =	vld [tilespmem:s22+$0x0];
	v5 =	vmul.f32 $8.000000000e+00, v5  }
0xb8: {  	v17 =	vand.u32 $0x7E, v11;
	v13 =	vadd.s32 v0, v15  }
0xb9: {  	v11 =	vadd.s32 v0, v17;
	[tilespmem:v4+s11+$0x0] =	vst.idx.msk $0xffff, v5  }
0xba: {  	v4 =	vmul.f32 $8.000000000e+00, v7;
	v5 =	vld [tilespmem:s22+$0x50]  }
0xbb: {  	v7 =	vmul.f32 $8.000000000e+00, v10  }
0xbc: {  	[tilespmem:v12+s11+$0x0] =	vst.idx.msk $0xffff, v4;
	v4 =	vmul.f32 $8.000000000e+00, v6;
	v6 =	vadd.s32 v1, v9  }
0xbd: {  	[tilespmem:v13+s11+$0x0] =	vst.idx.msk $0xffff, v7;
	v10 =	vld [tilespmem:s22+$0xFFFFFF90]  }
0xbe: {  	v7 =	vld [tilespmem:s22+$0xFFFFFFD0];
	[tilespmem:v11+s11+$0x0] =	vst.idx.msk $0xffff, v4  }
0xbf: {  	v11 =	vld [tilespmem:s22+$0x10];
	v4 =	vmul.f32 $8.000000000e+00, v5  }
0xc0: {  	s30 =	simm.s32 $0x4;
	s26 =	simm.s32 $0x7;
	s23 =	simm.s32 $0x6580;
	v12 =	vadd.s32 v1, v15  }
0xc1: {  	v14 =	vld [tilespmem:s23+$0x40];
	v13 =	vadd.s32 v1, v17;
	v5 =	vmov s30;
	[tilespmem:v6+s11+$0x0] =	vst.idx.msk $0xffff, v4;
	v6 =	vmov s26  }
0xc2: {  	v16 =	vadd.s32 v1, v8;
	v4 =	vand.u32 $0x7C, v5;
	v5 =	vand.u32 $0x7F, v6;
	v18 =	vld [tilespmem:s22+$0x60]  }
0xc3: {  	s29 =	simm.s32 $0x5;
	v22 =	vadd.s32 v2, v9;
	v19 =	vld [tilespmem:s23+$0xFFFFFF80];
	v6 =	vmul.f32 $8.000000000e+00, v7;
	v20 =	vadd.s32 v0, v5  }
0xc4: {  	v21 =	vld [tilespmem:s23+$0xFFFFFFC0];
	s30 =	simm.s32 $0x6;
	v10 =	vmul.f32 $8.000000000e+00, v10;
	v7 =	vmul.f32 $8.000000000e+00, v11;
	v11 =	vmov s29  }
0xc5: {  	v23 =	vadd.s32 v0, v4;
	[tilespmem:v12+s11+$0x0] =	vst.idx.msk $0xffff, v6;
	v12 =	vmov s30;
	v6 =	vand.u32 $0x7D, v11;
	v11 =	vld [tilespmem:s23+$0x0]  }
0xc6: {  	[tilespmem:v13+s11+$0x0] =	vst.idx.msk $0xffff, v7;
	v13 =	vadd.s32 v0, v6;
	v7 =	vand.u32 $0x7E, v12;
	v12 =	vmul.f32 $8.000000000e+00, v14;
	v14 =	vld [tilespmem:s22+$0xFFFFFFE0]  }
0xc7: {  	[tilespmem:v16+s11+$0x0] =	vst.idx.msk $0xffff, v10;
	v10 =	vadd.s32 v0, v7;
	v16 =	vld [tilespmem:s22+$0x20];
	v18 =	vmul.f32 $8.000000000e+00, v18  }
0xc8: {  	v19 =	vmul.f32 $8.000000000e+00, v19;
	[tilespmem:v20+s11+$0x0] =	vst.idx.msk $0xffff, v12;
	v12 =	vld [tilespmem:s22+$0xFFFFFFA0];
	v20 =	vadd.s32 v2, v15  }
0xc9: {  	v25 =	vadd.s32 v2, v17;
	v21 =	vmul.f32 $8.000000000e+00, v21;
	v24 =	vld [tilespmem:s23+$0x50];
	[tilespmem:v22+s11+$0x0] =	vst.idx.msk $0xffff, v18  }
0xca: {  	[tilespmem:v23+s11+$0x0] =	vst.idx.msk $0xffff, v19;
	v19 =	vadd.s32 v2, v8;
	v11 =	vmul.f32 $8.000000000e+00, v11;
	v22 =	vld [tilespmem:s22+$0x70]  }
0xcb: {  	v23 =	vld [tilespmem:s23+$0xFFFFFF90];
	[tilespmem:v13+s11+$0x0] =	vst.idx.msk $0xffff, v21;
	v21 =	vadd.s32 v1, v5;
	v14 =	vmul.f32 $8.000000000e+00, v14  }
0xcc: {  	v27 =	vadd.s32 v3, v9;
	v26 =	vld [tilespmem:s23+$0xFFFFFFD0];
	[tilespmem:v10+s11+$0x0] =	vst.idx.msk $0xffff, v11;
	v10 =	vmul.f32 $8.000000000e+00, v16  }
0xcd: {  	v18 =	vadd.s32 v1, v4;
	v13 =	vld [tilespmem:s23+$0x10];
	v9 =	vmul.f32 $8.000000000e+00, v12;
	[tilespmem:v20+s11+$0x0] =	vst.idx.msk $0xffff, v14  }
0xce: {  	s26 =	simm.s32 $0x8;
	v16 =	vadd.s32 v1, v6;
	[tilespmem:v25+s11+$0x0] =	vst.idx.msk $0xffff, v10;
	v14 =	vmul.f32 $8.000000000e+00, v24;
	v12 =	vld [tilespmem:s22+$0xFFFFFFF0]  }
0xcf: {  	v20 =	vmov s26;
	v10 =	vadd.s32 v1, v7;
	v11 =	vld [tilespmem:s22+$0x30];
	[tilespmem:v19+s11+$0x0] =	vst.idx.msk $0xffff, v9;
	v63 =	vmul.f32 $8.000000000e+00, v22  }
0xd0: {  	s28 =	simm.s32 $0xB;
	s24 =	simm.s32 $0x6680;
	v15 =	vadd.s32 v3, v15;
	v9 =	vand.u32 $0x7C, v20;
	v20 =	vmul.f32 $8.000000000e+00, v23;
	[tilespmem:v21+s11+$0x0] =	vst.idx.msk $0xffff, v14;
	v14 =	vld [tilespmem:s22+$0xFFFFFFB0]  }
0xd1: {  	v17 =	vadd.s32 v3, v17;
	v22 =	vmov s28;
	v19 =	vld [tilespmem:s24+$0x40];
	s28 =	simm.s32 $0xC;
	s22 =	sshll.u32 s21, $0xB;
	v21 =	vmul.f32 $8.000000000e+00, v26;
	[tilespmem:v27+s11+$0x0] =	vst.idx.msk $0xffff, v63  }
.LBB2_3:
0xd2: {  	p1 =	slt.u32 s28, $0x7C;
	s29 =	sadd.s32 $0x1, s26;
	v22 =	vand.u32 $0x7F, v22;
	[tilespmem:v18+s11+$0x0] =	vst.idx.msk $0xffff, v20;
	v13 =	vmul.f32 $8.000000000e+00, v13;
	v18 =	vld [tilespmem:s23+$0x60];
	v20 =	vadd.s32 v3, v8;
	v8 =	vmovc v4  }
0xd3: {  	v4 =	vmovc v9;
	v23 =	vld [tilespmem:s24+$0xFFFFFF80];
	v24 =	vmov s29;
	s29 =	sadd.s32 $0x2, s26;
	v25 =	vadd.s32 v0, v22;
	[tilespmem:v16+s11+$0x0] =	vst.idx.msk $0xffff, v21;
	v12 =	vmul.f32 $8.000000000e+00, v12;
	s26 =	smov.u32 s28  }
0xd4: {  	v9 =	vld [tilespmem:s24+$0xFFFFFFC0];
	v16 =	vmov s29;
	[tilespmem:v10+s11+$0x0] =	vst.idx.msk $0xffff, v13;
	v10 =	vadd.s32 v2, v5;
	v11 =	vmul.f32 $8.000000000e+00, v11  }
0xd5: {  	v13 =	vadd.s32 v0, v4;
	v21 =	vand.u32 $0x7D, v24;
	v24 =	vld [tilespmem:s24+$0x0];
	v14 =	vmul.f32 $8.000000000e+00, v14;
	[tilespmem:v15+s11+$0x0] =	vst.idx.msk $0xffff, v12  }
0xd6: {  	v12 =	vadd.s32 v0, v21;
	v26 =	vand.u32 $0x7E, v16;
	v15 =	vmul.f32 $8.000000000e+00, v19;
	v16 =	vld [tilespmem:s23+$0xFFFFFFE0];
	[tilespmem:v17+s11+$0x0] =	vst.idx.msk $0xffff, v11  }
0xd7: {  	v11 =	vadd.s32 v0, v26;
	v17 =	vld [tilespmem:s23+$0x20];
	v18 =	vmul.f32 $8.000000000e+00, v18;
	[tilespmem:v20+s11+$0x0] =	vst.idx.msk $0xffff, v14  }
0xd8: {  	v19 =	vadd.s32 v2, v6;
	v14 =	vmul.f32 $8.000000000e+00, v23;
	[tilespmem:v25+s11+$0x0] =	vst.idx.msk $0xffff, v15;
	v15 =	vld [tilespmem:s23+$0xFFFFFFA0]  }
0xd9: {  	v23 =	vadd.s32 v2, v7;
	v9 =	vmul.f32 $8.000000000e+00, v9;
	v20 =	vld [tilespmem:s24+$0x50];
	[tilespmem:v10+s11+$0x0] =	vst.idx.msk $0xffff, v18  }
0xda: {  	[tilespmem:v13+s11+$0x0] =	vst.idx.msk $0xffff, v14;
	v10 =	vmul.f32 $8.000000000e+00, v24;
	v14 =	vadd.s32 v2, v8;
	v24 =	vld [tilespmem:s23+$0x70]  }
0xdb: {  	v27 =	vadd.s32 v1, v22;
	v25 =	vld [tilespmem:s24+$0xFFFFFF90];
	[tilespmem:v12+s11+$0x0] =	vst.idx.msk $0xffff, v9;
	v9 =	vmul.f32 $8.000000000e+00, v16  }
0xdc: {  	v29 =	vadd.s32 v3, v5;
	v5 =	vmov v22;
	v28 =	vld [tilespmem:s24+$0xFFFFFFD0];
	[tilespmem:v11+s11+$0x0] =	vst.idx.msk $0xffff, v10;
	v10 =	vmul.f32 $8.000000000e+00, v17  }
.Ltmp2:
0xdd: {  	v18 =	vadd.s32 v1, v4;
	v13 =	vld [tilespmem:s24+$0x10];
	v11 =	vmul.f32 $8.000000000e+00, v15;
	[tilespmem:v19+s11+$0x0] =	vst.idx.msk $0xffff, v9;
	(pc) =	sbr.rel @p1 .LBB2_3-.Ltmp2, $4  }
0xde: {  	v16 =	vadd.s32 v1, v21;
	v15 =	vmul.f32 $8.000000000e+00, v20;
	v12 =	vld [tilespmem:s23+$0xFFFFFFF0];
	[tilespmem:v23+s11+$0x0] =	vst.idx.msk $0xffff, v10  }
0xdf: {  	v9 =	vmov s28;
	v10 =	vadd.s32 v1, v26;
	[tilespmem:v14+s11+$0x0] =	vst.idx.msk $0xffff, v11;
	v11 =	vld [tilespmem:s23+$0x30];
	v23 =	vmul.f32 $8.000000000e+00, v24  }
0xe0: {  	s29 =	sadd.s32 $0x3, s28;
	v9 =	vand.u32 $0x7C, v9;
	v20 =	vmul.f32 $8.000000000e+00, v25;
	[tilespmem:v27+s11+$0x0] =	vst.idx.msk $0xffff, v15;
	v14 =	vld [tilespmem:s23+$0xFFFFFFB0];
	v15 =	vadd.s32 v3, v6;
	v6 =	vmovc v21;
	s23 =	smov.u32 s24;
	s24 =	sadd.s32 $0x100, s24  }
0xe1: {  	v22 =	vmov s29;
	v17 =	vadd.s32 v3, v7;
	v7 =	vmovc v26;
	s28 =	sadd.s32 $0x4, s28;
	v19 =	vld [tilespmem:s24+$0x40];
	v21 =	vmul.f32 $8.000000000e+00, v28;
	[tilespmem:v29+s11+$0x0] =	vst.idx.msk $0xffff, v23  }
0xe2: {  	s28 =	sadd.s32 $0x1, s26  }
0xe3: {  	v22 =	vand.u32 $0x7F, v22;
	s30 =	sadd.s32 $0x2, s26;
	v24 =	vld [tilespmem:s24+$0xFFFFFFC0];
	v23 =	vmov s28  }
0xe4: {  	v27 =	vld [tilespmem:s24+$0x0];
	v25 =	vadd.s32 v0, v22;
	v26 =	vmov s30;
	v23 =	vand.u32 $0x7D, v23  }
0xe5: {  	v26 =	vand.u32 $0x7E, v26;
	v29 =	vadd.s32 v0, v23  }
0xe6: {  	v30 =	vadd.s32 v0, v26  }
0xe7: {  	v28 =	vld [tilespmem:s24+$0xFFFFFF80];
	[tilespmem:v18+s11+$0x0] =	vst.idx.msk $0xffff, v20;
	v19 =	vmul.f32 $8.000000000e+00, v19  }
0xe8: {  	[tilespmem:v16+s11+$0x0] =	vst.idx.msk $0xffff, v21;
	v52 =	vmul.f32 $8.000000000e+00, v24  }
0xe9: {  	v51 =	vadd.s32 v0, v9;
	v53 =	vmul.f32 $8.000000000e+00, v27;
	[tilespmem:v25+s11+$0x0] =	vst.idx.msk $0xffff, v19  }
0xea: {  	v13 =	vmul.f32 $8.000000000e+00, v13;
	v55 =	vld [tilespmem:s24+$0x50];
	[tilespmem:v29+s11+$0x0] =	vst.idx.msk $0xffff, v52  }
0xeb: {  	v8 =	vadd.s32 v3, v8;
	v12 =	vmul.f32 $8.000000000e+00, v12;
	[tilespmem:v30+s11+$0x0] =	vst.idx.msk $0xffff, v53;
	v56 =	vld [tilespmem:s24+$0xFFFFFFD0]  }
0xec: {  	v57 =	vadd.s32 v1, v22;
	[tilespmem:v10+s11+$0x0] =	vst.idx.msk $0xffff, v13;
	v54 =	vmul.f32 $8.000000000e+00, v28;
	v19 =	vld [tilespmem:s24+$0x10]  }
0xed: {  	v32 =	vld [tilespmem:s23+$0xFFFFFFA0];
	v58 =	vmul.f32 $8.000000000e+00, v11;
	v60 =	vadd.s32 v1, v23;
	[tilespmem:v15+s11+$0x0] =	vst.idx.msk $0xffff, v12  }
0xee: {  	v61 =	vld [tilespmem:s23+$0x60];
	v14 =	vmul.f32 $8.000000000e+00, v14;
	v62 =	vadd.s32 v1, v26;
	[tilespmem:v51+s11+$0x0] =	vst.idx.msk $0xffff, v54  }
0xef: {  	v38 =	vadd.s32 v2, v4;
	[tilespmem:v17+s11+$0x0] =	vst.idx.msk $0xffff, v58;
	v59 =	vld [tilespmem:s24+$0xFFFFFF90];
	v16 =	vmul.f32 $8.000000000e+00, v55  }
0xf0: {  	[tilespmem:v8+s11+$0x0] =	vst.idx.msk $0xffff, v14;
	v29 =	vadd.s32 v2, v5;
	v30 =	vld [tilespmem:s23+$0x20];
	v31 =	vmul.f32 $8.000000000e+00, v56  }
0xf1: {  	v63 =	vld [tilespmem:s23+$0xFFFFFFE0];
	v28 =	vadd.s32 v1, v9;
	[tilespmem:v57+s11+$0x0] =	vst.idx.msk $0xffff, v16;
	v34 =	vmul.f32 $8.000000000e+00, v19  }
0xf2: {  	v35 =	vadd.s32 v2, v7;
	v14 =	vmul.f32 $8.000000000e+00, v32;
	v36 =	vld [tilespmem:s24+$0x60];
	[tilespmem:v60+s11+$0x0] =	vst.idx.msk $0xffff, v31  }
0xf3: {  	v33 =	vadd.s32 v2, v6;
	v37 =	vmul.f32 $8.000000000e+00, v61;
	[tilespmem:v62+s11+$0x0] =	vst.idx.msk $0xffff, v34;
	v39 =	vld [tilespmem:s24+$0xFFFFFFE0]  }
0xf4: {  	v40 =	vadd.s32 v2, v22;
	[tilespmem:v38+s11+$0x0] =	vst.idx.msk $0xffff, v14;
	v11 =	vmul.f32 $8.000000000e+00, v59;
	v41 =	vld [tilespmem:s24+$0x20]  }
0xf5: {  	v44 =	vadd.s32 v2, v23;
	v14 =	vld [tilespmem:s23+$0xFFFFFFB0];
	[tilespmem:v29+s11+$0x0] =	vst.idx.msk $0xffff, v37;
	v42 =	vmul.f32 $8.000000000e+00, v30  }
0xf6: {  	v46 =	vadd.s32 v2, v26;
	v15 =	vmul.f32 $8.000000000e+00, v63;
	v45 =	vld [tilespmem:s23+$0x70];
	[tilespmem:v28+s11+$0x0] =	vst.idx.msk $0xffff, v11  }
0xf7: {  	v4 =	vadd.s32 v3, v4;
	[tilespmem:v35+s11+$0x0] =	vst.idx.msk $0xffff, v42;
	v43 =	vld [tilespmem:s24+$0xFFFFFFA0];
	v47 =	vmul.f32 $8.000000000e+00, v36  }
0xf8: {  	v5 =	vadd.s32 v3, v5;
	[tilespmem:v33+s11+$0x0] =	vst.idx.msk $0xffff, v15;
	v49 =	vld [tilespmem:s23+$0x30];
	v12 =	vmul.f32 $8.000000000e+00, v39  }
0xf9: {  	v48 =	vadd.s32 v2, v9;
	v21 =	vld [tilespmem:s23+$0xFFFFFFF0];
	[tilespmem:v40+s11+$0x0] =	vst.idx.msk $0xffff, v47;
	v51 =	vmul.f32 $8.000000000e+00, v41  }
0xfa: {  	v52 =	vadd.s32 v3, v7;
	v14 =	vmul.f32 $8.000000000e+00, v14;
	v10 =	vld [tilespmem:s24+$0x70];
	[tilespmem:v44+s11+$0x0] =	vst.idx.msk $0xffff, v12  }
0xfb: {  	v50 =	vadd.s32 v3, v6;
	v54 =	vmul.f32 $8.000000000e+00, v45;
	[tilespmem:v46+s11+$0x0] =	vst.idx.msk $0xffff, v51;
	v55 =	vld [tilespmem:s24+$0xFFFFFFF0]  }
0xfc: {  	v57 =	vadd.s32 v3, v22;
	[tilespmem:v4+s11+$0x0] =	vst.idx.msk $0xffff, v14;
	v53 =	vmul.f32 $8.000000000e+00, v43;
	v58 =	vld [tilespmem:s24+$0x30]  }
0xfd: {  	v60 =	vadd.s32 v3, v23;
	[tilespmem:v5+s11+$0x0] =	vst.idx.msk $0xffff, v54;
	v5 =	vmul.f32 $8.000000000e+00, v49  }
0xfe: {  	v61 =	vadd.s32 v3, v26;
	v56 =	vmul.f32 $8.000000000e+00, v21;
	[tilespmem:v48+s11+$0x0] =	vst.idx.msk $0xffff, v53  }
0xff: {  	[tilespmem:v52+s11+$0x0] =	vst.idx.msk $0xffff, v5;
	v59 =	vld [tilespmem:s24+$0xFFFFFFB0];
	v5 =	vmul.f32 $8.000000000e+00, v10  }
0x100: {  	[tilespmem:v50+s11+$0x0] =	vst.idx.msk $0xffff, v56;
	v4 =	vmul.f32 $8.000000000e+00, v55  }
0x101: {  	v62 =	vadd.s32 v3, v9;
	[tilespmem:v57+s11+$0x0] =	vst.idx.msk $0xffff, v5;
	v5 =	vmul.f32 $8.000000000e+00, v58  }
0x102: {  	[tilespmem:v60+s11+$0x0] =	vst.idx.msk $0xffff, v4  }
0x103: {  	[tilespmem:v61+s11+$0x0] =	vst.idx.msk $0xffff, v5  }
0x104: {  	s26 =	sshll.u32 s21, $0x11;
	v63 =	vmul.f32 $8.000000000e+00, v59;
	s28 =	rddreg [dreg:$0x4]  }
0x105: {  	s29 =	rddreg [dreg:$0x1];
	s23 =	sor.u32 s28, s26  }
0x106: {  	[tilespmem:v62+s11+$0x0] =	vst.idx.msk $0xffff, v63;
	s24 =	sadd.s32 s29, s23  }
0x107: {  	[hbm4b:s24+s3] =	stream.linear.scatter [tilespmem:s11], [sflag:$0x5], $0x80, $0x38;
	[tilespmem:$0x16C00] =	vst v63  }
0x108: {  	s29 =	simm.s32 $0xE488;
	s30 =	sadd.s32 $0x10, s24  }
0x109: {  	[hbm4b:s30+s3] =	stream.linear.scatter [tilespmem:s29], [sflag:$0x5], $0x80, $0x38;
	[tilespmem:$0x16C00] =	vst v63  }
0x10a: {  	s30 =	sadd.s32 $0x20, s24;
	s29 =	simm.s32 $0xE510  }
0x10b: {  	[hbm4b:s30+s3] =	stream.linear.scatter [tilespmem:s29], [sflag:$0x5], $0x80, $0x38;
	[tilespmem:$0x16C00] =	vst v63  }
0x10c: {  	s30 =	sadd.s32 $0x30, s24;
	s29 =	simm.s32 $0xE598  }
0x10d: {  	[hbm4b:s30+s3] =	stream.linear.scatter [tilespmem:s29], [sflag:$0x5], $0x80, $0x38;
	[tilespmem:$0x16C00] =	vst v63  }
0x10e: {  	s30 =	sadd.s32 $0x40, s24;
	s29 =	simm.s32 $0xE620  }
0x10f: {  	[hbm4b:s30+s3] =	stream.linear.scatter [tilespmem:s29], [sflag:$0x5], $0x80, $0x38;
	[tilespmem:$0x16C00] =	vst v63  }
0x110: {  	s30 =	sadd.s32 $0x50, s24;
	s29 =	simm.s32 $0xE6A8  }
0x111: {  	[hbm4b:s30+s3] =	stream.linear.scatter [tilespmem:s29], [sflag:$0x5], $0x80, $0x38;
	[tilespmem:$0x16C00] =	vst v63  }
0x112: {  	s30 =	sadd.s32 $0x60, s24;
	s29 =	simm.s32 $0xE730  }
0x113: {  	[hbm4b:s30+s3] =	stream.linear.scatter [tilespmem:s29], [sflag:$0x5], $0x80, $0x38;
	[tilespmem:$0x16C00] =	vst v63  }
0x114: {  	s28 =	rddreg [dreg:$0x5];
	s24 =	sadd.s32 $0x70, s24;
	s30 =	simm.s32 $0xE7B8  }
0x115: {  	[hbm4b:s24+s3] =	stream.linear.scatter [tilespmem:s30], [sflag:$0x5], $0x80, $0x38;
	[tilespmem:$0x16C00] =	vst v63  }
0x116: {  	s29 =	simm.s32 $0xE840;
	s24 =	sadd.s32 s23, s28  }
0x117: {  	[hbm4b:s24+s3] =	stream.linear.scatter [tilespmem:s29], [sflag:$0x5], $0x80, $0x38;
	[tilespmem:$0x16C00] =	vst v63  }
0x118: {  	s30 =	sadd.s32 $0x10, s24;
	s29 =	simm.s32 $0xE8C8  }
0x119: {  	[hbm4b:s30+s3] =	stream.linear.scatter [tilespmem:s29], [sflag:$0x5], $0x80, $0x38;
	[tilespmem:$0x16C00] =	vst v63  }
0x11a: {  	s30 =	sadd.s32 $0x20, s24;
	s29 =	simm.s32 $0xE950  }
0x11b: {  	[hbm4b:s30+s3] =	stream.linear.scatter [tilespmem:s29], [sflag:$0x5], $0x80, $0x38;
	[tilespmem:$0x16C00] =	vst v63  }
0x11c: {  	s30 =	sadd.s32 $0x30, s24;
	s29 =	simm.s32 $0xE9D8  }
0x11d: {  	[hbm4b:s30+s3] =	stream.linear.scatter [tilespmem:s29], [sflag:$0x5], $0x80, $0x38;
	[tilespmem:$0x16C00] =	vst v63  }
0x11e: {  	s30 =	sadd.s32 $0x40, s24;
	s29 =	simm.s32 $0xEA60  }
0x11f: {  	[hbm4b:s30+s3] =	stream.linear.scatter [tilespmem:s29], [sflag:$0x5], $0x80, $0x38;
	[tilespmem:$0x16C00] =	vst v63  }
0x120: {  	s30 =	sadd.s32 $0x50, s24;
	s29 =	simm.s32 $0xEAE8  }
0x121: {  	[hbm4b:s30+s3] =	stream.linear.scatter [tilespmem:s29], [sflag:$0x5], $0x80, $0x38;
	[tilespmem:$0x16C00] =	vst v63  }
0x122: {  	s30 =	sadd.s32 $0x60, s24;
	s29 =	simm.s32 $0xEB70  }
0x123: {  	[hbm4b:s30+s3] =	stream.linear.scatter [tilespmem:s29], [sflag:$0x5], $0x80, $0x38;
	[tilespmem:$0x16C00] =	vst v63  }
0x124: {  	s28 =	rddreg [dreg:$0x6];
	s24 =	sadd.s32 $0x70, s24;
	s30 =	simm.s32 $0xEBF8  }
0x125: {  	[hbm4b:s24+s3] =	stream.linear.scatter [tilespmem:s30], [sflag:$0x5], $0x80, $0x38;
	[tilespmem:$0x16C00] =	vst v63  }
0x126: {  	s29 =	simm.s32 $0xEC80;
	s24 =	sadd.s32 s23, s28  }
0x127: {  	[hbm4b:s24+s3] =	stream.linear.scatter [tilespmem:s29], [sflag:$0x5], $0x80, $0x38;
	[tilespmem:$0x16C00] =	vst v63  }
0x128: {  	s30 =	sadd.s32 $0x10, s24;
	s29 =	simm.s32 $0xED08  }
0x129: {  	[hbm4b:s30+s3] =	stream.linear.scatter [tilespmem:s29], [sflag:$0x5], $0x80, $0x38;
	[tilespmem:$0x16C00] =	vst v63  }
0x12a: {  	s30 =	sadd.s32 $0x20, s24;
	s29 =	simm.s32 $0xED90  }
0x12b: {  	[hbm4b:s30+s3] =	stream.linear.scatter [tilespmem:s29], [sflag:$0x5], $0x80, $0x38;
	[tilespmem:$0x16C00] =	vst v63  }
0x12c: {  	s30 =	sadd.s32 $0x30, s24;
	s29 =	simm.s32 $0xEE18  }
0x12d: {  	[hbm4b:s30+s3] =	stream.linear.scatter [tilespmem:s29], [sflag:$0x5], $0x80, $0x38;
	[tilespmem:$0x16C00] =	vst v63  }
0x12e: {  	s30 =	sadd.s32 $0x40, s24;
	s29 =	simm.s32 $0xEEA0  }
0x12f: {  	[hbm4b:s30+s3] =	stream.linear.scatter [tilespmem:s29], [sflag:$0x5], $0x80, $0x38;
	[tilespmem:$0x16C00] =	vst v63  }
0x130: {  	s30 =	sadd.s32 $0x50, s24;
	s29 =	simm.s32 $0xEF28  }
0x131: {  	[hbm4b:s30+s3] =	stream.linear.scatter [tilespmem:s29], [sflag:$0x5], $0x80, $0x38;
	[tilespmem:$0x16C00] =	vst v63  }
0x132: {  	s30 =	sadd.s32 $0x60, s24;
	s29 =	simm.s32 $0xEFB0  }
0x133: {  	[hbm4b:s30+s3] =	stream.linear.scatter [tilespmem:s29], [sflag:$0x5], $0x80, $0x38;
	[tilespmem:$0x16C00] =	vst v63  }
0x134: {  	s28 =	rddreg [dreg:$0x7];
	s24 =	sadd.s32 $0x70, s24;
	s30 =	simm.s32 $0xF038  }
0x135: {  	[hbm4b:s24+s3] =	stream.linear.scatter [tilespmem:s30], [sflag:$0x5], $0x80, $0x38;
	[tilespmem:$0x16C00] =	vst v63  }
0x136: {  	s29 =	simm.s32 $0xF0C0;
	s24 =	sadd.s32 s23, s28  }
0x137: {  	[hbm4b:s24+s3] =	stream.linear.scatter [tilespmem:s29], [sflag:$0x5], $0x80, $0x38;
	[tilespmem:$0x16C00] =	vst v63  }
0x138: {  	s30 =	sadd.s32 $0x10, s24;
	s29 =	simm.s32 $0xF148  }
0x139: {  	[hbm4b:s30+s3] =	stream.linear.scatter [tilespmem:s29], [sflag:$0x5], $0x80, $0x38;
	[tilespmem:$0x16C00] =	vst v63  }
0x13a: {  	s30 =	sadd.s32 $0x20, s24;
	s29 =	simm.s32 $0xF1D0  }
0x13b: {  	[hbm4b:s30+s3] =	stream.linear.scatter [tilespmem:s29], [sflag:$0x5], $0x80, $0x38;
	[tilespmem:$0x16C00] =	vst v63  }
0x13c: {  	s30 =	sadd.s32 $0x30, s24;
	s29 =	simm.s32 $0xF258  }
0x13d: {  	[hbm4b:s30+s3] =	stream.linear.scatter [tilespmem:s29], [sflag:$0x5], $0x80, $0x38;
	[tilespmem:$0x16C00] =	vst v63  }
0x13e: {  	s30 =	sadd.s32 $0x40, s24;
	s29 =	simm.s32 $0xF2E0  }
0x13f: {  	[hbm4b:s30+s3] =	stream.linear.scatter [tilespmem:s29], [sflag:$0x5], $0x80, $0x38;
	[tilespmem:$0x16C00] =	vst v63  }
0x140: {  	s30 =	sadd.s32 $0x50, s24;
	s29 =	simm.s32 $0xF368  }
0x141: {  	[hbm4b:s30+s3] =	stream.linear.scatter [tilespmem:s29], [sflag:$0x5], $0x80, $0x38;
	[tilespmem:$0x16C00] =	vst v63  }
0x142: {  	s30 =	sadd.s32 $0x60, s24;
	s29 =	simm.s32 $0xF3F0  }
0x143: {  	[hbm4b:s30+s3] =	stream.linear.scatter [tilespmem:s29], [sflag:$0x5], $0x80, $0x38;
	[tilespmem:$0x16C00] =	vst v63  }
0x144: {  	s28 =	rddreg [dreg:$0x8];
	s24 =	sadd.s32 $0x70, s24;
	s30 =	simm.s32 $0xF478  }
0x145: {  	[hbm4b:s24+s3] =	stream.linear.scatter [tilespmem:s30], [sflag:$0x5], $0x80, $0x38;
	[tilespmem:$0x16C00] =	vst v63  }
0x146: {  	s29 =	simm.s32 $0xF500;
	s24 =	sadd.s32 s23, s28  }
0x147: {  	[hbm4b:s24+s3] =	stream.linear.scatter [tilespmem:s29], [sflag:$0x5], $0x80, $0x38;
	[tilespmem:$0x16C00] =	vst v63  }
0x148: {  	s30 =	sadd.s32 $0x10, s24;
	s29 =	simm.s32 $0xF588  }
0x149: {  	[hbm4b:s30+s3] =	stream.linear.scatter [tilespmem:s29], [sflag:$0x5], $0x80, $0x38;
	[tilespmem:$0x16C00] =	vst v63  }
0x14a: {  	s30 =	sadd.s32 $0x20, s24;
	s29 =	simm.s32 $0xF610  }
0x14b: {  	[hbm4b:s30+s3] =	stream.linear.scatter [tilespmem:s29], [sflag:$0x5], $0x80, $0x38;
	[tilespmem:$0x16C00] =	vst v63  }
0x14c: {  	s30 =	sadd.s32 $0x30, s24;
	s29 =	simm.s32 $0xF698  }
0x14d: {  	[hbm4b:s30+s3] =	stream.linear.scatter [tilespmem:s29], [sflag:$0x5], $0x80, $0x38;
	[tilespmem:$0x16C00] =	vst v63  }
0x14e: {  	s30 =	sadd.s32 $0x40, s24;
	s29 =	simm.s32 $0xF720  }
0x14f: {  	[hbm4b:s30+s3] =	stream.linear.scatter [tilespmem:s29], [sflag:$0x5], $0x80, $0x38;
	[tilespmem:$0x16C00] =	vst v63  }
0x150: {  	s30 =	sadd.s32 $0x50, s24;
	s29 =	simm.s32 $0xF7A8  }
0x151: {  	[hbm4b:s30+s3] =	stream.linear.scatter [tilespmem:s29], [sflag:$0x5], $0x80, $0x38;
	[tilespmem:$0x16C00] =	vst v63  }
0x152: {  	s30 =	sadd.s32 $0x60, s24;
	s29 =	simm.s32 $0xF830  }
0x153: {  	[hbm4b:s30+s3] =	stream.linear.scatter [tilespmem:s29], [sflag:$0x5], $0x80, $0x38;
	[tilespmem:$0x16C00] =	vst v63  }
0x154: {  	s28 =	rddreg [dreg:$0x9];
	s24 =	sadd.s32 $0x70, s24;
	s30 =	simm.s32 $0xF8B8  }
0x155: {  	[hbm4b:s24+s3] =	stream.linear.scatter [tilespmem:s30], [sflag:$0x5], $0x80, $0x38;
	[tilespmem:$0x16C00] =	vst v63  }
0x156: {  	s29 =	simm.s32 $0xF940;
	s24 =	sadd.s32 s23, s28  }
0x157: {  	[hbm4b:s24+s3] =	stream.linear.scatter [tilespmem:s29], [sflag:$0x5], $0x80, $0x38;
	[tilespmem:$0x16C00] =	vst v63  }
0x158: {  	s30 =	sadd.s32 $0x10, s24;
	s29 =	simm.s32 $0xF9C8  }
0x159: {  	[hbm4b:s30+s3] =	stream.linear.scatter [tilespmem:s29], [sflag:$0x5], $0x80, $0x38;
	[tilespmem:$0x16C00] =	vst v63  }
0x15a: {  	s30 =	sadd.s32 $0x20, s24;
	s29 =	simm.s32 $0xFA50  }
0x15b: {  	[hbm4b:s30+s3] =	stream.linear.scatter [tilespmem:s29], [sflag:$0x5], $0x80, $0x38;
	[tilespmem:$0x16C00] =	vst v63  }
0x15c: {  	s30 =	sadd.s32 $0x30, s24;
	s29 =	simm.s32 $0xFAD8  }
0x15d: {  	[hbm4b:s30+s3] =	stream.linear.scatter [tilespmem:s29], [sflag:$0x5], $0x80, $0x38;
	[tilespmem:$0x16C00] =	vst v63  }
0x15e: {  	s30 =	sadd.s32 $0x40, s24;
	s29 =	simm.s32 $0xFB60  }
0x15f: {  	[hbm4b:s30+s3] =	stream.linear.scatter [tilespmem:s29], [sflag:$0x5], $0x80, $0x38;
	[tilespmem:$0x16C00] =	vst v63  }
0x160: {  	s30 =	sadd.s32 $0x50, s24;
	s29 =	simm.s32 $0xFBE8  }
0x161: {  	[hbm4b:s30+s3] =	stream.linear.scatter [tilespmem:s29], [sflag:$0x5], $0x80, $0x38;
	[tilespmem:$0x16C00] =	vst v63  }
0x162: {  	s30 =	sadd.s32 $0x60, s24;
	s29 =	simm.s32 $0xFC70  }
0x163: {  	[hbm4b:s30+s3] =	stream.linear.scatter [tilespmem:s29], [sflag:$0x5], $0x80, $0x38;
	[tilespmem:$0x16C00] =	vst v63  }
0x164: {  	s28 =	rddreg [dreg:$0xa];
	s24 =	sadd.s32 $0x70, s24;
	s30 =	simm.s32 $0xFCF8  }
0x165: {  	[hbm4b:s24+s3] =	stream.linear.scatter [tilespmem:s30], [sflag:$0x5], $0x80, $0x38;
	[tilespmem:$0x16C00] =	vst v63  }
0x166: {  	s29 =	simm.s32 $0xFD80;
	s24 =	sadd.s32 s23, s28  }
0x167: {  	[hbm4b:s24+s3] =	stream.linear.scatter [tilespmem:s29], [sflag:$0x5], $0x80, $0x38;
	[tilespmem:$0x16C00] =	vst v63  }
0x168: {  	s30 =	sadd.s32 $0x10, s24;
	s29 =	simm.s32 $0xFE08  }
0x169: {  	[hbm4b:s30+s3] =	stream.linear.scatter [tilespmem:s29], [sflag:$0x5], $0x80, $0x38;
	[tilespmem:$0x16C00] =	vst v63  }
0x16a: {  	s30 =	sadd.s32 $0x20, s24;
	s29 =	simm.s32 $0xFE90  }
0x16b: {  	[hbm4b:s30+s3] =	stream.linear.scatter [tilespmem:s29], [sflag:$0x5], $0x80, $0x38;
	[tilespmem:$0x16C00] =	vst v63  }
0x16c: {  	s30 =	sadd.s32 $0x30, s24;
	s29 =	simm.s32 $0xFF18  }
0x16d: {  	[hbm4b:s30+s3] =	stream.linear.scatter [tilespmem:s29], [sflag:$0x5], $0x80, $0x38;
	[tilespmem:$0x16C00] =	vst v63  }
0x16e: {  	s30 =	sadd.s32 $0x40, s24;
	s29 =	simm.s32 $0xFFA0  }
0x16f: {  	[hbm4b:s30+s3] =	stream.linear.scatter [tilespmem:s29], [sflag:$0x5], $0x80, $0x38;
	[tilespmem:$0x16C00] =	vst v63  }
0x170: {  	s30 =	sadd.s32 $0x50, s24;
	s29 =	simm.s32 $0x10028  }
0x171: {  	[hbm4b:s30+s3] =	stream.linear.scatter [tilespmem:s29], [sflag:$0x5], $0x80, $0x38;
	[tilespmem:$0x16C00] =	vst v63  }
0x172: {  	s30 =	sadd.s32 $0x60, s24;
	s29 =	simm.s32 $0x100B0  }
0x173: {  	[hbm4b:s30+s3] =	stream.linear.scatter [tilespmem:s29], [sflag:$0x5], $0x80, $0x38;
	[tilespmem:$0x16C00] =	vst v63  }
0x174: {  	s28 =	rddreg [dreg:$0xb];
	s24 =	sadd.s32 $0x70, s24;
	s30 =	simm.s32 $0x10138  }
0x175: {  	[hbm4b:s24+s3] =	stream.linear.scatter [tilespmem:s30], [sflag:$0x5], $0x80, $0x38;
	[tilespmem:$0x16C00] =	vst v63  }
0x176: {  	s29 =	simm.s32 $0x101C0;
	s24 =	sadd.s32 s23, s28  }
0x177: {  	[hbm4b:s24+s3] =	stream.linear.scatter [tilespmem:s29], [sflag:$0x5], $0x80, $0x38;
	[tilespmem:$0x16C00] =	vst v63  }
0x178: {  	s30 =	sadd.s32 $0x10, s24;
	s29 =	simm.s32 $0x10248  }
0x179: {  	[hbm4b:s30+s3] =	stream.linear.scatter [tilespmem:s29], [sflag:$0x5], $0x80, $0x38;
	[tilespmem:$0x16C00] =	vst v63  }
0x17a: {  	s30 =	sadd.s32 $0x20, s24;
	s29 =	simm.s32 $0x102D0  }
0x17b: {  	[hbm4b:s30+s3] =	stream.linear.scatter [tilespmem:s29], [sflag:$0x5], $0x80, $0x38;
	[tilespmem:$0x16C00] =	vst v63  }
0x17c: {  	s30 =	sadd.s32 $0x30, s24;
	s29 =	simm.s32 $0x10358  }
0x17d: {  	[hbm4b:s30+s3] =	stream.linear.scatter [tilespmem:s29], [sflag:$0x5], $0x80, $0x38;
	[tilespmem:$0x16C00] =	vst v63  }
0x17e: {  	s30 =	sadd.s32 $0x40, s24;
	s29 =	simm.s32 $0x103E0  }
0x17f: {  	[hbm4b:s30+s3] =	stream.linear.scatter [tilespmem:s29], [sflag:$0x5], $0x80, $0x38;
	[tilespmem:$0x16C00] =	vst v63  }
0x180: {  	p1 =	sne.s32 s21, $0x31;
	s30 =	sadd.s32 $0x50, s24;
	s29 =	simm.s32 $0x10468  }
0x181: {  	[hbm4b:s30+s3] =	stream.linear.scatter [tilespmem:s29], [sflag:$0x5], $0x80, $0x38;
	[tilespmem:$0x16C00] =	vst v63  }
.Ltmp3:
0x182: {  	_ = 	snop;
	(pc) =	sbr.rel @p1 .LBB2_6-.Ltmp3, $4  }
0x183: {  	s30 =	sadd.s32 $0x60, s24;
	s29 =	simm.s32 $0x104F0  }
0x184: {  	[hbm4b:s30+s3] =	stream.linear.scatter [tilespmem:s29], [sflag:$0x5], $0x80, $0x38;
	[tilespmem:$0x16C00] =	vst v63  }
0x185: {  	s24 =	sadd.s32 $0x70, s24;
	s30 =	simm.s32 $0x10578  }
0x186: {  	[hbm4b:s24+s3] =	stream.linear.scatter [tilespmem:s30], [sflag:$0x5], $0x80, $0x38;
	[tilespmem:$0x16C00] =	vst v63  }
.Ltmp4:
0x187: {  	(pc) =	sbr.rel .LBB2_7-.Ltmp4, $4  }
0x188: {  	_ = 	snop  }
0x189: {  	_ =	swait.ge [sflag:s12], $0x2000  }
0x18a: {  	[sflag:s12] =	ssyncset.done $0x0  }
0x18b: {  	[sflag:s12] =	ssyncadd.s32 $0xFFFFE000  }
.LBB2_6:
0x18c: {  	s24 =	sshrl.u32 s22, $0x2  }
.Ltmp5:
0x18d: {  	s26 =	simm.s32 $0x6400;
	s24 =	sadd.s32 $0x200, s24;
	(pc) =	sbr.rel @p0 .LBB2_8-.Ltmp5, $4  }
0x18e: {  	[tilespmem:s26], [sflag:$0x1] =	stream.indirect.gather [hbm4b:s4+s9], $0x40, s24, s9, $0xb8;
	[tilespmem:$0x16C00] =	vst v63  }
0x18f: {  	_ =	swait.ge [sflag:s12], $0x2000  }
0x190: {  	[sflag:s12] =	ssyncset.done $0x0  }
0x191: {  	[sflag:s12] =	ssyncadd.s32 $0xFFFFE000  }
.LBB2_7:
0x192: {  	_ =	swait.ge [sflag:s13], $0x400  }
0x193: {  	[sflag:s13] =	ssyncset.done $0x0  }
0x194: {  	[sflag:s13] =	ssyncadd.s32 $0xFFFFFC00  }
0x195: {  	_ =	swait.ge [sflag:s13], $0x400  }
0x196: {  	[sflag:s13] =	ssyncset.done $0x0  }
0x197: {  	[sflag:s13] =	ssyncadd.s32 $0xFFFFFC00  }
0x198: {  	_ =	swait.ge [sflag:s13], $0x400  }
0x199: {  	[sflag:s13] =	ssyncset.done $0x0  }
0x19a: {  	[sflag:s13] =	ssyncadd.s32 $0xFFFFFC00  }
0x19b: {  	_ =	swait.ge [sflag:s13], $0x400  }
0x19c: {  	[sflag:s13] =	ssyncset.done $0x0  }
0x19d: {  	[sflag:s13] =	ssyncadd.s32 $0xFFFFFC00  }
0x19e: {  	_ =	swait.ge [sflag:s13], $0x400  }
0x19f: {  	[sflag:s13] =	ssyncset.done $0x0  }
0x1a0: {  	[sflag:s13] =	ssyncadd.s32 $0xFFFFFC00  }
0x1a1: {  	_ =	swait.ge [sflag:s13], $0x400  }
0x1a2: {  	[sflag:s13] =	ssyncset.done $0x0  }
0x1a3: {  	[sflag:s13] =	ssyncadd.s32 $0xFFFFFC00  }
0x1a4: {  	_ =	swait.ge [sflag:s13], $0x400  }
0x1a5: {  	[sflag:s13] =	ssyncset.done $0x0  }
0x1a6: {  	[sflag:s13] =	ssyncadd.s32 $0xFFFFFC00  }
0x1a7: {  	_ =	swait.ge [sflag:s13], $0x400  }
0x1a8: {  	[sflag:s13] =	ssyncset.done $0x0  }
0x1a9: {  	[sflag:s13] =	ssyncadd.s32 $0xFFFFFC00  }
.LBB2_8:
0x1aa: {  	s29 =	simm.s32 $0x84F0;
	s24 =	simm.s32 $0x3  }
0x1ab: {  	v4 =	vmov s24;
	v5 =	vld [tilespmem:s29+$0xFFFFFFD0]  }
0x1ac: {  	v9 =	vand.u32 $0x7F, v4  }
0x1ad: {  	s26 =	simm.s32 $0x0;
	v4 =	vadd.s32 v0, v9  }
0x1ae: {  	s30 =	simm.s32 $0x1;
	v6 =	vmov s26;
	v7 =	vld [tilespmem:s29+$0xFFFFFF10];
	s26 =	simm.s32 $0x2  }
0x1af: {  	v10 =	vld [tilespmem:s29+$0xFFFFFF50];
	v8 =	vand.u32 $0x7C, v6;
	v6 =	vmov s30;
	v11 =	vmov s26  }
0x1b0: {  	v12 =	vadd.s32 v0, v8;
	v15 =	vand.u32 $0x7D, v6;
	v6 =	vld [tilespmem:s29+$0xFFFFFF90];
	v5 =	vmul.f32 $8.000000000e+00, v5  }
0x1b1: {  	v17 =	vand.u32 $0x7E, v11;
	v13 =	vadd.s32 v0, v15  }
0x1b2: {  	v11 =	vadd.s32 v0, v17;
	[tilespmem:v4+s14+$0x0] =	vst.idx.msk $0xffff, v5  }
0x1b3: {  	v4 =	vmul.f32 $8.000000000e+00, v7;
	v5 =	vld [tilespmem:s29+$0xFFFFFFE0]  }
0x1b4: {  	v7 =	vmul.f32 $8.000000000e+00, v10  }
0x1b5: {  	[tilespmem:v12+s14+$0x0] =	vst.idx.msk $0xffff, v4;
	v4 =	vmul.f32 $8.000000000e+00, v6;
	v6 =	vadd.s32 v1, v9  }
0x1b6: {  	[tilespmem:v13+s14+$0x0] =	vst.idx.msk $0xffff, v7;
	v10 =	vld [tilespmem:s29+$0xFFFFFF20]  }
0x1b7: {  	v7 =	vld [tilespmem:s29+$0xFFFFFF60];
	[tilespmem:v11+s14+$0x0] =	vst.idx.msk $0xffff, v4  }
0x1b8: {  	v11 =	vld [tilespmem:s29+$0xFFFFFFA0];
	v4 =	vmul.f32 $8.000000000e+00, v5  }
0x1b9: {  	s28 =	simm.s32 $0x7;
	s24 =	simm.s32 $0x85F0;
	s30 =	simm.s32 $0x4;
	v12 =	vadd.s32 v1, v15  }
0x1ba: {  	v14 =	vld [tilespmem:s24+$0xFFFFFFD0];
	v13 =	vadd.s32 v1, v17;
	v5 =	vmov s30;
	[tilespmem:v6+s14+$0x0] =	vst.idx.msk $0xffff, v4;
	v6 =	vmov s28  }
0x1bb: {  	v16 =	vadd.s32 v1, v8;
	v4 =	vand.u32 $0x7C, v5;
	v5 =	vand.u32 $0x7F, v6;
	v18 =	vld [tilespmem:s29+$0xFFFFFFF0]  }
0x1bc: {  	v19 =	vld [tilespmem:s24+$0xFFFFFF10];
	v22 =	vadd.s32 v2, v9;
	s30 =	simm.s32 $0x5;
	v6 =	vmul.f32 $8.000000000e+00, v7;
	v20 =	vadd.s32 v0, v5  }
0x1bd: {  	v21 =	vld [tilespmem:s24+$0xFFFFFF50];
	v10 =	vmul.f32 $8.000000000e+00, v10;
	v7 =	vmul.f32 $8.000000000e+00, v11;
	v11 =	vmov s30;
	s30 =	simm.s32 $0x6  }
0x1be: {  	v23 =	vadd.s32 v0, v4;
	[tilespmem:v12+s14+$0x0] =	vst.idx.msk $0xffff, v6;
	v12 =	vmov s30;
	v6 =	vand.u32 $0x7D, v11;
	v11 =	vld [tilespmem:s24+$0xFFFFFF90]  }
0x1bf: {  	[tilespmem:v13+s14+$0x0] =	vst.idx.msk $0xffff, v7;
	v13 =	vadd.s32 v0, v6;
	v7 =	vand.u32 $0x7E, v12;
	v12 =	vmul.f32 $8.000000000e+00, v14;
	v14 =	vld [tilespmem:s29+$0xFFFFFF70]  }
0x1c0: {  	[tilespmem:v16+s14+$0x0] =	vst.idx.msk $0xffff, v10;
	v10 =	vadd.s32 v0, v7;
	v16 =	vld [tilespmem:s29+$0xFFFFFFB0];
	v18 =	vmul.f32 $8.000000000e+00, v18  }
0x1c1: {  	v19 =	vmul.f32 $8.000000000e+00, v19;
	[tilespmem:v20+s14+$0x0] =	vst.idx.msk $0xffff, v12;
	v12 =	vld [tilespmem:s29+$0xFFFFFF30];
	v20 =	vadd.s32 v2, v15  }
0x1c2: {  	v25 =	vadd.s32 v2, v17;
	v21 =	vmul.f32 $8.000000000e+00, v21;
	v24 =	vld [tilespmem:s24+$0xFFFFFFE0];
	[tilespmem:v22+s14+$0x0] =	vst.idx.msk $0xffff, v18  }
0x1c3: {  	[tilespmem:v23+s14+$0x0] =	vst.idx.msk $0xffff, v19;
	v19 =	vadd.s32 v2, v8;
	v11 =	vmul.f32 $8.000000000e+00, v11;
	v22 =	vld [tilespmem:s29+$0x0]  }
0x1c4: {  	v23 =	vld [tilespmem:s24+$0xFFFFFF20];
	[tilespmem:v13+s14+$0x0] =	vst.idx.msk $0xffff, v21;
	v21 =	vadd.s32 v1, v5;
	v14 =	vmul.f32 $8.000000000e+00, v14  }
0x1c5: {  	v27 =	vadd.s32 v3, v9;
	v26 =	vld [tilespmem:s24+$0xFFFFFF60];
	[tilespmem:v10+s14+$0x0] =	vst.idx.msk $0xffff, v11;
	v10 =	vmul.f32 $8.000000000e+00, v16  }
0x1c6: {  	v18 =	vadd.s32 v1, v4;
	v13 =	vld [tilespmem:s24+$0xFFFFFFA0];
	v9 =	vmul.f32 $8.000000000e+00, v12;
	[tilespmem:v20+s14+$0x0] =	vst.idx.msk $0xffff, v14  }
0x1c7: {  	s28 =	simm.s32 $0x8;
	v16 =	vadd.s32 v1, v6;
	[tilespmem:v25+s14+$0x0] =	vst.idx.msk $0xffff, v10;
	v14 =	vmul.f32 $8.000000000e+00, v24;
	v12 =	vld [tilespmem:s29+$0xFFFFFF80]  }
0x1c8: {  	v20 =	vmov s28;
	v10 =	vadd.s32 v1, v7;
	v11 =	vld [tilespmem:s29+$0xFFFFFFC0];
	[tilespmem:v19+s14+$0x0] =	vst.idx.msk $0xffff, v9;
	v63 =	vmul.f32 $8.000000000e+00, v22  }
0x1c9: {  	s26 =	simm.s32 $0x86F0;
	s30 =	simm.s32 $0xB;
	v15 =	vadd.s32 v3, v15;
	v9 =	vand.u32 $0x7C, v20;
	v20 =	vmul.f32 $8.000000000e+00, v23;
	[tilespmem:v21+s14+$0x0] =	vst.idx.msk $0xffff, v14;
	v14 =	vld [tilespmem:s29+$0xFFFFFF40]  }
0x1ca: {  	v17 =	vadd.s32 v3, v17;
	v22 =	vmov s30;
	v19 =	vld [tilespmem:s26+$0xFFFFFFD0];
	s29 =	simm.s32 $0xC;
	v21 =	vmul.f32 $8.000000000e+00, v26;
	[tilespmem:v27+s14+$0x0] =	vst.idx.msk $0xffff, v63  }
.LBB2_9:
0x1cb: {  	p2 =	slt.u32 s29, $0x7C;
	s30 =	sadd.s32 $0x1, s28;
	v22 =	vand.u32 $0x7F, v22;
	[tilespmem:v18+s14+$0x0] =	vst.idx.msk $0xffff, v20;
	v13 =	vmul.f32 $8.000000000e+00, v13;
	v18 =	vld [tilespmem:s24+$0xFFFFFFF0];
	v20 =	vadd.s32 v3, v8;
	v8 =	vmovc v4  }
0x1cc: {  	v4 =	vmovc v9;
	v23 =	vld [tilespmem:s26+$0xFFFFFF10];
	v24 =	vmov s30;
	s30 =	sadd.s32 $0x2, s28;
	v25 =	vadd.s32 v0, v22;
	[tilespmem:v16+s14+$0x0] =	vst.idx.msk $0xffff, v21;
	v12 =	vmul.f32 $8.000000000e+00, v12;
	s28 =	smov.u32 s29  }
0x1cd: {  	v9 =	vld [tilespmem:s26+$0xFFFFFF50];
	v16 =	vmov s30;
	[tilespmem:v10+s14+$0x0] =	vst.idx.msk $0xffff, v13;
	v10 =	vadd.s32 v2, v5;
	v11 =	vmul.f32 $8.000000000e+00, v11  }
0x1ce: {  	v13 =	vadd.s32 v0, v4;
	v21 =	vand.u32 $0x7D, v24;
	v24 =	vld [tilespmem:s26+$0xFFFFFF90];
	v14 =	vmul.f32 $8.000000000e+00, v14;
	[tilespmem:v15+s14+$0x0] =	vst.idx.msk $0xffff, v12  }
0x1cf: {  	v12 =	vadd.s32 v0, v21;
	v26 =	vand.u32 $0x7E, v16;
	v15 =	vmul.f32 $8.000000000e+00, v19;
	v16 =	vld [tilespmem:s24+$0xFFFFFF70];
	[tilespmem:v17+s14+$0x0] =	vst.idx.msk $0xffff, v11  }
0x1d0: {  	v11 =	vadd.s32 v0, v26;
	v17 =	vld [tilespmem:s24+$0xFFFFFFB0];
	v18 =	vmul.f32 $8.000000000e+00, v18;
	[tilespmem:v20+s14+$0x0] =	vst.idx.msk $0xffff, v14  }
0x1d1: {  	v19 =	vadd.s32 v2, v6;
	v14 =	vmul.f32 $8.000000000e+00, v23;
	[tilespmem:v25+s14+$0x0] =	vst.idx.msk $0xffff, v15;
	v15 =	vld [tilespmem:s24+$0xFFFFFF30]  }
0x1d2: {  	v23 =	vadd.s32 v2, v7;
	v9 =	vmul.f32 $8.000000000e+00, v9;
	v20 =	vld [tilespmem:s26+$0xFFFFFFE0];
	[tilespmem:v10+s14+$0x0] =	vst.idx.msk $0xffff, v18  }
0x1d3: {  	[tilespmem:v13+s14+$0x0] =	vst.idx.msk $0xffff, v14;
	v10 =	vmul.f32 $8.000000000e+00, v24;
	v14 =	vadd.s32 v2, v8;
	v24 =	vld [tilespmem:s24+$0x0]  }
0x1d4: {  	v27 =	vadd.s32 v1, v22;
	v25 =	vld [tilespmem:s26+$0xFFFFFF20];
	[tilespmem:v12+s14+$0x0] =	vst.idx.msk $0xffff, v9;
	v9 =	vmul.f32 $8.000000000e+00, v16  }
0x1d5: {  	v29 =	vadd.s32 v3, v5;
	v5 =	vmov v22;
	v28 =	vld [tilespmem:s26+$0xFFFFFF60];
	[tilespmem:v11+s14+$0x0] =	vst.idx.msk $0xffff, v10;
	v10 =	vmul.f32 $8.000000000e+00, v17  }
.Ltmp6:
0x1d6: {  	v18 =	vadd.s32 v1, v4;
	v13 =	vld [tilespmem:s26+$0xFFFFFFA0];
	v11 =	vmul.f32 $8.000000000e+00, v15;
	[tilespmem:v19+s14+$0x0] =	vst.idx.msk $0xffff, v9;
	(pc) =	sbr.rel @p2 .LBB2_9-.Ltmp6, $4  }
0x1d7: {  	v16 =	vadd.s32 v1, v21;
	v15 =	vmul.f32 $8.000000000e+00, v20;
	v12 =	vld [tilespmem:s24+$0xFFFFFF80];
	[tilespmem:v23+s14+$0x0] =	vst.idx.msk $0xffff, v10  }
0x1d8: {  	v9 =	vmov s29;
	v10 =	vadd.s32 v1, v26;
	[tilespmem:v14+s14+$0x0] =	vst.idx.msk $0xffff, v11;
	v11 =	vld [tilespmem:s24+$0xFFFFFFC0];
	v23 =	vmul.f32 $8.000000000e+00, v24  }
0x1d9: {  	s30 =	sadd.s32 $0x3, s29;
	v9 =	vand.u32 $0x7C, v9;
	v20 =	vmul.f32 $8.000000000e+00, v25;
	[tilespmem:v27+s14+$0x0] =	vst.idx.msk $0xffff, v15;
	v14 =	vld [tilespmem:s24+$0xFFFFFF40];
	v15 =	vadd.s32 v3, v6;
	v6 =	vmovc v21;
	s24 =	smov.u32 s26;
	s26 =	sadd.s32 $0x100, s26  }
0x1da: {  	v22 =	vmov s30;
	v17 =	vadd.s32 v3, v7;
	v7 =	vmovc v26;
	s29 =	sadd.s32 $0x4, s29;
	v19 =	vld [tilespmem:s26+$0xFFFFFFD0];
	v21 =	vmul.f32 $8.000000000e+00, v28;
	[tilespmem:v29+s14+$0x0] =	vst.idx.msk $0xffff, v23  }
0x1db: {  	s29 =	sadd.s32 $0x1, s28;
	v22 =	vand.u32 $0x7F, v22;
	v28 =	vld [tilespmem:s26+$0xFFFFFF10]  }
0x1dc: {  	s30 =	sadd.s32 $0x2, s28;
	v24 =	vld [tilespmem:s26+$0xFFFFFF50];
	v23 =	vmov s29;
	v26 =	vadd.s32 v0, v22  }
0x1dd: {  	v27 =	vld [tilespmem:s26+$0xFFFFFF90];
	v51 =	vadd.s32 v0, v9;
	v25 =	vmov s30;
	v23 =	vand.u32 $0x7D, v23  }
0x1de: {  	v25 =	vand.u32 $0x7E, v25;
	v29 =	vadd.s32 v0, v23  }
0x1df: {  	[tilespmem:v18+s14+$0x0] =	vst.idx.msk $0xffff, v20;
	v30 =	vadd.s32 v0, v25;
	v19 =	vmul.f32 $8.000000000e+00, v19  }
0x1e0: {  	[tilespmem:v16+s14+$0x0] =	vst.idx.msk $0xffff, v21;
	v54 =	vmul.f32 $8.000000000e+00, v28  }
0x1e1: {  	v52 =	vmul.f32 $8.000000000e+00, v24;
	[tilespmem:v26+s14+$0x0] =	vst.idx.msk $0xffff, v19  }
0x1e2: {  	v53 =	vmul.f32 $8.000000000e+00, v27;
	v55 =	vld [tilespmem:s26+$0xFFFFFFE0];
	[tilespmem:v51+s14+$0x0] =	vst.idx.msk $0xffff, v54  }
0x1e3: {  	v13 =	vmul.f32 $8.000000000e+00, v13;
	v8 =	vadd.s32 v3, v8;
	[tilespmem:v29+s14+$0x0] =	vst.idx.msk $0xffff, v52;
	v59 =	vld [tilespmem:s26+$0xFFFFFF20]  }
0x1e4: {  	v12 =	vmul.f32 $8.000000000e+00, v12;
	v57 =	vadd.s32 v1, v22;
	[tilespmem:v30+s14+$0x0] =	vst.idx.msk $0xffff, v53;
	v56 =	vld [tilespmem:s26+$0xFFFFFF60]  }
0x1e5: {  	[tilespmem:v10+s14+$0x0] =	vst.idx.msk $0xffff, v13;
	v58 =	vmul.f32 $8.000000000e+00, v11;
	v28 =	vadd.s32 v1, v9;
	v19 =	vld [tilespmem:s26+$0xFFFFFFA0]  }
0x1e6: {  	v61 =	vld [tilespmem:s24+$0xFFFFFFF0];
	v60 =	vadd.s32 v1, v23;
	v14 =	vmul.f32 $8.000000000e+00, v14;
	[tilespmem:v15+s14+$0x0] =	vst.idx.msk $0xffff, v12  }
0x1e7: {  	v32 =	vld [tilespmem:s24+$0xFFFFFF30];
	v62 =	vadd.s32 v1, v25;
	[tilespmem:v17+s14+$0x0] =	vst.idx.msk $0xffff, v58;
	v16 =	vmul.f32 $8.000000000e+00, v55  }
0x1e8: {  	[tilespmem:v8+s14+$0x0] =	vst.idx.msk $0xffff, v14;
	v29 =	vadd.s32 v2, v5;
	v30 =	vld [tilespmem:s24+$0xFFFFFFB0];
	v11 =	vmul.f32 $8.000000000e+00, v59  }
0x1e9: {  	v38 =	vadd.s32 v2, v4;
	v63 =	vld [tilespmem:s24+$0xFFFFFF70];
	v31 =	vmul.f32 $8.000000000e+00, v56;
	[tilespmem:v57+s14+$0x0] =	vst.idx.msk $0xffff, v16  }
0x1ea: {  	v35 =	vadd.s32 v2, v7;
	v34 =	vmul.f32 $8.000000000e+00, v19;
	v36 =	vld [tilespmem:s26+$0xFFFFFFF0];
	[tilespmem:v28+s14+$0x0] =	vst.idx.msk $0xffff, v11  }
0x1eb: {  	v33 =	vadd.s32 v2, v6;
	v37 =	vmul.f32 $8.000000000e+00, v61;
	[tilespmem:v60+s14+$0x0] =	vst.idx.msk $0xffff, v31;
	v43 =	vld [tilespmem:s26+$0xFFFFFF30]  }
0x1ec: {  	v40 =	vadd.s32 v2, v22;
	v14 =	vmul.f32 $8.000000000e+00, v32;
	[tilespmem:v62+s14+$0x0] =	vst.idx.msk $0xffff, v34;
	v39 =	vld [tilespmem:s26+$0xFFFFFF70]  }
0x1ed: {  	v48 =	vadd.s32 v2, v9;
	[tilespmem:v29+s14+$0x0] =	vst.idx.msk $0xffff, v37;
	v42 =	vmul.f32 $8.000000000e+00, v30;
	v41 =	vld [tilespmem:s26+$0xFFFFFFB0]  }
0x1ee: {  	v44 =	vadd.s32 v2, v23;
	v15 =	vmul.f32 $8.000000000e+00, v63;
	[tilespmem:v38+s14+$0x0] =	vst.idx.msk $0xffff, v14;
	v45 =	vld [tilespmem:s24+$0x0]  }
0x1ef: {  	v46 =	vadd.s32 v2, v25;
	v14 =	vld [tilespmem:s24+$0xFFFFFF40];
	[tilespmem:v35+s14+$0x0] =	vst.idx.msk $0xffff, v42;
	v47 =	vmul.f32 $8.000000000e+00, v36  }
0x1f0: {  	v5 =	vadd.s32 v3, v5;
	[tilespmem:v33+s14+$0x0] =	vst.idx.msk $0xffff, v15;
	v49 =	vld [tilespmem:s24+$0xFFFFFFC0];
	v53 =	vmul.f32 $8.000000000e+00, v43  }
0x1f1: {  	v4 =	vadd.s32 v3, v4;
	v21 =	vld [tilespmem:s24+$0xFFFFFF80];
	v12 =	vmul.f32 $8.000000000e+00, v39;
	[tilespmem:v40+s14+$0x0] =	vst.idx.msk $0xffff, v47  }
0x1f2: {  	v52 =	vadd.s32 v3, v7;
	v51 =	vmul.f32 $8.000000000e+00, v41;
	v10 =	vld [tilespmem:s26+$0x0];
	[tilespmem:v48+s14+$0x0] =	vst.idx.msk $0xffff, v53  }
0x1f3: {  	v50 =	vadd.s32 v3, v6;
	v54 =	vmul.f32 $8.000000000e+00, v45;
	[tilespmem:v44+s14+$0x0] =	vst.idx.msk $0xffff, v12;
	v59 =	vld [tilespmem:s26+$0xFFFFFF40]  }
0x1f4: {  	v57 =	vadd.s32 v3, v22;
	v14 =	vmul.f32 $8.000000000e+00, v14;
	[tilespmem:v46+s14+$0x0] =	vst.idx.msk $0xffff, v51;
	v55 =	vld [tilespmem:s26+$0xFFFFFF80]  }
0x1f5: {  	v62 =	vadd.s32 v3, v9;
	[tilespmem:v5+s14+$0x0] =	vst.idx.msk $0xffff, v54;
	v5 =	vmul.f32 $8.000000000e+00, v49;
	v58 =	vld [tilespmem:s26+$0xFFFFFFC0]  }
0x1f6: {  	v56 =	vmul.f32 $8.000000000e+00, v21;
	v60 =	vadd.s32 v3, v23;
	[tilespmem:v4+s14+$0x0] =	vst.idx.msk $0xffff, v14  }
0x1f7: {  	v61 =	vadd.s32 v3, v25;
	[tilespmem:v52+s14+$0x0] =	vst.idx.msk $0xffff, v5;
	v5 =	vmul.f32 $8.000000000e+00, v10  }
0x1f8: {  	[tilespmem:v50+s14+$0x0] =	vst.idx.msk $0xffff, v56;
	v63 =	vmul.f32 $8.000000000e+00, v59  }
0x1f9: {  	v4 =	vmul.f32 $8.000000000e+00, v55;
	[tilespmem:v57+s14+$0x0] =	vst.idx.msk $0xffff, v5  }
0x1fa: {  	v5 =	vmul.f32 $8.000000000e+00, v58;
	[tilespmem:v62+s14+$0x0] =	vst.idx.msk $0xffff, v63  }
0x1fb: {  	[tilespmem:v60+s14+$0x0] =	vst.idx.msk $0xffff, v4  }
0x1fc: {  	[tilespmem:v61+s14+$0x0] =	vst.idx.msk $0xffff, v5  }
0x1fd: {  	s29 =	rddreg [dreg:$0xc]  }
0x1fe: {  	s24 =	sadd.s32 s23, s29  }
0x1ff: {  	[hbm4b:s24+s3] =	stream.linear.scatter [tilespmem:s14], [sflag:$0x6], $0x80, $0x38;
	[tilespmem:$0x16C00] =	vst v63  }
0x200: {  	s29 =	simm.s32 $0x10688;
	s30 =	sadd.s32 $0x10, s24  }
0x201: {  	[hbm4b:s30+s3] =	stream.linear.scatter [tilespmem:s29], [sflag:$0x6], $0x80, $0x38;
	[tilespmem:$0x16C00] =	vst v63  }
0x202: {  	s30 =	sadd.s32 $0x20, s24;
	s29 =	simm.s32 $0x10710  }
0x203: {  	[hbm4b:s30+s3] =	stream.linear.scatter [tilespmem:s29], [sflag:$0x6], $0x80, $0x38;
	[tilespmem:$0x16C00] =	vst v63  }
0x204: {  	s30 =	sadd.s32 $0x30, s24;
	s29 =	simm.s32 $0x10798  }
0x205: {  	[hbm4b:s30+s3] =	stream.linear.scatter [tilespmem:s29], [sflag:$0x6], $0x80, $0x38;
	[tilespmem:$0x16C00] =	vst v63  }
0x206: {  	s30 =	sadd.s32 $0x40, s24;
	s29 =	simm.s32 $0x10820  }
0x207: {  	[hbm4b:s30+s3] =	stream.linear.scatter [tilespmem:s29], [sflag:$0x6], $0x80, $0x38;
	[tilespmem:$0x16C00] =	vst v63  }
0x208: {  	s30 =	sadd.s32 $0x50, s24;
	s29 =	simm.s32 $0x108A8  }
0x209: {  	[hbm4b:s30+s3] =	stream.linear.scatter [tilespmem:s29], [sflag:$0x6], $0x80, $0x38;
	[tilespmem:$0x16C00] =	vst v63  }
0x20a: {  	s30 =	sadd.s32 $0x60, s24;
	s29 =	simm.s32 $0x10930  }
0x20b: {  	[hbm4b:s30+s3] =	stream.linear.scatter [tilespmem:s29], [sflag:$0x6], $0x80, $0x38;
	[tilespmem:$0x16C00] =	vst v63  }
0x20c: {  	s28 =	rddreg [dreg:$0xd];
	s24 =	sadd.s32 $0x70, s24;
	s30 =	simm.s32 $0x109B8  }
0x20d: {  	[hbm4b:s24+s3] =	stream.linear.scatter [tilespmem:s30], [sflag:$0x6], $0x80, $0x38;
	[tilespmem:$0x16C00] =	vst v63  }
0x20e: {  	s29 =	simm.s32 $0x10A40;
	s24 =	sadd.s32 s23, s28  }
0x20f: {  	[hbm4b:s24+s3] =	stream.linear.scatter [tilespmem:s29], [sflag:$0x6], $0x80, $0x38;
	[tilespmem:$0x16C00] =	vst v63  }
0x210: {  	s30 =	sadd.s32 $0x10, s24;
	s29 =	simm.s32 $0x10AC8  }
0x211: {  	[hbm4b:s30+s3] =	stream.linear.scatter [tilespmem:s29], [sflag:$0x6], $0x80, $0x38;
	[tilespmem:$0x16C00] =	vst v63  }
0x212: {  	s30 =	sadd.s32 $0x20, s24;
	s29 =	simm.s32 $0x10B50  }
0x213: {  	[hbm4b:s30+s3] =	stream.linear.scatter [tilespmem:s29], [sflag:$0x6], $0x80, $0x38;
	[tilespmem:$0x16C00] =	vst v63  }
0x214: {  	s30 =	sadd.s32 $0x30, s24;
	s29 =	simm.s32 $0x10BD8  }
0x215: {  	[hbm4b:s30+s3] =	stream.linear.scatter [tilespmem:s29], [sflag:$0x6], $0x80, $0x38;
	[tilespmem:$0x16C00] =	vst v63  }
0x216: {  	s30 =	sadd.s32 $0x40, s24;
	s29 =	simm.s32 $0x10C60  }
0x217: {  	[hbm4b:s30+s3] =	stream.linear.scatter [tilespmem:s29], [sflag:$0x6], $0x80, $0x38;
	[tilespmem:$0x16C00] =	vst v63  }
0x218: {  	s30 =	sadd.s32 $0x50, s24;
	s29 =	simm.s32 $0x10CE8  }
0x219: {  	[hbm4b:s30+s3] =	stream.linear.scatter [tilespmem:s29], [sflag:$0x6], $0x80, $0x38;
	[tilespmem:$0x16C00] =	vst v63  }
0x21a: {  	s30 =	sadd.s32 $0x60, s24;
	s29 =	simm.s32 $0x10D70  }
0x21b: {  	[hbm4b:s30+s3] =	stream.linear.scatter [tilespmem:s29], [sflag:$0x6], $0x80, $0x38;
	[tilespmem:$0x16C00] =	vst v63  }
0x21c: {  	s28 =	rddreg [dreg:$0xe];
	s24 =	sadd.s32 $0x70, s24;
	s30 =	simm.s32 $0x10DF8  }
0x21d: {  	[hbm4b:s24+s3] =	stream.linear.scatter [tilespmem:s30], [sflag:$0x6], $0x80, $0x38;
	[tilespmem:$0x16C00] =	vst v63  }
0x21e: {  	s29 =	simm.s32 $0x10E80;
	s24 =	sadd.s32 s23, s28  }
0x21f: {  	[hbm4b:s24+s3] =	stream.linear.scatter [tilespmem:s29], [sflag:$0x6], $0x80, $0x38;
	[tilespmem:$0x16C00] =	vst v63  }
0x220: {  	s30 =	sadd.s32 $0x10, s24;
	s29 =	simm.s32 $0x10F08  }
0x221: {  	[hbm4b:s30+s3] =	stream.linear.scatter [tilespmem:s29], [sflag:$0x6], $0x80, $0x38;
	[tilespmem:$0x16C00] =	vst v63  }
0x222: {  	s30 =	sadd.s32 $0x20, s24;
	s29 =	simm.s32 $0x10F90  }
0x223: {  	[hbm4b:s30+s3] =	stream.linear.scatter [tilespmem:s29], [sflag:$0x6], $0x80, $0x38;
	[tilespmem:$0x16C00] =	vst v63  }
0x224: {  	s30 =	sadd.s32 $0x30, s24;
	s29 =	simm.s32 $0x11018  }
0x225: {  	[hbm4b:s30+s3] =	stream.linear.scatter [tilespmem:s29], [sflag:$0x6], $0x80, $0x38;
	[tilespmem:$0x16C00] =	vst v63  }
0x226: {  	s30 =	sadd.s32 $0x40, s24;
	s29 =	simm.s32 $0x110A0  }
0x227: {  	[hbm4b:s30+s3] =	stream.linear.scatter [tilespmem:s29], [sflag:$0x6], $0x80, $0x38;
	[tilespmem:$0x16C00] =	vst v63  }
0x228: {  	s30 =	sadd.s32 $0x50, s24;
	s29 =	simm.s32 $0x11128  }
0x229: {  	[hbm4b:s30+s3] =	stream.linear.scatter [tilespmem:s29], [sflag:$0x6], $0x80, $0x38;
	[tilespmem:$0x16C00] =	vst v63  }
0x22a: {  	s30 =	sadd.s32 $0x60, s24;
	s29 =	simm.s32 $0x111B0  }
0x22b: {  	[hbm4b:s30+s3] =	stream.linear.scatter [tilespmem:s29], [sflag:$0x6], $0x80, $0x38;
	[tilespmem:$0x16C00] =	vst v63  }
0x22c: {  	s28 =	rddreg [dreg:$0xf];
	s24 =	sadd.s32 $0x70, s24;
	s30 =	simm.s32 $0x11238  }
0x22d: {  	[hbm4b:s24+s3] =	stream.linear.scatter [tilespmem:s30], [sflag:$0x6], $0x80, $0x38;
	[tilespmem:$0x16C00] =	vst v63  }
0x22e: {  	s29 =	simm.s32 $0x112C0;
	s24 =	sadd.s32 s23, s28  }
0x22f: {  	[hbm4b:s24+s3] =	stream.linear.scatter [tilespmem:s29], [sflag:$0x6], $0x80, $0x38;
	[tilespmem:$0x16C00] =	vst v63  }
0x230: {  	s30 =	sadd.s32 $0x10, s24;
	s29 =	simm.s32 $0x11348  }
0x231: {  	[hbm4b:s30+s3] =	stream.linear.scatter [tilespmem:s29], [sflag:$0x6], $0x80, $0x38;
	[tilespmem:$0x16C00] =	vst v63  }
0x232: {  	s30 =	sadd.s32 $0x20, s24;
	s29 =	simm.s32 $0x113D0  }
0x233: {  	[hbm4b:s30+s3] =	stream.linear.scatter [tilespmem:s29], [sflag:$0x6], $0x80, $0x38;
	[tilespmem:$0x16C00] =	vst v63  }
0x234: {  	s30 =	sadd.s32 $0x30, s24;
	s29 =	simm.s32 $0x11458  }
0x235: {  	[hbm4b:s30+s3] =	stream.linear.scatter [tilespmem:s29], [sflag:$0x6], $0x80, $0x38;
	[tilespmem:$0x16C00] =	vst v63  }
0x236: {  	s30 =	sadd.s32 $0x40, s24;
	s29 =	simm.s32 $0x114E0  }
0x237: {  	[hbm4b:s30+s3] =	stream.linear.scatter [tilespmem:s29], [sflag:$0x6], $0x80, $0x38;
	[tilespmem:$0x16C00] =	vst v63  }
0x238: {  	s30 =	sadd.s32 $0x50, s24;
	s29 =	simm.s32 $0x11568  }
0x239: {  	[hbm4b:s30+s3] =	stream.linear.scatter [tilespmem:s29], [sflag:$0x6], $0x80, $0x38;
	[tilespmem:$0x16C00] =	vst v63  }
0x23a: {  	s30 =	sadd.s32 $0x60, s24;
	s29 =	simm.s32 $0x115F0  }
0x23b: {  	[hbm4b:s30+s3] =	stream.linear.scatter [tilespmem:s29], [sflag:$0x6], $0x80, $0x38;
	[tilespmem:$0x16C00] =	vst v63  }
0x23c: {  	s28 =	rddreg [dreg:$0x10];
	s24 =	sadd.s32 $0x70, s24;
	s30 =	simm.s32 $0x11678  }
0x23d: {  	[hbm4b:s24+s3] =	stream.linear.scatter [tilespmem:s30], [sflag:$0x6], $0x80, $0x38;
	[tilespmem:$0x16C00] =	vst v63  }
0x23e: {  	s29 =	simm.s32 $0x11700;
	s24 =	sadd.s32 s23, s28  }
0x23f: {  	[hbm4b:s24+s3] =	stream.linear.scatter [tilespmem:s29], [sflag:$0x6], $0x80, $0x38;
	[tilespmem:$0x16C00] =	vst v63  }
0x240: {  	s30 =	sadd.s32 $0x10, s24;
	s29 =	simm.s32 $0x11788  }
0x241: {  	[hbm4b:s30+s3] =	stream.linear.scatter [tilespmem:s29], [sflag:$0x6], $0x80, $0x38;
	[tilespmem:$0x16C00] =	vst v63  }
0x242: {  	s30 =	sadd.s32 $0x20, s24;
	s29 =	simm.s32 $0x11810  }
0x243: {  	[hbm4b:s30+s3] =	stream.linear.scatter [tilespmem:s29], [sflag:$0x6], $0x80, $0x38;
	[tilespmem:$0x16C00] =	vst v63  }
0x244: {  	s30 =	sadd.s32 $0x30, s24;
	s29 =	simm.s32 $0x11898  }
0x245: {  	[hbm4b:s30+s3] =	stream.linear.scatter [tilespmem:s29], [sflag:$0x6], $0x80, $0x38;
	[tilespmem:$0x16C00] =	vst v63  }
0x246: {  	s30 =	sadd.s32 $0x40, s24;
	s29 =	simm.s32 $0x11920  }
0x247: {  	[hbm4b:s30+s3] =	stream.linear.scatter [tilespmem:s29], [sflag:$0x6], $0x80, $0x38;
	[tilespmem:$0x16C00] =	vst v63  }
0x248: {  	s30 =	sadd.s32 $0x50, s24;
	s29 =	simm.s32 $0x119A8  }
0x249: {  	[hbm4b:s30+s3] =	stream.linear.scatter [tilespmem:s29], [sflag:$0x6], $0x80, $0x38;
	[tilespmem:$0x16C00] =	vst v63  }
0x24a: {  	s30 =	sadd.s32 $0x60, s24;
	s29 =	simm.s32 $0x11A30  }
0x24b: {  	[hbm4b:s30+s3] =	stream.linear.scatter [tilespmem:s29], [sflag:$0x6], $0x80, $0x38;
	[tilespmem:$0x16C00] =	vst v63  }
0x24c: {  	s28 =	rddreg [dreg:$0x11];
	s24 =	sadd.s32 $0x70, s24;
	s30 =	simm.s32 $0x11AB8  }
0x24d: {  	[hbm4b:s24+s3] =	stream.linear.scatter [tilespmem:s30], [sflag:$0x6], $0x80, $0x38;
	[tilespmem:$0x16C00] =	vst v63  }
0x24e: {  	s29 =	simm.s32 $0x11B40;
	s24 =	sadd.s32 s23, s28  }
0x24f: {  	[hbm4b:s24+s3] =	stream.linear.scatter [tilespmem:s29], [sflag:$0x6], $0x80, $0x38;
	[tilespmem:$0x16C00] =	vst v63  }
0x250: {  	s30 =	sadd.s32 $0x10, s24;
	s29 =	simm.s32 $0x11BC8  }
0x251: {  	[hbm4b:s30+s3] =	stream.linear.scatter [tilespmem:s29], [sflag:$0x6], $0x80, $0x38;
	[tilespmem:$0x16C00] =	vst v63  }
0x252: {  	s30 =	sadd.s32 $0x20, s24;
	s29 =	simm.s32 $0x11C50  }
0x253: {  	[hbm4b:s30+s3] =	stream.linear.scatter [tilespmem:s29], [sflag:$0x6], $0x80, $0x38;
	[tilespmem:$0x16C00] =	vst v63  }
0x254: {  	s30 =	sadd.s32 $0x30, s24;
	s29 =	simm.s32 $0x11CD8  }
0x255: {  	[hbm4b:s30+s3] =	stream.linear.scatter [tilespmem:s29], [sflag:$0x6], $0x80, $0x38;
	[tilespmem:$0x16C00] =	vst v63  }
0x256: {  	s30 =	sadd.s32 $0x40, s24;
	s29 =	simm.s32 $0x11D60  }
0x257: {  	[hbm4b:s30+s3] =	stream.linear.scatter [tilespmem:s29], [sflag:$0x6], $0x80, $0x38;
	[tilespmem:$0x16C00] =	vst v63  }
0x258: {  	s30 =	sadd.s32 $0x50, s24;
	s29 =	simm.s32 $0x11DE8  }
0x259: {  	[hbm4b:s30+s3] =	stream.linear.scatter [tilespmem:s29], [sflag:$0x6], $0x80, $0x38;
	[tilespmem:$0x16C00] =	vst v63  }
0x25a: {  	s30 =	sadd.s32 $0x60, s24;
	s29 =	simm.s32 $0x11E70  }
0x25b: {  	[hbm4b:s30+s3] =	stream.linear.scatter [tilespmem:s29], [sflag:$0x6], $0x80, $0x38;
	[tilespmem:$0x16C00] =	vst v63  }
0x25c: {  	s28 =	rddreg [dreg:$0x12];
	s24 =	sadd.s32 $0x70, s24;
	s30 =	simm.s32 $0x11EF8  }
0x25d: {  	[hbm4b:s24+s3] =	stream.linear.scatter [tilespmem:s30], [sflag:$0x6], $0x80, $0x38;
	[tilespmem:$0x16C00] =	vst v63  }
0x25e: {  	s29 =	simm.s32 $0x11F80;
	s24 =	sadd.s32 s23, s28  }
0x25f: {  	[hbm4b:s24+s3] =	stream.linear.scatter [tilespmem:s29], [sflag:$0x6], $0x80, $0x38;
	[tilespmem:$0x16C00] =	vst v63  }
0x260: {  	s30 =	sadd.s32 $0x10, s24;
	s29 =	simm.s32 $0x12008  }
0x261: {  	[hbm4b:s30+s3] =	stream.linear.scatter [tilespmem:s29], [sflag:$0x6], $0x80, $0x38;
	[tilespmem:$0x16C00] =	vst v63  }
0x262: {  	s30 =	sadd.s32 $0x20, s24;
	s29 =	simm.s32 $0x12090  }
0x263: {  	[hbm4b:s30+s3] =	stream.linear.scatter [tilespmem:s29], [sflag:$0x6], $0x80, $0x38;
	[tilespmem:$0x16C00] =	vst v63  }
0x264: {  	s30 =	sadd.s32 $0x30, s24;
	s29 =	simm.s32 $0x12118  }
0x265: {  	[hbm4b:s30+s3] =	stream.linear.scatter [tilespmem:s29], [sflag:$0x6], $0x80, $0x38;
	[tilespmem:$0x16C00] =	vst v63  }
0x266: {  	s30 =	sadd.s32 $0x40, s24;
	s29 =	simm.s32 $0x121A0  }
0x267: {  	[hbm4b:s30+s3] =	stream.linear.scatter [tilespmem:s29], [sflag:$0x6], $0x80, $0x38;
	[tilespmem:$0x16C00] =	vst v63  }
0x268: {  	s30 =	sadd.s32 $0x50, s24;
	s29 =	simm.s32 $0x12228  }
0x269: {  	[hbm4b:s30+s3] =	stream.linear.scatter [tilespmem:s29], [sflag:$0x6], $0x80, $0x38;
	[tilespmem:$0x16C00] =	vst v63  }
0x26a: {  	s30 =	sadd.s32 $0x60, s24;
	s29 =	simm.s32 $0x122B0  }
0x26b: {  	[hbm4b:s30+s3] =	stream.linear.scatter [tilespmem:s29], [sflag:$0x6], $0x80, $0x38;
	[tilespmem:$0x16C00] =	vst v63  }
0x26c: {  	s28 =	rddreg [dreg:$0x13];
	s24 =	sadd.s32 $0x70, s24;
	s30 =	simm.s32 $0x12338  }
0x26d: {  	[hbm4b:s24+s3] =	stream.linear.scatter [tilespmem:s30], [sflag:$0x6], $0x80, $0x38;
	[tilespmem:$0x16C00] =	vst v63  }
0x26e: {  	s29 =	simm.s32 $0x123C0;
	s24 =	sadd.s32 s23, s28  }
0x26f: {  	[hbm4b:s24+s3] =	stream.linear.scatter [tilespmem:s29], [sflag:$0x6], $0x80, $0x38;
	[tilespmem:$0x16C00] =	vst v63  }
0x270: {  	s30 =	sadd.s32 $0x10, s24;
	s29 =	simm.s32 $0x12448  }
0x271: {  	[hbm4b:s30+s3] =	stream.linear.scatter [tilespmem:s29], [sflag:$0x6], $0x80, $0x38;
	[tilespmem:$0x16C00] =	vst v63  }
0x272: {  	s30 =	sadd.s32 $0x20, s24;
	s29 =	simm.s32 $0x124D0  }
0x273: {  	[hbm4b:s30+s3] =	stream.linear.scatter [tilespmem:s29], [sflag:$0x6], $0x80, $0x38;
	[tilespmem:$0x16C00] =	vst v63  }
0x274: {  	s30 =	sadd.s32 $0x30, s24;
	s29 =	simm.s32 $0x12558  }
0x275: {  	[hbm4b:s30+s3] =	stream.linear.scatter [tilespmem:s29], [sflag:$0x6], $0x80, $0x38;
	[tilespmem:$0x16C00] =	vst v63  }
0x276: {  	s30 =	sadd.s32 $0x40, s24;
	s29 =	simm.s32 $0x125E0  }
0x277: {  	[hbm4b:s30+s3] =	stream.linear.scatter [tilespmem:s29], [sflag:$0x6], $0x80, $0x38;
	[tilespmem:$0x16C00] =	vst v63  }
0x278: {  	s30 =	sadd.s32 $0x50, s24;
	s29 =	simm.s32 $0x12668  }
0x279: {  	[hbm4b:s30+s3] =	stream.linear.scatter [tilespmem:s29], [sflag:$0x6], $0x80, $0x38;
	[tilespmem:$0x16C00] =	vst v63  }
.Ltmp7:
0x27a: {  	_ = 	snop;
	(pc) =	sbr.rel @p1 .LBB2_12-.Ltmp7, $4  }
0x27b: {  	s30 =	sadd.s32 $0x60, s24;
	s29 =	simm.s32 $0x126F0  }
0x27c: {  	[hbm4b:s30+s3] =	stream.linear.scatter [tilespmem:s29], [sflag:$0x6], $0x80, $0x38;
	[tilespmem:$0x16C00] =	vst v63  }
0x27d: {  	s24 =	sadd.s32 $0x70, s24;
	s30 =	simm.s32 $0x12778  }
0x27e: {  	[hbm4b:s24+s3] =	stream.linear.scatter [tilespmem:s30], [sflag:$0x6], $0x80, $0x38;
	[tilespmem:$0x16C00] =	vst v63  }
.Ltmp8:
0x27f: {  	(pc) =	sbr.rel .LBB2_13-.Ltmp8, $4  }
0x280: {  	_ = 	snop  }
0x281: {  	_ =	swait.ge [sflag:s15], $0x2000  }
0x282: {  	[sflag:s15] =	ssyncset.done $0x0  }
0x283: {  	[sflag:s15] =	ssyncadd.s32 $0xFFFFE000  }
.LBB2_12:
0x284: {  	s24 =	sshrl.u32 s22, $0x2  }
.Ltmp9:
0x285: {  	s26 =	simm.s32 $0x8400;
	s24 =	sadd.s32 $0x280, s24;
	(pc) =	sbr.rel @p0 .LBB2_14-.Ltmp9, $4  }
0x286: {  	[tilespmem:s26], [sflag:$0x2] =	stream.indirect.gather [hbm4b:s4+s9], $0x40, s24, s9, $0xb8;
	[tilespmem:$0x16C00] =	vst v63  }
0x287: {  	_ =	swait.ge [sflag:s15], $0x2000  }
0x288: {  	[sflag:s15] =	ssyncset.done $0x0  }
0x289: {  	[sflag:s15] =	ssyncadd.s32 $0xFFFFE000  }
.LBB2_13:
0x28a: {  	_ =	swait.ge [sflag:s16], $0x400  }
0x28b: {  	[sflag:s16] =	ssyncset.done $0x0  }
0x28c: {  	[sflag:s16] =	ssyncadd.s32 $0xFFFFFC00  }
0x28d: {  	_ =	swait.ge [sflag:s16], $0x400  }
0x28e: {  	[sflag:s16] =	ssyncset.done $0x0  }
0x28f: {  	[sflag:s16] =	ssyncadd.s32 $0xFFFFFC00  }
0x290: {  	_ =	swait.ge [sflag:s16], $0x400  }
0x291: {  	[sflag:s16] =	ssyncset.done $0x0  }
0x292: {  	[sflag:s16] =	ssyncadd.s32 $0xFFFFFC00  }
0x293: {  	_ =	swait.ge [sflag:s16], $0x400  }
0x294: {  	[sflag:s16] =	ssyncset.done $0x0  }
0x295: {  	[sflag:s16] =	ssyncadd.s32 $0xFFFFFC00  }
0x296: {  	_ =	swait.ge [sflag:s16], $0x400  }
0x297: {  	[sflag:s16] =	ssyncset.done $0x0  }
0x298: {  	[sflag:s16] =	ssyncadd.s32 $0xFFFFFC00  }
0x299: {  	_ =	swait.ge [sflag:s16], $0x400  }
0x29a: {  	[sflag:s16] =	ssyncset.done $0x0  }
0x29b: {  	[sflag:s16] =	ssyncadd.s32 $0xFFFFFC00  }
0x29c: {  	_ =	swait.ge [sflag:s16], $0x400  }
0x29d: {  	[sflag:s16] =	ssyncset.done $0x0  }
0x29e: {  	[sflag:s16] =	ssyncadd.s32 $0xFFFFFC00  }
0x29f: {  	_ =	swait.ge [sflag:s16], $0x400  }
0x2a0: {  	[sflag:s16] =	ssyncset.done $0x0  }
0x2a1: {  	[sflag:s16] =	ssyncadd.s32 $0xFFFFFC00  }
.LBB2_14:
0x2a2: {  	s29 =	simm.s32 $0xA4F0;
	s24 =	simm.s32 $0x3  }
0x2a3: {  	v4 =	vmov s24;
	v5 =	vld [tilespmem:s29+$0xFFFFFFD0]  }
0x2a4: {  	v9 =	vand.u32 $0x7F, v4  }
0x2a5: {  	s26 =	simm.s32 $0x0;
	v4 =	vadd.s32 v0, v9  }
0x2a6: {  	s30 =	simm.s32 $0x1;
	v6 =	vmov s26;
	v7 =	vld [tilespmem:s29+$0xFFFFFF10];
	s26 =	simm.s32 $0x2  }
0x2a7: {  	v10 =	vld [tilespmem:s29+$0xFFFFFF50];
	v8 =	vand.u32 $0x7C, v6;
	v6 =	vmov s30;
	v11 =	vmov s26  }
0x2a8: {  	v12 =	vadd.s32 v0, v8;
	v15 =	vand.u32 $0x7D, v6;
	v6 =	vld [tilespmem:s29+$0xFFFFFF90];
	v5 =	vmul.f32 $8.000000000e+00, v5  }
0x2a9: {  	v17 =	vand.u32 $0x7E, v11;
	v13 =	vadd.s32 v0, v15  }
0x2aa: {  	v11 =	vadd.s32 v0, v17;
	[tilespmem:v4+s17+$0x0] =	vst.idx.msk $0xffff, v5  }
0x2ab: {  	v4 =	vmul.f32 $8.000000000e+00, v7;
	v5 =	vld [tilespmem:s29+$0xFFFFFFE0]  }
0x2ac: {  	v7 =	vmul.f32 $8.000000000e+00, v10  }
0x2ad: {  	[tilespmem:v12+s17+$0x0] =	vst.idx.msk $0xffff, v4;
	v4 =	vmul.f32 $8.000000000e+00, v6;
	v6 =	vadd.s32 v1, v9  }
0x2ae: {  	[tilespmem:v13+s17+$0x0] =	vst.idx.msk $0xffff, v7;
	v10 =	vld [tilespmem:s29+$0xFFFFFF20]  }
0x2af: {  	v7 =	vld [tilespmem:s29+$0xFFFFFF60];
	[tilespmem:v11+s17+$0x0] =	vst.idx.msk $0xffff, v4  }
0x2b0: {  	v11 =	vld [tilespmem:s29+$0xFFFFFFA0];
	v4 =	vmul.f32 $8.000000000e+00, v5  }
0x2b1: {  	s28 =	simm.s32 $0x7;
	s24 =	simm.s32 $0xA5F0;
	s30 =	simm.s32 $0x4;
	v12 =	vadd.s32 v1, v15  }
0x2b2: {  	v14 =	vld [tilespmem:s24+$0xFFFFFFD0];
	v13 =	vadd.s32 v1, v17;
	v5 =	vmov s30;
	[tilespmem:v6+s17+$0x0] =	vst.idx.msk $0xffff, v4;
	v6 =	vmov s28  }
0x2b3: {  	v16 =	vadd.s32 v1, v8;
	v4 =	vand.u32 $0x7C, v5;
	v5 =	vand.u32 $0x7F, v6;
	v18 =	vld [tilespmem:s29+$0xFFFFFFF0]  }
0x2b4: {  	v19 =	vld [tilespmem:s24+$0xFFFFFF10];
	v22 =	vadd.s32 v2, v9;
	s30 =	simm.s32 $0x5;
	v6 =	vmul.f32 $8.000000000e+00, v7;
	v20 =	vadd.s32 v0, v5  }
0x2b5: {  	v21 =	vld [tilespmem:s24+$0xFFFFFF50];
	v10 =	vmul.f32 $8.000000000e+00, v10;
	v7 =	vmul.f32 $8.000000000e+00, v11;
	v11 =	vmov s30;
	s30 =	simm.s32 $0x6  }
0x2b6: {  	v23 =	vadd.s32 v0, v4;
	[tilespmem:v12+s17+$0x0] =	vst.idx.msk $0xffff, v6;
	v12 =	vmov s30;
	v6 =	vand.u32 $0x7D, v11;
	v11 =	vld [tilespmem:s24+$0xFFFFFF90]  }
0x2b7: {  	[tilespmem:v13+s17+$0x0] =	vst.idx.msk $0xffff, v7;
	v13 =	vadd.s32 v0, v6;
	v7 =	vand.u32 $0x7E, v12;
	v12 =	vmul.f32 $8.000000000e+00, v14;
	v14 =	vld [tilespmem:s29+$0xFFFFFF70]  }
0x2b8: {  	[tilespmem:v16+s17+$0x0] =	vst.idx.msk $0xffff, v10;
	v10 =	vadd.s32 v0, v7;
	v16 =	vld [tilespmem:s29+$0xFFFFFFB0];
	v18 =	vmul.f32 $8.000000000e+00, v18  }
0x2b9: {  	v19 =	vmul.f32 $8.000000000e+00, v19;
	[tilespmem:v20+s17+$0x0] =	vst.idx.msk $0xffff, v12;
	v12 =	vld [tilespmem:s29+$0xFFFFFF30];
	v20 =	vadd.s32 v2, v15  }
0x2ba: {  	v25 =	vadd.s32 v2, v17;
	v21 =	vmul.f32 $8.000000000e+00, v21;
	v24 =	vld [tilespmem:s24+$0xFFFFFFE0];
	[tilespmem:v22+s17+$0x0] =	vst.idx.msk $0xffff, v18  }
0x2bb: {  	[tilespmem:v23+s17+$0x0] =	vst.idx.msk $0xffff, v19;
	v19 =	vadd.s32 v2, v8;
	v11 =	vmul.f32 $8.000000000e+00, v11;
	v22 =	vld [tilespmem:s29+$0x0]  }
0x2bc: {  	v23 =	vld [tilespmem:s24+$0xFFFFFF20];
	[tilespmem:v13+s17+$0x0] =	vst.idx.msk $0xffff, v21;
	v21 =	vadd.s32 v1, v5;
	v14 =	vmul.f32 $8.000000000e+00, v14  }
0x2bd: {  	v27 =	vadd.s32 v3, v9;
	v26 =	vld [tilespmem:s24+$0xFFFFFF60];
	[tilespmem:v10+s17+$0x0] =	vst.idx.msk $0xffff, v11;
	v10 =	vmul.f32 $8.000000000e+00, v16  }
0x2be: {  	v18 =	vadd.s32 v1, v4;
	v13 =	vld [tilespmem:s24+$0xFFFFFFA0];
	v9 =	vmul.f32 $8.000000000e+00, v12;
	[tilespmem:v20+s17+$0x0] =	vst.idx.msk $0xffff, v14  }
0x2bf: {  	s28 =	simm.s32 $0x8;
	v16 =	vadd.s32 v1, v6;
	[tilespmem:v25+s17+$0x0] =	vst.idx.msk $0xffff, v10;
	v14 =	vmul.f32 $8.000000000e+00, v24;
	v12 =	vld [tilespmem:s29+$0xFFFFFF80]  }
0x2c0: {  	v20 =	vmov s28;
	v10 =	vadd.s32 v1, v7;
	v11 =	vld [tilespmem:s29+$0xFFFFFFC0];
	[tilespmem:v19+s17+$0x0] =	vst.idx.msk $0xffff, v9;
	v63 =	vmul.f32 $8.000000000e+00, v22  }
0x2c1: {  	s26 =	simm.s32 $0xA6F0;
	s30 =	simm.s32 $0xB;
	v15 =	vadd.s32 v3, v15;
	v9 =	vand.u32 $0x7C, v20;
	v20 =	vmul.f32 $8.000000000e+00, v23;
	[tilespmem:v21+s17+$0x0] =	vst.idx.msk $0xffff, v14;
	v14 =	vld [tilespmem:s29+$0xFFFFFF40]  }
0x2c2: {  	v17 =	vadd.s32 v3, v17;
	v22 =	vmov s30;
	v19 =	vld [tilespmem:s26+$0xFFFFFFD0];
	s29 =	simm.s32 $0xC;
	v21 =	vmul.f32 $8.000000000e+00, v26;
	[tilespmem:v27+s17+$0x0] =	vst.idx.msk $0xffff, v63  }
.LBB2_15:
0x2c3: {  	p2 =	slt.u32 s29, $0x7C;
	s30 =	sadd.s32 $0x1, s28;
	v22 =	vand.u32 $0x7F, v22;
	[tilespmem:v18+s17+$0x0] =	vst.idx.msk $0xffff, v20;
	v13 =	vmul.f32 $8.000000000e+00, v13;
	v18 =	vld [tilespmem:s24+$0xFFFFFFF0];
	v20 =	vadd.s32 v3, v8;
	v8 =	vmovc v4  }
0x2c4: {  	v4 =	vmovc v9;
	v23 =	vld [tilespmem:s26+$0xFFFFFF10];
	v24 =	vmov s30;
	s30 =	sadd.s32 $0x2, s28;
	v25 =	vadd.s32 v0, v22;
	[tilespmem:v16+s17+$0x0] =	vst.idx.msk $0xffff, v21;
	v12 =	vmul.f32 $8.000000000e+00, v12;
	s28 =	smov.u32 s29  }
0x2c5: {  	v9 =	vld [tilespmem:s26+$0xFFFFFF50];
	v16 =	vmov s30;
	[tilespmem:v10+s17+$0x0] =	vst.idx.msk $0xffff, v13;
	v10 =	vadd.s32 v2, v5;
	v11 =	vmul.f32 $8.000000000e+00, v11  }
0x2c6: {  	v13 =	vadd.s32 v0, v4;
	v21 =	vand.u32 $0x7D, v24;
	v24 =	vld [tilespmem:s26+$0xFFFFFF90];
	v14 =	vmul.f32 $8.000000000e+00, v14;
	[tilespmem:v15+s17+$0x0] =	vst.idx.msk $0xffff, v12  }
0x2c7: {  	v12 =	vadd.s32 v0, v21;
	v26 =	vand.u32 $0x7E, v16;
	v15 =	vmul.f32 $8.000000000e+00, v19;
	v16 =	vld [tilespmem:s24+$0xFFFFFF70];
	[tilespmem:v17+s17+$0x0] =	vst.idx.msk $0xffff, v11  }
0x2c8: {  	v11 =	vadd.s32 v0, v26;
	v17 =	vld [tilespmem:s24+$0xFFFFFFB0];
	v18 =	vmul.f32 $8.000000000e+00, v18;
	[tilespmem:v20+s17+$0x0] =	vst.idx.msk $0xffff, v14  }
0x2c9: {  	v19 =	vadd.s32 v2, v6;
	v14 =	vmul.f32 $8.000000000e+00, v23;
	[tilespmem:v25+s17+$0x0] =	vst.idx.msk $0xffff, v15;
	v15 =	vld [tilespmem:s24+$0xFFFFFF30]  }
0x2ca: {  	v23 =	vadd.s32 v2, v7;
	v9 =	vmul.f32 $8.000000000e+00, v9;
	v20 =	vld [tilespmem:s26+$0xFFFFFFE0];
	[tilespmem:v10+s17+$0x0] =	vst.idx.msk $0xffff, v18  }
0x2cb: {  	[tilespmem:v13+s17+$0x0] =	vst.idx.msk $0xffff, v14;
	v10 =	vmul.f32 $8.000000000e+00, v24;
	v14 =	vadd.s32 v2, v8;
	v24 =	vld [tilespmem:s24+$0x0]  }
0x2cc: {  	v27 =	vadd.s32 v1, v22;
	v25 =	vld [tilespmem:s26+$0xFFFFFF20];
	[tilespmem:v12+s17+$0x0] =	vst.idx.msk $0xffff, v9;
	v9 =	vmul.f32 $8.000000000e+00, v16  }
0x2cd: {  	v29 =	vadd.s32 v3, v5;
	v5 =	vmov v22;
	v28 =	vld [tilespmem:s26+$0xFFFFFF60];
	[tilespmem:v11+s17+$0x0] =	vst.idx.msk $0xffff, v10;
	v10 =	vmul.f32 $8.000000000e+00, v17  }
.Ltmp10:
0x2ce: {  	v18 =	vadd.s32 v1, v4;
	v13 =	vld [tilespmem:s26+$0xFFFFFFA0];
	v11 =	vmul.f32 $8.000000000e+00, v15;
	[tilespmem:v19+s17+$0x0] =	vst.idx.msk $0xffff, v9;
	(pc) =	sbr.rel @p2 .LBB2_15-.Ltmp10, $4  }
0x2cf: {  	v16 =	vadd.s32 v1, v21;
	v15 =	vmul.f32 $8.000000000e+00, v20;
	v12 =	vld [tilespmem:s24+$0xFFFFFF80];
	[tilespmem:v23+s17+$0x0] =	vst.idx.msk $0xffff, v10  }
0x2d0: {  	v9 =	vmov s29;
	v10 =	vadd.s32 v1, v26;
	[tilespmem:v14+s17+$0x0] =	vst.idx.msk $0xffff, v11;
	v11 =	vld [tilespmem:s24+$0xFFFFFFC0];
	v23 =	vmul.f32 $8.000000000e+00, v24  }
0x2d1: {  	s30 =	sadd.s32 $0x3, s29;
	v9 =	vand.u32 $0x7C, v9;
	v20 =	vmul.f32 $8.000000000e+00, v25;
	[tilespmem:v27+s17+$0x0] =	vst.idx.msk $0xffff, v15;
	v14 =	vld [tilespmem:s24+$0xFFFFFF40];
	v15 =	vadd.s32 v3, v6;
	v6 =	vmovc v21;
	s24 =	smov.u32 s26;
	s26 =	sadd.s32 $0x100, s26  }
0x2d2: {  	v22 =	vmov s30;
	v17 =	vadd.s32 v3, v7;
	v7 =	vmovc v26;
	s29 =	sadd.s32 $0x4, s29;
	v19 =	vld [tilespmem:s26+$0xFFFFFFD0];
	v21 =	vmul.f32 $8.000000000e+00, v28;
	[tilespmem:v29+s17+$0x0] =	vst.idx.msk $0xffff, v23  }
0x2d3: {  	s29 =	sadd.s32 $0x1, s28;
	v22 =	vand.u32 $0x7F, v22;
	v28 =	vld [tilespmem:s26+$0xFFFFFF10]  }
0x2d4: {  	s30 =	sadd.s32 $0x2, s28;
	v24 =	vld [tilespmem:s26+$0xFFFFFF50];
	v23 =	vmov s29;
	v26 =	vadd.s32 v0, v22  }
0x2d5: {  	v27 =	vld [tilespmem:s26+$0xFFFFFF90];
	v51 =	vadd.s32 v0, v9;
	v25 =	vmov s30;
	v23 =	vand.u32 $0x7D, v23  }
0x2d6: {  	v25 =	vand.u32 $0x7E, v25;
	v29 =	vadd.s32 v0, v23  }
0x2d7: {  	[tilespmem:v18+s17+$0x0] =	vst.idx.msk $0xffff, v20;
	v30 =	vadd.s32 v0, v25;
	v19 =	vmul.f32 $8.000000000e+00, v19  }
0x2d8: {  	[tilespmem:v16+s17+$0x0] =	vst.idx.msk $0xffff, v21;
	v54 =	vmul.f32 $8.000000000e+00, v28  }
0x2d9: {  	v52 =	vmul.f32 $8.000000000e+00, v24;
	[tilespmem:v26+s17+$0x0] =	vst.idx.msk $0xffff, v19  }
0x2da: {  	v53 =	vmul.f32 $8.000000000e+00, v27;
	v55 =	vld [tilespmem:s26+$0xFFFFFFE0];
	[tilespmem:v51+s17+$0x0] =	vst.idx.msk $0xffff, v54  }
0x2db: {  	v13 =	vmul.f32 $8.000000000e+00, v13;
	v8 =	vadd.s32 v3, v8;
	[tilespmem:v29+s17+$0x0] =	vst.idx.msk $0xffff, v52;
	v59 =	vld [tilespmem:s26+$0xFFFFFF20]  }
0x2dc: {  	v12 =	vmul.f32 $8.000000000e+00, v12;
	v57 =	vadd.s32 v1, v22;
	[tilespmem:v30+s17+$0x0] =	vst.idx.msk $0xffff, v53;
	v56 =	vld [tilespmem:s26+$0xFFFFFF60]  }
0x2dd: {  	[tilespmem:v10+s17+$0x0] =	vst.idx.msk $0xffff, v13;
	v58 =	vmul.f32 $8.000000000e+00, v11;
	v28 =	vadd.s32 v1, v9;
	v19 =	vld [tilespmem:s26+$0xFFFFFFA0]  }
0x2de: {  	v61 =	vld [tilespmem:s24+$0xFFFFFFF0];
	v60 =	vadd.s32 v1, v23;
	v14 =	vmul.f32 $8.000000000e+00, v14;
	[tilespmem:v15+s17+$0x0] =	vst.idx.msk $0xffff, v12  }
0x2df: {  	v32 =	vld [tilespmem:s24+$0xFFFFFF30];
	v62 =	vadd.s32 v1, v25;
	[tilespmem:v17+s17+$0x0] =	vst.idx.msk $0xffff, v58;
	v16 =	vmul.f32 $8.000000000e+00, v55  }
0x2e0: {  	[tilespmem:v8+s17+$0x0] =	vst.idx.msk $0xffff, v14;
	v29 =	vadd.s32 v2, v5;
	v30 =	vld [tilespmem:s24+$0xFFFFFFB0];
	v11 =	vmul.f32 $8.000000000e+00, v59  }
0x2e1: {  	v38 =	vadd.s32 v2, v4;
	v63 =	vld [tilespmem:s24+$0xFFFFFF70];
	v31 =	vmul.f32 $8.000000000e+00, v56;
	[tilespmem:v57+s17+$0x0] =	vst.idx.msk $0xffff, v16  }
0x2e2: {  	v35 =	vadd.s32 v2, v7;
	v34 =	vmul.f32 $8.000000000e+00, v19;
	v36 =	vld [tilespmem:s26+$0xFFFFFFF0];
	[tilespmem:v28+s17+$0x0] =	vst.idx.msk $0xffff, v11  }
0x2e3: {  	v33 =	vadd.s32 v2, v6;
	v37 =	vmul.f32 $8.000000000e+00, v61;
	[tilespmem:v60+s17+$0x0] =	vst.idx.msk $0xffff, v31;
	v43 =	vld [tilespmem:s26+$0xFFFFFF30]  }
0x2e4: {  	v40 =	vadd.s32 v2, v22;
	v14 =	vmul.f32 $8.000000000e+00, v32;
	[tilespmem:v62+s17+$0x0] =	vst.idx.msk $0xffff, v34;
	v39 =	vld [tilespmem:s26+$0xFFFFFF70]  }
0x2e5: {  	v48 =	vadd.s32 v2, v9;
	[tilespmem:v29+s17+$0x0] =	vst.idx.msk $0xffff, v37;
	v42 =	vmul.f32 $8.000000000e+00, v30;
	v41 =	vld [tilespmem:s26+$0xFFFFFFB0]  }
0x2e6: {  	v44 =	vadd.s32 v2, v23;
	v15 =	vmul.f32 $8.000000000e+00, v63;
	[tilespmem:v38+s17+$0x0] =	vst.idx.msk $0xffff, v14;
	v45 =	vld [tilespmem:s24+$0x0]  }
0x2e7: {  	v46 =	vadd.s32 v2, v25;
	v14 =	vld [tilespmem:s24+$0xFFFFFF40];
	[tilespmem:v35+s17+$0x0] =	vst.idx.msk $0xffff, v42;
	v47 =	vmul.f32 $8.000000000e+00, v36  }
0x2e8: {  	v5 =	vadd.s32 v3, v5;
	[tilespmem:v33+s17+$0x0] =	vst.idx.msk $0xffff, v15;
	v49 =	vld [tilespmem:s24+$0xFFFFFFC0];
	v53 =	vmul.f32 $8.000000000e+00, v43  }
0x2e9: {  	v4 =	vadd.s32 v3, v4;
	v21 =	vld [tilespmem:s24+$0xFFFFFF80];
	v12 =	vmul.f32 $8.000000000e+00, v39;
	[tilespmem:v40+s17+$0x0] =	vst.idx.msk $0xffff, v47  }
0x2ea: {  	v52 =	vadd.s32 v3, v7;
	v51 =	vmul.f32 $8.000000000e+00, v41;
	v10 =	vld [tilespmem:s26+$0x0];
	[tilespmem:v48+s17+$0x0] =	vst.idx.msk $0xffff, v53  }
0x2eb: {  	v50 =	vadd.s32 v3, v6;
	v54 =	vmul.f32 $8.000000000e+00, v45;
	[tilespmem:v44+s17+$0x0] =	vst.idx.msk $0xffff, v12;
	v59 =	vld [tilespmem:s26+$0xFFFFFF40]  }
0x2ec: {  	v57 =	vadd.s32 v3, v22;
	v14 =	vmul.f32 $8.000000000e+00, v14;
	[tilespmem:v46+s17+$0x0] =	vst.idx.msk $0xffff, v51;
	v55 =	vld [tilespmem:s26+$0xFFFFFF80]  }
0x2ed: {  	v62 =	vadd.s32 v3, v9;
	[tilespmem:v5+s17+$0x0] =	vst.idx.msk $0xffff, v54;
	v5 =	vmul.f32 $8.000000000e+00, v49;
	v58 =	vld [tilespmem:s26+$0xFFFFFFC0]  }
0x2ee: {  	v56 =	vmul.f32 $8.000000000e+00, v21;
	v60 =	vadd.s32 v3, v23;
	[tilespmem:v4+s17+$0x0] =	vst.idx.msk $0xffff, v14  }
0x2ef: {  	v61 =	vadd.s32 v3, v25;
	[tilespmem:v52+s17+$0x0] =	vst.idx.msk $0xffff, v5;
	v5 =	vmul.f32 $8.000000000e+00, v10  }
0x2f0: {  	[tilespmem:v50+s17+$0x0] =	vst.idx.msk $0xffff, v56;
	v63 =	vmul.f32 $8.000000000e+00, v59  }
0x2f1: {  	v4 =	vmul.f32 $8.000000000e+00, v55;
	[tilespmem:v57+s17+$0x0] =	vst.idx.msk $0xffff, v5  }
0x2f2: {  	v5 =	vmul.f32 $8.000000000e+00, v58;
	[tilespmem:v62+s17+$0x0] =	vst.idx.msk $0xffff, v63  }
0x2f3: {  	[tilespmem:v60+s17+$0x0] =	vst.idx.msk $0xffff, v4  }
0x2f4: {  	[tilespmem:v61+s17+$0x0] =	vst.idx.msk $0xffff, v5  }
0x2f5: {  	s29 =	rddreg [dreg:$0x14]  }
0x2f6: {  	s24 =	sadd.s32 s23, s29  }
0x2f7: {  	[hbm4b:s24+s3] =	stream.linear.scatter [tilespmem:s17], [sflag:$0x7], $0x80, $0x38;
	[tilespmem:$0x16C00] =	vst v63  }
0x2f8: {  	s29 =	simm.s32 $0x12888;
	s30 =	sadd.s32 $0x10, s24  }
0x2f9: {  	[hbm4b:s30+s3] =	stream.linear.scatter [tilespmem:s29], [sflag:$0x7], $0x80, $0x38;
	[tilespmem:$0x16C00] =	vst v63  }
0x2fa: {  	s30 =	sadd.s32 $0x20, s24;
	s29 =	simm.s32 $0x12910  }
0x2fb: {  	[hbm4b:s30+s3] =	stream.linear.scatter [tilespmem:s29], [sflag:$0x7], $0x80, $0x38;
	[tilespmem:$0x16C00] =	vst v63  }
0x2fc: {  	s30 =	sadd.s32 $0x30, s24;
	s29 =	simm.s32 $0x12998  }
0x2fd: {  	[hbm4b:s30+s3] =	stream.linear.scatter [tilespmem:s29], [sflag:$0x7], $0x80, $0x38;
	[tilespmem:$0x16C00] =	vst v63  }
0x2fe: {  	s30 =	sadd.s32 $0x40, s24;
	s29 =	simm.s32 $0x12A20  }
0x2ff: {  	[hbm4b:s30+s3] =	stream.linear.scatter [tilespmem:s29], [sflag:$0x7], $0x80, $0x38;
	[tilespmem:$0x16C00] =	vst v63  }
0x300: {  	s30 =	sadd.s32 $0x50, s24;
	s29 =	simm.s32 $0x12AA8  }
0x301: {  	[hbm4b:s30+s3] =	stream.linear.scatter [tilespmem:s29], [sflag:$0x7], $0x80, $0x38;
	[tilespmem:$0x16C00] =	vst v63  }
0x302: {  	s30 =	sadd.s32 $0x60, s24;
	s29 =	simm.s32 $0x12B30  }
0x303: {  	[hbm4b:s30+s3] =	stream.linear.scatter [tilespmem:s29], [sflag:$0x7], $0x80, $0x38;
	[tilespmem:$0x16C00] =	vst v63  }
0x304: {  	s28 =	rddreg [dreg:$0x15];
	s24 =	sadd.s32 $0x70, s24;
	s30 =	simm.s32 $0x12BB8  }
0x305: {  	[hbm4b:s24+s3] =	stream.linear.scatter [tilespmem:s30], [sflag:$0x7], $0x80, $0x38;
	[tilespmem:$0x16C00] =	vst v63  }
0x306: {  	s29 =	simm.s32 $0x12C40;
	s24 =	sadd.s32 s23, s28  }
0x307: {  	[hbm4b:s24+s3] =	stream.linear.scatter [tilespmem:s29], [sflag:$0x7], $0x80, $0x38;
	[tilespmem:$0x16C00] =	vst v63  }
0x308: {  	s30 =	sadd.s32 $0x10, s24;
	s29 =	simm.s32 $0x12CC8  }
0x309: {  	[hbm4b:s30+s3] =	stream.linear.scatter [tilespmem:s29], [sflag:$0x7], $0x80, $0x38;
	[tilespmem:$0x16C00] =	vst v63  }
0x30a: {  	s30 =	sadd.s32 $0x20, s24;
	s29 =	simm.s32 $0x12D50  }
0x30b: {  	[hbm4b:s30+s3] =	stream.linear.scatter [tilespmem:s29], [sflag:$0x7], $0x80, $0x38;
	[tilespmem:$0x16C00] =	vst v63  }
0x30c: {  	s30 =	sadd.s32 $0x30, s24;
	s29 =	simm.s32 $0x12DD8  }
0x30d: {  	[hbm4b:s30+s3] =	stream.linear.scatter [tilespmem:s29], [sflag:$0x7], $0x80, $0x38;
	[tilespmem:$0x16C00] =	vst v63  }
0x30e: {  	s30 =	sadd.s32 $0x40, s24;
	s29 =	simm.s32 $0x12E60  }
0x30f: {  	[hbm4b:s30+s3] =	stream.linear.scatter [tilespmem:s29], [sflag:$0x7], $0x80, $0x38;
	[tilespmem:$0x16C00] =	vst v63  }
0x310: {  	s30 =	sadd.s32 $0x50, s24;
	s29 =	simm.s32 $0x12EE8  }
0x311: {  	[hbm4b:s30+s3] =	stream.linear.scatter [tilespmem:s29], [sflag:$0x7], $0x80, $0x38;
	[tilespmem:$0x16C00] =	vst v63  }
0x312: {  	s30 =	sadd.s32 $0x60, s24;
	s29 =	simm.s32 $0x12F70  }
0x313: {  	[hbm4b:s30+s3] =	stream.linear.scatter [tilespmem:s29], [sflag:$0x7], $0x80, $0x38;
	[tilespmem:$0x16C00] =	vst v63  }
0x314: {  	s28 =	rddreg [dreg:$0x16];
	s24 =	sadd.s32 $0x70, s24;
	s30 =	simm.s32 $0x12FF8  }
0x315: {  	[hbm4b:s24+s3] =	stream.linear.scatter [tilespmem:s30], [sflag:$0x7], $0x80, $0x38;
	[tilespmem:$0x16C00] =	vst v63  }
0x316: {  	s29 =	simm.s32 $0x13080;
	s24 =	sadd.s32 s23, s28  }
0x317: {  	[hbm4b:s24+s3] =	stream.linear.scatter [tilespmem:s29], [sflag:$0x7], $0x80, $0x38;
	[tilespmem:$0x16C00] =	vst v63  }
0x318: {  	s30 =	sadd.s32 $0x10, s24;
	s29 =	simm.s32 $0x13108  }
0x319: {  	[hbm4b:s30+s3] =	stream.linear.scatter [tilespmem:s29], [sflag:$0x7], $0x80, $0x38;
	[tilespmem:$0x16C00] =	vst v63  }
0x31a: {  	s30 =	sadd.s32 $0x20, s24;
	s29 =	simm.s32 $0x13190  }
0x31b: {  	[hbm4b:s30+s3] =	stream.linear.scatter [tilespmem:s29], [sflag:$0x7], $0x80, $0x38;
	[tilespmem:$0x16C00] =	vst v63  }
0x31c: {  	s30 =	sadd.s32 $0x30, s24;
	s29 =	simm.s32 $0x13218  }
0x31d: {  	[hbm4b:s30+s3] =	stream.linear.scatter [tilespmem:s29], [sflag:$0x7], $0x80, $0x38;
	[tilespmem:$0x16C00] =	vst v63  }
0x31e: {  	s30 =	sadd.s32 $0x40, s24;
	s29 =	simm.s32 $0x132A0  }
0x31f: {  	[hbm4b:s30+s3] =	stream.linear.scatter [tilespmem:s29], [sflag:$0x7], $0x80, $0x38;
	[tilespmem:$0x16C00] =	vst v63  }
0x320: {  	s30 =	sadd.s32 $0x50, s24;
	s29 =	simm.s32 $0x13328  }
0x321: {  	[hbm4b:s30+s3] =	stream.linear.scatter [tilespmem:s29], [sflag:$0x7], $0x80, $0x38;
	[tilespmem:$0x16C00] =	vst v63  }
0x322: {  	s30 =	sadd.s32 $0x60, s24;
	s29 =	simm.s32 $0x133B0  }
0x323: {  	[hbm4b:s30+s3] =	stream.linear.scatter [tilespmem:s29], [sflag:$0x7], $0x80, $0x38;
	[tilespmem:$0x16C00] =	vst v63  }
0x324: {  	s28 =	rddreg [dreg:$0x18];
	s24 =	sadd.s32 $0x70, s24;
	s30 =	simm.s32 $0x13438  }
0x325: {  	[hbm4b:s24+s3] =	stream.linear.scatter [tilespmem:s30], [sflag:$0x7], $0x80, $0x38;
	[tilespmem:$0x16C00] =	vst v63  }
0x326: {  	s29 =	simm.s32 $0x134C0;
	s24 =	sadd.s32 s23, s28  }
0x327: {  	[hbm4b:s24+s3] =	stream.linear.scatter [tilespmem:s29], [sflag:$0x7], $0x80, $0x38;
	[tilespmem:$0x16C00] =	vst v63  }
0x328: {  	s30 =	sadd.s32 $0x10, s24;
	s29 =	simm.s32 $0x13548  }
0x329: {  	[hbm4b:s30+s3] =	stream.linear.scatter [tilespmem:s29], [sflag:$0x7], $0x80, $0x38;
	[tilespmem:$0x16C00] =	vst v63  }
0x32a: {  	s30 =	sadd.s32 $0x20, s24;
	s29 =	simm.s32 $0x135D0  }
0x32b: {  	[hbm4b:s30+s3] =	stream.linear.scatter [tilespmem:s29], [sflag:$0x7], $0x80, $0x38;
	[tilespmem:$0x16C00] =	vst v63  }
0x32c: {  	s30 =	sadd.s32 $0x30, s24;
	s29 =	simm.s32 $0x13658  }
0x32d: {  	[hbm4b:s30+s3] =	stream.linear.scatter [tilespmem:s29], [sflag:$0x7], $0x80, $0x38;
	[tilespmem:$0x16C00] =	vst v63  }
0x32e: {  	s30 =	sadd.s32 $0x40, s24;
	s29 =	simm.s32 $0x136E0  }
0x32f: {  	[hbm4b:s30+s3] =	stream.linear.scatter [tilespmem:s29], [sflag:$0x7], $0x80, $0x38;
	[tilespmem:$0x16C00] =	vst v63  }
0x330: {  	s30 =	sadd.s32 $0x50, s24;
	s29 =	simm.s32 $0x13768  }
0x331: {  	[hbm4b:s30+s3] =	stream.linear.scatter [tilespmem:s29], [sflag:$0x7], $0x80, $0x38;
	[tilespmem:$0x16C00] =	vst v63  }
0x332: {  	s30 =	sadd.s32 $0x60, s24;
	s29 =	simm.s32 $0x137F0  }
0x333: {  	[hbm4b:s30+s3] =	stream.linear.scatter [tilespmem:s29], [sflag:$0x7], $0x80, $0x38;
	[tilespmem:$0x16C00] =	vst v63  }
0x334: {  	s28 =	rddreg [dreg:$0x19];
	s24 =	sadd.s32 $0x70, s24;
	s30 =	simm.s32 $0x13878  }
0x335: {  	[hbm4b:s24+s3] =	stream.linear.scatter [tilespmem:s30], [sflag:$0x7], $0x80, $0x38;
	[tilespmem:$0x16C00] =	vst v63  }
0x336: {  	s29 =	simm.s32 $0x13900;
	s24 =	sadd.s32 s23, s28  }
0x337: {  	[hbm4b:s24+s3] =	stream.linear.scatter [tilespmem:s29], [sflag:$0x7], $0x80, $0x38;
	[tilespmem:$0x16C00] =	vst v63  }
0x338: {  	s30 =	sadd.s32 $0x10, s24;
	s29 =	simm.s32 $0x13988  }
0x339: {  	[hbm4b:s30+s3] =	stream.linear.scatter [tilespmem:s29], [sflag:$0x7], $0x80, $0x38;
	[tilespmem:$0x16C00] =	vst v63  }
0x33a: {  	s30 =	sadd.s32 $0x20, s24;
	s29 =	simm.s32 $0x13A10  }
0x33b: {  	[hbm4b:s30+s3] =	stream.linear.scatter [tilespmem:s29], [sflag:$0x7], $0x80, $0x38;
	[tilespmem:$0x16C00] =	vst v63  }
0x33c: {  	s30 =	sadd.s32 $0x30, s24;
	s29 =	simm.s32 $0x13A98  }
0x33d: {  	[hbm4b:s30+s3] =	stream.linear.scatter [tilespmem:s29], [sflag:$0x7], $0x80, $0x38;
	[tilespmem:$0x16C00] =	vst v63  }
0x33e: {  	s30 =	sadd.s32 $0x40, s24;
	s29 =	simm.s32 $0x13B20  }
0x33f: {  	[hbm4b:s30+s3] =	stream.linear.scatter [tilespmem:s29], [sflag:$0x7], $0x80, $0x38;
	[tilespmem:$0x16C00] =	vst v63  }
0x340: {  	s30 =	sadd.s32 $0x50, s24;
	s29 =	simm.s32 $0x13BA8  }
0x341: {  	[hbm4b:s30+s3] =	stream.linear.scatter [tilespmem:s29], [sflag:$0x7], $0x80, $0x38;
	[tilespmem:$0x16C00] =	vst v63  }
0x342: {  	s30 =	sadd.s32 $0x60, s24;
	s29 =	simm.s32 $0x13C30  }
0x343: {  	[hbm4b:s30+s3] =	stream.linear.scatter [tilespmem:s29], [sflag:$0x7], $0x80, $0x38;
	[tilespmem:$0x16C00] =	vst v63  }
0x344: {  	s28 =	rddreg [dreg:$0x1a];
	s24 =	sadd.s32 $0x70, s24;
	s30 =	simm.s32 $0x13CB8  }
0x345: {  	[hbm4b:s24+s3] =	stream.linear.scatter [tilespmem:s30], [sflag:$0x7], $0x80, $0x38;
	[tilespmem:$0x16C00] =	vst v63  }
0x346: {  	s29 =	simm.s32 $0x13D40;
	s24 =	sadd.s32 s23, s28  }
0x347: {  	[hbm4b:s24+s3] =	stream.linear.scatter [tilespmem:s29], [sflag:$0x7], $0x80, $0x38;
	[tilespmem:$0x16C00] =	vst v63  }
0x348: {  	s30 =	sadd.s32 $0x10, s24;
	s29 =	simm.s32 $0x13DC8  }
0x349: {  	[hbm4b:s30+s3] =	stream.linear.scatter [tilespmem:s29], [sflag:$0x7], $0x80, $0x38;
	[tilespmem:$0x16C00] =	vst v63  }
0x34a: {  	s30 =	sadd.s32 $0x20, s24;
	s29 =	simm.s32 $0x13E50  }
0x34b: {  	[hbm4b:s30+s3] =	stream.linear.scatter [tilespmem:s29], [sflag:$0x7], $0x80, $0x38;
	[tilespmem:$0x16C00] =	vst v63  }
0x34c: {  	s30 =	sadd.s32 $0x30, s24;
	s29 =	simm.s32 $0x13ED8  }
0x34d: {  	[hbm4b:s30+s3] =	stream.linear.scatter [tilespmem:s29], [sflag:$0x7], $0x80, $0x38;
	[tilespmem:$0x16C00] =	vst v63  }
0x34e: {  	s30 =	sadd.s32 $0x40, s24;
	s29 =	simm.s32 $0x13F60  }
0x34f: {  	[hbm4b:s30+s3] =	stream.linear.scatter [tilespmem:s29], [sflag:$0x7], $0x80, $0x38;
	[tilespmem:$0x16C00] =	vst v63  }
0x350: {  	s30 =	sadd.s32 $0x50, s24;
	s29 =	simm.s32 $0x13FE8  }
0x351: {  	[hbm4b:s30+s3] =	stream.linear.scatter [tilespmem:s29], [sflag:$0x7], $0x80, $0x38;
	[tilespmem:$0x16C00] =	vst v63  }
0x352: {  	s30 =	sadd.s32 $0x60, s24;
	s29 =	simm.s32 $0x14070  }
0x353: {  	[hbm4b:s30+s3] =	stream.linear.scatter [tilespmem:s29], [sflag:$0x7], $0x80, $0x38;
	[tilespmem:$0x16C00] =	vst v63  }
0x354: {  	s26 =	rddreg [dreg:$0x1b];
	s24 =	sadd.s32 $0x70, s24;
	s30 =	simm.s32 $0x140F8  }
0x355: {  	[hbm4b:s24+s3] =	stream.linear.scatter [tilespmem:s30], [sflag:$0x7], $0x80, $0x38;
	[tilespmem:$0x16C00] =	vst v63  }
0x356: {  	s28 =	simm.s32 $0x14180;
	s24 =	sadd.s32 s23, s26  }
0x357: {  	[hbm4b:s24+s3] =	stream.linear.scatter [tilespmem:s28], [sflag:$0x7], $0x80, $0x38;
	[tilespmem:$0x16C00] =	vst v63  }
0x358: {  	s30 =	simm.s32 $0x14208;
	s29 =	sadd.s32 $0x10, s24  }
0x359: {  	[hbm4b:s29+s3] =	stream.linear.scatter [tilespmem:s30], [sflag:$0x7], $0x80, $0x38;
	[tilespmem:$0x16C00] =	vst v63  }
0x35a: {  	s29 =	sadd.s32 $0x20, s24;
	s30 =	simm.s32 $0x14290  }
0x35b: {  	[hbm4b:s29+s3] =	stream.linear.scatter [tilespmem:s30], [sflag:$0x7], $0x80, $0x38;
	[tilespmem:$0x16C00] =	vst v63  }
0x35c: {  	s29 =	sadd.s32 $0x30, s24;
	s30 =	simm.s32 $0x14318  }
0x35d: {  	[hbm4b:s29+s3] =	stream.linear.scatter [tilespmem:s30], [sflag:$0x7], $0x80, $0x38;
	[tilespmem:$0x16C00] =	vst v63  }
0x35e: {  	s29 =	sadd.s32 $0x40, s24;
	s30 =	simm.s32 $0x143A0  }
0x35f: {  	[hbm4b:s29+s3] =	stream.linear.scatter [tilespmem:s30], [sflag:$0x7], $0x80, $0x38;
	[tilespmem:$0x16C00] =	vst v63  }
0x360: {  	s29 =	sadd.s32 $0x50, s24;
	s30 =	simm.s32 $0x14428  }
0x361: {  	[hbm4b:s29+s3] =	stream.linear.scatter [tilespmem:s30], [sflag:$0x7], $0x80, $0x38;
	[tilespmem:$0x16C00] =	vst v63  }
0x362: {  	s29 =	sadd.s32 $0x60, s24;
	s30 =	simm.s32 $0x144B0  }
0x363: {  	[hbm4b:s29+s3] =	stream.linear.scatter [tilespmem:s30], [sflag:$0x7], $0x80, $0x38;
	[tilespmem:$0x16C00] =	vst v63  }
0x364: {  	s28 =	simm.s32 $0x14538;
	s24 =	sadd.s32 $0x70, s24  }
0x365: {  	[hbm4b:s24+s3] =	stream.linear.scatter [tilespmem:s28], [sflag:$0x7], $0x80, $0x38;
	[tilespmem:$0x16C00] =	vst v63  }
0x366: {  	s29 =	simm.s32 $0x145C0;
	s24 =	sadd.s32 s23, s31  }
0x367: {  	[hbm4b:s24+s3] =	stream.linear.scatter [tilespmem:s29], [sflag:$0x7], $0x80, $0x38;
	[tilespmem:$0x16C00] =	vst v63  }
0x368: {  	s30 =	sadd.s32 $0x10, s24;
	s29 =	simm.s32 $0x14648  }
0x369: {  	[hbm4b:s30+s3] =	stream.linear.scatter [tilespmem:s29], [sflag:$0x7], $0x80, $0x38;
	[tilespmem:$0x16C00] =	vst v63  }
0x36a: {  	s30 =	sadd.s32 $0x20, s24;
	s29 =	simm.s32 $0x146D0  }
0x36b: {  	[hbm4b:s30+s3] =	stream.linear.scatter [tilespmem:s29], [sflag:$0x7], $0x80, $0x38;
	[tilespmem:$0x16C00] =	vst v63  }
0x36c: {  	s30 =	sadd.s32 $0x30, s24;
	s29 =	simm.s32 $0x14758  }
0x36d: {  	[hbm4b:s30+s3] =	stream.linear.scatter [tilespmem:s29], [sflag:$0x7], $0x80, $0x38;
	[tilespmem:$0x16C00] =	vst v63  }
0x36e: {  	s30 =	sadd.s32 $0x40, s24;
	s29 =	simm.s32 $0x147E0  }
0x36f: {  	[hbm4b:s30+s3] =	stream.linear.scatter [tilespmem:s29], [sflag:$0x7], $0x80, $0x38;
	[tilespmem:$0x16C00] =	vst v63  }
0x370: {  	s30 =	sadd.s32 $0x50, s24;
	s29 =	simm.s32 $0x14868  }
0x371: {  	[hbm4b:s30+s3] =	stream.linear.scatter [tilespmem:s29], [sflag:$0x7], $0x80, $0x38;
	[tilespmem:$0x16C00] =	vst v63  }
.Ltmp11:
0x372: {  	_ = 	snop;
	(pc) =	sbr.rel @p1 .LBB2_18-.Ltmp11, $4  }
0x373: {  	s30 =	sadd.s32 $0x60, s24;
	s29 =	simm.s32 $0x148F0  }
0x374: {  	[hbm4b:s30+s3] =	stream.linear.scatter [tilespmem:s29], [sflag:$0x7], $0x80, $0x38;
	[tilespmem:$0x16C00] =	vst v63  }
0x375: {  	s24 =	sadd.s32 $0x70, s24;
	s30 =	simm.s32 $0x14978  }
0x376: {  	[hbm4b:s24+s3] =	stream.linear.scatter [tilespmem:s30], [sflag:$0x7], $0x80, $0x38;
	[tilespmem:$0x16C00] =	vst v63  }
.Ltmp12:
0x377: {  	(pc) =	sbr.rel .LBB2_19-.Ltmp12, $4  }
0x378: {  	_ = 	snop  }
0x379: {  	_ =	swait.ge [sflag:s18], $0x2000  }
0x37a: {  	[sflag:s18] =	ssyncset.done $0x0  }
0x37b: {  	[sflag:s18] =	ssyncadd.s32 $0xFFFFE000  }
.LBB2_18:
0x37c: {  	s24 =	sshrl.u32 s22, $0x2  }
.Ltmp13:
0x37d: {  	s26 =	simm.s32 $0xA400;
	s24 =	sadd.s32 $0x300, s24;
	(pc) =	sbr.rel @p0 .LBB2_20-.Ltmp13, $4  }
0x37e: {  	[tilespmem:s26], [sflag:$0x3] =	stream.indirect.gather [hbm4b:s4+s9], $0x40, s24, s9, $0xb8;
	[tilespmem:$0x16C00] =	vst v63  }
0x37f: {  	_ =	swait.ge [sflag:s18], $0x2000  }
0x380: {  	[sflag:s18] =	ssyncset.done $0x0  }
0x381: {  	[sflag:s18] =	ssyncadd.s32 $0xFFFFE000  }
.LBB2_19:
0x382: {  	_ =	swait.ge [sflag:s19], $0x400  }
0x383: {  	[sflag:s19] =	ssyncset.done $0x0  }
0x384: {  	[sflag:s19] =	ssyncadd.s32 $0xFFFFFC00  }
0x385: {  	_ =	swait.ge [sflag:s19], $0x400  }
0x386: {  	[sflag:s19] =	ssyncset.done $0x0  }
0x387: {  	[sflag:s19] =	ssyncadd.s32 $0xFFFFFC00  }
0x388: {  	_ =	swait.ge [sflag:s19], $0x400  }
0x389: {  	[sflag:s19] =	ssyncset.done $0x0  }
0x38a: {  	[sflag:s19] =	ssyncadd.s32 $0xFFFFFC00  }
0x38b: {  	_ =	swait.ge [sflag:s19], $0x400  }
0x38c: {  	[sflag:s19] =	ssyncset.done $0x0  }
0x38d: {  	[sflag:s19] =	ssyncadd.s32 $0xFFFFFC00  }
0x38e: {  	_ =	swait.ge [sflag:s19], $0x400  }
0x38f: {  	[sflag:s19] =	ssyncset.done $0x0  }
0x390: {  	[sflag:s19] =	ssyncadd.s32 $0xFFFFFC00  }
0x391: {  	_ =	swait.ge [sflag:s19], $0x400  }
0x392: {  	[sflag:s19] =	ssyncset.done $0x0  }
0x393: {  	[sflag:s19] =	ssyncadd.s32 $0xFFFFFC00  }
0x394: {  	_ =	swait.ge [sflag:s19], $0x400  }
0x395: {  	[sflag:s19] =	ssyncset.done $0x0  }
0x396: {  	[sflag:s19] =	ssyncadd.s32 $0xFFFFFC00  }
0x397: {  	_ =	swait.ge [sflag:s19], $0x400  }
0x398: {  	[sflag:s19] =	ssyncset.done $0x0  }
0x399: {  	[sflag:s19] =	ssyncadd.s32 $0xFFFFFC00  }
.LBB2_20:
0x39a: {  	s29 =	simm.s32 $0xC4F0;
	s24 =	simm.s32 $0x3  }
0x39b: {  	v4 =	vmov s24;
	v5 =	vld [tilespmem:s29+$0xFFFFFFD0]  }
0x39c: {  	v9 =	vand.u32 $0x7F, v4  }
0x39d: {  	s26 =	simm.s32 $0x0;
	v4 =	vadd.s32 v0, v9  }
0x39e: {  	s30 =	simm.s32 $0x1;
	v6 =	vmov s26;
	v7 =	vld [tilespmem:s29+$0xFFFFFF10];
	s26 =	simm.s32 $0x2  }
0x39f: {  	v10 =	vld [tilespmem:s29+$0xFFFFFF50];
	v8 =	vand.u32 $0x7C, v6;
	v6 =	vmov s30;
	v11 =	vmov s26  }
0x3a0: {  	v12 =	vadd.s32 v0, v8;
	v15 =	vand.u32 $0x7D, v6;
	v6 =	vld [tilespmem:s29+$0xFFFFFF90];
	v5 =	vmul.f32 $8.000000000e+00, v5  }
0x3a1: {  	v17 =	vand.u32 $0x7E, v11;
	v13 =	vadd.s32 v0, v15  }
0x3a2: {  	v11 =	vadd.s32 v0, v17;
	[tilespmem:v4+s20+$0x0] =	vst.idx.msk $0xffff, v5  }
0x3a3: {  	v4 =	vmul.f32 $8.000000000e+00, v7;
	v5 =	vld [tilespmem:s29+$0xFFFFFFE0]  }
0x3a4: {  	v7 =	vmul.f32 $8.000000000e+00, v10  }
0x3a5: {  	[tilespmem:v12+s20+$0x0] =	vst.idx.msk $0xffff, v4;
	v4 =	vmul.f32 $8.000000000e+00, v6;
	v6 =	vadd.s32 v1, v9  }
0x3a6: {  	[tilespmem:v13+s20+$0x0] =	vst.idx.msk $0xffff, v7;
	v10 =	vld [tilespmem:s29+$0xFFFFFF20]  }
0x3a7: {  	v7 =	vld [tilespmem:s29+$0xFFFFFF60];
	[tilespmem:v11+s20+$0x0] =	vst.idx.msk $0xffff, v4  }
0x3a8: {  	v11 =	vld [tilespmem:s29+$0xFFFFFFA0];
	v4 =	vmul.f32 $8.000000000e+00, v5  }
0x3a9: {  	s28 =	simm.s32 $0x7;
	s24 =	simm.s32 $0xC5F0;
	s30 =	simm.s32 $0x4;
	v12 =	vadd.s32 v1, v15  }
0x3aa: {  	v14 =	vld [tilespmem:s24+$0xFFFFFFD0];
	v13 =	vadd.s32 v1, v17;
	v5 =	vmov s30;
	[tilespmem:v6+s20+$0x0] =	vst.idx.msk $0xffff, v4;
	v6 =	vmov s28  }
0x3ab: {  	v16 =	vadd.s32 v1, v8;
	v4 =	vand.u32 $0x7C, v5;
	v5 =	vand.u32 $0x7F, v6;
	v18 =	vld [tilespmem:s29+$0xFFFFFFF0]  }
0x3ac: {  	v19 =	vld [tilespmem:s24+$0xFFFFFF10];
	v22 =	vadd.s32 v2, v9;
	s30 =	simm.s32 $0x5;
	v6 =	vmul.f32 $8.000000000e+00, v7;
	v20 =	vadd.s32 v0, v5  }
0x3ad: {  	v21 =	vld [tilespmem:s24+$0xFFFFFF50];
	v10 =	vmul.f32 $8.000000000e+00, v10;
	v7 =	vmul.f32 $8.000000000e+00, v11;
	v11 =	vmov s30;
	s30 =	simm.s32 $0x6  }
0x3ae: {  	v23 =	vadd.s32 v0, v4;
	[tilespmem:v12+s20+$0x0] =	vst.idx.msk $0xffff, v6;
	v12 =	vmov s30;
	v6 =	vand.u32 $0x7D, v11;
	v11 =	vld [tilespmem:s24+$0xFFFFFF90]  }
0x3af: {  	[tilespmem:v13+s20+$0x0] =	vst.idx.msk $0xffff, v7;
	v13 =	vadd.s32 v0, v6;
	v7 =	vand.u32 $0x7E, v12;
	v12 =	vmul.f32 $8.000000000e+00, v14;
	v14 =	vld [tilespmem:s29+$0xFFFFFF70]  }
0x3b0: {  	[tilespmem:v16+s20+$0x0] =	vst.idx.msk $0xffff, v10;
	v10 =	vadd.s32 v0, v7;
	v16 =	vld [tilespmem:s29+$0xFFFFFFB0];
	v18 =	vmul.f32 $8.000000000e+00, v18  }
0x3b1: {  	v19 =	vmul.f32 $8.000000000e+00, v19;
	[tilespmem:v20+s20+$0x0] =	vst.idx.msk $0xffff, v12;
	v12 =	vld [tilespmem:s29+$0xFFFFFF30];
	v20 =	vadd.s32 v2, v15  }
0x3b2: {  	v25 =	vadd.s32 v2, v17;
	v21 =	vmul.f32 $8.000000000e+00, v21;
	v24 =	vld [tilespmem:s24+$0xFFFFFFE0];
	[tilespmem:v22+s20+$0x0] =	vst.idx.msk $0xffff, v18  }
0x3b3: {  	[tilespmem:v23+s20+$0x0] =	vst.idx.msk $0xffff, v19;
	v19 =	vadd.s32 v2, v8;
	v11 =	vmul.f32 $8.000000000e+00, v11;
	v22 =	vld [tilespmem:s29+$0x0]  }
0x3b4: {  	v23 =	vld [tilespmem:s24+$0xFFFFFF20];
	[tilespmem:v13+s20+$0x0] =	vst.idx.msk $0xffff, v21;
	v21 =	vadd.s32 v1, v5;
	v14 =	vmul.f32 $8.000000000e+00, v14  }
0x3b5: {  	v27 =	vadd.s32 v3, v9;
	v26 =	vld [tilespmem:s24+$0xFFFFFF60];
	[tilespmem:v10+s20+$0x0] =	vst.idx.msk $0xffff, v11;
	v10 =	vmul.f32 $8.000000000e+00, v16  }
0x3b6: {  	v18 =	vadd.s32 v1, v4;
	v13 =	vld [tilespmem:s24+$0xFFFFFFA0];
	v9 =	vmul.f32 $8.000000000e+00, v12;
	[tilespmem:v20+s20+$0x0] =	vst.idx.msk $0xffff, v14  }
0x3b7: {  	s28 =	simm.s32 $0x8;
	v16 =	vadd.s32 v1, v6;
	[tilespmem:v25+s20+$0x0] =	vst.idx.msk $0xffff, v10;
	v14 =	vmul.f32 $8.000000000e+00, v24;
	v12 =	vld [tilespmem:s29+$0xFFFFFF80]  }
0x3b8: {  	v20 =	vmov s28;
	v10 =	vadd.s32 v1, v7;
	v11 =	vld [tilespmem:s29+$0xFFFFFFC0];
	[tilespmem:v19+s20+$0x0] =	vst.idx.msk $0xffff, v9;
	v63 =	vmul.f32 $8.000000000e+00, v22  }
0x3b9: {  	s26 =	simm.s32 $0xC6F0;
	s30 =	simm.s32 $0xB;
	v15 =	vadd.s32 v3, v15;
	v9 =	vand.u32 $0x7C, v20;
	v20 =	vmul.f32 $8.000000000e+00, v23;
	[tilespmem:v21+s20+$0x0] =	vst.idx.msk $0xffff, v14;
	v14 =	vld [tilespmem:s29+$0xFFFFFF40]  }
0x3ba: {  	v17 =	vadd.s32 v3, v17;
	v22 =	vmov s30;
	v19 =	vld [tilespmem:s26+$0xFFFFFFD0];
	s29 =	simm.s32 $0xC;
	v21 =	vmul.f32 $8.000000000e+00, v26;
	[tilespmem:v27+s20+$0x0] =	vst.idx.msk $0xffff, v63  }
.LBB2_21:
0x3bb: {  	p0 =	slt.u32 s29, $0x7C;
	s30 =	sadd.s32 $0x1, s28;
	v22 =	vand.u32 $0x7F, v22;
	[tilespmem:v18+s20+$0x0] =	vst.idx.msk $0xffff, v20;
	v13 =	vmul.f32 $8.000000000e+00, v13;
	v18 =	vld [tilespmem:s24+$0xFFFFFFF0];
	v20 =	vadd.s32 v3, v8;
	v8 =	vmovc v4  }
0x3bc: {  	v4 =	vmovc v9;
	v23 =	vld [tilespmem:s26+$0xFFFFFF10];
	v24 =	vmov s30;
	s30 =	sadd.s32 $0x2, s28;
	v25 =	vadd.s32 v0, v22;
	[tilespmem:v16+s20+$0x0] =	vst.idx.msk $0xffff, v21;
	v12 =	vmul.f32 $8.000000000e+00, v12;
	s28 =	smov.u32 s29  }
0x3bd: {  	v9 =	vld [tilespmem:s26+$0xFFFFFF50];
	v16 =	vmov s30;
	[tilespmem:v10+s20+$0x0] =	vst.idx.msk $0xffff, v13;
	v10 =	vadd.s32 v2, v5;
	v11 =	vmul.f32 $8.000000000e+00, v11  }
0x3be: {  	v13 =	vadd.s32 v0, v4;
	v21 =	vand.u32 $0x7D, v24;
	v24 =	vld [tilespmem:s26+$0xFFFFFF90];
	v14 =	vmul.f32 $8.000000000e+00, v14;
	[tilespmem:v15+s20+$0x0] =	vst.idx.msk $0xffff, v12  }
0x3bf: {  	v12 =	vadd.s32 v0, v21;
	v26 =	vand.u32 $0x7E, v16;
	v15 =	vmul.f32 $8.000000000e+00, v19;
	v16 =	vld [tilespmem:s24+$0xFFFFFF70];
	[tilespmem:v17+s20+$0x0] =	vst.idx.msk $0xffff, v11  }
0x3c0: {  	v11 =	vadd.s32 v0, v26;
	v17 =	vld [tilespmem:s24+$0xFFFFFFB0];
	v18 =	vmul.f32 $8.000000000e+00, v18;
	[tilespmem:v20+s20+$0x0] =	vst.idx.msk $0xffff, v14  }
0x3c1: {  	v19 =	vadd.s32 v2, v6;
	v14 =	vmul.f32 $8.000000000e+00, v23;
	[tilespmem:v25+s20+$0x0] =	vst.idx.msk $0xffff, v15;
	v15 =	vld [tilespmem:s24+$0xFFFFFF30]  }
0x3c2: {  	v23 =	vadd.s32 v2, v7;
	v9 =	vmul.f32 $8.000000000e+00, v9;
	v20 =	vld [tilespmem:s26+$0xFFFFFFE0];
	[tilespmem:v10+s20+$0x0] =	vst.idx.msk $0xffff, v18  }
0x3c3: {  	[tilespmem:v13+s20+$0x0] =	vst.idx.msk $0xffff, v14;
	v10 =	vmul.f32 $8.000000000e+00, v24;
	v14 =	vadd.s32 v2, v8;
	v24 =	vld [tilespmem:s24+$0x0]  }
0x3c4: {  	v27 =	vadd.s32 v1, v22;
	v25 =	vld [tilespmem:s26+$0xFFFFFF20];
	[tilespmem:v12+s20+$0x0] =	vst.idx.msk $0xffff, v9;
	v9 =	vmul.f32 $8.000000000e+00, v16  }
0x3c5: {  	v29 =	vadd.s32 v3, v5;
	v5 =	vmov v22;
	v28 =	vld [tilespmem:s26+$0xFFFFFF60];
	[tilespmem:v11+s20+$0x0] =	vst.idx.msk $0xffff, v10;
	v10 =	vmul.f32 $8.000000000e+00, v17  }
.Ltmp14:
0x3c6: {  	v18 =	vadd.s32 v1, v4;
	v13 =	vld [tilespmem:s26+$0xFFFFFFA0];
	v11 =	vmul.f32 $8.000000000e+00, v15;
	[tilespmem:v19+s20+$0x0] =	vst.idx.msk $0xffff, v9;
	(pc) =	sbr.rel @p0 .LBB2_21-.Ltmp14, $4  }
0x3c7: {  	v16 =	vadd.s32 v1, v21;
	v15 =	vmul.f32 $8.000000000e+00, v20;
	v12 =	vld [tilespmem:s24+$0xFFFFFF80];
	[tilespmem:v23+s20+$0x0] =	vst.idx.msk $0xffff, v10  }
0x3c8: {  	v9 =	vmov s29;
	v10 =	vadd.s32 v1, v26;
	[tilespmem:v14+s20+$0x0] =	vst.idx.msk $0xffff, v11;
	v11 =	vld [tilespmem:s24+$0xFFFFFFC0];
	v23 =	vmul.f32 $8.000000000e+00, v24  }
0x3c9: {  	s30 =	sadd.s32 $0x3, s29;
	v9 =	vand.u32 $0x7C, v9;
	v20 =	vmul.f32 $8.000000000e+00, v25;
	[tilespmem:v27+s20+$0x0] =	vst.idx.msk $0xffff, v15;
	v14 =	vld [tilespmem:s24+$0xFFFFFF40];
	v15 =	vadd.s32 v3, v6;
	v6 =	vmovc v21;
	s24 =	smov.u32 s26;
	s26 =	sadd.s32 $0x100, s26  }
0x3ca: {  	v22 =	vmov s30;
	v17 =	vadd.s32 v3, v7;
	v7 =	vmovc v26;
	s29 =	sadd.s32 $0x4, s29;
	v19 =	vld [tilespmem:s26+$0xFFFFFFD0];
	v21 =	vmul.f32 $8.000000000e+00, v28;
	[tilespmem:v29+s20+$0x0] =	vst.idx.msk $0xffff, v23  }
0x3cb: {  	s29 =	sadd.s32 $0x1, s28;
	v22 =	vand.u32 $0x7F, v22;
	v28 =	vld [tilespmem:s26+$0xFFFFFF10]  }
0x3cc: {  	v24 =	vld [tilespmem:s26+$0xFFFFFF50];
	v23 =	vmov s29;
	s29 =	sadd.s32 $0x2, s28;
	v26 =	vadd.s32 v0, v22  }
0x3cd: {  	v27 =	vld [tilespmem:s26+$0xFFFFFF90];
	v51 =	vadd.s32 v0, v9;
	v25 =	vmov s29;
	v23 =	vand.u32 $0x7D, v23  }
0x3ce: {  	v29 =	vadd.s32 v0, v23;
	v25 =	vand.u32 $0x7E, v25  }
0x3cf: {  	[tilespmem:v18+s20+$0x0] =	vst.idx.msk $0xffff, v20;
	v30 =	vadd.s32 v0, v25;
	v19 =	vmul.f32 $8.000000000e+00, v19  }
0x3d0: {  	[tilespmem:v16+s20+$0x0] =	vst.idx.msk $0xffff, v21;
	v54 =	vmul.f32 $8.000000000e+00, v28  }
0x3d1: {  	v52 =	vmul.f32 $8.000000000e+00, v24;
	[tilespmem:v26+s20+$0x0] =	vst.idx.msk $0xffff, v19  }
0x3d2: {  	v53 =	vmul.f32 $8.000000000e+00, v27;
	v55 =	vld [tilespmem:s26+$0xFFFFFFE0];
	[tilespmem:v51+s20+$0x0] =	vst.idx.msk $0xffff, v54  }
0x3d3: {  	v13 =	vmul.f32 $8.000000000e+00, v13;
	v8 =	vadd.s32 v3, v8;
	[tilespmem:v29+s20+$0x0] =	vst.idx.msk $0xffff, v52;
	v59 =	vld [tilespmem:s26+$0xFFFFFF20]  }
0x3d4: {  	v12 =	vmul.f32 $8.000000000e+00, v12;
	v57 =	vadd.s32 v1, v22;
	v56 =	vld [tilespmem:s26+$0xFFFFFF60];
	[tilespmem:v30+s20+$0x0] =	vst.idx.msk $0xffff, v53  }
0x3d5: {  	[tilespmem:v10+s20+$0x0] =	vst.idx.msk $0xffff, v13;
	v58 =	vmul.f32 $8.000000000e+00, v11;
	v28 =	vadd.s32 v1, v9;
	v19 =	vld [tilespmem:s26+$0xFFFFFFA0]  }
0x3d6: {  	v61 =	vld [tilespmem:s24+$0xFFFFFFF0];
	v60 =	vadd.s32 v1, v23;
	v14 =	vmul.f32 $8.000000000e+00, v14;
	[tilespmem:v15+s20+$0x0] =	vst.idx.msk $0xffff, v12  }
0x3d7: {  	v32 =	vld [tilespmem:s24+$0xFFFFFF30];
	v62 =	vadd.s32 v1, v25;
	[tilespmem:v17+s20+$0x0] =	vst.idx.msk $0xffff, v58;
	v16 =	vmul.f32 $8.000000000e+00, v55  }
0x3d8: {  	[tilespmem:v8+s20+$0x0] =	vst.idx.msk $0xffff, v14;
	v29 =	vadd.s32 v2, v5;
	v30 =	vld [tilespmem:s24+$0xFFFFFFB0];
	v11 =	vmul.f32 $8.000000000e+00, v59  }
0x3d9: {  	v38 =	vadd.s32 v2, v4;
	v63 =	vld [tilespmem:s24+$0xFFFFFF70];
	v31 =	vmul.f32 $8.000000000e+00, v56;
	[tilespmem:v57+s20+$0x0] =	vst.idx.msk $0xffff, v16  }
0x3da: {  	v35 =	vadd.s32 v2, v7;
	v34 =	vmul.f32 $8.000000000e+00, v19;
	v36 =	vld [tilespmem:s26+$0xFFFFFFF0];
	[tilespmem:v28+s20+$0x0] =	vst.idx.msk $0xffff, v11  }
0x3db: {  	v33 =	vadd.s32 v2, v6;
	v37 =	vmul.f32 $8.000000000e+00, v61;
	[tilespmem:v60+s20+$0x0] =	vst.idx.msk $0xffff, v31;
	v43 =	vld [tilespmem:s26+$0xFFFFFF30]  }
0x3dc: {  	v40 =	vadd.s32 v2, v22;
	v14 =	vmul.f32 $8.000000000e+00, v32;
	[tilespmem:v62+s20+$0x0] =	vst.idx.msk $0xffff, v34;
	v39 =	vld [tilespmem:s26+$0xFFFFFF70]  }
0x3dd: {  	v48 =	vadd.s32 v2, v9;
	[tilespmem:v29+s20+$0x0] =	vst.idx.msk $0xffff, v37;
	v42 =	vmul.f32 $8.000000000e+00, v30;
	v41 =	vld [tilespmem:s26+$0xFFFFFFB0]  }
0x3de: {  	v44 =	vadd.s32 v2, v23;
	v15 =	vmul.f32 $8.000000000e+00, v63;
	[tilespmem:v38+s20+$0x0] =	vst.idx.msk $0xffff, v14;
	v45 =	vld [tilespmem:s24+$0x0]  }
0x3df: {  	v46 =	vadd.s32 v2, v25;
	v14 =	vld [tilespmem:s24+$0xFFFFFF40];
	[tilespmem:v35+s20+$0x0] =	vst.idx.msk $0xffff, v42;
	v47 =	vmul.f32 $8.000000000e+00, v36  }
0x3e0: {  	v5 =	vadd.s32 v3, v5;
	[tilespmem:v33+s20+$0x0] =	vst.idx.msk $0xffff, v15;
	v49 =	vld [tilespmem:s24+$0xFFFFFFC0];
	v53 =	vmul.f32 $8.000000000e+00, v43  }
0x3e1: {  	v4 =	vadd.s32 v3, v4;
	v21 =	vld [tilespmem:s24+$0xFFFFFF80];
	v12 =	vmul.f32 $8.000000000e+00, v39;
	[tilespmem:v40+s20+$0x0] =	vst.idx.msk $0xffff, v47  }
0x3e2: {  	v52 =	vadd.s32 v3, v7;
	v51 =	vmul.f32 $8.000000000e+00, v41;
	v10 =	vld [tilespmem:s26+$0x0];
	[tilespmem:v48+s20+$0x0] =	vst.idx.msk $0xffff, v53  }
0x3e3: {  	v50 =	vadd.s32 v3, v6;
	v54 =	vmul.f32 $8.000000000e+00, v45;
	[tilespmem:v44+s20+$0x0] =	vst.idx.msk $0xffff, v12;
	v59 =	vld [tilespmem:s26+$0xFFFFFF40]  }
0x3e4: {  	v57 =	vadd.s32 v3, v22;
	v14 =	vmul.f32 $8.000000000e+00, v14;
	v55 =	vld [tilespmem:s26+$0xFFFFFF80];
	[tilespmem:v46+s20+$0x0] =	vst.idx.msk $0xffff, v51  }
0x3e5: {  	v62 =	vadd.s32 v3, v9;
	[tilespmem:v5+s20+$0x0] =	vst.idx.msk $0xffff, v54;
	v5 =	vmul.f32 $8.000000000e+00, v49;
	v58 =	vld [tilespmem:s26+$0xFFFFFFC0]  }
0x3e6: {  	v56 =	vmul.f32 $8.000000000e+00, v21;
	v60 =	vadd.s32 v3, v23;
	[tilespmem:v4+s20+$0x0] =	vst.idx.msk $0xffff, v14  }
0x3e7: {  	v61 =	vadd.s32 v3, v25;
	[tilespmem:v52+s20+$0x0] =	vst.idx.msk $0xffff, v5;
	v5 =	vmul.f32 $8.000000000e+00, v10  }
0x3e8: {  	[tilespmem:v50+s20+$0x0] =	vst.idx.msk $0xffff, v56;
	v63 =	vmul.f32 $8.000000000e+00, v59  }
0x3e9: {  	v4 =	vmul.f32 $8.000000000e+00, v55;
	[tilespmem:v57+s20+$0x0] =	vst.idx.msk $0xffff, v5  }
0x3ea: {  	v5 =	vmul.f32 $8.000000000e+00, v58;
	[tilespmem:v62+s20+$0x0] =	vst.idx.msk $0xffff, v63  }
0x3eb: {  	[tilespmem:v60+s20+$0x0] =	vst.idx.msk $0xffff, v4  }
0x3ec: {  	s24 =	sadd.s32 s23, s0;
	[tilespmem:v61+s20+$0x0] =	vst.idx.msk $0xffff, v5  }
0x3ed: {  	[hbm4b:s24+s3] =	stream.linear.scatter [tilespmem:s20], [sflag:$0x8], $0x80, $0x38;
	[tilespmem:$0x16C00] =	vst v63  }
0x3ee: {  	s29 =	simm.s32 $0x14A88;
	s30 =	sadd.s32 $0x10, s24  }
0x3ef: {  	[hbm4b:s30+s3] =	stream.linear.scatter [tilespmem:s29], [sflag:$0x8], $0x80, $0x38;
	[tilespmem:$0x16C00] =	vst v63  }
0x3f0: {  	s30 =	sadd.s32 $0x20, s24;
	s29 =	simm.s32 $0x14B10  }
0x3f1: {  	[hbm4b:s30+s3] =	stream.linear.scatter [tilespmem:s29], [sflag:$0x8], $0x80, $0x38;
	[tilespmem:$0x16C00] =	vst v63  }
0x3f2: {  	s30 =	sadd.s32 $0x30, s24;
	s29 =	simm.s32 $0x14B98  }
0x3f3: {  	[hbm4b:s30+s3] =	stream.linear.scatter [tilespmem:s29], [sflag:$0x8], $0x80, $0x38;
	[tilespmem:$0x16C00] =	vst v63  }
0x3f4: {  	s30 =	sadd.s32 $0x40, s24;
	s29 =	simm.s32 $0x14C20  }
0x3f5: {  	[hbm4b:s30+s3] =	stream.linear.scatter [tilespmem:s29], [sflag:$0x8], $0x80, $0x38;
	[tilespmem:$0x16C00] =	vst v63  }
0x3f6: {  	s30 =	sadd.s32 $0x50, s24;
	s29 =	simm.s32 $0x14CA8  }
0x3f7: {  	[hbm4b:s30+s3] =	stream.linear.scatter [tilespmem:s29], [sflag:$0x8], $0x80, $0x38;
	[tilespmem:$0x16C00] =	vst v63  }
0x3f8: {  	s30 =	sadd.s32 $0x60, s24;
	s29 =	simm.s32 $0x14D30  }
0x3f9: {  	[hbm4b:s30+s3] =	stream.linear.scatter [tilespmem:s29], [sflag:$0x8], $0x80, $0x38;
	[tilespmem:$0x16C00] =	vst v63  }
0x3fa: {  	s24 =	sadd.s32 $0x70, s24;
	s30 =	simm.s32 $0x14DB8  }
0x3fb: {  	[hbm4b:s24+s3] =	stream.linear.scatter [tilespmem:s30], [sflag:$0x8], $0x80, $0x38;
	[tilespmem:$0x16C00] =	vst v63  }
0x3fc: {  	s28 =	simm.s32 $0x14E40;
	s24 =	sadd.s32 s23, s1  }
0x3fd: {  	[hbm4b:s24+s3] =	stream.linear.scatter [tilespmem:s28], [sflag:$0x8], $0x80, $0x38;
	[tilespmem:$0x16C00] =	vst v63  }
0x3fe: {  	s30 =	simm.s32 $0x14EC8;
	s29 =	sadd.s32 $0x10, s24  }
0x3ff: {  	[hbm4b:s29+s3] =	stream.linear.scatter [tilespmem:s30], [sflag:$0x8], $0x80, $0x38;
	[tilespmem:$0x16C00] =	vst v63  }
0x400: {  	s29 =	sadd.s32 $0x20, s24;
	s30 =	simm.s32 $0x14F50  }
0x401: {  	[hbm4b:s29+s3] =	stream.linear.scatter [tilespmem:s30], [sflag:$0x8], $0x80, $0x38;
	[tilespmem:$0x16C00] =	vst v63  }
0x402: {  	s29 =	sadd.s32 $0x30, s24;
	s30 =	simm.s32 $0x14FD8  }
0x403: {  	[hbm4b:s29+s3] =	stream.linear.scatter [tilespmem:s30], [sflag:$0x8], $0x80, $0x38;
	[tilespmem:$0x16C00] =	vst v63  }
0x404: {  	s29 =	sadd.s32 $0x40, s24;
	s30 =	simm.s32 $0x15060  }
0x405: {  	[hbm4b:s29+s3] =	stream.linear.scatter [tilespmem:s30], [sflag:$0x8], $0x80, $0x38;
	[tilespmem:$0x16C00] =	vst v63  }
0x406: {  	s29 =	sadd.s32 $0x50, s24;
	s30 =	simm.s32 $0x150E8  }
0x407: {  	[hbm4b:s29+s3] =	stream.linear.scatter [tilespmem:s30], [sflag:$0x8], $0x80, $0x38;
	[tilespmem:$0x16C00] =	vst v63  }
0x408: {  	s29 =	sadd.s32 $0x60, s24;
	s30 =	simm.s32 $0x15170  }
0x409: {  	[hbm4b:s29+s3] =	stream.linear.scatter [tilespmem:s30], [sflag:$0x8], $0x80, $0x38;
	[tilespmem:$0x16C00] =	vst v63  }
0x40a: {  	s28 =	simm.s32 $0x151F8;
	s24 =	sadd.s32 $0x70, s24  }
0x40b: {  	[hbm4b:s24+s3] =	stream.linear.scatter [tilespmem:s28], [sflag:$0x8], $0x80, $0x38;
	[tilespmem:$0x16C00] =	vst v63  }
0x40c: {  	s29 =	simm.s32 $0x15280;
	s24 =	sadd.s32 s23, s5  }
0x40d: {  	[hbm4b:s24+s3] =	stream.linear.scatter [tilespmem:s29], [sflag:$0x8], $0x80, $0x38;
	[tilespmem:$0x16C00] =	vst v63  }
0x40e: {  	s30 =	sadd.s32 $0x10, s24;
	s29 =	simm.s32 $0x15308  }
0x40f: {  	[hbm4b:s30+s3] =	stream.linear.scatter [tilespmem:s29], [sflag:$0x8], $0x80, $0x38;
	[tilespmem:$0x16C00] =	vst v63  }
0x410: {  	s30 =	sadd.s32 $0x20, s24;
	s29 =	simm.s32 $0x15390  }
0x411: {  	[hbm4b:s30+s3] =	stream.linear.scatter [tilespmem:s29], [sflag:$0x8], $0x80, $0x38;
	[tilespmem:$0x16C00] =	vst v63  }
0x412: {  	s30 =	sadd.s32 $0x30, s24;
	s29 =	simm.s32 $0x15418  }
0x413: {  	[hbm4b:s30+s3] =	stream.linear.scatter [tilespmem:s29], [sflag:$0x8], $0x80, $0x38;
	[tilespmem:$0x16C00] =	vst v63  }
0x414: {  	s30 =	sadd.s32 $0x40, s24;
	s29 =	simm.s32 $0x154A0  }
0x415: {  	[hbm4b:s30+s3] =	stream.linear.scatter [tilespmem:s29], [sflag:$0x8], $0x80, $0x38;
	[tilespmem:$0x16C00] =	vst v63  }
0x416: {  	s30 =	sadd.s32 $0x50, s24;
	s29 =	simm.s32 $0x15528  }
0x417: {  	[hbm4b:s30+s3] =	stream.linear.scatter [tilespmem:s29], [sflag:$0x8], $0x80, $0x38;
	[tilespmem:$0x16C00] =	vst v63  }
0x418: {  	s30 =	sadd.s32 $0x60, s24;
	s29 =	simm.s32 $0x155B0  }
0x419: {  	[hbm4b:s30+s3] =	stream.linear.scatter [tilespmem:s29], [sflag:$0x8], $0x80, $0x38;
	[tilespmem:$0x16C00] =	vst v63  }
0x41a: {  	s24 =	sadd.s32 $0x70, s24;
	s30 =	simm.s32 $0x15638  }
0x41b: {  	[hbm4b:s24+s3] =	stream.linear.scatter [tilespmem:s30], [sflag:$0x8], $0x80, $0x38;
	[tilespmem:$0x16C00] =	vst v63  }
0x41c: {  	s28 =	simm.s32 $0x156C0;
	s24 =	sadd.s32 s23, s25  }
0x41d: {  	[hbm4b:s24+s3] =	stream.linear.scatter [tilespmem:s28], [sflag:$0x8], $0x80, $0x38;
	[tilespmem:$0x16C00] =	vst v63  }
0x41e: {  	s30 =	simm.s32 $0x15748;
	s29 =	sadd.s32 $0x10, s24  }
0x41f: {  	[hbm4b:s29+s3] =	stream.linear.scatter [tilespmem:s30], [sflag:$0x8], $0x80, $0x38;
	[tilespmem:$0x16C00] =	vst v63  }
0x420: {  	s29 =	sadd.s32 $0x20, s24;
	s30 =	simm.s32 $0x157D0  }
0x421: {  	[hbm4b:s29+s3] =	stream.linear.scatter [tilespmem:s30], [sflag:$0x8], $0x80, $0x38;
	[tilespmem:$0x16C00] =	vst v63  }
0x422: {  	s29 =	sadd.s32 $0x30, s24;
	s30 =	simm.s32 $0x15858  }
0x423: {  	[hbm4b:s29+s3] =	stream.linear.scatter [tilespmem:s30], [sflag:$0x8], $0x80, $0x38;
	[tilespmem:$0x16C00] =	vst v63  }
0x424: {  	s29 =	sadd.s32 $0x40, s24;
	s30 =	simm.s32 $0x158E0  }
0x425: {  	[hbm4b:s29+s3] =	stream.linear.scatter [tilespmem:s30], [sflag:$0x8], $0x80, $0x38;
	[tilespmem:$0x16C00] =	vst v63  }
0x426: {  	s29 =	sadd.s32 $0x50, s24;
	s30 =	simm.s32 $0x15968  }
0x427: {  	[hbm4b:s29+s3] =	stream.linear.scatter [tilespmem:s30], [sflag:$0x8], $0x80, $0x38;
	[tilespmem:$0x16C00] =	vst v63  }
0x428: {  	s29 =	sadd.s32 $0x60, s24;
	s30 =	simm.s32 $0x159F0  }
0x429: {  	[hbm4b:s29+s3] =	stream.linear.scatter [tilespmem:s30], [sflag:$0x8], $0x80, $0x38;
	[tilespmem:$0x16C00] =	vst v63  }
0x42a: {  	s28 =	simm.s32 $0x15A78;
	s24 =	sadd.s32 $0x70, s24  }
0x42b: {  	[hbm4b:s24+s3] =	stream.linear.scatter [tilespmem:s28], [sflag:$0x8], $0x80, $0x38;
	[tilespmem:$0x16C00] =	vst v63  }
0x42c: {  	s29 =	simm.s32 $0x15B00;
	s24 =	sadd.s32 s23, s2  }
0x42d: {  	[hbm4b:s24+s3] =	stream.linear.scatter [tilespmem:s29], [sflag:$0x8], $0x80, $0x38;
	[tilespmem:$0x16C00] =	vst v63  }
0x42e: {  	s30 =	sadd.s32 $0x10, s24;
	s29 =	simm.s32 $0x15B88  }
0x42f: {  	[hbm4b:s30+s3] =	stream.linear.scatter [tilespmem:s29], [sflag:$0x8], $0x80, $0x38;
	[tilespmem:$0x16C00] =	vst v63  }
0x430: {  	s30 =	sadd.s32 $0x20, s24;
	s29 =	simm.s32 $0x15C10  }
0x431: {  	[hbm4b:s30+s3] =	stream.linear.scatter [tilespmem:s29], [sflag:$0x8], $0x80, $0x38;
	[tilespmem:$0x16C00] =	vst v63  }
0x432: {  	s30 =	sadd.s32 $0x30, s24;
	s29 =	simm.s32 $0x15C98  }
0x433: {  	[hbm4b:s30+s3] =	stream.linear.scatter [tilespmem:s29], [sflag:$0x8], $0x80, $0x38;
	[tilespmem:$0x16C00] =	vst v63  }
0x434: {  	s30 =	sadd.s32 $0x40, s24;
	s29 =	simm.s32 $0x15D20  }
0x435: {  	[hbm4b:s30+s3] =	stream.linear.scatter [tilespmem:s29], [sflag:$0x8], $0x80, $0x38;
	[tilespmem:$0x16C00] =	vst v63  }
0x436: {  	s30 =	sadd.s32 $0x50, s24;
	s29 =	simm.s32 $0x15DA8  }
0x437: {  	[hbm4b:s30+s3] =	stream.linear.scatter [tilespmem:s29], [sflag:$0x8], $0x80, $0x38;
	[tilespmem:$0x16C00] =	vst v63  }
0x438: {  	s30 =	sadd.s32 $0x60, s24;
	s29 =	simm.s32 $0x15E30  }
0x439: {  	[hbm4b:s30+s3] =	stream.linear.scatter [tilespmem:s29], [sflag:$0x8], $0x80, $0x38;
	[tilespmem:$0x16C00] =	vst v63  }
0x43a: {  	s24 =	sadd.s32 $0x70, s24;
	s30 =	simm.s32 $0x15EB8  }
0x43b: {  	[hbm4b:s24+s3] =	stream.linear.scatter [tilespmem:s30], [sflag:$0x8], $0x80, $0x38;
	[tilespmem:$0x16C00] =	vst v63  }
0x43c: {  	s28 =	simm.s32 $0x15F40;
	s24 =	sadd.s32 s23, s6  }
0x43d: {  	[hbm4b:s24+s3] =	stream.linear.scatter [tilespmem:s28], [sflag:$0x8], $0x80, $0x38;
	[tilespmem:$0x16C00] =	vst v63  }
0x43e: {  	s30 =	simm.s32 $0x15FC8;
	s29 =	sadd.s32 $0x10, s24  }
0x43f: {  	[hbm4b:s29+s3] =	stream.linear.scatter [tilespmem:s30], [sflag:$0x8], $0x80, $0x38;
	[tilespmem:$0x16C00] =	vst v63  }
0x440: {  	s29 =	sadd.s32 $0x20, s24;
	s30 =	simm.s32 $0x16050  }
0x441: {  	[hbm4b:s29+s3] =	stream.linear.scatter [tilespmem:s30], [sflag:$0x8], $0x80, $0x38;
	[tilespmem:$0x16C00] =	vst v63  }
0x442: {  	s29 =	sadd.s32 $0x30, s24;
	s30 =	simm.s32 $0x160D8  }
0x443: {  	[hbm4b:s29+s3] =	stream.linear.scatter [tilespmem:s30], [sflag:$0x8], $0x80, $0x38;
	[tilespmem:$0x16C00] =	vst v63  }
0x444: {  	s29 =	sadd.s32 $0x40, s24;
	s30 =	simm.s32 $0x16160  }
0x445: {  	[hbm4b:s29+s3] =	stream.linear.scatter [tilespmem:s30], [sflag:$0x8], $0x80, $0x38;
	[tilespmem:$0x16C00] =	vst v63  }
0x446: {  	s29 =	sadd.s32 $0x50, s24;
	s30 =	simm.s32 $0x161E8  }
0x447: {  	[hbm4b:s29+s3] =	stream.linear.scatter [tilespmem:s30], [sflag:$0x8], $0x80, $0x38;
	[tilespmem:$0x16C00] =	vst v63  }
0x448: {  	s29 =	sadd.s32 $0x60, s24;
	s30 =	simm.s32 $0x16270  }
0x449: {  	[hbm4b:s29+s3] =	stream.linear.scatter [tilespmem:s30], [sflag:$0x8], $0x80, $0x38;
	[tilespmem:$0x16C00] =	vst v63  }
0x44a: {  	s28 =	simm.s32 $0x162F8;
	s24 =	sadd.s32 $0x70, s24  }
0x44b: {  	[hbm4b:s24+s3] =	stream.linear.scatter [tilespmem:s28], [sflag:$0x8], $0x80, $0x38;
	[tilespmem:$0x16C00] =	vst v63  }
0x44c: {  	s29 =	simm.s32 $0x16380;
	s24 =	sadd.s32 s23, s7  }
0x44d: {  	[hbm4b:s24+s3] =	stream.linear.scatter [tilespmem:s29], [sflag:$0x8], $0x80, $0x38;
	[tilespmem:$0x16C00] =	vst v63  }
0x44e: {  	s30 =	sadd.s32 $0x10, s24;
	s29 =	simm.s32 $0x16408  }
0x44f: {  	[hbm4b:s30+s3] =	stream.linear.scatter [tilespmem:s29], [sflag:$0x8], $0x80, $0x38;
	[tilespmem:$0x16C00] =	vst v63  }
0x450: {  	s30 =	sadd.s32 $0x20, s24;
	s29 =	simm.s32 $0x16490  }
0x451: {  	[hbm4b:s30+s3] =	stream.linear.scatter [tilespmem:s29], [sflag:$0x8], $0x80, $0x38;
	[tilespmem:$0x16C00] =	vst v63  }
0x452: {  	s30 =	sadd.s32 $0x30, s24;
	s29 =	simm.s32 $0x16518  }
0x453: {  	[hbm4b:s30+s3] =	stream.linear.scatter [tilespmem:s29], [sflag:$0x8], $0x80, $0x38;
	[tilespmem:$0x16C00] =	vst v63  }
0x454: {  	s30 =	sadd.s32 $0x40, s24;
	s29 =	simm.s32 $0x165A0  }
0x455: {  	[hbm4b:s30+s3] =	stream.linear.scatter [tilespmem:s29], [sflag:$0x8], $0x80, $0x38;
	[tilespmem:$0x16C00] =	vst v63  }
0x456: {  	s30 =	sadd.s32 $0x50, s24;
	s29 =	simm.s32 $0x16628  }
0x457: {  	[hbm4b:s30+s3] =	stream.linear.scatter [tilespmem:s29], [sflag:$0x8], $0x80, $0x38;
	[tilespmem:$0x16C00] =	vst v63  }
0x458: {  	s30 =	sadd.s32 $0x60, s24;
	s29 =	simm.s32 $0x166B0  }
0x459: {  	[hbm4b:s30+s3] =	stream.linear.scatter [tilespmem:s29], [sflag:$0x8], $0x80, $0x38;
	[tilespmem:$0x16C00] =	vst v63  }
0x45a: {  	s24 =	sadd.s32 $0x70, s24;
	s30 =	simm.s32 $0x16738  }
0x45b: {  	[hbm4b:s24+s3] =	stream.linear.scatter [tilespmem:s30], [sflag:$0x8], $0x80, $0x38;
	[tilespmem:$0x16C00] =	vst v63  }
0x45c: {  	s23 =	sadd.s32 s23, s8;
	s28 =	simm.s32 $0x167C0  }
0x45d: {  	[hbm4b:s23+s3] =	stream.linear.scatter [tilespmem:s28], [sflag:$0x8], $0x80, $0x38;
	[tilespmem:$0x16C00] =	vst v63  }
0x45e: {  	s29 =	sadd.s32 $0x10, s23;
	s30 =	simm.s32 $0x16848  }
0x45f: {  	[hbm4b:s29+s3] =	stream.linear.scatter [tilespmem:s30], [sflag:$0x8], $0x80, $0x38;
	[tilespmem:$0x16C00] =	vst v63  }
0x460: {  	s26 =	sadd.s32 $0x20, s23;
	s28 =	simm.s32 $0x168D0  }
0x461: {  	[hbm4b:s26+s3] =	stream.linear.scatter [tilespmem:s28], [sflag:$0x8], $0x80, $0x38;
	[tilespmem:$0x16C00] =	vst v63  }
0x462: {  	s29 =	sadd.s32 $0x30, s23;
	s30 =	simm.s32 $0x16958  }
0x463: {  	[hbm4b:s29+s3] =	stream.linear.scatter [tilespmem:s30], [sflag:$0x8], $0x80, $0x38;
	[tilespmem:$0x16C00] =	vst v63  }
0x464: {  	s26 =	sadd.s32 $0x40, s23;
	s28 =	simm.s32 $0x169E0  }
0x465: {  	[hbm4b:s26+s3] =	stream.linear.scatter [tilespmem:s28], [sflag:$0x8], $0x80, $0x38;
	[tilespmem:$0x16C00] =	vst v63  }
0x466: {  	p0 =	seq.s32 s21, $0x31;
	s29 =	sadd.s32 $0x50, s23;
	s30 =	simm.s32 $0x16A68  }
0x467: {  	[hbm4b:s29+s3] =	stream.linear.scatter [tilespmem:s30], [sflag:$0x8], $0x80, $0x38;
	[tilespmem:$0x16C00] =	vst v63  }
.Ltmp15:
0x468: {  	_ = 	snop;
	(pc) =	sbr.rel @p0 .LBB2_24-.Ltmp15, $4  }
0x469: {  	s28 =	sadd.s32 $0x60, s23;
	s29 =	simm.s32 $0x16AF0  }
0x46a: {  	[hbm4b:s28+s3] =	stream.linear.scatter [tilespmem:s29], [sflag:$0x8], $0x80, $0x38;
	[tilespmem:$0x16C00] =	vst v63  }
0x46b: {  	s23 =	sadd.s32 $0x70, s23;
	s30 =	simm.s32 $0x16B78  }
0x46c: {  	[hbm4b:s23+s3] =	stream.linear.scatter [tilespmem:s30], [sflag:$0x8], $0x80, $0x38;
	[tilespmem:$0x16C00] =	vst v63  }
.Ltmp16:
0x46d: {  	(pc) =	sbr.rel .LBB2_2-.Ltmp16, $4  }
0x46e: {  	_ = 	snop  }
0x46f: {  	s22 =	sshrl.u32 s22, $0x2  }
0x470: {  	s23 =	simm.s32 $0xC400;
	s21 =	sadd.s32 $0x1, s21;
	s22 =	sadd.s32 $0x380, s22  }
0x471: {  	[tilespmem:s23], [sflag:$0x4] =	stream.indirect.gather [hbm4b:s4+s9], $0x40, s22, s9, $0xb8;
	[tilespmem:$0x16C00] =	vst v63  }
.LBB2_25:
0x472: {  	_ =	sfence.sel $0x180000  }
0x473: {  	[bflag:$0x0] =	sbarrier.arrive $0xFFFF  }
0x474: {  	_ =	strace $0x90000047  }
0x475: {  	s0 =	stileid.u32;
	[bflag:$0x2] =	sbarrier.arrive $0xFFFF  }
0x476: {  	p0 =	sne.s32 s0, $0x0;
	s0 =	rddreg [dreg:$0x2]  }
0x477: {  	s0 =	sadd.s32 @!p0 $0x100000, s0  }
0x478: {  	[sflag:s0] =	ssyncadd.tile.s32 @!p0 $0x1;
	_ =	shalt  }
.Lfunc_end2:
_tile_overlayer_lowered:
.L_overlay_start_2:
0x479: {  	(tag) =	ssettag $0x2  }
0x47a: {  	s0 =	rddreg [dreg:$0x0];
	s2 =	stileid.u32  }
0x47b: {  	s1 =	rddreg [dreg:$0x1];
	p0 =	sne.s32 s2, $0x0  }
0x47c: {  	s3 =	rddreg [dreg:$0x2];
	[bflag:$0x3] =	sbarrier.arrive $0xFFFF;
	s2 =	simm.s32 @!p0 $0x1C09  }
0x47d: {  	[timem:s3], [sflag:s2] =	dma.local @!p0 [hbm:s0], s1  }
0x47e: {  	s0 =	simm.s32 @!p0 $0x9  }
0x47f: {  	_ =	swait.ge @!p0 [sflag:s0], s1  }
0x480: {  	s1 =	ssub.s32 @!p0 $0x0, s1;
	[sflag:s0] =	ssyncset.done @!p0 $0x0  }
0x481: {  	[sflag:s0] =	ssyncadd.s32 @!p0 s1  }
0x482: {  	[bflag:$0x3] =	sbarrier.arrive $0xFFFF  }
0x483: {  	_ =	shalt  }

</sc_bundles>
